<compile_context>
chip_gen: v7x
topology: tpu7x:2x2x1
jax: 0.10.2.dev20260603
libtpu: 0.0.44.dev20260713+nightly
codegen_flags: <defaults>
</compile_context>

<pallas_src>
import functools
import math

import numpy as np
import jax
import jax.numpy as jnp
from jax import lax
from jax.experimental import pallas as pl
from jax.experimental.pallas import tpu as pltpu
from jax.experimental.pallas import tpu_sc as plsc

D_MODEL = 256
N_HEADS = 8
N_LEVELS = 4
N_POINTS = 4
SHAPES = ((64, 64), (32, 32), (16, 16), (8, 8))
LEN_IN = sum(h * w for h, w in SHAPES)
LVL_START = tuple(np.concatenate([[0], np.cumsum([h * w for h, w in SHAPES])[:-1]]).tolist())


def _matmul_kernel(x_ref, w_ref, b_ref, o_ref):
    acc = jnp.dot(x_ref[...], w_ref[...],
                  preferred_element_type=jnp.float32) + b_ref[...]
    o_ref[...] = acc.astype(o_ref.dtype)


def _pallas_matmul(x, w_t, b, out_dtype=jnp.float32):
    R, K = x.shape
    C = w_t.shape[1]
    BR = 1088
    return pl.pallas_call(
        _matmul_kernel,
        grid=(R // BR,),
        in_specs=[
            pl.BlockSpec((BR, K), lambda i: (i, 0)),
            pl.BlockSpec((K, C), lambda i: (0, 0)),
            pl.BlockSpec((1, C), lambda i: (0, 0)),
        ],
        out_specs=pl.BlockSpec((BR, C), lambda i: (i, 0)),
        out_shape=jax.ShapeDtypeStruct((R, C), out_dtype),
    )(x, w_t, b.reshape(1, C))


def _prep_kernel(q_ref, wx_ref, wy_ref, wa_ref, bx_ref, by_ref, ba_ref,
                 rx_ref, ry_ref, wl_ref, hl_ref, gmask_ref, basel_ref,
                 ml_ref, idx_ref, w_ref, *, blocks_per_n):
    n = pl.program_id(0) // blocks_per_n
    q = q_ref[...]
    offx = jnp.dot(q, wx_ref[...], preferred_element_type=jnp.float32) + bx_ref[...]
    offy = jnp.dot(q, wy_ref[...], preferred_element_type=jnp.float32) + by_ref[...]
    logit = jnp.dot(q, wa_ref[...], preferred_element_type=jnp.float32) + ba_ref[...]
    e = jnp.exp(logit - jnp.max(logit, axis=-1, keepdims=True))
    gs = jnp.dot(e, gmask_ref[...], preferred_element_type=jnp.float32)
    attnw = e / gs
    wl = wl_ref[...]
    hl = hl_ref[...]
    gx = rx_ref[...] * wl + offx - 0.5
    gy = ry_ref[...] * hl + offy - 0.5
    x0 = jnp.floor(gx)
    y0 = jnp.floor(gy)
    fx = gx - x0
    fy = gy - y0
    x1 = x0 + 1.0
    y1 = y0 + 1.0
    vx0 = (x0 >= 0.0) & (x0 <= wl - 1.0)
    vx1 = (x1 >= 0.0) & (x1 <= wl - 1.0)
    vy0 = (y0 >= 0.0) & (y0 <= hl - 1.0)
    vy1 = (y1 >= 0.0) & (y1 <= hl - 1.0)
    xc0 = jnp.clip(x0, 0.0, wl - 1.0).astype(jnp.int32)
    xc1 = jnp.clip(x1, 0.0, wl - 1.0).astype(jnp.int32)
    yc0 = jnp.clip(y0, 0.0, hl - 1.0).astype(jnp.int32)
    yc1 = jnp.clip(y1, 0.0, hl - 1.0).astype(jnp.int32)
    wi = wl.astype(jnp.int32)
    base = basel_ref[...] + n * LEN_IN
    r0 = ((base + yc0 * wi) << 3) + ml_ref[...]
    r1 = ((base + yc1 * wi) << 3) + ml_ref[...]
    x0i = xc0 << 3
    x1i = xc1 << 3
    idx_ref[...] = jnp.concatenate(
        [r0 + x0i, r0 + x1i, r1 + x0i, r1 + x1i], axis=1)
    wx0 = 1.0 - fx
    wy0 = 1.0 - fy
    w_ref[...] = jnp.concatenate(
        [attnw * wx0 * wy0 * (vx0 & vy0).astype(jnp.float32),
         attnw * fx * wy0 * (vx1 & vy0).astype(jnp.float32),
         attnw * wx0 * fy * (vx0 & vy1).astype(jnp.float32),
         attnw * fx * fy * (vx1 & vy1).astype(jnp.float32)], axis=1)


def _sampling_prep(query, reference_points, W_off, b_off, W_attn, b_attn):
    N, Lq, C = query.shape
    M, L, P = N_HEADS, N_LEVELS, N_POINTS
    NQ = N * Lq
    BQ = 544
    blocks_per_n = Lq // BQ
    q2 = query.reshape(NQ, C)
    lanes = np.arange(M * L * P)
    l_of = (lanes // P) % L
    m_of = lanes // (L * P)
    w_np = np.array([s[1] for s in SHAPES], np.float32)[l_of]
    h_np = np.array([s[0] for s in SHAPES], np.float32)[l_of]
    base_np = np.array(LVL_START, np.int64)[l_of].astype(np.int32)
    ml_np = m_of.astype(np.int32)
    gmask = ((lanes[:, None] // (L * P)) == (lanes[None, :] // (L * P))).astype(np.float32)

    rx = jnp.tile(jnp.repeat(reference_points[..., 0], P, axis=-1), (1, 1, M)).reshape(NQ, 128)
    ry = jnp.tile(jnp.repeat(reference_points[..., 1], P, axis=-1), (1, 1, M)).reshape(NQ, 128)

    out_shapes = [jax.ShapeDtypeStruct((NQ, 512), jnp.int32),
                  jax.ShapeDtypeStruct((NQ, 512), jnp.float32)]
    row_spec = pl.BlockSpec((BQ, 128), lambda i: (i, 0))
    out_spec = pl.BlockSpec((BQ, 512), lambda i: (i, 0))
    full_spec = lambda r: pl.BlockSpec((r, 128), lambda i: (0, 0))
    return pl.pallas_call(
        functools.partial(_prep_kernel, blocks_per_n=blocks_per_n),
        grid=(NQ // BQ,),
        in_specs=[
            pl.BlockSpec((BQ, 256), lambda i: (i, 0)),
            full_spec(256), full_spec(256), full_spec(256),
            full_spec(1), full_spec(1), full_spec(1),
            row_spec, row_spec,
            full_spec(1), full_spec(1),
            full_spec(128),
            full_spec(1),
            full_spec(1),
        ],
        out_specs=[out_spec, out_spec],
        out_shape=out_shapes,
    )(q2,
      W_off.T[:, 0::2], W_off.T[:, 1::2], W_attn.T,
      b_off[0::2].reshape(1, 128), b_off[1::2].reshape(1, 128),
      b_attn.reshape(1, 128),
      rx, ry,
      jnp.asarray(w_np).reshape(1, 128), jnp.asarray(h_np).reshape(1, 128),
      jnp.asarray(gmask),
      jnp.asarray(base_np).reshape(1, 128),
      jnp.asarray(ml_np).reshape(1, 128))


def _sc_gather_blend(val_bf, idx2, w2, QH, CQ):
    NC, NS = 2, 16
    NW = NC * NS
    chunks = QH // CQ
    cpw = chunks // NW
    G = CQ * 64

    mesh = plsc.VectorSubcoreMesh(core_axis_name="c", subcore_axis_name="s")

    @functools.partial(
        pl.kernel, mesh=mesh,
        out_type=jax.ShapeDtypeStruct((QH, 2, 16), jnp.float32),
        compiler_params=pltpu.CompilerParams(needs_layout_passes=False,
                                             use_tc_tiling_on_sc=False),
        scratch_types=[
            [pltpu.VMEM((G,), jnp.int32)] * 2,
            [pltpu.VMEM((G,), jnp.float32)] * 2,
            [pltpu.VMEM((G, 32), jnp.bfloat16)] * 2,
            [pltpu.VMEM((CQ, 2, 16), jnp.float32)] * 2,
            [pltpu.SemaphoreType.DMA] * 2,
            [pltpu.SemaphoreType.DMA] * 2,
            [pltpu.SemaphoreType.DMA] * 2,
            [pltpu.SemaphoreType.DMA] * 2,
        ],
    )
    def sc_body(val_hbm, idx_hbm, w_hbm, out_hbm, idx_v, w_v, g_v, o_v,
                sem_i, sem_w, sem_g, sem_o):
        wid = lax.axis_index("s") * NC + lax.axis_index("c")
        T = cpw

        def start_i(t, b):
            pltpu.async_copy(idx_hbm.at[wid * T + t], idx_v[b], sem_i[b])

        def start_w(t, b):
            pltpu.async_copy(w_hbm.at[wid * T + t], w_v[b], sem_w[b])

        def wait_iw(b):
            pltpu.make_async_copy(idx_hbm.at[0], idx_v[b], sem_i[b]).wait()
            pltpu.make_async_copy(w_hbm.at[0], w_v[b], sem_w[b]).wait()

        def start_gather(b):
            pltpu.async_copy(val_hbm.at[idx_v[b]], g_v[b], sem_g[b])

        def wait_gather(b):
            pltpu.make_async_copy(val_hbm.at[idx_v[b]], g_v[b],
                                  sem_g[b]).wait()

        def start_out(t, b):
            pltpu.async_copy(o_v[b],
                             out_hbm.at[pl.ds((wid * T + t) * CQ, CQ)],
                             sem_o[b])

        def wait_out(b):
            pltpu.make_async_copy(o_v[b], out_hbm.at[pl.ds(0, CQ)],
                                  sem_o[b]).wait()

        start_i(0, 0)
        start_w(0, 0)
        start_i(1, 1)
        start_w(1, 1)
        wait_iw(0)
        start_gather(0)

        def loop_body(t2, carry):
            for b in (0, 1):
                t = t2 * 2 + b

                @pl.when(t + 1 < T)
                def _():
                    wait_iw(1 - b)
                    start_gather(1 - b)

                wait_gather(b)

                @pl.when(t + 2 < T)
                def _():
                    start_i(t + 2, b)

                @pl.when(t >= 2)
                def _():
                    wait_out(b)

                def qh_body(j, carry2):
                    acc0 = jnp.zeros((16,), jnp.float32)
                    acc1 = jnp.zeros((16,), jnp.float32)
                    base = (j // 8) * 512 + (j % 8) * 16
                    bf = jnp.full((16,), base, jnp.int32)
                    for c in range(4):
                        for si in range(16):
                            r = base + c * 128 + si
                            ws = plsc.load_gather(w_v[b], [bf + (c * 128 + si)])
                            lo, hi = plsc.unpack(
                                g_v[b][r], format=plsc.PackFormat.INTERLEAVED)
                            acc0 = acc0 + ws * lo
                            acc1 = acc1 + ws * hi
                    o_v[b][j, 0] = acc0
                    o_v[b][j, 1] = acc1
                    return carry2

                lax.fori_loop(0, CQ, qh_body, 0)

                @pl.when(t + 2 < T)
                def _():
                    start_w(t + 2, b)

                start_out(t, b)
            return carry

        lax.fori_loop(0, T // 2, loop_body, 0)
        wait_out(0)
        wait_out(1)

    return sc_body(val_bf, idx2, w2)


def kernel(query, reference_points, input_flatten, input_spatial_shapes,
           input_level_start_index, W_value, b_value, W_off, b_off,
           W_attn, b_attn, W_out, b_out):
    N, Lq, C = query.shape
    M, L, P = N_HEADS, N_LEVELS, N_POINTS
    D = C // M
    NQ = N * Lq
    QH = NQ * M

    perm = np.arange(256).reshape(N_HEADS, 2, 16).transpose(0, 2, 1).reshape(-1)
    val_bf = _pallas_matmul(input_flatten.reshape(N * LEN_IN, C),
                            W_value.T[:, perm], b_value[perm],
                            out_dtype=jnp.bfloat16).reshape(-1, 32)

    idx512, w512 = _sampling_prep(
        query, reference_points, W_off, b_off, W_attn, b_attn)

    CQ = 40
    chunks = QH // CQ
    G = CQ * 64
    idx2 = idx512.reshape(chunks, G)
    w2 = w512.reshape(chunks, G)
    out_rows = _sc_gather_blend(val_bf, idx2, w2, QH, CQ)

    out = out_rows.reshape(NQ, C)
    return _pallas_matmul(out, W_out.T, b_out).reshape(N, Lq, C)

# --- scband reference (transcript-rebuilt; emitter-appended) ---
"""Pipeline reference for scband-msdeform-attn-5806795784257 (READ-ONLY COPY).

The authoritative reference and input builder live on the scoring server;
editing this copy changes nothing except your own understanding.
"""

import jax, jax.numpy as jnp
import numpy as np
import math

D_MODEL = 256
N_HEADS = 8
N_LEVELS = 4
N_POINTS = 4


def grid_sample_bilinear(im, grid):
    # im: [B, D, H, W]; grid: [B, L, P, 2] with xy in [-1, 1]
    # bilinear, zeros padding, align_corners=False (matches F.grid_sample defaults)
    B, D, H, W = im.shape
    gx = (grid[..., 0] + 1.0) * W / 2.0 - 0.5
    gy = (grid[..., 1] + 1.0) * H / 2.0 - 0.5
    x0 = jnp.floor(gx)
    y0 = jnp.floor(gy)
    x1 = x0 + 1.0
    y1 = y0 + 1.0
    wx1 = gx - x0
    wx0 = 1.0 - wx1
    wy1 = gy - y0
    wy0 = 1.0 - wy1
    im_flat = im.reshape(B, D, H * W)

    def gather(xi, yi, w):
        valid = (xi >= 0) & (xi <= W - 1) & (yi >= 0) & (yi <= H - 1)
        xc = jnp.clip(xi, 0, W - 1).astype(jnp.int32)
        yc = jnp.clip(yi, 0, H - 1).astype(jnp.int32)
        idx = (yc * W + xc).reshape(B, -1)
        vals = jnp.take_along_axis(im_flat, idx[:, None, :], axis=2)
        vals = vals.reshape(B, D, *xi.shape[1:])
        return vals * (w * valid.astype(w.dtype))[:, None]

    return (gather(x0, y0, wx0 * wy0) + gather(x1, y0, wx1 * wy0)
            + gather(x0, y1, wx0 * wy1) + gather(x1, y1, wx1 * wy1))


def setup_inputs(seed: int = 0):
    key = jax.random.key(seed)
    ks = jax.random.split(key, 8)
    N, Lq = 2, 5440
    shapes = np.array([[64, 64], [32, 32], [16, 16], [8, 8]], dtype=np.int32)
    Len_in = int((shapes[:, 0] * shapes[:, 1]).sum())
    lvl_start = np.concatenate([[0], np.cumsum(shapes[:, 0] * shapes[:, 1])[:-1]]).astype(np.int32)
    s = math.sqrt(6.0 / (D_MODEL + D_MODEL))
    # sampling_offsets bias init as in _reset_parameters
    thetas = jnp.arange(N_HEADS, dtype=jnp.float32) * (2.0 * math.pi / N_HEADS)
    g = jnp.stack([jnp.cos(thetas), jnp.sin(thetas)], -1)
    g = g / jnp.abs(g).max(-1, keepdims=True)
    g = jnp.tile(g.reshape(N_HEADS, 1, 1, 2), (1, N_LEVELS, N_POINTS, 1))
    g = g * jnp.arange(1, N_POINTS + 1, dtype=jnp.float32).reshape(1, 1, N_POINTS, 1)
    return {
        "query": jax.random.normal(ks[0], (N, Lq, D_MODEL), dtype=jnp.float32),
        "reference_points": jax.random.uniform(ks[1], (N, Lq, N_LEVELS, 2), dtype=jnp.float32),
        "input_flatten": jax.random.normal(ks[2], (N, Len_in, D_MODEL), dtype=jnp.float32),
        "input_spatial_shapes": jnp.asarray(shapes),
        "input_level_start_index": jnp.asarray(lvl_start),
        "W_value": jax.random.uniform(ks[3], (D_MODEL, D_MODEL), minval=-s, maxval=s, dtype=jnp.float32),
        "b_value": jnp.zeros((D_MODEL,), dtype=jnp.float32),
        "W_off": 0.01 * jax.random.normal(ks[4], (N_HEADS * N_LEVELS * N_POINTS * 2, D_MODEL), dtype=jnp.float32),
        "b_off": g.reshape(-1),
        "W_attn": 0.01 * jax.random.normal(ks[5], (N_HEADS * N_LEVELS * N_POINTS, D_MODEL), dtype=jnp.float32),
        "b_attn": jnp.zeros((N_HEADS * N_LEVELS * N_POINTS,), dtype=jnp.float32),
        "W_out": jax.random.uniform(ks[6], (D_MODEL, D_MODEL), minval=-s, maxval=s, dtype=jnp.float32),
        "b_out": jnp.zeros((D_MODEL,), dtype=jnp.float32),
    }


def reference(query, reference_points, input_flatten, input_spatial_shapes, input_level_start_index,
              W_value, b_value, W_off, b_off, W_attn, b_attn, W_out, b_out):
    shapes_static = ((64, 64), (32, 32), (16, 16), (8, 8))
    N, Lq, C = query.shape
    M, L, P = N_HEADS, N_LEVELS, N_POINTS
    D = C // M
    value = (input_flatten @ W_value.T + b_value).reshape(N, -1, M, D)
    offs = (query @ W_off.T + b_off).reshape(N, Lq, M, L, P, 2)
    attn = jax.nn.softmax((query @ W_attn.T + b_attn).reshape(N, Lq, M, L * P), axis=-1)
    attn = attn.reshape(N, Lq, M, L, P)
    normalizer = jnp.stack([input_spatial_shapes[..., 1], input_spatial_shapes[..., 0]], -1).astype(jnp.float32)
    loc = reference_points[:, :, None, :, None, :] + offs / normalizer[None, None, None, :, None, :]
    grids = 2.0 * loc - 1.0
    sampled_levels = []
    for lid in range(L):
        H_, W_ = shapes_static[lid]
        v_l = jax.lax.dynamic_slice_in_dim(value, input_level_start_index[lid], H_ * W_, axis=1)
        v_l = v_l.transpose(0, 2, 3, 1).reshape(N * M, D, H_, W_)
        g_l = grids[:, :, :, lid].transpose(0, 2, 1, 3, 4).reshape(N * M, Lq, P, 2)
        sampled_levels.append(grid_sample_bilinear(v_l, g_l))
    sampled = jnp.stack(sampled_levels, axis=-2).reshape(N * M, D, Lq, L * P)
    aw = attn.transpose(0, 2, 1, 3, 4).reshape(N * M, 1, Lq, L * P)
    out = (sampled * aw).sum(-1).reshape(N, M * D, Lq).transpose(0, 2, 1)
    return out @ W_out.T + b_out

if __name__ == "__main__":
    import jax
    _d = setup_inputs()
    print(jax.jit(kernel)(*tuple(_d.values())))

</pallas_src>

<mosaic_0001>
#map = affine_map<(d0, d1) -> (0, 0)>
#map1 = affine_map<(d0, d1) -> (0, 0, 0)>
module attributes {stable_mosaic.version = 14 : i64} {
  func.func @sc_body(%arg0: i32, %arg1: i32, %arg2: memref<87040x32xbf16, #tpu.memory_space<hbm>>, %arg3: memref<2176x2560xi32, #tpu.memory_space<hbm>>, %arg4: memref<2176x2560xf32, #tpu.memory_space<hbm>>, %arg5: memref<87040x2x16xf32, #tpu.memory_space<hbm>>, %arg6: memref<2560xi32, #tpu.memory_space<vmem>>, %arg7: memref<2560xi32, #tpu.memory_space<vmem>>, %arg8: memref<2560xf32, #tpu.memory_space<vmem>>, %arg9: memref<2560xf32, #tpu.memory_space<vmem>>, %arg10: memref<2560x32xbf16, #tpu.memory_space<vmem>>, %arg11: memref<2560x32xbf16, #tpu.memory_space<vmem>>, %arg12: memref<40x2x16xf32, #tpu.memory_space<vmem>>, %arg13: memref<40x2x16xf32, #tpu.memory_space<vmem>>, %arg14: memref<!tpu.dma_semaphore, #tpu.memory_space<semaphore_mem>>, %arg15: memref<!tpu.dma_semaphore, #tpu.memory_space<semaphore_mem>>, %arg16: memref<!tpu.dma_semaphore, #tpu.memory_space<semaphore_mem>>, %arg17: memref<!tpu.dma_semaphore, #tpu.memory_space<semaphore_mem>>, %arg18: memref<!tpu.dma_semaphore, #tpu.memory_space<semaphore_mem>>, %arg19: memref<!tpu.dma_semaphore, #tpu.memory_space<semaphore_mem>>, %arg20: memref<!tpu.dma_semaphore, #tpu.memory_space<semaphore_mem>>, %arg21: memref<!tpu.dma_semaphore, #tpu.memory_space<semaphore_mem>>) attributes {dimension_semantics = [#tpu.dimension_semantics<core_parallel>, #tpu.dimension_semantics<subcore_parallel>], iteration_bounds = array<i64: 2, 16>, scalar_prefetch = 0 : i64, scratch_operands = 16 : i64, tpu.core_type = #tpu.core_type<sc_vector_subcore>, window_params = [{transform_indices = #map}, {transform_indices = #map}, {transform_indices = #map}, {transform_indices = #map1}]} {
    %mul3A = arith.constant 2 : i32
    %mul3A_0 = arith.muli %arg1, %mul3A : i32
    %add3A = arith.addi %mul3A_0, %arg0 : i32
    %mul3A_1 = arith.constant 68 : i32
    %mul3A_2 = arith.muli %add3A, %mul3A_1 : i32
    %add3A_3 = arith.constant 0 : i32
    %add3A_4 = arith.addi %mul3A_2, %add3A_3 : i32
    %dma_start3A = arith.constant 0 : i32
    %dma_start3A_5 = tpu.memref_slice %arg3[%add3A_4, %dma_start3A] : memref<2176x2560xi32, #tpu.memory_space<hbm>> -> memref<1x2560xi32, #tpu.memory_space<hbm>>
    %dma_start3A_6 = tpu.memref_squeeze %dma_start3A_5 : memref<1x2560xi32, #tpu.memory_space<hbm>> -> memref<2560xi32, #tpu.memory_space<hbm>>
    %dma_start3A_7 = arith.constant 0 : i32
    %dma_start3A_8 = tpu.memref_slice %arg3[%add3A_4, %dma_start3A_7] : memref<2176x2560xi32, #tpu.memory_space<hbm>> -> memref<1x2560xi32, #tpu.memory_space<hbm>>
    %dma_start3A_9 = tpu.memref_squeeze %dma_start3A_8 : memref<1x2560xi32, #tpu.memory_space<hbm>> -> memref<2560xi32, #tpu.memory_space<hbm>>
    tpu.enqueue_dma source(%dma_start3A_9 : memref<2560xi32, #tpu.memory_space<hbm>>) target(%arg6 : memref<2560xi32, #tpu.memory_space<vmem>>) target_semaphore(%arg14 : memref<!tpu.dma_semaphore, #tpu.memory_space<semaphore_mem>>)
    %mul3A_10 = arith.constant 68 : i32
    %mul3A_11 = arith.muli %add3A, %mul3A_10 : i32
    %add3A_12 = arith.constant 0 : i32
    %add3A_13 = arith.addi %mul3A_11, %add3A_12 : i32
    %dma_start3A_14 = arith.constant 0 : i32
    %dma_start3A_15 = tpu.memref_slice %arg4[%add3A_13, %dma_start3A_14] : memref<2176x2560xf32, #tpu.memory_space<hbm>> -> memref<1x2560xf32, #tpu.memory_space<hbm>>
    %dma_start3A_16 = tpu.memref_squeeze %dma_start3A_15 : memref<1x2560xf32, #tpu.memory_space<hbm>> -> memref<2560xf32, #tpu.memory_space<hbm>>
    %dma_start3A_17 = arith.constant 0 : i32
    %dma_start3A_18 = tpu.memref_slice %arg4[%add3A_13, %dma_start3A_17] : memref<2176x2560xf32, #tpu.memory_space<hbm>> -> memref<1x2560xf32, #tpu.memory_space<hbm>>
    %dma_start3A_19 = tpu.memref_squeeze %dma_start3A_18 : memref<1x2560xf32, #tpu.memory_space<hbm>> -> memref<2560xf32, #tpu.memory_space<hbm>>
    tpu.enqueue_dma source(%dma_start3A_19 : memref<2560xf32, #tpu.memory_space<hbm>>) target(%arg8 : memref<2560xf32, #tpu.memory_space<vmem>>) target_semaphore(%arg16 : memref<!tpu.dma_semaphore, #tpu.memory_space<semaphore_mem>>)
    %mul3A_20 = arith.constant 68 : i32
    %mul3A_21 = arith.muli %add3A, %mul3A_20 : i32
    %add3A_22 = arith.constant 1 : i32
    %add3A_23 = arith.addi %mul3A_21, %add3A_22 : i32
    %dma_start3A_24 = arith.constant 0 : i32
    %dma_start3A_25 = tpu.memref_slice %arg3[%add3A_23, %dma_start3A_24] : memref<2176x2560xi32, #tpu.memory_space<hbm>> -> memref<1x2560xi32, #tpu.memory_space<hbm>>
    %dma_start3A_26 = tpu.memref_squeeze %dma_start3A_25 : memref<1x2560xi32, #tpu.memory_space<hbm>> -> memref<2560xi32, #tpu.memory_space<hbm>>
    %dma_start3A_27 = arith.constant 0 : i32
    %dma_start3A_28 = tpu.memref_slice %arg3[%add3A_23, %dma_start3A_27] : memref<2176x2560xi32, #tpu.memory_space<hbm>> -> memref<1x2560xi32, #tpu.memory_space<hbm>>
    %dma_start3A_29 = tpu.memref_squeeze %dma_start3A_28 : memref<1x2560xi32, #tpu.memory_space<hbm>> -> memref<2560xi32, #tpu.memory_space<hbm>>
    tpu.enqueue_dma source(%dma_start3A_29 : memref<2560xi32, #tpu.memory_space<hbm>>) target(%arg7 : memref<2560xi32, #tpu.memory_space<vmem>>) target_semaphore(%arg15 : memref<!tpu.dma_semaphore, #tpu.memory_space<semaphore_mem>>)
    %mul3A_30 = arith.constant 68 : i32
    %mul3A_31 = arith.muli %add3A, %mul3A_30 : i32
    %add3A_32 = arith.constant 1 : i32
    %add3A_33 = arith.addi %mul3A_31, %add3A_32 : i32
    %dma_start3A_34 = arith.constant 0 : i32
    %dma_start3A_35 = tpu.memref_slice %arg4[%add3A_33, %dma_start3A_34] : memref<2176x2560xf32, #tpu.memory_space<hbm>> -> memref<1x2560xf32, #tpu.memory_space<hbm>>
    %dma_start3A_36 = tpu.memref_squeeze %dma_start3A_35 : memref<1x2560xf32, #tpu.memory_space<hbm>> -> memref<2560xf32, #tpu.memory_space<hbm>>
    %dma_start3A_37 = arith.constant 0 : i32
    %dma_start3A_38 = tpu.memref_slice %arg4[%add3A_33, %dma_start3A_37] : memref<2176x2560xf32, #tpu.memory_space<hbm>> -> memref<1x2560xf32, #tpu.memory_space<hbm>>
    %dma_start3A_39 = tpu.memref_squeeze %dma_start3A_38 : memref<1x2560xf32, #tpu.memory_space<hbm>> -> memref<2560xf32, #tpu.memory_space<hbm>>
    tpu.enqueue_dma source(%dma_start3A_39 : memref<2560xf32, #tpu.memory_space<hbm>>) target(%arg9 : memref<2560xf32, #tpu.memory_space<vmem>>) target_semaphore(%arg17 : memref<!tpu.dma_semaphore, #tpu.memory_space<semaphore_mem>>)
    %dma_wait3A = arith.constant 0 : i32
    %dma_wait3A_40 = arith.constant 0 : i32
    %dma_wait3A_41 = tpu.memref_slice %arg3[%dma_wait3A, %dma_wait3A_40] : memref<2176x2560xi32, #tpu.memory_space<hbm>> -> memref<1x2560xi32, #tpu.memory_space<hbm>>
    %dma_wait3A_42 = tpu.memref_squeeze %dma_wait3A_41 : memref<1x2560xi32, #tpu.memory_space<hbm>> -> memref<2560xi32, #tpu.memory_space<hbm>>
    %dma_wait3A_43 = arith.constant 0 : i32
    %dma_wait3A_44 = tpu.memref_slice %arg3[%dma_wait3A, %dma_wait3A_43] : memref<2176x2560xi32, #tpu.memory_space<hbm>> -> memref<1x2560xi32, #tpu.memory_space<hbm>>
    %dma_wait3A_45 = tpu.memref_squeeze %dma_wait3A_44 : memref<1x2560xi32, #tpu.memory_space<hbm>> -> memref<2560xi32, #tpu.memory_space<hbm>>
    tpu.wait_dma2 semaphore(%arg14 : memref<!tpu.dma_semaphore, #tpu.memory_space<semaphore_mem>>) src(%dma_wait3A_45 : memref<2560xi32, #tpu.memory_space<hbm>>) dst(%arg6 : memref<2560xi32, #tpu.memory_space<vmem>>)
    %dma_wait3A_46 = arith.constant 0 : i32
    %dma_wait3A_47 = arith.constant 0 : i32
    %dma_wait3A_48 = tpu.memref_slice %arg4[%dma_wait3A_46, %dma_wait3A_47] : memref<2176x2560xf32, #tpu.memory_space<hbm>> -> memref<1x2560xf32, #tpu.memory_space<hbm>>
    %dma_wait3A_49 = tpu.memref_squeeze %dma_wait3A_48 : memref<1x2560xf32, #tpu.memory_space<hbm>> -> memref<2560xf32, #tpu.memory_space<hbm>>
    %dma_wait3A_50 = arith.constant 0 : i32
    %dma_wait3A_51 = tpu.memref_slice %arg4[%dma_wait3A_46, %dma_wait3A_50] : memref<2176x2560xf32, #tpu.memory_space<hbm>> -> memref<1x2560xf32, #tpu.memory_space<hbm>>
    %dma_wait3A_52 = tpu.memref_squeeze %dma_wait3A_51 : memref<1x2560xf32, #tpu.memory_space<hbm>> -> memref<2560xf32, #tpu.memory_space<hbm>>
    tpu.wait_dma2 semaphore(%arg16 : memref<!tpu.dma_semaphore, #tpu.memory_space<semaphore_mem>>) src(%dma_wait3A_52 : memref<2560xf32, #tpu.memory_space<hbm>>) dst(%arg8 : memref<2560xf32, #tpu.memory_space<vmem>>)
    %dma_start3A_53 = arith.constant 0 : i32
    %dma_start3A_54 = arith.constant 0 : i32
    %dma_start3A_55 = tpu.memref_slice %arg2[%dma_start3A_53, %dma_start3A_54] : memref<87040x32xbf16, #tpu.memory_space<hbm>> -> memref<87040x32xbf16, #tpu.memory_space<hbm>>
    tpu.enqueue_indirect_dma source(%dma_start3A_55 : memref<87040x32xbf16, #tpu.memory_space<hbm>>) target(%arg10 : memref<2560x32xbf16, #tpu.memory_space<vmem>>) offsets(%arg6 : memref<2560xi32, #tpu.memory_space<vmem>>) semaphore(%arg18 : memref<!tpu.dma_semaphore, #tpu.memory_space<semaphore_mem>>)
    %scan3A = arith.constant 0 : i32
    %scan3A_56 = arith.constant 0 : i32
    %scan3A_57 = arith.constant 34 : i32
    %scan3A_58 = arith.addi %scan3A_56, %scan3A_57 : i32
    %scan3A_59 = arith.constant 1 : i32
    scf.for %scan3A_77 = %scan3A_56 to %scan3A_58 step %scan3A_59  : i32 {
      %mul3A_78 = arith.constant 2 : i32
      %mul3A_79 = arith.muli %scan3A_77, %mul3A_78 : i32
      %add3A_80 = arith.constant 0 : i32
      %add3A_81 = arith.addi %mul3A_79, %add3A_80 : i32
      %add3A_82 = arith.constant 1 : i32
      %add3A_83 = arith.addi %add3A_81, %add3A_82 : i32
      %lt3A = arith.constant 68 : i32
      %lt3A_84 = arith.cmpi slt, %add3A_83, %lt3A : i32
      %convert_element_type3A = arith.extui %lt3A_84 : i1 to i32
      %cond3A = arith.constant 0 : i32
      %cond3A_85 = arith.cmpi ne, %convert_element_type3A, %cond3A : i32
      scf.if %cond3A_85 {
        %dma_wait3A_174 = arith.constant 0 : i32
        %dma_wait3A_175 = arith.constant 0 : i32
        %dma_wait3A_176 = tpu.memref_slice %arg3[%dma_wait3A_174, %dma_wait3A_175] : memref<2176x2560xi32, #tpu.memory_space<hbm>> -> memref<1x2560xi32, #tpu.memory_space<hbm>>
        %dma_wait3A_177 = tpu.memref_squeeze %dma_wait3A_176 : memref<1x2560xi32, #tpu.memory_space<hbm>> -> memref<2560xi32, #tpu.memory_space<hbm>>
        %dma_wait3A_178 = arith.constant 0 : i32
        %dma_wait3A_179 = tpu.memref_slice %arg3[%dma_wait3A_174, %dma_wait3A_178] : memref<2176x2560xi32, #tpu.memory_space<hbm>> -> memref<1x2560xi32, #tpu.memory_space<hbm>>
        %dma_wait3A_180 = tpu.memref_squeeze %dma_wait3A_179 : memref<1x2560xi32, #tpu.memory_space<hbm>> -> memref<2560xi32, #tpu.memory_space<hbm>>
        tpu.wait_dma2 semaphore(%arg15 : memref<!tpu.dma_semaphore, #tpu.memory_space<semaphore_mem>>) src(%dma_wait3A_180 : memref<2560xi32, #tpu.memory_space<hbm>>) dst(%arg7 : memref<2560xi32, #tpu.memory_space<vmem>>)
        %dma_wait3A_181 = arith.constant 0 : i32
        %dma_wait3A_182 = arith.constant 0 : i32
        %dma_wait3A_183 = tpu.memref_slice %arg4[%dma_wait3A_181, %dma_wait3A_182] : memref<2176x2560xf32, #tpu.memory_space<hbm>> -> memref<1x2560xf32, #tpu.memory_space<hbm>>
        %dma_wait3A_184 = tpu.memref_squeeze %dma_wait3A_183 : memref<1x2560xf32, #tpu.memory_space<hbm>> -> memref<2560xf32, #tpu.memory_space<hbm>>
        %dma_wait3A_185 = arith.constant 0 : i32
        %dma_wait3A_186 = tpu.memref_slice %arg4[%dma_wait3A_181, %dma_wait3A_185] : memref<2176x2560xf32, #tpu.memory_space<hbm>> -> memref<1x2560xf32, #tpu.memory_space<hbm>>
        %dma_wait3A_187 = tpu.memref_squeeze %dma_wait3A_186 : memref<1x2560xf32, #tpu.memory_space<hbm>> -> memref<2560xf32, #tpu.memory_space<hbm>>
        tpu.wait_dma2 semaphore(%arg17 : memref<!tpu.dma_semaphore, #tpu.memory_space<semaphore_mem>>) src(%dma_wait3A_187 : memref<2560xf32, #tpu.memory_space<hbm>>) dst(%arg9 : memref<2560xf32, #tpu.memory_space<vmem>>)
        %dma_start3A_188 = arith.constant 0 : i32
        %dma_start3A_189 = arith.constant 0 : i32
        %dma_start3A_190 = tpu.memref_slice %arg2[%dma_start3A_188, %dma_start3A_189] : memref<87040x32xbf16, #tpu.memory_space<hbm>> -> memref<87040x32xbf16, #tpu.memory_space<hbm>>
        tpu.enqueue_indirect_dma source(%dma_start3A_190 : memref<87040x32xbf16, #tpu.memory_space<hbm>>) target(%arg11 : memref<2560x32xbf16, #tpu.memory_space<vmem>>) offsets(%arg7 : memref<2560xi32, #tpu.memory_space<vmem>>) semaphore(%arg19 : memref<!tpu.dma_semaphore, #tpu.memory_space<semaphore_mem>>)
      } else {
      }
      %dma_wait3A_86 = arith.constant 0 : i32
      %dma_wait3A_87 = arith.constant 0 : i32
      %dma_wait3A_88 = tpu.memref_slice %arg2[%dma_wait3A_86, %dma_wait3A_87] : memref<87040x32xbf16, #tpu.memory_space<hbm>> -> memref<87040x32xbf16, #tpu.memory_space<hbm>>
      tpu.wait_indirect_dma semaphore(%arg18 : memref<!tpu.dma_semaphore, #tpu.memory_space<semaphore_mem>>) src(%dma_wait3A_88 : memref<87040x32xbf16, #tpu.memory_space<hbm>>) dst(%arg10 : memref<2560x32xbf16, #tpu.memory_space<vmem>>)
      %add3A_89 = arith.constant 2 : i32
      %add3A_90 = arith.addi %add3A_81, %add3A_89 : i32
      %lt3A_91 = arith.constant 68 : i32
      %lt3A_92 = arith.cmpi slt, %add3A_90, %lt3A_91 : i32
      %convert_element_type3A_93 = arith.extui %lt3A_92 : i1 to i32
      %cond3A_94 = arith.constant 0 : i32
      %cond3A_95 = arith.cmpi ne, %convert_element_type3A_93, %cond3A_94 : i32
      scf.if %cond3A_95 {
        %add3A_174 = arith.constant 2 : i32
        %add3A_175 = arith.addi %add3A_81, %add3A_174 : i32
        %mul3A_176 = arith.constant 68 : i32
        %mul3A_177 = arith.muli %add3A, %mul3A_176 : i32
        %add3A_178 = arith.addi %mul3A_177, %add3A_175 : i32
        %dma_start3A_179 = arith.constant 0 : i32
        %dma_start3A_180 = tpu.memref_slice %arg3[%add3A_178, %dma_start3A_179] : memref<2176x2560xi32, #tpu.memory_space<hbm>> -> memref<1x2560xi32, #tpu.memory_space<hbm>>
        %dma_start3A_181 = tpu.memref_squeeze %dma_start3A_180 : memref<1x2560xi32, #tpu.memory_space<hbm>> -> memref<2560xi32, #tpu.memory_space<hbm>>
        %dma_start3A_182 = arith.constant 0 : i32
        %dma_start3A_183 = tpu.memref_slice %arg3[%add3A_178, %dma_start3A_182] : memref<2176x2560xi32, #tpu.memory_space<hbm>> -> memref<1x2560xi32, #tpu.memory_space<hbm>>
        %dma_start3A_184 = tpu.memref_squeeze %dma_start3A_183 : memref<1x2560xi32, #tpu.memory_space<hbm>> -> memref<2560xi32, #tpu.memory_space<hbm>>
        tpu.enqueue_dma source(%dma_start3A_184 : memref<2560xi32, #tpu.memory_space<hbm>>) target(%arg6 : memref<2560xi32, #tpu.memory_space<vmem>>) target_semaphore(%arg14 : memref<!tpu.dma_semaphore, #tpu.memory_space<semaphore_mem>>)
      } else {
      }
      %ge3A = arith.constant 2 : i32
      %ge3A_96 = arith.cmpi sge, %add3A_81, %ge3A : i32
      %convert_element_type3A_97 = arith.extui %ge3A_96 : i1 to i32
      %cond3A_98 = arith.constant 0 : i32
      %cond3A_99 = arith.cmpi ne, %convert_element_type3A_97, %cond3A_98 : i32
      scf.if %cond3A_99 {
        %dma_wait3A_174 = arith.constant 0 : i32
        %dma_wait3A_175 = arith.constant 0 : i32
        %dma_wait3A_176 = arith.constant 0 : i32
        %dma_wait3A_177 = tpu.memref_slice %arg5[%dma_wait3A_174, %dma_wait3A_175, %dma_wait3A_176] : memref<87040x2x16xf32, #tpu.memory_space<hbm>> -> memref<40x2x16xf32, #tpu.memory_space<hbm>>
        %dma_wait3A_178 = arith.constant 0 : i32
        %dma_wait3A_179 = arith.constant 0 : i32
        %dma_wait3A_180 = arith.constant 0 : i32
        %dma_wait3A_181 = tpu.memref_slice %arg5[%dma_wait3A_178, %dma_wait3A_179, %dma_wait3A_180] : memref<87040x2x16xf32, #tpu.memory_space<hbm>> -> memref<40x2x16xf32, #tpu.memory_space<hbm>>
        tpu.wait_dma2 semaphore(%arg20 : memref<!tpu.dma_semaphore, #tpu.memory_space<semaphore_mem>>) src(%arg12 : memref<40x2x16xf32, #tpu.memory_space<vmem>>) dst(%dma_wait3A_181 : memref<40x2x16xf32, #tpu.memory_space<hbm>>)
      } else {
      }
      %scan3A_100 = arith.constant 0 : i32
      %scan3A_101 = arith.constant 0 : i32
      %scan3A_102 = arith.constant 40 : i32
      %scan3A_103 = arith.addi %scan3A_101, %scan3A_102 : i32
      %scan3A_104 = arith.constant 1 : i32
      scf.for %scan3A_174 = %scan3A_101 to %scan3A_103 step %scan3A_104  : i32 {
        %broadcast_in_dim3A = arith.constant 0.000000e+00 : f32
        %broadcast_in_dim3A_175 = vector.broadcast %broadcast_in_dim3A : f32 to vector<16xf32>
        %broadcast_in_dim3A_176 = arith.constant 0.000000e+00 : f32
        %broadcast_in_dim3A_177 = vector.broadcast %broadcast_in_dim3A_176 : f32 to vector<16xf32>
        %jit3A = arith.constant 8 : i32
        %div3A = arith.divsi %scan3A_174, %jit3A : i32
        %sign3A = arith.constant 0 : i32
        %sign3A_178 = arith.cmpi sgt, %scan3A_174, %sign3A : i32
        %sign3A_179 = arith.extui %sign3A_178 : i1 to i32
        %sign3A_180 = arith.constant 0 : i32
        %sign3A_181 = arith.cmpi slt, %scan3A_174, %sign3A_180 : i32
        %sign3A_182 = arith.extui %sign3A_181 : i1 to i32
        %sign3A_183 = arith.subi %sign3A_179, %sign3A_182 : i32
        %sign3A_184 = arith.constant 0 : i32
        %sign3A_185 = arith.cmpi sgt, %jit3A, %sign3A_184 : i32
        %sign3A_186 = arith.extui %sign3A_185 : i1 to i32
        %sign3A_187 = arith.constant 0 : i32
        %sign3A_188 = arith.cmpi slt, %jit3A, %sign3A_187 : i32
        %sign3A_189 = arith.extui %sign3A_188 : i1 to i32
        %sign3A_190 = arith.subi %sign3A_186, %sign3A_189 : i32
        %ne3A = arith.cmpi ne, %sign3A_183, %sign3A_190 : i32
        %rem3A = arith.remsi %scan3A_174, %jit3A : i32
        %ne3A_191 = arith.constant 0 : i32
        %ne3A_192 = arith.cmpi ne, %rem3A, %ne3A_191 : i32
        %and3A = arith.andi %ne3A, %ne3A_192 : i1
        %sub3A = arith.constant 1 : i32
        %sub3A_193 = arith.subi %div3A, %sub3A : i32
        %select_n3A = arith.select %and3A, %sub3A_193, %div3A : i32
        %mul3A_194 = arith.constant 512 : i32
        %mul3A_195 = arith.muli %select_n3A, %mul3A_194 : i32
        %jit3A_196 = arith.constant 8 : i32
        %eq3A = arith.constant 0 : i32
        %eq3A_197 = arith.cmpi eq, %jit3A_196, %eq3A : i32
        %jit3A_198 = arith.constant 1 : i32
        %select_n3A_199 = arith.select %eq3A_197, %jit3A_198, %jit3A_196 : i32
        %rem3A_200 = arith.remsi %scan3A_174, %select_n3A_199 : i32
        %ne3A_201 = arith.constant 0 : i32
        %ne3A_202 = arith.cmpi ne, %rem3A_200, %ne3A_201 : i32
        %lt3A_203 = arith.constant 0 : i32
        %lt3A_204 = arith.cmpi slt, %rem3A_200, %lt3A_203 : i32
        %lt3A_205 = arith.constant 0 : i32
        %lt3A_206 = arith.cmpi slt, %select_n3A_199, %lt3A_205 : i32
        %ne3A_207 = arith.xori %lt3A_204, %lt3A_206 : i1
        %and3A_208 = arith.andi %ne3A_207, %ne3A_202 : i1
        %add3A_209 = arith.addi %rem3A_200, %select_n3A_199 : i32
        %select_n3A_210 = arith.select %and3A_208, %add3A_209, %rem3A_200 : i32
        %mul3A_211 = arith.constant 16 : i32
        %mul3A_212 = arith.muli %select_n3A_210, %mul3A_211 : i32
        %add3A_213 = arith.addi %mul3A_195, %mul3A_212 : i32
        %broadcast_in_dim3A_214 = vector.broadcast %add3A_213 : i32 to vector<16xi32>
        %add3A_215 = arith.constant 0 : i32
        %add3A_216 = arith.addi %add3A_213, %add3A_215 : i32
        %add3A_217 = arith.constant 0 : i32
        %add3A_218 = arith.addi %add3A_216, %add3A_217 : i32
        %add3A_219 = arith.constant 0 : i32
        %add3A_220 = vector.broadcast %add3A_219 : i32 to vector<16xi32>
        %add3A_221 = arith.addi %broadcast_in_dim3A_214, %add3A_220 : vector<16xi32>
        %gather3A = tpu.vector_load_idx %arg8[%add3A_221] : memref<2560xf32, #tpu.memory_space<vmem>>[vector<16xi32>], vector<16xf32>,
        %get3A = arith.index_cast %add3A_218 : i32 to index
        %get3A_222 = arith.constant 0 : index
        %get3A_223 = tpu.vector_load %arg10[%get3A, %get3A_222] {strides = array<i32>} : memref<2560x32xbf16, #tpu.memory_space<vmem>>, vector<32xbf16>,
        %unpack3A = tpu.unpack_subelements %get3A_223, 0 {pack_format = #tpu.pack_format<interleaved>} : vector<32xbf16> -> vector<16xf32>
        %unpack3A_224 = tpu.unpack_subelements %get3A_223, 1 {pack_format = #tpu.pack_format<interleaved>} : vector<32xbf16> -> vector<16xf32>
        %mul3A_225 = arith.mulf %gather3A, %unpack3A : vector<16xf32>
        %add3A_226 = arith.addf %broadcast_in_dim3A_175, %mul3A_225 : vector<16xf32>
        %mul3A_227 = arith.mulf %gather3A, %unpack3A_224 : vector<16xf32>
        %add3A_228 = arith.addf %broadcast_in_dim3A_177, %mul3A_227 : vector<16xf32>
        %add3A_229 = arith.constant 0 : i32
        %add3A_230 = arith.addi %add3A_213, %add3A_229 : i32
        %add3A_231 = arith.constant 1 : i32
        %add3A_232 = arith.addi %add3A_230, %add3A_231 : i32
        %add3A_233 = arith.constant 1 : i32
        %add3A_234 = vector.broadcast %add3A_233 : i32 to vector<16xi32>
        %add3A_235 = arith.addi %broadcast_in_dim3A_214, %add3A_234 : vector<16xi32>
        %gather3A_236 = tpu.vector_load_idx %arg8[%add3A_235] : memref<2560xf32, #tpu.memory_space<vmem>>[vector<16xi32>], vector<16xf32>,
        %get3A_237 = arith.index_cast %add3A_232 : i32 to index
        %get3A_238 = arith.constant 0 : index
        %get3A_239 = tpu.vector_load %arg10[%get3A_237, %get3A_238] {strides = array<i32>} : memref<2560x32xbf16, #tpu.memory_space<vmem>>, vector<32xbf16>,
        %unpack3A_240 = tpu.unpack_subelements %get3A_239, 0 {pack_format = #tpu.pack_format<interleaved>} : vector<32xbf16> -> vector<16xf32>
        %unpack3A_241 = tpu.unpack_subelements %get3A_239, 1 {pack_format = #tpu.pack_format<interleaved>} : vector<32xbf16> -> vector<16xf32>
        %mul3A_242 = arith.mulf %gather3A_236, %unpack3A_240 : vector<16xf32>
        %add3A_243 = arith.addf %add3A_226, %mul3A_242 : vector<16xf32>
        %mul3A_244 = arith.mulf %gather3A_236, %unpack3A_241 : vector<16xf32>
        %add3A_245 = arith.addf %add3A_228, %mul3A_244 : vector<16xf32>
        %add3A_246 = arith.constant 0 : i32
        %add3A_247 = arith.addi %add3A_213, %add3A_246 : i32
        %add3A_248 = arith.constant 2 : i32
        %add3A_249 = arith.addi %add3A_247, %add3A_248 : i32
        %add3A_250 = arith.constant 2 : i32
        %add3A_251 = vector.broadcast %add3A_250 : i32 to vector<16xi32>
        %add3A_252 = arith.addi %broadcast_in_dim3A_214, %add3A_251 : vector<16xi32>
        %gather3A_253 = tpu.vector_load_idx %arg8[%add3A_252] : memref<2560xf32, #tpu.memory_space<vmem>>[vector<16xi32>], vector<16xf32>,
        %get3A_254 = arith.index_cast %add3A_249 : i32 to index
        %get3A_255 = arith.constant 0 : index
        %get3A_256 = tpu.vector_load %arg10[%get3A_254, %get3A_255] {strides = array<i32>} : memref<2560x32xbf16, #tpu.memory_space<vmem>>, vector<32xbf16>,
        %unpack3A_257 = tpu.unpack_subelements %get3A_256, 0 {pack_format = #tpu.pack_format<interleaved>} : vector<32xbf16> -> vector<16xf32>
        %unpack3A_258 = tpu.unpack_subelements %get3A_256, 1 {pack_format = #tpu.pack_format<interleaved>} : vector<32xbf16> -> vector<16xf32>
        %mul3A_259 = arith.mulf %gather3A_253, %unpack3A_257 : vector<16xf32>
        %add3A_260 = arith.addf %add3A_243, %mul3A_259 : vector<16xf32>
        %mul3A_261 = arith.mulf %gather3A_253, %unpack3A_258 : vector<16xf32>
        %add3A_262 = arith.addf %add3A_245, %mul3A_261 : vector<16xf32>
        %add3A_263 = arith.constant 0 : i32
        %add3A_264 = arith.addi %add3A_213, %add3A_263 : i32
        %add3A_265 = arith.constant 3 : i32
        %add3A_266 = arith.addi %add3A_264, %add3A_265 : i32
        %add3A_267 = arith.constant 3 : i32
        %add3A_268 = vector.broadcast %add3A_267 : i32 to vector<16xi32>
        %add3A_269 = arith.addi %broadcast_in_dim3A_214, %add3A_268 : vector<16xi32>
        %gather3A_270 = tpu.vector_load_idx %arg8[%add3A_269] : memref<2560xf32, #tpu.memory_space<vmem>>[vector<16xi32>], vector<16xf32>,
        %get3A_271 = arith.index_cast %add3A_266 : i32 to index
        %get3A_272 = arith.constant 0 : index
        %get3A_273 = tpu.vector_load %arg10[%get3A_271, %get3A_272] {strides = array<i32>} : memref<2560x32xbf16, #tpu.memory_space<vmem>>, vector<32xbf16>,
        %unpack3A_274 = tpu.unpack_subelements %get3A_273, 0 {pack_format = #tpu.pack_format<interleaved>} : vector<32xbf16> -> vector<16xf32>
        %unpack3A_275 = tpu.unpack_subelements %get3A_273, 1 {pack_format = #tpu.pack_format<interleaved>} : vector<32xbf16> -> vector<16xf32>
        %mul3A_276 = arith.mulf %gather3A_270, %unpack3A_274 : vector<16xf32>
        %add3A_277 = arith.addf %add3A_260, %mul3A_276 : vector<16xf32>
        %mul3A_278 = arith.mulf %gather3A_270, %unpack3A_275 : vector<16xf32>
        %add3A_279 = arith.addf %add3A_262, %mul3A_278 : vector<16xf32>
        %add3A_280 = arith.constant 0 : i32
        %add3A_281 = arith.addi %add3A_213, %add3A_280 : i32
        %add3A_282 = arith.constant 4 : i32
        %add3A_283 = arith.addi %add3A_281, %add3A_282 : i32
        %add3A_284 = arith.constant 4 : i32
        %add3A_285 = vector.broadcast %add3A_284 : i32 to vector<16xi32>
        %add3A_286 = arith.addi %broadcast_in_dim3A_214, %add3A_285 : vector<16xi32>
        %gather3A_287 = tpu.vector_load_idx %arg8[%add3A_286] : memref<2560xf32, #tpu.memory_space<vmem>>[vector<16xi32>], vector<16xf32>,
        %get3A_288 = arith.index_cast %add3A_283 : i32 to index
        %get3A_289 = arith.constant 0 : index
        %get3A_290 = tpu.vector_load %arg10[%get3A_288, %get3A_289] {strides = array<i32>} : memref<2560x32xbf16, #tpu.memory_space<vmem>>, vector<32xbf16>,
        %unpack3A_291 = tpu.unpack_subelements %get3A_290, 0 {pack_format = #tpu.pack_format<interleaved>} : vector<32xbf16> -> vector<16xf32>
        %unpack3A_292 = tpu.unpack_subelements %get3A_290, 1 {pack_format = #tpu.pack_format<interleaved>} : vector<32xbf16> -> vector<16xf32>
        %mul3A_293 = arith.mulf %gather3A_287, %unpack3A_291 : vector<16xf32>
        %add3A_294 = arith.addf %add3A_277, %mul3A_293 : vector<16xf32>
        %mul3A_295 = arith.mulf %gather3A_287, %unpack3A_292 : vector<16xf32>
        %add3A_296 = arith.addf %add3A_279, %mul3A_295 : vector<16xf32>
        %add3A_297 = arith.constant 0 : i32
        %add3A_298 = arith.addi %add3A_213, %add3A_297 : i32
        %add3A_299 = arith.constant 5 : i32
        %add3A_300 = arith.addi %add3A_298, %add3A_299 : i32
        %add3A_301 = arith.constant 5 : i32
        %add3A_302 = vector.broadcast %add3A_301 : i32 to vector<16xi32>
        %add3A_303 = arith.addi %broadcast_in_dim3A_214, %add3A_302 : vector<16xi32>
        %gather3A_304 = tpu.vector_load_idx %arg8[%add3A_303] : memref<2560xf32, #tpu.memory_space<vmem>>[vector<16xi32>], vector<16xf32>,
        %get3A_305 = arith.index_cast %add3A_300 : i32 to index
        %get3A_306 = arith.constant 0 : index
        %get3A_307 = tpu.vector_load %arg10[%get3A_305, %get3A_306] {strides = array<i32>} : memref<2560x32xbf16, #tpu.memory_space<vmem>>, vector<32xbf16>,
        %unpack3A_308 = tpu.unpack_subelements %get3A_307, 0 {pack_format = #tpu.pack_format<interleaved>} : vector<32xbf16> -> vector<16xf32>
        %unpack3A_309 = tpu.unpack_subelements %get3A_307, 1 {pack_format = #tpu.pack_format<interleaved>} : vector<32xbf16> -> vector<16xf32>
        %mul3A_310 = arith.mulf %gather3A_304, %unpack3A_308 : vector<16xf32>
        %add3A_311 = arith.addf %add3A_294, %mul3A_310 : vector<16xf32>
        %mul3A_312 = arith.mulf %gather3A_304, %unpack3A_309 : vector<16xf32>
        %add3A_313 = arith.addf %add3A_296, %mul3A_312 : vector<16xf32>
        %add3A_314 = arith.constant 0 : i32
        %add3A_315 = arith.addi %add3A_213, %add3A_314 : i32
        %add3A_316 = arith.constant 6 : i32
        %add3A_317 = arith.addi %add3A_315, %add3A_316 : i32
        %add3A_318 = arith.constant 6 : i32
        %add3A_319 = vector.broadcast %add3A_318 : i32 to vector<16xi32>
        %add3A_320 = arith.addi %broadcast_in_dim3A_214, %add3A_319 : vector<16xi32>
        %gather3A_321 = tpu.vector_load_idx %arg8[%add3A_320] : memref<2560xf32, #tpu.memory_space<vmem>>[vector<16xi32>], vector<16xf32>,
        %get3A_322 = arith.index_cast %add3A_317 : i32 to index
        %get3A_323 = arith.constant 0 : index
        %get3A_324 = tpu.vector_load %arg10[%get3A_322, %get3A_323] {strides = array<i32>} : memref<2560x32xbf16, #tpu.memory_space<vmem>>, vector<32xbf16>,
        %unpack3A_325 = tpu.unpack_subelements %get3A_324, 0 {pack_format = #tpu.pack_format<interleaved>} : vector<32xbf16> -> vector<16xf32>
        %unpack3A_326 = tpu.unpack_subelements %get3A_324, 1 {pack_format = #tpu.pack_format<interleaved>} : vector<32xbf16> -> vector<16xf32>
        %mul3A_327 = arith.mulf %gather3A_321, %unpack3A_325 : vector<16xf32>
        %add3A_328 = arith.addf %add3A_311, %mul3A_327 : vector<16xf32>
        %mul3A_329 = arith.mulf %gather3A_321, %unpack3A_326 : vector<16xf32>
        %add3A_330 = arith.addf %add3A_313, %mul3A_329 : vector<16xf32>
        %add3A_331 = arith.constant 0 : i32
        %add3A_332 = arith.addi %add3A_213, %add3A_331 : i32
        %add3A_333 = arith.constant 7 : i32
        %add3A_334 = arith.addi %add3A_332, %add3A_333 : i32
        %add3A_335 = arith.constant 7 : i32
        %add3A_336 = vector.broadcast %add3A_335 : i32 to vector<16xi32>
        %add3A_337 = arith.addi %broadcast_in_dim3A_214, %add3A_336 : vector<16xi32>
        %gather3A_338 = tpu.vector_load_idx %arg8[%add3A_337] : memref<2560xf32, #tpu.memory_space<vmem>>[vector<16xi32>], vector<16xf32>,
        %get3A_339 = arith.index_cast %add3A_334 : i32 to index
        %get3A_340 = arith.constant 0 : index
        %get3A_341 = tpu.vector_load %arg10[%get3A_339, %get3A_340] {strides = array<i32>} : memref<2560x32xbf16, #tpu.memory_space<vmem>>, vector<32xbf16>,
        %unpack3A_342 = tpu.unpack_subelements %get3A_341, 0 {pack_format = #tpu.pack_format<interleaved>} : vector<32xbf16> -> vector<16xf32>
        %unpack3A_343 = tpu.unpack_subelements %get3A_341, 1 {pack_format = #tpu.pack_format<interleaved>} : vector<32xbf16> -> vector<16xf32>
        %mul3A_344 = arith.mulf %gather3A_338, %unpack3A_342 : vector<16xf32>
        %add3A_345 = arith.addf %add3A_328, %mul3A_344 : vector<16xf32>
        %mul3A_346 = arith.mulf %gather3A_338, %unpack3A_343 : vector<16xf32>
        %add3A_347 = arith.addf %add3A_330, %mul3A_346 : vector<16xf32>
        %add3A_348 = arith.constant 0 : i32
        %add3A_349 = arith.addi %add3A_213, %add3A_348 : i32
        %add3A_350 = arith.constant 8 : i32
        %add3A_351 = arith.addi %add3A_349, %add3A_350 : i32
        %add3A_352 = arith.constant 8 : i32
        %add3A_353 = vector.broadcast %add3A_352 : i32 to vector<16xi32>
        %add3A_354 = arith.addi %broadcast_in_dim3A_214, %add3A_353 : vector<16xi32>
        %gather3A_355 = tpu.vector_load_idx %arg8[%add3A_354] : memref<2560xf32, #tpu.memory_space<vmem>>[vector<16xi32>], vector<16xf32>,
        %get3A_356 = arith.index_cast %add3A_351 : i32 to index
        %get3A_357 = arith.constant 0 : index
        %get3A_358 = tpu.vector_load %arg10[%get3A_356, %get3A_357] {strides = array<i32>} : memref<2560x32xbf16, #tpu.memory_space<vmem>>, vector<32xbf16>,
        %unpack3A_359 = tpu.unpack_subelements %get3A_358, 0 {pack_format = #tpu.pack_format<interleaved>} : vector<32xbf16> -> vector<16xf32>
        %unpack3A_360 = tpu.unpack_subelements %get3A_358, 1 {pack_format = #tpu.pack_format<interleaved>} : vector<32xbf16> -> vector<16xf32>
        %mul3A_361 = arith.mulf %gather3A_355, %unpack3A_359 : vector<16xf32>
        %add3A_362 = arith.addf %add3A_345, %mul3A_361 : vector<16xf32>
        %mul3A_363 = arith.mulf %gather3A_355, %unpack3A_360 : vector<16xf32>
        %add3A_364 = arith.addf %add3A_347, %mul3A_363 : vector<16xf32>
        %add3A_365 = arith.constant 0 : i32
        %add3A_366 = arith.addi %add3A_213, %add3A_365 : i32
        %add3A_367 = arith.constant 9 : i32
        %add3A_368 = arith.addi %add3A_366, %add3A_367 : i32
        %add3A_369 = arith.constant 9 : i32
        %add3A_370 = vector.broadcast %add3A_369 : i32 to vector<16xi32>
        %add3A_371 = arith.addi %broadcast_in_dim3A_214, %add3A_370 : vector<16xi32>
        %gather3A_372 = tpu.vector_load_idx %arg8[%add3A_371] : memref<2560xf32, #tpu.memory_space<vmem>>[vector<16xi32>], vector<16xf32>,
        %get3A_373 = arith.index_cast %add3A_368 : i32 to index
        %get3A_374 = arith.constant 0 : index
        %get3A_375 = tpu.vector_load %arg10[%get3A_373, %get3A_374] {strides = array<i32>} : memref<2560x32xbf16, #tpu.memory_space<vmem>>, vector<32xbf16>,
        %unpack3A_376 = tpu.unpack_subelements %get3A_375, 0 {pack_format = #tpu.pack_format<interleaved>} : vector<32xbf16> -> vector<16xf32>
        %unpack3A_377 = tpu.unpack_subelements %get3A_375, 1 {pack_format = #tpu.pack_format<interleaved>} : vector<32xbf16> -> vector<16xf32>
        %mul3A_378 = arith.mulf %gather3A_372, %unpack3A_376 : vector<16xf32>
        %add3A_379 = arith.addf %add3A_362, %mul3A_378 : vector<16xf32>
        %mul3A_380 = arith.mulf %gather3A_372, %unpack3A_377 : vector<16xf32>
        %add3A_381 = arith.addf %add3A_364, %mul3A_380 : vector<16xf32>
        %add3A_382 = arith.constant 0 : i32
        %add3A_383 = arith.addi %add3A_213, %add3A_382 : i32
        %add3A_384 = arith.constant 10 : i32
        %add3A_385 = arith.addi %add3A_383, %add3A_384 : i32
        %add3A_386 = arith.constant 10 : i32
        %add3A_387 = vector.broadcast %add3A_386 : i32 to vector<16xi32>
        %add3A_388 = arith.addi %broadcast_in_dim3A_214, %add3A_387 : vector<16xi32>
        %gather3A_389 = tpu.vector_load_idx %arg8[%add3A_388] : memref<2560xf32, #tpu.memory_space<vmem>>[vector<16xi32>], vector<16xf32>,
        %get3A_390 = arith.index_cast %add3A_385 : i32 to index
        %get3A_391 = arith.constant 0 : index
        %get3A_392 = tpu.vector_load %arg10[%get3A_390, %get3A_391] {strides = array<i32>} : memref<2560x32xbf16, #tpu.memory_space<vmem>>, vector<32xbf16>,
        %unpack3A_393 = tpu.unpack_subelements %get3A_392, 0 {pack_format = #tpu.pack_format<interleaved>} : vector<32xbf16> -> vector<16xf32>
        %unpack3A_394 = tpu.unpack_subelements %get3A_392, 1 {pack_format = #tpu.pack_format<interleaved>} : vector<32xbf16> -> vector<16xf32>
        %mul3A_395 = arith.mulf %gather3A_389, %unpack3A_393 : vector<16xf32>
        %add3A_396 = arith.addf %add3A_379, %mul3A_395 : vector<16xf32>
        %mul3A_397 = arith.mulf %gather3A_389, %unpack3A_394 : vector<16xf32>
        %add3A_398 = arith.addf %add3A_381, %mul3A_397 : vector<16xf32>
        %add3A_399 = arith.constant 0 : i32
        %add3A_400 = arith.addi %add3A_213, %add3A_399 : i32
        %add3A_401 = arith.constant 11 : i32
        %add3A_402 = arith.addi %add3A_400, %add3A_401 : i32
        %add3A_403 = arith.constant 11 : i32
        %add3A_404 = vector.broadcast %add3A_403 : i32 to vector<16xi32>
        %add3A_405 = arith.addi %broadcast_in_dim3A_214, %add3A_404 : vector<16xi32>
        %gather3A_406 = tpu.vector_load_idx %arg8[%add3A_405] : memref<2560xf32, #tpu.memory_space<vmem>>[vector<16xi32>], vector<16xf32>,
        %get3A_407 = arith.index_cast %add3A_402 : i32 to index
        %get3A_408 = arith.constant 0 : index
        %get3A_409 = tpu.vector_load %arg10[%get3A_407, %get3A_408] {strides = array<i32>} : memref<2560x32xbf16, #tpu.memory_space<vmem>>, vector<32xbf16>,
        %unpack3A_410 = tpu.unpack_subelements %get3A_409, 0 {pack_format = #tpu.pack_format<interleaved>} : vector<32xbf16> -> vector<16xf32>
        %unpack3A_411 = tpu.unpack_subelements %get3A_409, 1 {pack_format = #tpu.pack_format<interleaved>} : vector<32xbf16> -> vector<16xf32>
        %mul3A_412 = arith.mulf %gather3A_406, %unpack3A_410 : vector<16xf32>
        %add3A_413 = arith.addf %add3A_396, %mul3A_412 : vector<16xf32>
        %mul3A_414 = arith.mulf %gather3A_406, %unpack3A_411 : vector<16xf32>
        %add3A_415 = arith.addf %add3A_398, %mul3A_414 : vector<16xf32>
        %add3A_416 = arith.constant 0 : i32
        %add3A_417 = arith.addi %add3A_213, %add3A_416 : i32
        %add3A_418 = arith.constant 12 : i32
        %add3A_419 = arith.addi %add3A_417, %add3A_418 : i32
        %add3A_420 = arith.constant 12 : i32
        %add3A_421 = vector.broadcast %add3A_420 : i32 to vector<16xi32>
        %add3A_422 = arith.addi %broadcast_in_dim3A_214, %add3A_421 : vector<16xi32>
        %gather3A_423 = tpu.vector_load_idx %arg8[%add3A_422] : memref<2560xf32, #tpu.memory_space<vmem>>[vector<16xi32>], vector<16xf32>,
        %get3A_424 = arith.index_cast %add3A_419 : i32 to index
        %get3A_425 = arith.constant 0 : index
        %get3A_426 = tpu.vector_load %arg10[%get3A_424, %get3A_425] {strides = array<i32>} : memref<2560x32xbf16, #tpu.memory_space<vmem>>, vector<32xbf16>,
        %unpack3A_427 = tpu.unpack_subelements %get3A_426, 0 {pack_format = #tpu.pack_format<interleaved>} : vector<32xbf16> -> vector<16xf32>
        %unpack3A_428 = tpu.unpack_subelements %get3A_426, 1 {pack_format = #tpu.pack_format<interleaved>} : vector<32xbf16> -> vector<16xf32>
        %mul3A_429 = arith.mulf %gather3A_423, %unpack3A_427 : vector<16xf32>
        %add3A_430 = arith.addf %add3A_413, %mul3A_429 : vector<16xf32>
        %mul3A_431 = arith.mulf %gather3A_423, %unpack3A_428 : vector<16xf32>
        %add3A_432 = arith.addf %add3A_415, %mul3A_431 : vector<16xf32>
        %add3A_433 = arith.constant 0 : i32
        %add3A_434 = arith.addi %add3A_213, %add3A_433 : i32
        %add3A_435 = arith.constant 13 : i32
        %add3A_436 = arith.addi %add3A_434, %add3A_435 : i32
        %add3A_437 = arith.constant 13 : i32
        %add3A_438 = vector.broadcast %add3A_437 : i32 to vector<16xi32>
        %add3A_439 = arith.addi %broadcast_in_dim3A_214, %add3A_438 : vector<16xi32>
        %gather3A_440 = tpu.vector_load_idx %arg8[%add3A_439] : memref<2560xf32, #tpu.memory_space<vmem>>[vector<16xi32>], vector<16xf32>,
        %get3A_441 = arith.index_cast %add3A_436 : i32 to index
        %get3A_442 = arith.constant 0 : index
        %get3A_443 = tpu.vector_load %arg10[%get3A_441, %get3A_442] {strides = array<i32>} : memref<2560x32xbf16, #tpu.memory_space<vmem>>, vector<32xbf16>,
        %unpack3A_444 = tpu.unpack_subelements %get3A_443, 0 {pack_format = #tpu.pack_format<interleaved>} : vector<32xbf16> -> vector<16xf32>
        %unpack3A_445 = tpu.unpack_subelements %get3A_443, 1 {pack_format = #tpu.pack_format<interleaved>} : vector<32xbf16> -> vector<16xf32>
        %mul3A_446 = arith.mulf %gather3A_440, %unpack3A_444 : vector<16xf32>
        %add3A_447 = arith.addf %add3A_430, %mul3A_446 : vector<16xf32>
        %mul3A_448 = arith.mulf %gather3A_440, %unpack3A_445 : vector<16xf32>
        %add3A_449 = arith.addf %add3A_432, %mul3A_448 : vector<16xf32>
        %add3A_450 = arith.constant 0 : i32
        %add3A_451 = arith.addi %add3A_213, %add3A_450 : i32
        %add3A_452 = arith.constant 14 : i32
        %add3A_453 = arith.addi %add3A_451, %add3A_452 : i32
        %add3A_454 = arith.constant 14 : i32
        %add3A_455 = vector.broadcast %add3A_454 : i32 to vector<16xi32>
        %add3A_456 = arith.addi %broadcast_in_dim3A_214, %add3A_455 : vector<16xi32>
        %gather3A_457 = tpu.vector_load_idx %arg8[%add3A_456] : memref<2560xf32, #tpu.memory_space<vmem>>[vector<16xi32>], vector<16xf32>,
        %get3A_458 = arith.index_cast %add3A_453 : i32 to index
        %get3A_459 = arith.constant 0 : index
        %get3A_460 = tpu.vector_load %arg10[%get3A_458, %get3A_459] {strides = array<i32>} : memref<2560x32xbf16, #tpu.memory_space<vmem>>, vector<32xbf16>,
        %unpack3A_461 = tpu.unpack_subelements %get3A_460, 0 {pack_format = #tpu.pack_format<interleaved>} : vector<32xbf16> -> vector<16xf32>
        %unpack3A_462 = tpu.unpack_subelements %get3A_460, 1 {pack_format = #tpu.pack_format<interleaved>} : vector<32xbf16> -> vector<16xf32>
        %mul3A_463 = arith.mulf %gather3A_457, %unpack3A_461 : vector<16xf32>
        %add3A_464 = arith.addf %add3A_447, %mul3A_463 : vector<16xf32>
        %mul3A_465 = arith.mulf %gather3A_457, %unpack3A_462 : vector<16xf32>
        %add3A_466 = arith.addf %add3A_449, %mul3A_465 : vector<16xf32>
        %add3A_467 = arith.constant 0 : i32
        %add3A_468 = arith.addi %add3A_213, %add3A_467 : i32
        %add3A_469 = arith.constant 15 : i32
        %add3A_470 = arith.addi %add3A_468, %add3A_469 : i32
        %add3A_471 = arith.constant 15 : i32
        %add3A_472 = vector.broadcast %add3A_471 : i32 to vector<16xi32>
        %add3A_473 = arith.addi %broadcast_in_dim3A_214, %add3A_472 : vector<16xi32>
        %gather3A_474 = tpu.vector_load_idx %arg8[%add3A_473] : memref<2560xf32, #tpu.memory_space<vmem>>[vector<16xi32>], vector<16xf32>,
        %get3A_475 = arith.index_cast %add3A_470 : i32 to index
        %get3A_476 = arith.constant 0 : index
        %get3A_477 = tpu.vector_load %arg10[%get3A_475, %get3A_476] {strides = array<i32>} : memref<2560x32xbf16, #tpu.memory_space<vmem>>, vector<32xbf16>,
        %unpack3A_478 = tpu.unpack_subelements %get3A_477, 0 {pack_format = #tpu.pack_format<interleaved>} : vector<32xbf16> -> vector<16xf32>
        %unpack3A_479 = tpu.unpack_subelements %get3A_477, 1 {pack_format = #tpu.pack_format<interleaved>} : vector<32xbf16> -> vector<16xf32>
        %mul3A_480 = arith.mulf %gather3A_474, %unpack3A_478 : vector<16xf32>
        %add3A_481 = arith.addf %add3A_464, %mul3A_480 : vector<16xf32>
        %mul3A_482 = arith.mulf %gather3A_474, %unpack3A_479 : vector<16xf32>
        %add3A_483 = arith.addf %add3A_466, %mul3A_482 : vector<16xf32>
        %add3A_484 = arith.constant 128 : i32
        %add3A_485 = arith.addi %add3A_213, %add3A_484 : i32
        %add3A_486 = arith.constant 0 : i32
        %add3A_487 = arith.addi %add3A_485, %add3A_486 : i32
        %add3A_488 = arith.constant 128 : i32
        %add3A_489 = vector.broadcast %add3A_488 : i32 to vector<16xi32>
        %add3A_490 = arith.addi %broadcast_in_dim3A_214, %add3A_489 : vector<16xi32>
        %gather3A_491 = tpu.vector_load_idx %arg8[%add3A_490] : memref<2560xf32, #tpu.memory_space<vmem>>[vector<16xi32>], vector<16xf32>,
        %get3A_492 = arith.index_cast %add3A_487 : i32 to index
        %get3A_493 = arith.constant 0 : index
        %get3A_494 = tpu.vector_load %arg10[%get3A_492, %get3A_493] {strides = array<i32>} : memref<2560x32xbf16, #tpu.memory_space<vmem>>, vector<32xbf16>,
        %unpack3A_495 = tpu.unpack_subelements %get3A_494, 0 {pack_format = #tpu.pack_format<interleaved>} : vector<32xbf16> -> vector<16xf32>
        %unpack3A_496 = tpu.unpack_subelements %get3A_494, 1 {pack_format = #tpu.pack_format<interleaved>} : vector<32xbf16> -> vector<16xf32>
        %mul3A_497 = arith.mulf %gather3A_491, %unpack3A_495 : vector<16xf32>
        %add3A_498 = arith.addf %add3A_481, %mul3A_497 : vector<16xf32>
        %mul3A_499 = arith.mulf %gather3A_491, %unpack3A_496 : vector<16xf32>
        %add3A_500 = arith.addf %add3A_483, %mul3A_499 : vector<16xf32>
        %add3A_501 = arith.constant 128 : i32
        %add3A_502 = arith.addi %add3A_213, %add3A_501 : i32
        %add3A_503 = arith.constant 1 : i32
        %add3A_504 = arith.addi %add3A_502, %add3A_503 : i32
        %add3A_505 = arith.constant 129 : i32
        %add3A_506 = vector.broadcast %add3A_505 : i32 to vector<16xi32>
        %add3A_507 = arith.addi %broadcast_in_dim3A_214, %add3A_506 : vector<16xi32>
        %gather3A_508 = tpu.vector_load_idx %arg8[%add3A_507] : memref<2560xf32, #tpu.memory_space<vmem>>[vector<16xi32>], vector<16xf32>,
        %get3A_509 = arith.index_cast %add3A_504 : i32 to index
        %get3A_510 = arith.constant 0 : index
        %get3A_511 = tpu.vector_load %arg10[%get3A_509, %get3A_510] {strides = array<i32>} : memref<2560x32xbf16, #tpu.memory_space<vmem>>, vector<32xbf16>,
        %unpack3A_512 = tpu.unpack_subelements %get3A_511, 0 {pack_format = #tpu.pack_format<interleaved>} : vector<32xbf16> -> vector<16xf32>
        %unpack3A_513 = tpu.unpack_subelements %get3A_511, 1 {pack_format = #tpu.pack_format<interleaved>} : vector<32xbf16> -> vector<16xf32>
        %mul3A_514 = arith.mulf %gather3A_508, %unpack3A_512 : vector<16xf32>
        %add3A_515 = arith.addf %add3A_498, %mul3A_514 : vector<16xf32>
        %mul3A_516 = arith.mulf %gather3A_508, %unpack3A_513 : vector<16xf32>
        %add3A_517 = arith.addf %add3A_500, %mul3A_516 : vector<16xf32>
        %add3A_518 = arith.constant 128 : i32
        %add3A_519 = arith.addi %add3A_213, %add3A_518 : i32
        %add3A_520 = arith.constant 2 : i32
        %add3A_521 = arith.addi %add3A_519, %add3A_520 : i32
        %add3A_522 = arith.constant 130 : i32
        %add3A_523 = vector.broadcast %add3A_522 : i32 to vector<16xi32>
        %add3A_524 = arith.addi %broadcast_in_dim3A_214, %add3A_523 : vector<16xi32>
        %gather3A_525 = tpu.vector_load_idx %arg8[%add3A_524] : memref<2560xf32, #tpu.memory_space<vmem>>[vector<16xi32>], vector<16xf32>,
        %get3A_526 = arith.index_cast %add3A_521 : i32 to index
        %get3A_527 = arith.constant 0 : index
        %get3A_528 = tpu.vector_load %arg10[%get3A_526, %get3A_527] {strides = array<i32>} : memref<2560x32xbf16, #tpu.memory_space<vmem>>, vector<32xbf16>,
        %unpack3A_529 = tpu.unpack_subelements %get3A_528, 0 {pack_format = #tpu.pack_format<interleaved>} : vector<32xbf16> -> vector<16xf32>
        %unpack3A_530 = tpu.unpack_subelements %get3A_528, 1 {pack_format = #tpu.pack_format<interleaved>} : vector<32xbf16> -> vector<16xf32>
        %mul3A_531 = arith.mulf %gather3A_525, %unpack3A_529 : vector<16xf32>
        %add3A_532 = arith.addf %add3A_515, %mul3A_531 : vector<16xf32>
        %mul3A_533 = arith.mulf %gather3A_525, %unpack3A_530 : vector<16xf32>
        %add3A_534 = arith.addf %add3A_517, %mul3A_533 : vector<16xf32>
        %add3A_535 = arith.constant 128 : i32
        %add3A_536 = arith.addi %add3A_213, %add3A_535 : i32
        %add3A_537 = arith.constant 3 : i32
        %add3A_538 = arith.addi %add3A_536, %add3A_537 : i32
        %add3A_539 = arith.constant 131 : i32
        %add3A_540 = vector.broadcast %add3A_539 : i32 to vector<16xi32>
        %add3A_541 = arith.addi %broadcast_in_dim3A_214, %add3A_540 : vector<16xi32>
        %gather3A_542 = tpu.vector_load_idx %arg8[%add3A_541] : memref<2560xf32, #tpu.memory_space<vmem>>[vector<16xi32>], vector<16xf32>,
        %get3A_543 = arith.index_cast %add3A_538 : i32 to index
        %get3A_544 = arith.constant 0 : index
        %get3A_545 = tpu.vector_load %arg10[%get3A_543, %get3A_544] {strides = array<i32>} : memref<2560x32xbf16, #tpu.memory_space<vmem>>, vector<32xbf16>,
        %unpack3A_546 = tpu.unpack_subelements %get3A_545, 0 {pack_format = #tpu.pack_format<interleaved>} : vector<32xbf16> -> vector<16xf32>
        %unpack3A_547 = tpu.unpack_subelements %get3A_545, 1 {pack_format = #tpu.pack_format<interleaved>} : vector<32xbf16> -> vector<16xf32>
        %mul3A_548 = arith.mulf %gather3A_542, %unpack3A_546 : vector<16xf32>
        %add3A_549 = arith.addf %add3A_532, %mul3A_548 : vector<16xf32>
        %mul3A_550 = arith.mulf %gather3A_542, %unpack3A_547 : vector<16xf32>
        %add3A_551 = arith.addf %add3A_534, %mul3A_550 : vector<16xf32>
        %add3A_552 = arith.constant 128 : i32
        %add3A_553 = arith.addi %add3A_213, %add3A_552 : i32
        %add3A_554 = arith.constant 4 : i32
        %add3A_555 = arith.addi %add3A_553, %add3A_554 : i32
        %add3A_556 = arith.constant 132 : i32
        %add3A_557 = vector.broadcast %add3A_556 : i32 to vector<16xi32>
        %add3A_558 = arith.addi %broadcast_in_dim3A_214, %add3A_557 : vector<16xi32>
        %gather3A_559 = tpu.vector_load_idx %arg8[%add3A_558] : memref<2560xf32, #tpu.memory_space<vmem>>[vector<16xi32>], vector<16xf32>,
        %get3A_560 = arith.index_cast %add3A_555 : i32 to index
        %get3A_561 = arith.constant 0 : index
        %get3A_562 = tpu.vector_load %arg10[%get3A_560, %get3A_561] {strides = array<i32>} : memref<2560x32xbf16, #tpu.memory_space<vmem>>, vector<32xbf16>,
        %unpack3A_563 = tpu.unpack_subelements %get3A_562, 0 {pack_format = #tpu.pack_format<interleaved>} : vector<32xbf16> -> vector<16xf32>
        %unpack3A_564 = tpu.unpack_subelements %get3A_562, 1 {pack_format = #tpu.pack_format<interleaved>} : vector<32xbf16> -> vector<16xf32>
        %mul3A_565 = arith.mulf %gather3A_559, %unpack3A_563 : vector<16xf32>
        %add3A_566 = arith.addf %add3A_549, %mul3A_565 : vector<16xf32>
        %mul3A_567 = arith.mulf %gather3A_559, %unpack3A_564 : vector<16xf32>
        %add3A_568 = arith.addf %add3A_551, %mul3A_567 : vector<16xf32>
        %add3A_569 = arith.constant 128 : i32
        %add3A_570 = arith.addi %add3A_213, %add3A_569 : i32
        %add3A_571 = arith.constant 5 : i32
        %add3A_572 = arith.addi %add3A_570, %add3A_571 : i32
        %add3A_573 = arith.constant 133 : i32
        %add3A_574 = vector.broadcast %add3A_573 : i32 to vector<16xi32>
        %add3A_575 = arith.addi %broadcast_in_dim3A_214, %add3A_574 : vector<16xi32>
        %gather3A_576 = tpu.vector_load_idx %arg8[%add3A_575] : memref<2560xf32, #tpu.memory_space<vmem>>[vector<16xi32>], vector<16xf32>,
        %get3A_577 = arith.index_cast %add3A_572 : i32 to index
        %get3A_578 = arith.constant 0 : index
        %get3A_579 = tpu.vector_load %arg10[%get3A_577, %get3A_578] {strides = array<i32>} : memref<2560x32xbf16, #tpu.memory_space<vmem>>, vector<32xbf16>,
        %unpack3A_580 = tpu.unpack_subelements %get3A_579, 0 {pack_format = #tpu.pack_format<interleaved>} : vector<32xbf16> -> vector<16xf32>
        %unpack3A_581 = tpu.unpack_subelements %get3A_579, 1 {pack_format = #tpu.pack_format<interleaved>} : vector<32xbf16> -> vector<16xf32>
        %mul3A_582 = arith.mulf %gather3A_576, %unpack3A_580 : vector<16xf32>
        %add3A_583 = arith.addf %add3A_566, %mul3A_582 : vector<16xf32>
        %mul3A_584 = arith.mulf %gather3A_576, %unpack3A_581 : vector<16xf32>
        %add3A_585 = arith.addf %add3A_568, %mul3A_584 : vector<16xf32>
        %add3A_586 = arith.constant 128 : i32
        %add3A_587 = arith.addi %add3A_213, %add3A_586 : i32
        %add3A_588 = arith.constant 6 : i32
        %add3A_589 = arith.addi %add3A_587, %add3A_588 : i32
        %add3A_590 = arith.constant 134 : i32
        %add3A_591 = vector.broadcast %add3A_590 : i32 to vector<16xi32>
        %add3A_592 = arith.addi %broadcast_in_dim3A_214, %add3A_591 : vector<16xi32>
        %gather3A_593 = tpu.vector_load_idx %arg8[%add3A_592] : memref<2560xf32, #tpu.memory_space<vmem>>[vector<16xi32>], vector<16xf32>,
        %get3A_594 = arith.index_cast %add3A_589 : i32 to index
        %get3A_595 = arith.constant 0 : index
        %get3A_596 = tpu.vector_load %arg10[%get3A_594, %get3A_595] {strides = array<i32>} : memref<2560x32xbf16, #tpu.memory_space<vmem>>, vector<32xbf16>,
        %unpack3A_597 = tpu.unpack_subelements %get3A_596, 0 {pack_format = #tpu.pack_format<interleaved>} : vector<32xbf16> -> vector<16xf32>
        %unpack3A_598 = tpu.unpack_subelements %get3A_596, 1 {pack_format = #tpu.pack_format<interleaved>} : vector<32xbf16> -> vector<16xf32>
        %mul3A_599 = arith.mulf %gather3A_593, %unpack3A_597 : vector<16xf32>
        %add3A_600 = arith.addf %add3A_583, %mul3A_599 : vector<16xf32>
        %mul3A_601 = arith.mulf %gather3A_593, %unpack3A_598 : vector<16xf32>
        %add3A_602 = arith.addf %add3A_585, %mul3A_601 : vector<16xf32>
        %add3A_603 = arith.constant 128 : i32
        %add3A_604 = arith.addi %add3A_213, %add3A_603 : i32
        %add3A_605 = arith.constant 7 : i32
        %add3A_606 = arith.addi %add3A_604, %add3A_605 : i32
        %add3A_607 = arith.constant 135 : i32
        %add3A_608 = vector.broadcast %add3A_607 : i32 to vector<16xi32>
        %add3A_609 = arith.addi %broadcast_in_dim3A_214, %add3A_608 : vector<16xi32>
        %gather3A_610 = tpu.vector_load_idx %arg8[%add3A_609] : memref<2560xf32, #tpu.memory_space<vmem>>[vector<16xi32>], vector<16xf32>,
        %get3A_611 = arith.index_cast %add3A_606 : i32 to index
        %get3A_612 = arith.constant 0 : index
        %get3A_613 = tpu.vector_load %arg10[%get3A_611, %get3A_612] {strides = array<i32>} : memref<2560x32xbf16, #tpu.memory_space<vmem>>, vector<32xbf16>,
        %unpack3A_614 = tpu.unpack_subelements %get3A_613, 0 {pack_format = #tpu.pack_format<interleaved>} : vector<32xbf16> -> vector<16xf32>
        %unpack3A_615 = tpu.unpack_subelements %get3A_613, 1 {pack_format = #tpu.pack_format<interleaved>} : vector<32xbf16> -> vector<16xf32>
        %mul3A_616 = arith.mulf %gather3A_610, %unpack3A_614 : vector<16xf32>
        %add3A_617 = arith.addf %add3A_600, %mul3A_616 : vector<16xf32>
        %mul3A_618 = arith.mulf %gather3A_610, %unpack3A_615 : vector<16xf32>
        %add3A_619 = arith.addf %add3A_602, %mul3A_618 : vector<16xf32>
        %add3A_620 = arith.constant 128 : i32
        %add3A_621 = arith.addi %add3A_213, %add3A_620 : i32
        %add3A_622 = arith.constant 8 : i32
        %add3A_623 = arith.addi %add3A_621, %add3A_622 : i32
        %add3A_624 = arith.constant 136 : i32
        %add3A_625 = vector.broadcast %add3A_624 : i32 to vector<16xi32>
        %add3A_626 = arith.addi %broadcast_in_dim3A_214, %add3A_625 : vector<16xi32>
        %gather3A_627 = tpu.vector_load_idx %arg8[%add3A_626] : memref<2560xf32, #tpu.memory_space<vmem>>[vector<16xi32>], vector<16xf32>,
        %get3A_628 = arith.index_cast %add3A_623 : i32 to index
        %get3A_629 = arith.constant 0 : index
        %get3A_630 = tpu.vector_load %arg10[%get3A_628, %get3A_629] {strides = array<i32>} : memref<2560x32xbf16, #tpu.memory_space<vmem>>, vector<32xbf16>,
        %unpack3A_631 = tpu.unpack_subelements %get3A_630, 0 {pack_format = #tpu.pack_format<interleaved>} : vector<32xbf16> -> vector<16xf32>
        %unpack3A_632 = tpu.unpack_subelements %get3A_630, 1 {pack_format = #tpu.pack_format<interleaved>} : vector<32xbf16> -> vector<16xf32>
        %mul3A_633 = arith.mulf %gather3A_627, %unpack3A_631 : vector<16xf32>
        %add3A_634 = arith.addf %add3A_617, %mul3A_633 : vector<16xf32>
        %mul3A_635 = arith.mulf %gather3A_627, %unpack3A_632 : vector<16xf32>
        %add3A_636 = arith.addf %add3A_619, %mul3A_635 : vector<16xf32>
        %add3A_637 = arith.constant 128 : i32
        %add3A_638 = arith.addi %add3A_213, %add3A_637 : i32
        %add3A_639 = arith.constant 9 : i32
        %add3A_640 = arith.addi %add3A_638, %add3A_639 : i32
        %add3A_641 = arith.constant 137 : i32
        %add3A_642 = vector.broadcast %add3A_641 : i32 to vector<16xi32>
        %add3A_643 = arith.addi %broadcast_in_dim3A_214, %add3A_642 : vector<16xi32>
        %gather3A_644 = tpu.vector_load_idx %arg8[%add3A_643] : memref<2560xf32, #tpu.memory_space<vmem>>[vector<16xi32>], vector<16xf32>,
        %get3A_645 = arith.index_cast %add3A_640 : i32 to index
        %get3A_646 = arith.constant 0 : index
        %get3A_647 = tpu.vector_load %arg10[%get3A_645, %get3A_646] {strides = array<i32>} : memref<2560x32xbf16, #tpu.memory_space<vmem>>, vector<32xbf16>,
        %unpack3A_648 = tpu.unpack_subelements %get3A_647, 0 {pack_format = #tpu.pack_format<interleaved>} : vector<32xbf16> -> vector<16xf32>
        %unpack3A_649 = tpu.unpack_subelements %get3A_647, 1 {pack_format = #tpu.pack_format<interleaved>} : vector<32xbf16> -> vector<16xf32>
        %mul3A_650 = arith.mulf %gather3A_644, %unpack3A_648 : vector<16xf32>
        %add3A_651 = arith.addf %add3A_634, %mul3A_650 : vector<16xf32>
        %mul3A_652 = arith.mulf %gather3A_644, %unpack3A_649 : vector<16xf32>
        %add3A_653 = arith.addf %add3A_636, %mul3A_652 : vector<16xf32>
        %add3A_654 = arith.constant 128 : i32
        %add3A_655 = arith.addi %add3A_213, %add3A_654 : i32
        %add3A_656 = arith.constant 10 : i32
        %add3A_657 = arith.addi %add3A_655, %add3A_656 : i32
        %add3A_658 = arith.constant 138 : i32
        %add3A_659 = vector.broadcast %add3A_658 : i32 to vector<16xi32>
        %add3A_660 = arith.addi %broadcast_in_dim3A_214, %add3A_659 : vector<16xi32>
        %gather3A_661 = tpu.vector_load_idx %arg8[%add3A_660] : memref<2560xf32, #tpu.memory_space<vmem>>[vector<16xi32>], vector<16xf32>,
        %get3A_662 = arith.index_cast %add3A_657 : i32 to index
        %get3A_663 = arith.constant 0 : index
        %get3A_664 = tpu.vector_load %arg10[%get3A_662, %get3A_663] {strides = array<i32>} : memref<2560x32xbf16, #tpu.memory_space<vmem>>, vector<32xbf16>,
        %unpack3A_665 = tpu.unpack_subelements %get3A_664, 0 {pack_format = #tpu.pack_format<interleaved>} : vector<32xbf16> -> vector<16xf32>
        %unpack3A_666 = tpu.unpack_subelements %get3A_664, 1 {pack_format = #tpu.pack_format<interleaved>} : vector<32xbf16> -> vector<16xf32>
        %mul3A_667 = arith.mulf %gather3A_661, %unpack3A_665 : vector<16xf32>
        %add3A_668 = arith.addf %add3A_651, %mul3A_667 : vector<16xf32>
        %mul3A_669 = arith.mulf %gather3A_661, %unpack3A_666 : vector<16xf32>
        %add3A_670 = arith.addf %add3A_653, %mul3A_669 : vector<16xf32>
        %add3A_671 = arith.constant 128 : i32
        %add3A_672 = arith.addi %add3A_213, %add3A_671 : i32
        %add3A_673 = arith.constant 11 : i32
        %add3A_674 = arith.addi %add3A_672, %add3A_673 : i32
        %add3A_675 = arith.constant 139 : i32
        %add3A_676 = vector.broadcast %add3A_675 : i32 to vector<16xi32>
        %add3A_677 = arith.addi %broadcast_in_dim3A_214, %add3A_676 : vector<16xi32>
        %gather3A_678 = tpu.vector_load_idx %arg8[%add3A_677] : memref<2560xf32, #tpu.memory_space<vmem>>[vector<16xi32>], vector<16xf32>,
        %get3A_679 = arith.index_cast %add3A_674 : i32 to index
        %get3A_680 = arith.constant 0 : index
        %get3A_681 = tpu.vector_load %arg10[%get3A_679, %get3A_680] {strides = array<i32>} : memref<2560x32xbf16, #tpu.memory_space<vmem>>, vector<32xbf16>,
        %unpack3A_682 = tpu.unpack_subelements %get3A_681, 0 {pack_format = #tpu.pack_format<interleaved>} : vector<32xbf16> -> vector<16xf32>
        %unpack3A_683 = tpu.unpack_subelements %get3A_681, 1 {pack_format = #tpu.pack_format<interleaved>} : vector<32xbf16> -> vector<16xf32>
        %mul3A_684 = arith.mulf %gather3A_678, %unpack3A_682 : vector<16xf32>
        %add3A_685 = arith.addf %add3A_668, %mul3A_684 : vector<16xf32>
        %mul3A_686 = arith.mulf %gather3A_678, %unpack3A_683 : vector<16xf32>
        %add3A_687 = arith.addf %add3A_670, %mul3A_686 : vector<16xf32>
        %add3A_688 = arith.constant 128 : i32
        %add3A_689 = arith.addi %add3A_213, %add3A_688 : i32
        %add3A_690 = arith.constant 12 : i32
        %add3A_691 = arith.addi %add3A_689, %add3A_690 : i32
        %add3A_692 = arith.constant 140 : i32
        %add3A_693 = vector.broadcast %add3A_692 : i32 to vector<16xi32>
        %add3A_694 = arith.addi %broadcast_in_dim3A_214, %add3A_693 : vector<16xi32>
        %gather3A_695 = tpu.vector_load_idx %arg8[%add3A_694] : memref<2560xf32, #tpu.memory_space<vmem>>[vector<16xi32>], vector<16xf32>,
        %get3A_696 = arith.index_cast %add3A_691 : i32 to index
        %get3A_697 = arith.constant 0 : index
        %get3A_698 = tpu.vector_load %arg10[%get3A_696, %get3A_697] {strides = array<i32>} : memref<2560x32xbf16, #tpu.memory_space<vmem>>, vector<32xbf16>,
        %unpack3A_699 = tpu.unpack_subelements %get3A_698, 0 {pack_format = #tpu.pack_format<interleaved>} : vector<32xbf16> -> vector<16xf32>
        %unpack3A_700 = tpu.unpack_subelements %get3A_698, 1 {pack_format = #tpu.pack_format<interleaved>} : vector<32xbf16> -> vector<16xf32>
        %mul3A_701 = arith.mulf %gather3A_695, %unpack3A_699 : vector<16xf32>
        %add3A_702 = arith.addf %add3A_685, %mul3A_701 : vector<16xf32>
        %mul3A_703 = arith.mulf %gather3A_695, %unpack3A_700 : vector<16xf32>
        %add3A_704 = arith.addf %add3A_687, %mul3A_703 : vector<16xf32>
        %add3A_705 = arith.constant 128 : i32
        %add3A_706 = arith.addi %add3A_213, %add3A_705 : i32
        %add3A_707 = arith.constant 13 : i32
        %add3A_708 = arith.addi %add3A_706, %add3A_707 : i32
        %add3A_709 = arith.constant 141 : i32
        %add3A_710 = vector.broadcast %add3A_709 : i32 to vector<16xi32>
        %add3A_711 = arith.addi %broadcast_in_dim3A_214, %add3A_710 : vector<16xi32>
        %gather3A_712 = tpu.vector_load_idx %arg8[%add3A_711] : memref<2560xf32, #tpu.memory_space<vmem>>[vector<16xi32>], vector<16xf32>,
        %get3A_713 = arith.index_cast %add3A_708 : i32 to index
        %get3A_714 = arith.constant 0 : index
        %get3A_715 = tpu.vector_load %arg10[%get3A_713, %get3A_714] {strides = array<i32>} : memref<2560x32xbf16, #tpu.memory_space<vmem>>, vector<32xbf16>,
        %unpack3A_716 = tpu.unpack_subelements %get3A_715, 0 {pack_format = #tpu.pack_format<interleaved>} : vector<32xbf16> -> vector<16xf32>
        %unpack3A_717 = tpu.unpack_subelements %get3A_715, 1 {pack_format = #tpu.pack_format<interleaved>} : vector<32xbf16> -> vector<16xf32>
        %mul3A_718 = arith.mulf %gather3A_712, %unpack3A_716 : vector<16xf32>
        %add3A_719 = arith.addf %add3A_702, %mul3A_718 : vector<16xf32>
        %mul3A_720 = arith.mulf %gather3A_712, %unpack3A_717 : vector<16xf32>
        %add3A_721 = arith.addf %add3A_704, %mul3A_720 : vector<16xf32>
        %add3A_722 = arith.constant 128 : i32
        %add3A_723 = arith.addi %add3A_213, %add3A_722 : i32
        %add3A_724 = arith.constant 14 : i32
        %add3A_725 = arith.addi %add3A_723, %add3A_724 : i32
        %add3A_726 = arith.constant 142 : i32
        %add3A_727 = vector.broadcast %add3A_726 : i32 to vector<16xi32>
        %add3A_728 = arith.addi %broadcast_in_dim3A_214, %add3A_727 : vector<16xi32>
        %gather3A_729 = tpu.vector_load_idx %arg8[%add3A_728] : memref<2560xf32, #tpu.memory_space<vmem>>[vector<16xi32>], vector<16xf32>,
        %get3A_730 = arith.index_cast %add3A_725 : i32 to index
        %get3A_731 = arith.constant 0 : index
        %get3A_732 = tpu.vector_load %arg10[%get3A_730, %get3A_731] {strides = array<i32>} : memref<2560x32xbf16, #tpu.memory_space<vmem>>, vector<32xbf16>,
        %unpack3A_733 = tpu.unpack_subelements %get3A_732, 0 {pack_format = #tpu.pack_format<interleaved>} : vector<32xbf16> -> vector<16xf32>
        %unpack3A_734 = tpu.unpack_subelements %get3A_732, 1 {pack_format = #tpu.pack_format<interleaved>} : vector<32xbf16> -> vector<16xf32>
        %mul3A_735 = arith.mulf %gather3A_729, %unpack3A_733 : vector<16xf32>
        %add3A_736 = arith.addf %add3A_719, %mul3A_735 : vector<16xf32>
        %mul3A_737 = arith.mulf %gather3A_729, %unpack3A_734 : vector<16xf32>
        %add3A_738 = arith.addf %add3A_721, %mul3A_737 : vector<16xf32>
        %add3A_739 = arith.constant 128 : i32
        %add3A_740 = arith.addi %add3A_213, %add3A_739 : i32
        %add3A_741 = arith.constant 15 : i32
        %add3A_742 = arith.addi %add3A_740, %add3A_741 : i32
        %add3A_743 = arith.constant 143 : i32
        %add3A_744 = vector.broadcast %add3A_743 : i32 to vector<16xi32>
        %add3A_745 = arith.addi %broadcast_in_dim3A_214, %add3A_744 : vector<16xi32>
        %gather3A_746 = tpu.vector_load_idx %arg8[%add3A_745] : memref<2560xf32, #tpu.memory_space<vmem>>[vector<16xi32>], vector<16xf32>,
        %get3A_747 = arith.index_cast %add3A_742 : i32 to index
        %get3A_748 = arith.constant 0 : index
        %get3A_749 = tpu.vector_load %arg10[%get3A_747, %get3A_748] {strides = array<i32>} : memref<2560x32xbf16, #tpu.memory_space<vmem>>, vector<32xbf16>,
        %unpack3A_750 = tpu.unpack_subelements %get3A_749, 0 {pack_format = #tpu.pack_format<interleaved>} : vector<32xbf16> -> vector<16xf32>
        %unpack3A_751 = tpu.unpack_subelements %get3A_749, 1 {pack_format = #tpu.pack_format<interleaved>} : vector<32xbf16> -> vector<16xf32>
        %mul3A_752 = arith.mulf %gather3A_746, %unpack3A_750 : vector<16xf32>
        %add3A_753 = arith.addf %add3A_736, %mul3A_752 : vector<16xf32>
        %mul3A_754 = arith.mulf %gather3A_746, %unpack3A_751 : vector<16xf32>
        %add3A_755 = arith.addf %add3A_738, %mul3A_754 : vector<16xf32>
        %add3A_756 = arith.constant 256 : i32
        %add3A_757 = arith.addi %add3A_213, %add3A_756 : i32
        %add3A_758 = arith.constant 0 : i32
        %add3A_759 = arith.addi %add3A_757, %add3A_758 : i32
        %add3A_760 = arith.constant 256 : i32
        %add3A_761 = vector.broadcast %add3A_760 : i32 to vector<16xi32>
        %add3A_762 = arith.addi %broadcast_in_dim3A_214, %add3A_761 : vector<16xi32>
        %gather3A_763 = tpu.vector_load_idx %arg8[%add3A_762] : memref<2560xf32, #tpu.memory_space<vmem>>[vector<16xi32>], vector<16xf32>,
        %get3A_764 = arith.index_cast %add3A_759 : i32 to index
        %get3A_765 = arith.constant 0 : index
        %get3A_766 = tpu.vector_load %arg10[%get3A_764, %get3A_765] {strides = array<i32>} : memref<2560x32xbf16, #tpu.memory_space<vmem>>, vector<32xbf16>,
        %unpack3A_767 = tpu.unpack_subelements %get3A_766, 0 {pack_format = #tpu.pack_format<interleaved>} : vector<32xbf16> -> vector<16xf32>
        %unpack3A_768 = tpu.unpack_subelements %get3A_766, 1 {pack_format = #tpu.pack_format<interleaved>} : vector<32xbf16> -> vector<16xf32>
        %mul3A_769 = arith.mulf %gather3A_763, %unpack3A_767 : vector<16xf32>
        %add3A_770 = arith.addf %add3A_753, %mul3A_769 : vector<16xf32>
        %mul3A_771 = arith.mulf %gather3A_763, %unpack3A_768 : vector<16xf32>
        %add3A_772 = arith.addf %add3A_755, %mul3A_771 : vector<16xf32>
        %add3A_773 = arith.constant 256 : i32
        %add3A_774 = arith.addi %add3A_213, %add3A_773 : i32
        %add3A_775 = arith.constant 1 : i32
        %add3A_776 = arith.addi %add3A_774, %add3A_775 : i32
        %add3A_777 = arith.constant 257 : i32
        %add3A_778 = vector.broadcast %add3A_777 : i32 to vector<16xi32>
        %add3A_779 = arith.addi %broadcast_in_dim3A_214, %add3A_778 : vector<16xi32>
        %gather3A_780 = tpu.vector_load_idx %arg8[%add3A_779] : memref<2560xf32, #tpu.memory_space<vmem>>[vector<16xi32>], vector<16xf32>,
        %get3A_781 = arith.index_cast %add3A_776 : i32 to index
        %get3A_782 = arith.constant 0 : index
        %get3A_783 = tpu.vector_load %arg10[%get3A_781, %get3A_782] {strides = array<i32>} : memref<2560x32xbf16, #tpu.memory_space<vmem>>, vector<32xbf16>,
        %unpack3A_784 = tpu.unpack_subelements %get3A_783, 0 {pack_format = #tpu.pack_format<interleaved>} : vector<32xbf16> -> vector<16xf32>
        %unpack3A_785 = tpu.unpack_subelements %get3A_783, 1 {pack_format = #tpu.pack_format<interleaved>} : vector<32xbf16> -> vector<16xf32>
        %mul3A_786 = arith.mulf %gather3A_780, %unpack3A_784 : vector<16xf32>
        %add3A_787 = arith.addf %add3A_770, %mul3A_786 : vector<16xf32>
        %mul3A_788 = arith.mulf %gather3A_780, %unpack3A_785 : vector<16xf32>
        %add3A_789 = arith.addf %add3A_772, %mul3A_788 : vector<16xf32>
        %add3A_790 = arith.constant 256 : i32
        %add3A_791 = arith.addi %add3A_213, %add3A_790 : i32
        %add3A_792 = arith.constant 2 : i32
        %add3A_793 = arith.addi %add3A_791, %add3A_792 : i32
        %add3A_794 = arith.constant 258 : i32
        %add3A_795 = vector.broadcast %add3A_794 : i32 to vector<16xi32>
        %add3A_796 = arith.addi %broadcast_in_dim3A_214, %add3A_795 : vector<16xi32>
        %gather3A_797 = tpu.vector_load_idx %arg8[%add3A_796] : memref<2560xf32, #tpu.memory_space<vmem>>[vector<16xi32>], vector<16xf32>,
        %get3A_798 = arith.index_cast %add3A_793 : i32 to index
        %get3A_799 = arith.constant 0 : index
        %get3A_800 = tpu.vector_load %arg10[%get3A_798, %get3A_799] {strides = array<i32>} : memref<2560x32xbf16, #tpu.memory_space<vmem>>, vector<32xbf16>,
        %unpack3A_801 = tpu.unpack_subelements %get3A_800, 0 {pack_format = #tpu.pack_format<interleaved>} : vector<32xbf16> -> vector<16xf32>
        %unpack3A_802 = tpu.unpack_subelements %get3A_800, 1 {pack_format = #tpu.pack_format<interleaved>} : vector<32xbf16> -> vector<16xf32>
        %mul3A_803 = arith.mulf %gather3A_797, %unpack3A_801 : vector<16xf32>
        %add3A_804 = arith.addf %add3A_787, %mul3A_803 : vector<16xf32>
        %mul3A_805 = arith.mulf %gather3A_797, %unpack3A_802 : vector<16xf32>
        %add3A_806 = arith.addf %add3A_789, %mul3A_805 : vector<16xf32>
        %add3A_807 = arith.constant 256 : i32
        %add3A_808 = arith.addi %add3A_213, %add3A_807 : i32
        %add3A_809 = arith.constant 3 : i32
        %add3A_810 = arith.addi %add3A_808, %add3A_809 : i32
        %add3A_811 = arith.constant 259 : i32
        %add3A_812 = vector.broadcast %add3A_811 : i32 to vector<16xi32>
        %add3A_813 = arith.addi %broadcast_in_dim3A_214, %add3A_812 : vector<16xi32>
        %gather3A_814 = tpu.vector_load_idx %arg8[%add3A_813] : memref<2560xf32, #tpu.memory_space<vmem>>[vector<16xi32>], vector<16xf32>,
        %get3A_815 = arith.index_cast %add3A_810 : i32 to index
        %get3A_816 = arith.constant 0 : index
        %get3A_817 = tpu.vector_load %arg10[%get3A_815, %get3A_816] {strides = array<i32>} : memref<2560x32xbf16, #tpu.memory_space<vmem>>, vector<32xbf16>,
        %unpack3A_818 = tpu.unpack_subelements %get3A_817, 0 {pack_format = #tpu.pack_format<interleaved>} : vector<32xbf16> -> vector<16xf32>
        %unpack3A_819 = tpu.unpack_subelements %get3A_817, 1 {pack_format = #tpu.pack_format<interleaved>} : vector<32xbf16> -> vector<16xf32>
        %mul3A_820 = arith.mulf %gather3A_814, %unpack3A_818 : vector<16xf32>
        %add3A_821 = arith.addf %add3A_804, %mul3A_820 : vector<16xf32>
        %mul3A_822 = arith.mulf %gather3A_814, %unpack3A_819 : vector<16xf32>
        %add3A_823 = arith.addf %add3A_806, %mul3A_822 : vector<16xf32>
        %add3A_824 = arith.constant 256 : i32
        %add3A_825 = arith.addi %add3A_213, %add3A_824 : i32
        %add3A_826 = arith.constant 4 : i32
        %add3A_827 = arith.addi %add3A_825, %add3A_826 : i32
        %add3A_828 = arith.constant 260 : i32
        %add3A_829 = vector.broadcast %add3A_828 : i32 to vector<16xi32>
        %add3A_830 = arith.addi %broadcast_in_dim3A_214, %add3A_829 : vector<16xi32>
        %gather3A_831 = tpu.vector_load_idx %arg8[%add3A_830] : memref<2560xf32, #tpu.memory_space<vmem>>[vector<16xi32>], vector<16xf32>,
        %get3A_832 = arith.index_cast %add3A_827 : i32 to index
        %get3A_833 = arith.constant 0 : index
        %get3A_834 = tpu.vector_load %arg10[%get3A_832, %get3A_833] {strides = array<i32>} : memref<2560x32xbf16, #tpu.memory_space<vmem>>, vector<32xbf16>,
        %unpack3A_835 = tpu.unpack_subelements %get3A_834, 0 {pack_format = #tpu.pack_format<interleaved>} : vector<32xbf16> -> vector<16xf32>
        %unpack3A_836 = tpu.unpack_subelements %get3A_834, 1 {pack_format = #tpu.pack_format<interleaved>} : vector<32xbf16> -> vector<16xf32>
        %mul3A_837 = arith.mulf %gather3A_831, %unpack3A_835 : vector<16xf32>
        %add3A_838 = arith.addf %add3A_821, %mul3A_837 : vector<16xf32>
        %mul3A_839 = arith.mulf %gather3A_831, %unpack3A_836 : vector<16xf32>
        %add3A_840 = arith.addf %add3A_823, %mul3A_839 : vector<16xf32>
        %add3A_841 = arith.constant 256 : i32
        %add3A_842 = arith.addi %add3A_213, %add3A_841 : i32
        %add3A_843 = arith.constant 5 : i32
        %add3A_844 = arith.addi %add3A_842, %add3A_843 : i32
        %add3A_845 = arith.constant 261 : i32
        %add3A_846 = vector.broadcast %add3A_845 : i32 to vector<16xi32>
        %add3A_847 = arith.addi %broadcast_in_dim3A_214, %add3A_846 : vector<16xi32>
        %gather3A_848 = tpu.vector_load_idx %arg8[%add3A_847] : memref<2560xf32, #tpu.memory_space<vmem>>[vector<16xi32>], vector<16xf32>,
        %get3A_849 = arith.index_cast %add3A_844 : i32 to index
        %get3A_850 = arith.constant 0 : index
        %get3A_851 = tpu.vector_load %arg10[%get3A_849, %get3A_850] {strides = array<i32>} : memref<2560x32xbf16, #tpu.memory_space<vmem>>, vector<32xbf16>,
        %unpack3A_852 = tpu.unpack_subelements %get3A_851, 0 {pack_format = #tpu.pack_format<interleaved>} : vector<32xbf16> -> vector<16xf32>
        %unpack3A_853 = tpu.unpack_subelements %get3A_851, 1 {pack_format = #tpu.pack_format<interleaved>} : vector<32xbf16> -> vector<16xf32>
        %mul3A_854 = arith.mulf %gather3A_848, %unpack3A_852 : vector<16xf32>
        %add3A_855 = arith.addf %add3A_838, %mul3A_854 : vector<16xf32>
        %mul3A_856 = arith.mulf %gather3A_848, %unpack3A_853 : vector<16xf32>
        %add3A_857 = arith.addf %add3A_840, %mul3A_856 : vector<16xf32>
        %add3A_858 = arith.constant 256 : i32
        %add3A_859 = arith.addi %add3A_213, %add3A_858 : i32
        %add3A_860 = arith.constant 6 : i32
        %add3A_861 = arith.addi %add3A_859, %add3A_860 : i32
        %add3A_862 = arith.constant 262 : i32
        %add3A_863 = vector.broadcast %add3A_862 : i32 to vector<16xi32>
        %add3A_864 = arith.addi %broadcast_in_dim3A_214, %add3A_863 : vector<16xi32>
        %gather3A_865 = tpu.vector_load_idx %arg8[%add3A_864] : memref<2560xf32, #tpu.memory_space<vmem>>[vector<16xi32>], vector<16xf32>,
        %get3A_866 = arith.index_cast %add3A_861 : i32 to index
        %get3A_867 = arith.constant 0 : index
        %get3A_868 = tpu.vector_load %arg10[%get3A_866, %get3A_867] {strides = array<i32>} : memref<2560x32xbf16, #tpu.memory_space<vmem>>, vector<32xbf16>,
        %unpack3A_869 = tpu.unpack_subelements %get3A_868, 0 {pack_format = #tpu.pack_format<interleaved>} : vector<32xbf16> -> vector<16xf32>
        %unpack3A_870 = tpu.unpack_subelements %get3A_868, 1 {pack_format = #tpu.pack_format<interleaved>} : vector<32xbf16> -> vector<16xf32>
        %mul3A_871 = arith.mulf %gather3A_865, %unpack3A_869 : vector<16xf32>
        %add3A_872 = arith.addf %add3A_855, %mul3A_871 : vector<16xf32>
        %mul3A_873 = arith.mulf %gather3A_865, %unpack3A_870 : vector<16xf32>
        %add3A_874 = arith.addf %add3A_857, %mul3A_873 : vector<16xf32>
        %add3A_875 = arith.constant 256 : i32
        %add3A_876 = arith.addi %add3A_213, %add3A_875 : i32
        %add3A_877 = arith.constant 7 : i32
        %add3A_878 = arith.addi %add3A_876, %add3A_877 : i32
        %add3A_879 = arith.constant 263 : i32
        %add3A_880 = vector.broadcast %add3A_879 : i32 to vector<16xi32>
        %add3A_881 = arith.addi %broadcast_in_dim3A_214, %add3A_880 : vector<16xi32>
        %gather3A_882 = tpu.vector_load_idx %arg8[%add3A_881] : memref<2560xf32, #tpu.memory_space<vmem>>[vector<16xi32>], vector<16xf32>,
        %get3A_883 = arith.index_cast %add3A_878 : i32 to index
        %get3A_884 = arith.constant 0 : index
        %get3A_885 = tpu.vector_load %arg10[%get3A_883, %get3A_884] {strides = array<i32>} : memref<2560x32xbf16, #tpu.memory_space<vmem>>, vector<32xbf16>,
        %unpack3A_886 = tpu.unpack_subelements %get3A_885, 0 {pack_format = #tpu.pack_format<interleaved>} : vector<32xbf16> -> vector<16xf32>
        %unpack3A_887 = tpu.unpack_subelements %get3A_885, 1 {pack_format = #tpu.pack_format<interleaved>} : vector<32xbf16> -> vector<16xf32>
        %mul3A_888 = arith.mulf %gather3A_882, %unpack3A_886 : vector<16xf32>
        %add3A_889 = arith.addf %add3A_872, %mul3A_888 : vector<16xf32>
        %mul3A_890 = arith.mulf %gather3A_882, %unpack3A_887 : vector<16xf32>
        %add3A_891 = arith.addf %add3A_874, %mul3A_890 : vector<16xf32>
        %add3A_892 = arith.constant 256 : i32
        %add3A_893 = arith.addi %add3A_213, %add3A_892 : i32
        %add3A_894 = arith.constant 8 : i32
        %add3A_895 = arith.addi %add3A_893, %add3A_894 : i32
        %add3A_896 = arith.constant 264 : i32
        %add3A_897 = vector.broadcast %add3A_896 : i32 to vector<16xi32>
        %add3A_898 = arith.addi %broadcast_in_dim3A_214, %add3A_897 : vector<16xi32>
        %gather3A_899 = tpu.vector_load_idx %arg8[%add3A_898] : memref<2560xf32, #tpu.memory_space<vmem>>[vector<16xi32>], vector<16xf32>,
        %get3A_900 = arith.index_cast %add3A_895 : i32 to index
        %get3A_901 = arith.constant 0 : index
        %get3A_902 = tpu.vector_load %arg10[%get3A_900, %get3A_901] {strides = array<i32>} : memref<2560x32xbf16, #tpu.memory_space<vmem>>, vector<32xbf16>,
        %unpack3A_903 = tpu.unpack_subelements %get3A_902, 0 {pack_format = #tpu.pack_format<interleaved>} : vector<32xbf16> -> vector<16xf32>
        %unpack3A_904 = tpu.unpack_subelements %get3A_902, 1 {pack_format = #tpu.pack_format<interleaved>} : vector<32xbf16> -> vector<16xf32>
        %mul3A_905 = arith.mulf %gather3A_899, %unpack3A_903 : vector<16xf32>
        %add3A_906 = arith.addf %add3A_889, %mul3A_905 : vector<16xf32>
        %mul3A_907 = arith.mulf %gather3A_899, %unpack3A_904 : vector<16xf32>
        %add3A_908 = arith.addf %add3A_891, %mul3A_907 : vector<16xf32>
        %add3A_909 = arith.constant 256 : i32
        %add3A_910 = arith.addi %add3A_213, %add3A_909 : i32
        %add3A_911 = arith.constant 9 : i32
        %add3A_912 = arith.addi %add3A_910, %add3A_911 : i32
        %add3A_913 = arith.constant 265 : i32
        %add3A_914 = vector.broadcast %add3A_913 : i32 to vector<16xi32>
        %add3A_915 = arith.addi %broadcast_in_dim3A_214, %add3A_914 : vector<16xi32>
        %gather3A_916 = tpu.vector_load_idx %arg8[%add3A_915] : memref<2560xf32, #tpu.memory_space<vmem>>[vector<16xi32>], vector<16xf32>,
        %get3A_917 = arith.index_cast %add3A_912 : i32 to index
        %get3A_918 = arith.constant 0 : index
        %get3A_919 = tpu.vector_load %arg10[%get3A_917, %get3A_918] {strides = array<i32>} : memref<2560x32xbf16, #tpu.memory_space<vmem>>, vector<32xbf16>,
        %unpack3A_920 = tpu.unpack_subelements %get3A_919, 0 {pack_format = #tpu.pack_format<interleaved>} : vector<32xbf16> -> vector<16xf32>
        %unpack3A_921 = tpu.unpack_subelements %get3A_919, 1 {pack_format = #tpu.pack_format<interleaved>} : vector<32xbf16> -> vector<16xf32>
        %mul3A_922 = arith.mulf %gather3A_916, %unpack3A_920 : vector<16xf32>
        %add3A_923 = arith.addf %add3A_906, %mul3A_922 : vector<16xf32>
        %mul3A_924 = arith.mulf %gather3A_916, %unpack3A_921 : vector<16xf32>
        %add3A_925 = arith.addf %add3A_908, %mul3A_924 : vector<16xf32>
        %add3A_926 = arith.constant 256 : i32
        %add3A_927 = arith.addi %add3A_213, %add3A_926 : i32
        %add3A_928 = arith.constant 10 : i32
        %add3A_929 = arith.addi %add3A_927, %add3A_928 : i32
        %add3A_930 = arith.constant 266 : i32
        %add3A_931 = vector.broadcast %add3A_930 : i32 to vector<16xi32>
        %add3A_932 = arith.addi %broadcast_in_dim3A_214, %add3A_931 : vector<16xi32>
        %gather3A_933 = tpu.vector_load_idx %arg8[%add3A_932] : memref<2560xf32, #tpu.memory_space<vmem>>[vector<16xi32>], vector<16xf32>,
        %get3A_934 = arith.index_cast %add3A_929 : i32 to index
        %get3A_935 = arith.constant 0 : index
        %get3A_936 = tpu.vector_load %arg10[%get3A_934, %get3A_935] {strides = array<i32>} : memref<2560x32xbf16, #tpu.memory_space<vmem>>, vector<32xbf16>,
        %unpack3A_937 = tpu.unpack_subelements %get3A_936, 0 {pack_format = #tpu.pack_format<interleaved>} : vector<32xbf16> -> vector<16xf32>
        %unpack3A_938 = tpu.unpack_subelements %get3A_936, 1 {pack_format = #tpu.pack_format<interleaved>} : vector<32xbf16> -> vector<16xf32>
        %mul3A_939 = arith.mulf %gather3A_933, %unpack3A_937 : vector<16xf32>
        %add3A_940 = arith.addf %add3A_923, %mul3A_939 : vector<16xf32>
        %mul3A_941 = arith.mulf %gather3A_933, %unpack3A_938 : vector<16xf32>
        %add3A_942 = arith.addf %add3A_925, %mul3A_941 : vector<16xf32>
        %add3A_943 = arith.constant 256 : i32
        %add3A_944 = arith.addi %add3A_213, %add3A_943 : i32
        %add3A_945 = arith.constant 11 : i32
        %add3A_946 = arith.addi %add3A_944, %add3A_945 : i32
        %add3A_947 = arith.constant 267 : i32
        %add3A_948 = vector.broadcast %add3A_947 : i32 to vector<16xi32>
        %add3A_949 = arith.addi %broadcast_in_dim3A_214, %add3A_948 : vector<16xi32>
        %gather3A_950 = tpu.vector_load_idx %arg8[%add3A_949] : memref<2560xf32, #tpu.memory_space<vmem>>[vector<16xi32>], vector<16xf32>,
        %get3A_951 = arith.index_cast %add3A_946 : i32 to index
        %get3A_952 = arith.constant 0 : index
        %get3A_953 = tpu.vector_load %arg10[%get3A_951, %get3A_952] {strides = array<i32>} : memref<2560x32xbf16, #tpu.memory_space<vmem>>, vector<32xbf16>,
        %unpack3A_954 = tpu.unpack_subelements %get3A_953, 0 {pack_format = #tpu.pack_format<interleaved>} : vector<32xbf16> -> vector<16xf32>
        %unpack3A_955 = tpu.unpack_subelements %get3A_953, 1 {pack_format = #tpu.pack_format<interleaved>} : vector<32xbf16> -> vector<16xf32>
        %mul3A_956 = arith.mulf %gather3A_950, %unpack3A_954 : vector<16xf32>
        %add3A_957 = arith.addf %add3A_940, %mul3A_956 : vector<16xf32>
        %mul3A_958 = arith.mulf %gather3A_950, %unpack3A_955 : vector<16xf32>
        %add3A_959 = arith.addf %add3A_942, %mul3A_958 : vector<16xf32>
        %add3A_960 = arith.constant 256 : i32
        %add3A_961 = arith.addi %add3A_213, %add3A_960 : i32
        %add3A_962 = arith.constant 12 : i32
        %add3A_963 = arith.addi %add3A_961, %add3A_962 : i32
        %add3A_964 = arith.constant 268 : i32
        %add3A_965 = vector.broadcast %add3A_964 : i32 to vector<16xi32>
        %add3A_966 = arith.addi %broadcast_in_dim3A_214, %add3A_965 : vector<16xi32>
        %gather3A_967 = tpu.vector_load_idx %arg8[%add3A_966] : memref<2560xf32, #tpu.memory_space<vmem>>[vector<16xi32>], vector<16xf32>,
        %get3A_968 = arith.index_cast %add3A_963 : i32 to index
        %get3A_969 = arith.constant 0 : index
        %get3A_970 = tpu.vector_load %arg10[%get3A_968, %get3A_969] {strides = array<i32>} : memref<2560x32xbf16, #tpu.memory_space<vmem>>, vector<32xbf16>,
        %unpack3A_971 = tpu.unpack_subelements %get3A_970, 0 {pack_format = #tpu.pack_format<interleaved>} : vector<32xbf16> -> vector<16xf32>
        %unpack3A_972 = tpu.unpack_subelements %get3A_970, 1 {pack_format = #tpu.pack_format<interleaved>} : vector<32xbf16> -> vector<16xf32>
        %mul3A_973 = arith.mulf %gather3A_967, %unpack3A_971 : vector<16xf32>
        %add3A_974 = arith.addf %add3A_957, %mul3A_973 : vector<16xf32>
        %mul3A_975 = arith.mulf %gather3A_967, %unpack3A_972 : vector<16xf32>
        %add3A_976 = arith.addf %add3A_959, %mul3A_975 : vector<16xf32>
        %add3A_977 = arith.constant 256 : i32
        %add3A_978 = arith.addi %add3A_213, %add3A_977 : i32
        %add3A_979 = arith.constant 13 : i32
        %add3A_980 = arith.addi %add3A_978, %add3A_979 : i32
        %add3A_981 = arith.constant 269 : i32
        %add3A_982 = vector.broadcast %add3A_981 : i32 to vector<16xi32>
        %add3A_983 = arith.addi %broadcast_in_dim3A_214, %add3A_982 : vector<16xi32>
        %gather3A_984 = tpu.vector_load_idx %arg8[%add3A_983] : memref<2560xf32, #tpu.memory_space<vmem>>[vector<16xi32>], vector<16xf32>,
        %get3A_985 = arith.index_cast %add3A_980 : i32 to index
        %get3A_986 = arith.constant 0 : index
        %get3A_987 = tpu.vector_load %arg10[%get3A_985, %get3A_986] {strides = array<i32>} : memref<2560x32xbf16, #tpu.memory_space<vmem>>, vector<32xbf16>,
        %unpack3A_988 = tpu.unpack_subelements %get3A_987, 0 {pack_format = #tpu.pack_format<interleaved>} : vector<32xbf16> -> vector<16xf32>
        %unpack3A_989 = tpu.unpack_subelements %get3A_987, 1 {pack_format = #tpu.pack_format<interleaved>} : vector<32xbf16> -> vector<16xf32>
        %mul3A_990 = arith.mulf %gather3A_984, %unpack3A_988 : vector<16xf32>
        %add3A_991 = arith.addf %add3A_974, %mul3A_990 : vector<16xf32>
        %mul3A_992 = arith.mulf %gather3A_984, %unpack3A_989 : vector<16xf32>
        %add3A_993 = arith.addf %add3A_976, %mul3A_992 : vector<16xf32>
        %add3A_994 = arith.constant 256 : i32
        %add3A_995 = arith.addi %add3A_213, %add3A_994 : i32
        %add3A_996 = arith.constant 14 : i32
        %add3A_997 = arith.addi %add3A_995, %add3A_996 : i32
        %add3A_998 = arith.constant 270 : i32
        %add3A_999 = vector.broadcast %add3A_998 : i32 to vector<16xi32>
        %add3A_1000 = arith.addi %broadcast_in_dim3A_214, %add3A_999 : vector<16xi32>
        %gather3A_1001 = tpu.vector_load_idx %arg8[%add3A_1000] : memref<2560xf32, #tpu.memory_space<vmem>>[vector<16xi32>], vector<16xf32>,
        %get3A_1002 = arith.index_cast %add3A_997 : i32 to index
        %get3A_1003 = arith.constant 0 : index
        %get3A_1004 = tpu.vector_load %arg10[%get3A_1002, %get3A_1003] {strides = array<i32>} : memref<2560x32xbf16, #tpu.memory_space<vmem>>, vector<32xbf16>,
        %unpack3A_1005 = tpu.unpack_subelements %get3A_1004, 0 {pack_format = #tpu.pack_format<interleaved>} : vector<32xbf16> -> vector<16xf32>
        %unpack3A_1006 = tpu.unpack_subelements %get3A_1004, 1 {pack_format = #tpu.pack_format<interleaved>} : vector<32xbf16> -> vector<16xf32>
        %mul3A_1007 = arith.mulf %gather3A_1001, %unpack3A_1005 : vector<16xf32>
        %add3A_1008 = arith.addf %add3A_991, %mul3A_1007 : vector<16xf32>
        %mul3A_1009 = arith.mulf %gather3A_1001, %unpack3A_1006 : vector<16xf32>
        %add3A_1010 = arith.addf %add3A_993, %mul3A_1009 : vector<16xf32>
        %add3A_1011 = arith.constant 256 : i32
        %add3A_1012 = arith.addi %add3A_213, %add3A_1011 : i32
        %add3A_1013 = arith.constant 15 : i32
        %add3A_1014 = arith.addi %add3A_1012, %add3A_1013 : i32
        %add3A_1015 = arith.constant 271 : i32
        %add3A_1016 = vector.broadcast %add3A_1015 : i32 to vector<16xi32>
        %add3A_1017 = arith.addi %broadcast_in_dim3A_214, %add3A_1016 : vector<16xi32>
        %gather3A_1018 = tpu.vector_load_idx %arg8[%add3A_1017] : memref<2560xf32, #tpu.memory_space<vmem>>[vector<16xi32>], vector<16xf32>,
        %get3A_1019 = arith.index_cast %add3A_1014 : i32 to index
        %get3A_1020 = arith.constant 0 : index
        %get3A_1021 = tpu.vector_load %arg10[%get3A_1019, %get3A_1020] {strides = array<i32>} : memref<2560x32xbf16, #tpu.memory_space<vmem>>, vector<32xbf16>,
        %unpack3A_1022 = tpu.unpack_subelements %get3A_1021, 0 {pack_format = #tpu.pack_format<interleaved>} : vector<32xbf16> -> vector<16xf32>
        %unpack3A_1023 = tpu.unpack_subelements %get3A_1021, 1 {pack_format = #tpu.pack_format<interleaved>} : vector<32xbf16> -> vector<16xf32>
        %mul3A_1024 = arith.mulf %gather3A_1018, %unpack3A_1022 : vector<16xf32>
        %add3A_1025 = arith.addf %add3A_1008, %mul3A_1024 : vector<16xf32>
        %mul3A_1026 = arith.mulf %gather3A_1018, %unpack3A_1023 : vector<16xf32>
        %add3A_1027 = arith.addf %add3A_1010, %mul3A_1026 : vector<16xf32>
        %add3A_1028 = arith.constant 384 : i32
        %add3A_1029 = arith.addi %add3A_213, %add3A_1028 : i32
        %add3A_1030 = arith.constant 0 : i32
        %add3A_1031 = arith.addi %add3A_1029, %add3A_1030 : i32
        %add3A_1032 = arith.constant 384 : i32
        %add3A_1033 = vector.broadcast %add3A_1032 : i32 to vector<16xi32>
        %add3A_1034 = arith.addi %broadcast_in_dim3A_214, %add3A_1033 : vector<16xi32>
        %gather3A_1035 = tpu.vector_load_idx %arg8[%add3A_1034] : memref<2560xf32, #tpu.memory_space<vmem>>[vector<16xi32>], vector<16xf32>,
        %get3A_1036 = arith.index_cast %add3A_1031 : i32 to index
        %get3A_1037 = arith.constant 0 : index
        %get3A_1038 = tpu.vector_load %arg10[%get3A_1036, %get3A_1037] {strides = array<i32>} : memref<2560x32xbf16, #tpu.memory_space<vmem>>, vector<32xbf16>,
        %unpack3A_1039 = tpu.unpack_subelements %get3A_1038, 0 {pack_format = #tpu.pack_format<interleaved>} : vector<32xbf16> -> vector<16xf32>
        %unpack3A_1040 = tpu.unpack_subelements %get3A_1038, 1 {pack_format = #tpu.pack_format<interleaved>} : vector<32xbf16> -> vector<16xf32>
        %mul3A_1041 = arith.mulf %gather3A_1035, %unpack3A_1039 : vector<16xf32>
        %add3A_1042 = arith.addf %add3A_1025, %mul3A_1041 : vector<16xf32>
        %mul3A_1043 = arith.mulf %gather3A_1035, %unpack3A_1040 : vector<16xf32>
        %add3A_1044 = arith.addf %add3A_1027, %mul3A_1043 : vector<16xf32>
        %add3A_1045 = arith.constant 384 : i32
        %add3A_1046 = arith.addi %add3A_213, %add3A_1045 : i32
        %add3A_1047 = arith.constant 1 : i32
        %add3A_1048 = arith.addi %add3A_1046, %add3A_1047 : i32
        %add3A_1049 = arith.constant 385 : i32
        %add3A_1050 = vector.broadcast %add3A_1049 : i32 to vector<16xi32>
        %add3A_1051 = arith.addi %broadcast_in_dim3A_214, %add3A_1050 : vector<16xi32>
        %gather3A_1052 = tpu.vector_load_idx %arg8[%add3A_1051] : memref<2560xf32, #tpu.memory_space<vmem>>[vector<16xi32>], vector<16xf32>,
        %get3A_1053 = arith.index_cast %add3A_1048 : i32 to index
        %get3A_1054 = arith.constant 0 : index
        %get3A_1055 = tpu.vector_load %arg10[%get3A_1053, %get3A_1054] {strides = array<i32>} : memref<2560x32xbf16, #tpu.memory_space<vmem>>, vector<32xbf16>,
        %unpack3A_1056 = tpu.unpack_subelements %get3A_1055, 0 {pack_format = #tpu.pack_format<interleaved>} : vector<32xbf16> -> vector<16xf32>
        %unpack3A_1057 = tpu.unpack_subelements %get3A_1055, 1 {pack_format = #tpu.pack_format<interleaved>} : vector<32xbf16> -> vector<16xf32>
        %mul3A_1058 = arith.mulf %gather3A_1052, %unpack3A_1056 : vector<16xf32>
        %add3A_1059 = arith.addf %add3A_1042, %mul3A_1058 : vector<16xf32>
        %mul3A_1060 = arith.mulf %gather3A_1052, %unpack3A_1057 : vector<16xf32>
        %add3A_1061 = arith.addf %add3A_1044, %mul3A_1060 : vector<16xf32>
        %add3A_1062 = arith.constant 384 : i32
        %add3A_1063 = arith.addi %add3A_213, %add3A_1062 : i32
        %add3A_1064 = arith.constant 2 : i32
        %add3A_1065 = arith.addi %add3A_1063, %add3A_1064 : i32
        %add3A_1066 = arith.constant 386 : i32
        %add3A_1067 = vector.broadcast %add3A_1066 : i32 to vector<16xi32>
        %add3A_1068 = arith.addi %broadcast_in_dim3A_214, %add3A_1067 : vector<16xi32>
        %gather3A_1069 = tpu.vector_load_idx %arg8[%add3A_1068] : memref<2560xf32, #tpu.memory_space<vmem>>[vector<16xi32>], vector<16xf32>,
        %get3A_1070 = arith.index_cast %add3A_1065 : i32 to index
        %get3A_1071 = arith.constant 0 : index
        %get3A_1072 = tpu.vector_load %arg10[%get3A_1070, %get3A_1071] {strides = array<i32>} : memref<2560x32xbf16, #tpu.memory_space<vmem>>, vector<32xbf16>,
        %unpack3A_1073 = tpu.unpack_subelements %get3A_1072, 0 {pack_format = #tpu.pack_format<interleaved>} : vector<32xbf16> -> vector<16xf32>
        %unpack3A_1074 = tpu.unpack_subelements %get3A_1072, 1 {pack_format = #tpu.pack_format<interleaved>} : vector<32xbf16> -> vector<16xf32>
        %mul3A_1075 = arith.mulf %gather3A_1069, %unpack3A_1073 : vector<16xf32>
        %add3A_1076 = arith.addf %add3A_1059, %mul3A_1075 : vector<16xf32>
        %mul3A_1077 = arith.mulf %gather3A_1069, %unpack3A_1074 : vector<16xf32>
        %add3A_1078 = arith.addf %add3A_1061, %mul3A_1077 : vector<16xf32>
        %add3A_1079 = arith.constant 384 : i32
        %add3A_1080 = arith.addi %add3A_213, %add3A_1079 : i32
        %add3A_1081 = arith.constant 3 : i32
        %add3A_1082 = arith.addi %add3A_1080, %add3A_1081 : i32
        %add3A_1083 = arith.constant 387 : i32
        %add3A_1084 = vector.broadcast %add3A_1083 : i32 to vector<16xi32>
        %add3A_1085 = arith.addi %broadcast_in_dim3A_214, %add3A_1084 : vector<16xi32>
        %gather3A_1086 = tpu.vector_load_idx %arg8[%add3A_1085] : memref<2560xf32, #tpu.memory_space<vmem>>[vector<16xi32>], vector<16xf32>,
        %get3A_1087 = arith.index_cast %add3A_1082 : i32 to index
        %get3A_1088 = arith.constant 0 : index
        %get3A_1089 = tpu.vector_load %arg10[%get3A_1087, %get3A_1088] {strides = array<i32>} : memref<2560x32xbf16, #tpu.memory_space<vmem>>, vector<32xbf16>,
        %unpack3A_1090 = tpu.unpack_subelements %get3A_1089, 0 {pack_format = #tpu.pack_format<interleaved>} : vector<32xbf16> -> vector<16xf32>
        %unpack3A_1091 = tpu.unpack_subelements %get3A_1089, 1 {pack_format = #tpu.pack_format<interleaved>} : vector<32xbf16> -> vector<16xf32>
        %mul3A_1092 = arith.mulf %gather3A_1086, %unpack3A_1090 : vector<16xf32>
        %add3A_1093 = arith.addf %add3A_1076, %mul3A_1092 : vector<16xf32>
        %mul3A_1094 = arith.mulf %gather3A_1086, %unpack3A_1091 : vector<16xf32>
        %add3A_1095 = arith.addf %add3A_1078, %mul3A_1094 : vector<16xf32>
        %add3A_1096 = arith.constant 384 : i32
        %add3A_1097 = arith.addi %add3A_213, %add3A_1096 : i32
        %add3A_1098 = arith.constant 4 : i32
        %add3A_1099 = arith.addi %add3A_1097, %add3A_1098 : i32
        %add3A_1100 = arith.constant 388 : i32
        %add3A_1101 = vector.broadcast %add3A_1100 : i32 to vector<16xi32>
        %add3A_1102 = arith.addi %broadcast_in_dim3A_214, %add3A_1101 : vector<16xi32>
        %gather3A_1103 = tpu.vector_load_idx %arg8[%add3A_1102] : memref<2560xf32, #tpu.memory_space<vmem>>[vector<16xi32>], vector<16xf32>,
        %get3A_1104 = arith.index_cast %add3A_1099 : i32 to index
        %get3A_1105 = arith.constant 0 : index
        %get3A_1106 = tpu.vector_load %arg10[%get3A_1104, %get3A_1105] {strides = array<i32>} : memref<2560x32xbf16, #tpu.memory_space<vmem>>, vector<32xbf16>,
        %unpack3A_1107 = tpu.unpack_subelements %get3A_1106, 0 {pack_format = #tpu.pack_format<interleaved>} : vector<32xbf16> -> vector<16xf32>
        %unpack3A_1108 = tpu.unpack_subelements %get3A_1106, 1 {pack_format = #tpu.pack_format<interleaved>} : vector<32xbf16> -> vector<16xf32>
        %mul3A_1109 = arith.mulf %gather3A_1103, %unpack3A_1107 : vector<16xf32>
        %add3A_1110 = arith.addf %add3A_1093, %mul3A_1109 : vector<16xf32>
        %mul3A_1111 = arith.mulf %gather3A_1103, %unpack3A_1108 : vector<16xf32>
        %add3A_1112 = arith.addf %add3A_1095, %mul3A_1111 : vector<16xf32>
        %add3A_1113 = arith.constant 384 : i32
        %add3A_1114 = arith.addi %add3A_213, %add3A_1113 : i32
        %add3A_1115 = arith.constant 5 : i32
        %add3A_1116 = arith.addi %add3A_1114, %add3A_1115 : i32
        %add3A_1117 = arith.constant 389 : i32
        %add3A_1118 = vector.broadcast %add3A_1117 : i32 to vector<16xi32>
        %add3A_1119 = arith.addi %broadcast_in_dim3A_214, %add3A_1118 : vector<16xi32>
        %gather3A_1120 = tpu.vector_load_idx %arg8[%add3A_1119] : memref<2560xf32, #tpu.memory_space<vmem>>[vector<16xi32>], vector<16xf32>,
        %get3A_1121 = arith.index_cast %add3A_1116 : i32 to index
        %get3A_1122 = arith.constant 0 : index
        %get3A_1123 = tpu.vector_load %arg10[%get3A_1121, %get3A_1122] {strides = array<i32>} : memref<2560x32xbf16, #tpu.memory_space<vmem>>, vector<32xbf16>,
        %unpack3A_1124 = tpu.unpack_subelements %get3A_1123, 0 {pack_format = #tpu.pack_format<interleaved>} : vector<32xbf16> -> vector<16xf32>
        %unpack3A_1125 = tpu.unpack_subelements %get3A_1123, 1 {pack_format = #tpu.pack_format<interleaved>} : vector<32xbf16> -> vector<16xf32>
        %mul3A_1126 = arith.mulf %gather3A_1120, %unpack3A_1124 : vector<16xf32>
        %add3A_1127 = arith.addf %add3A_1110, %mul3A_1126 : vector<16xf32>
        %mul3A_1128 = arith.mulf %gather3A_1120, %unpack3A_1125 : vector<16xf32>
        %add3A_1129 = arith.addf %add3A_1112, %mul3A_1128 : vector<16xf32>
        %add3A_1130 = arith.constant 384 : i32
        %add3A_1131 = arith.addi %add3A_213, %add3A_1130 : i32
        %add3A_1132 = arith.constant 6 : i32
        %add3A_1133 = arith.addi %add3A_1131, %add3A_1132 : i32
        %add3A_1134 = arith.constant 390 : i32
        %add3A_1135 = vector.broadcast %add3A_1134 : i32 to vector<16xi32>
        %add3A_1136 = arith.addi %broadcast_in_dim3A_214, %add3A_1135 : vector<16xi32>
        %gather3A_1137 = tpu.vector_load_idx %arg8[%add3A_1136] : memref<2560xf32, #tpu.memory_space<vmem>>[vector<16xi32>], vector<16xf32>,
        %get3A_1138 = arith.index_cast %add3A_1133 : i32 to index
        %get3A_1139 = arith.constant 0 : index
        %get3A_1140 = tpu.vector_load %arg10[%get3A_1138, %get3A_1139] {strides = array<i32>} : memref<2560x32xbf16, #tpu.memory_space<vmem>>, vector<32xbf16>,
        %unpack3A_1141 = tpu.unpack_subelements %get3A_1140, 0 {pack_format = #tpu.pack_format<interleaved>} : vector<32xbf16> -> vector<16xf32>
        %unpack3A_1142 = tpu.unpack_subelements %get3A_1140, 1 {pack_format = #tpu.pack_format<interleaved>} : vector<32xbf16> -> vector<16xf32>
        %mul3A_1143 = arith.mulf %gather3A_1137, %unpack3A_1141 : vector<16xf32>
        %add3A_1144 = arith.addf %add3A_1127, %mul3A_1143 : vector<16xf32>
        %mul3A_1145 = arith.mulf %gather3A_1137, %unpack3A_1142 : vector<16xf32>
        %add3A_1146 = arith.addf %add3A_1129, %mul3A_1145 : vector<16xf32>
        %add3A_1147 = arith.constant 384 : i32
        %add3A_1148 = arith.addi %add3A_213, %add3A_1147 : i32
        %add3A_1149 = arith.constant 7 : i32
        %add3A_1150 = arith.addi %add3A_1148, %add3A_1149 : i32
        %add3A_1151 = arith.constant 391 : i32
        %add3A_1152 = vector.broadcast %add3A_1151 : i32 to vector<16xi32>
        %add3A_1153 = arith.addi %broadcast_in_dim3A_214, %add3A_1152 : vector<16xi32>
        %gather3A_1154 = tpu.vector_load_idx %arg8[%add3A_1153] : memref<2560xf32, #tpu.memory_space<vmem>>[vector<16xi32>], vector<16xf32>,
        %get3A_1155 = arith.index_cast %add3A_1150 : i32 to index
        %get3A_1156 = arith.constant 0 : index
        %get3A_1157 = tpu.vector_load %arg10[%get3A_1155, %get3A_1156] {strides = array<i32>} : memref<2560x32xbf16, #tpu.memory_space<vmem>>, vector<32xbf16>,
        %unpack3A_1158 = tpu.unpack_subelements %get3A_1157, 0 {pack_format = #tpu.pack_format<interleaved>} : vector<32xbf16> -> vector<16xf32>
        %unpack3A_1159 = tpu.unpack_subelements %get3A_1157, 1 {pack_format = #tpu.pack_format<interleaved>} : vector<32xbf16> -> vector<16xf32>
        %mul3A_1160 = arith.mulf %gather3A_1154, %unpack3A_1158 : vector<16xf32>
        %add3A_1161 = arith.addf %add3A_1144, %mul3A_1160 : vector<16xf32>
        %mul3A_1162 = arith.mulf %gather3A_1154, %unpack3A_1159 : vector<16xf32>
        %add3A_1163 = arith.addf %add3A_1146, %mul3A_1162 : vector<16xf32>
        %add3A_1164 = arith.constant 384 : i32
        %add3A_1165 = arith.addi %add3A_213, %add3A_1164 : i32
        %add3A_1166 = arith.constant 8 : i32
        %add3A_1167 = arith.addi %add3A_1165, %add3A_1166 : i32
        %add3A_1168 = arith.constant 392 : i32
        %add3A_1169 = vector.broadcast %add3A_1168 : i32 to vector<16xi32>
        %add3A_1170 = arith.addi %broadcast_in_dim3A_214, %add3A_1169 : vector<16xi32>
        %gather3A_1171 = tpu.vector_load_idx %arg8[%add3A_1170] : memref<2560xf32, #tpu.memory_space<vmem>>[vector<16xi32>], vector<16xf32>,
        %get3A_1172 = arith.index_cast %add3A_1167 : i32 to index
        %get3A_1173 = arith.constant 0 : index
        %get3A_1174 = tpu.vector_load %arg10[%get3A_1172, %get3A_1173] {strides = array<i32>} : memref<2560x32xbf16, #tpu.memory_space<vmem>>, vector<32xbf16>,
        %unpack3A_1175 = tpu.unpack_subelements %get3A_1174, 0 {pack_format = #tpu.pack_format<interleaved>} : vector<32xbf16> -> vector<16xf32>
        %unpack3A_1176 = tpu.unpack_subelements %get3A_1174, 1 {pack_format = #tpu.pack_format<interleaved>} : vector<32xbf16> -> vector<16xf32>
        %mul3A_1177 = arith.mulf %gather3A_1171, %unpack3A_1175 : vector<16xf32>
        %add3A_1178 = arith.addf %add3A_1161, %mul3A_1177 : vector<16xf32>
        %mul3A_1179 = arith.mulf %gather3A_1171, %unpack3A_1176 : vector<16xf32>
        %add3A_1180 = arith.addf %add3A_1163, %mul3A_1179 : vector<16xf32>
        %add3A_1181 = arith.constant 384 : i32
        %add3A_1182 = arith.addi %add3A_213, %add3A_1181 : i32
        %add3A_1183 = arith.constant 9 : i32
        %add3A_1184 = arith.addi %add3A_1182, %add3A_1183 : i32
        %add3A_1185 = arith.constant 393 : i32
        %add3A_1186 = vector.broadcast %add3A_1185 : i32 to vector<16xi32>
        %add3A_1187 = arith.addi %broadcast_in_dim3A_214, %add3A_1186 : vector<16xi32>
        %gather3A_1188 = tpu.vector_load_idx %arg8[%add3A_1187] : memref<2560xf32, #tpu.memory_space<vmem>>[vector<16xi32>], vector<16xf32>,
        %get3A_1189 = arith.index_cast %add3A_1184 : i32 to index
        %get3A_1190 = arith.constant 0 : index
        %get3A_1191 = tpu.vector_load %arg10[%get3A_1189, %get3A_1190] {strides = array<i32>} : memref<2560x32xbf16, #tpu.memory_space<vmem>>, vector<32xbf16>,
        %unpack3A_1192 = tpu.unpack_subelements %get3A_1191, 0 {pack_format = #tpu.pack_format<interleaved>} : vector<32xbf16> -> vector<16xf32>
        %unpack3A_1193 = tpu.unpack_subelements %get3A_1191, 1 {pack_format = #tpu.pack_format<interleaved>} : vector<32xbf16> -> vector<16xf32>
        %mul3A_1194 = arith.mulf %gather3A_1188, %unpack3A_1192 : vector<16xf32>
        %add3A_1195 = arith.addf %add3A_1178, %mul3A_1194 : vector<16xf32>
        %mul3A_1196 = arith.mulf %gather3A_1188, %unpack3A_1193 : vector<16xf32>
        %add3A_1197 = arith.addf %add3A_1180, %mul3A_1196 : vector<16xf32>
        %add3A_1198 = arith.constant 384 : i32
        %add3A_1199 = arith.addi %add3A_213, %add3A_1198 : i32
        %add3A_1200 = arith.constant 10 : i32
        %add3A_1201 = arith.addi %add3A_1199, %add3A_1200 : i32
        %add3A_1202 = arith.constant 394 : i32
        %add3A_1203 = vector.broadcast %add3A_1202 : i32 to vector<16xi32>
        %add3A_1204 = arith.addi %broadcast_in_dim3A_214, %add3A_1203 : vector<16xi32>
        %gather3A_1205 = tpu.vector_load_idx %arg8[%add3A_1204] : memref<2560xf32, #tpu.memory_space<vmem>>[vector<16xi32>], vector<16xf32>,
        %get3A_1206 = arith.index_cast %add3A_1201 : i32 to index
        %get3A_1207 = arith.constant 0 : index
        %get3A_1208 = tpu.vector_load %arg10[%get3A_1206, %get3A_1207] {strides = array<i32>} : memref<2560x32xbf16, #tpu.memory_space<vmem>>, vector<32xbf16>,
        %unpack3A_1209 = tpu.unpack_subelements %get3A_1208, 0 {pack_format = #tpu.pack_format<interleaved>} : vector<32xbf16> -> vector<16xf32>
        %unpack3A_1210 = tpu.unpack_subelements %get3A_1208, 1 {pack_format = #tpu.pack_format<interleaved>} : vector<32xbf16> -> vector<16xf32>
        %mul3A_1211 = arith.mulf %gather3A_1205, %unpack3A_1209 : vector<16xf32>
        %add3A_1212 = arith.addf %add3A_1195, %mul3A_1211 : vector<16xf32>
        %mul3A_1213 = arith.mulf %gather3A_1205, %unpack3A_1210 : vector<16xf32>
        %add3A_1214 = arith.addf %add3A_1197, %mul3A_1213 : vector<16xf32>
        %add3A_1215 = arith.constant 384 : i32
        %add3A_1216 = arith.addi %add3A_213, %add3A_1215 : i32
        %add3A_1217 = arith.constant 11 : i32
        %add3A_1218 = arith.addi %add3A_1216, %add3A_1217 : i32
        %add3A_1219 = arith.constant 395 : i32
        %add3A_1220 = vector.broadcast %add3A_1219 : i32 to vector<16xi32>
        %add3A_1221 = arith.addi %broadcast_in_dim3A_214, %add3A_1220 : vector<16xi32>
        %gather3A_1222 = tpu.vector_load_idx %arg8[%add3A_1221] : memref<2560xf32, #tpu.memory_space<vmem>>[vector<16xi32>], vector<16xf32>,
        %get3A_1223 = arith.index_cast %add3A_1218 : i32 to index
        %get3A_1224 = arith.constant 0 : index
        %get3A_1225 = tpu.vector_load %arg10[%get3A_1223, %get3A_1224] {strides = array<i32>} : memref<2560x32xbf16, #tpu.memory_space<vmem>>, vector<32xbf16>,
        %unpack3A_1226 = tpu.unpack_subelements %get3A_1225, 0 {pack_format = #tpu.pack_format<interleaved>} : vector<32xbf16> -> vector<16xf32>
        %unpack3A_1227 = tpu.unpack_subelements %get3A_1225, 1 {pack_format = #tpu.pack_format<interleaved>} : vector<32xbf16> -> vector<16xf32>
        %mul3A_1228 = arith.mulf %gather3A_1222, %unpack3A_1226 : vector<16xf32>
        %add3A_1229 = arith.addf %add3A_1212, %mul3A_1228 : vector<16xf32>
        %mul3A_1230 = arith.mulf %gather3A_1222, %unpack3A_1227 : vector<16xf32>
        %add3A_1231 = arith.addf %add3A_1214, %mul3A_1230 : vector<16xf32>
        %add3A_1232 = arith.constant 384 : i32
        %add3A_1233 = arith.addi %add3A_213, %add3A_1232 : i32
        %add3A_1234 = arith.constant 12 : i32
        %add3A_1235 = arith.addi %add3A_1233, %add3A_1234 : i32
        %add3A_1236 = arith.constant 396 : i32
        %add3A_1237 = vector.broadcast %add3A_1236 : i32 to vector<16xi32>
        %add3A_1238 = arith.addi %broadcast_in_dim3A_214, %add3A_1237 : vector<16xi32>
        %gather3A_1239 = tpu.vector_load_idx %arg8[%add3A_1238] : memref<2560xf32, #tpu.memory_space<vmem>>[vector<16xi32>], vector<16xf32>,
        %get3A_1240 = arith.index_cast %add3A_1235 : i32 to index
        %get3A_1241 = arith.constant 0 : index
        %get3A_1242 = tpu.vector_load %arg10[%get3A_1240, %get3A_1241] {strides = array<i32>} : memref<2560x32xbf16, #tpu.memory_space<vmem>>, vector<32xbf16>,
        %unpack3A_1243 = tpu.unpack_subelements %get3A_1242, 0 {pack_format = #tpu.pack_format<interleaved>} : vector<32xbf16> -> vector<16xf32>
        %unpack3A_1244 = tpu.unpack_subelements %get3A_1242, 1 {pack_format = #tpu.pack_format<interleaved>} : vector<32xbf16> -> vector<16xf32>
        %mul3A_1245 = arith.mulf %gather3A_1239, %unpack3A_1243 : vector<16xf32>
        %add3A_1246 = arith.addf %add3A_1229, %mul3A_1245 : vector<16xf32>
        %mul3A_1247 = arith.mulf %gather3A_1239, %unpack3A_1244 : vector<16xf32>
        %add3A_1248 = arith.addf %add3A_1231, %mul3A_1247 : vector<16xf32>
        %add3A_1249 = arith.constant 384 : i32
        %add3A_1250 = arith.addi %add3A_213, %add3A_1249 : i32
        %add3A_1251 = arith.constant 13 : i32
        %add3A_1252 = arith.addi %add3A_1250, %add3A_1251 : i32
        %add3A_1253 = arith.constant 397 : i32
        %add3A_1254 = vector.broadcast %add3A_1253 : i32 to vector<16xi32>
        %add3A_1255 = arith.addi %broadcast_in_dim3A_214, %add3A_1254 : vector<16xi32>
        %gather3A_1256 = tpu.vector_load_idx %arg8[%add3A_1255] : memref<2560xf32, #tpu.memory_space<vmem>>[vector<16xi32>], vector<16xf32>,
        %get3A_1257 = arith.index_cast %add3A_1252 : i32 to index
        %get3A_1258 = arith.constant 0 : index
        %get3A_1259 = tpu.vector_load %arg10[%get3A_1257, %get3A_1258] {strides = array<i32>} : memref<2560x32xbf16, #tpu.memory_space<vmem>>, vector<32xbf16>,
        %unpack3A_1260 = tpu.unpack_subelements %get3A_1259, 0 {pack_format = #tpu.pack_format<interleaved>} : vector<32xbf16> -> vector<16xf32>
        %unpack3A_1261 = tpu.unpack_subelements %get3A_1259, 1 {pack_format = #tpu.pack_format<interleaved>} : vector<32xbf16> -> vector<16xf32>
        %mul3A_1262 = arith.mulf %gather3A_1256, %unpack3A_1260 : vector<16xf32>
        %add3A_1263 = arith.addf %add3A_1246, %mul3A_1262 : vector<16xf32>
        %mul3A_1264 = arith.mulf %gather3A_1256, %unpack3A_1261 : vector<16xf32>
        %add3A_1265 = arith.addf %add3A_1248, %mul3A_1264 : vector<16xf32>
        %add3A_1266 = arith.constant 384 : i32
        %add3A_1267 = arith.addi %add3A_213, %add3A_1266 : i32
        %add3A_1268 = arith.constant 14 : i32
        %add3A_1269 = arith.addi %add3A_1267, %add3A_1268 : i32
        %add3A_1270 = arith.constant 398 : i32
        %add3A_1271 = vector.broadcast %add3A_1270 : i32 to vector<16xi32>
        %add3A_1272 = arith.addi %broadcast_in_dim3A_214, %add3A_1271 : vector<16xi32>
        %gather3A_1273 = tpu.vector_load_idx %arg8[%add3A_1272] : memref<2560xf32, #tpu.memory_space<vmem>>[vector<16xi32>], vector<16xf32>,
        %get3A_1274 = arith.index_cast %add3A_1269 : i32 to index
        %get3A_1275 = arith.constant 0 : index
        %get3A_1276 = tpu.vector_load %arg10[%get3A_1274, %get3A_1275] {strides = array<i32>} : memref<2560x32xbf16, #tpu.memory_space<vmem>>, vector<32xbf16>,
        %unpack3A_1277 = tpu.unpack_subelements %get3A_1276, 0 {pack_format = #tpu.pack_format<interleaved>} : vector<32xbf16> -> vector<16xf32>
        %unpack3A_1278 = tpu.unpack_subelements %get3A_1276, 1 {pack_format = #tpu.pack_format<interleaved>} : vector<32xbf16> -> vector<16xf32>
        %mul3A_1279 = arith.mulf %gather3A_1273, %unpack3A_1277 : vector<16xf32>
        %add3A_1280 = arith.addf %add3A_1263, %mul3A_1279 : vector<16xf32>
        %mul3A_1281 = arith.mulf %gather3A_1273, %unpack3A_1278 : vector<16xf32>
        %add3A_1282 = arith.addf %add3A_1265, %mul3A_1281 : vector<16xf32>
        %add3A_1283 = arith.constant 384 : i32
        %add3A_1284 = arith.addi %add3A_213, %add3A_1283 : i32
        %add3A_1285 = arith.constant 15 : i32
        %add3A_1286 = arith.addi %add3A_1284, %add3A_1285 : i32
        %add3A_1287 = arith.constant 399 : i32
        %add3A_1288 = vector.broadcast %add3A_1287 : i32 to vector<16xi32>
        %add3A_1289 = arith.addi %broadcast_in_dim3A_214, %add3A_1288 : vector<16xi32>
        %gather3A_1290 = tpu.vector_load_idx %arg8[%add3A_1289] : memref<2560xf32, #tpu.memory_space<vmem>>[vector<16xi32>], vector<16xf32>,
        %get3A_1291 = arith.index_cast %add3A_1286 : i32 to index
        %get3A_1292 = arith.constant 0 : index
        %get3A_1293 = tpu.vector_load %arg10[%get3A_1291, %get3A_1292] {strides = array<i32>} : memref<2560x32xbf16, #tpu.memory_space<vmem>>, vector<32xbf16>,
        %unpack3A_1294 = tpu.unpack_subelements %get3A_1293, 0 {pack_format = #tpu.pack_format<interleaved>} : vector<32xbf16> -> vector<16xf32>
        %unpack3A_1295 = tpu.unpack_subelements %get3A_1293, 1 {pack_format = #tpu.pack_format<interleaved>} : vector<32xbf16> -> vector<16xf32>
        %mul3A_1296 = arith.mulf %gather3A_1290, %unpack3A_1294 : vector<16xf32>
        %add3A_1297 = arith.addf %add3A_1280, %mul3A_1296 : vector<16xf32>
        %mul3A_1298 = arith.mulf %gather3A_1290, %unpack3A_1295 : vector<16xf32>
        %add3A_1299 = arith.addf %add3A_1282, %mul3A_1298 : vector<16xf32>
        %swap3A = arith.constant 0 : i32
        %swap3A_1300 = arith.index_cast %scan3A_174 : i32 to index
        %swap3A_1301 = arith.index_cast %swap3A : i32 to index
        %swap3A_1302 = arith.constant 0 : index
        %swap3A_1303 = tpu.vector_load %arg12[%swap3A_1300, %swap3A_1301, %swap3A_1302] {strides = array<i32>} : memref<40x2x16xf32, #tpu.memory_space<vmem>>, vector<16xf32>,
        tpu.vector_store %arg12[%swap3A_1300, %swap3A_1301, %swap3A_1302], %add3A_1297 {strides = array<i32>} : memref<40x2x16xf32, #tpu.memory_space<vmem>>, vector<16xf32>,
        %swap3A_1304 = arith.constant 1 : i32
        %swap3A_1305 = arith.index_cast %scan3A_174 : i32 to index
        %swap3A_1306 = arith.index_cast %swap3A_1304 : i32 to index
        %swap3A_1307 = arith.constant 0 : index
        %swap3A_1308 = tpu.vector_load %arg12[%swap3A_1305, %swap3A_1306, %swap3A_1307] {strides = array<i32>} : memref<40x2x16xf32, #tpu.memory_space<vmem>>, vector<16xf32>,
        tpu.vector_store %arg12[%swap3A_1305, %swap3A_1306, %swap3A_1307], %add3A_1299 {strides = array<i32>} : memref<40x2x16xf32, #tpu.memory_space<vmem>>, vector<16xf32>,
      }
      %scan3A_105 = arith.constant 40 : i32
      %add3A_106 = arith.constant 2 : i32
      %add3A_107 = arith.addi %add3A_81, %add3A_106 : i32
      %lt3A_108 = arith.constant 68 : i32
      %lt3A_109 = arith.cmpi slt, %add3A_107, %lt3A_108 : i32
      %convert_element_type3A_110 = arith.extui %lt3A_109 : i1 to i32
      %cond3A_111 = arith.constant 0 : i32
      %cond3A_112 = arith.cmpi ne, %convert_element_type3A_110, %cond3A_111 : i32
      scf.if %cond3A_112 {
        %add3A_174 = arith.constant 2 : i32
        %add3A_175 = arith.addi %add3A_81, %add3A_174 : i32
        %mul3A_176 = arith.constant 68 : i32
        %mul3A_177 = arith.muli %add3A, %mul3A_176 : i32
        %add3A_178 = arith.addi %mul3A_177, %add3A_175 : i32
        %dma_start3A_179 = arith.constant 0 : i32
        %dma_start3A_180 = tpu.memref_slice %arg4[%add3A_178, %dma_start3A_179] : memref<2176x2560xf32, #tpu.memory_space<hbm>> -> memref<1x2560xf32, #tpu.memory_space<hbm>>
        %dma_start3A_181 = tpu.memref_squeeze %dma_start3A_180 : memref<1x2560xf32, #tpu.memory_space<hbm>> -> memref<2560xf32, #tpu.memory_space<hbm>>
        %dma_start3A_182 = arith.constant 0 : i32
        %dma_start3A_183 = tpu.memref_slice %arg4[%add3A_178, %dma_start3A_182] : memref<2176x2560xf32, #tpu.memory_space<hbm>> -> memref<1x2560xf32, #tpu.memory_space<hbm>>
        %dma_start3A_184 = tpu.memref_squeeze %dma_start3A_183 : memref<1x2560xf32, #tpu.memory_space<hbm>> -> memref<2560xf32, #tpu.memory_space<hbm>>
        tpu.enqueue_dma source(%dma_start3A_184 : memref<2560xf32, #tpu.memory_space<hbm>>) target(%arg8 : memref<2560xf32, #tpu.memory_space<vmem>>) target_semaphore(%arg16 : memref<!tpu.dma_semaphore, #tpu.memory_space<semaphore_mem>>)
      } else {
      }
      %mul3A_113 = arith.constant 68 : i32
      %mul3A_114 = arith.muli %add3A, %mul3A_113 : i32
      %add3A_115 = arith.addi %mul3A_114, %add3A_81 : i32
      %mul3A_116 = arith.constant 40 : i32
      %mul3A_117 = arith.muli %add3A_115, %mul3A_116 : i32
      %dma_start3A_118 = arith.constant 0 : i32
      %dma_start3A_119 = arith.constant 0 : i32
      %dma_start3A_120 = tpu.memref_slice %arg5[%mul3A_117, %dma_start3A_118, %dma_start3A_119] : memref<87040x2x16xf32, #tpu.memory_space<hbm>> -> memref<40x2x16xf32, #tpu.memory_space<hbm>>
      %dma_start3A_121 = arith.constant 0 : i32
      %dma_start3A_122 = arith.constant 0 : i32
      %dma_start3A_123 = tpu.memref_slice %arg5[%mul3A_117, %dma_start3A_121, %dma_start3A_122] : memref<87040x2x16xf32, #tpu.memory_space<hbm>> -> memref<40x2x16xf32, #tpu.memory_space<hbm>>
      tpu.enqueue_dma source(%arg12 : memref<40x2x16xf32, #tpu.memory_space<vmem>>) target(%dma_start3A_123 : memref<40x2x16xf32, #tpu.memory_space<hbm>>) target_semaphore(%arg20 : memref<!tpu.dma_semaphore, #tpu.memory_space<semaphore_mem>>)
      %mul3A_124 = arith.constant 2 : i32
      %mul3A_125 = arith.muli %scan3A_77, %mul3A_124 : i32
      %add3A_126 = arith.constant 1 : i32
      %add3A_127 = arith.addi %mul3A_125, %add3A_126 : i32
      %add3A_128 = arith.constant 1 : i32
      %add3A_129 = arith.addi %add3A_127, %add3A_128 : i32
      %lt3A_130 = arith.constant 68 : i32
      %lt3A_131 = arith.cmpi slt, %add3A_129, %lt3A_130 : i32
      %convert_element_type3A_132 = arith.extui %lt3A_131 : i1 to i32
      %cond3A_133 = arith.constant 0 : i32
      %cond3A_134 = arith.cmpi ne, %convert_element_type3A_132, %cond3A_133 : i32
      scf.if %cond3A_134 {
        %dma_wait3A_174 = arith.constant 0 : i32
        %dma_wait3A_175 = arith.constant 0 : i32
        %dma_wait3A_176 = tpu.memref_slice %arg3[%dma_wait3A_174, %dma_wait3A_175] : memref<2176x2560xi32, #tpu.memory_space<hbm>> -> memref<1x2560xi32, #tpu.memory_space<hbm>>
        %dma_wait3A_177 = tpu.memref_squeeze %dma_wait3A_176 : memref<1x2560xi32, #tpu.memory_space<hbm>> -> memref<2560xi32, #tpu.memory_space<hbm>>
        %dma_wait3A_178 = arith.constant 0 : i32
        %dma_wait3A_179 = tpu.memref_slice %arg3[%dma_wait3A_174, %dma_wait3A_178] : memref<2176x2560xi32, #tpu.memory_space<hbm>> -> memref<1x2560xi32, #tpu.memory_space<hbm>>
        %dma_wait3A_180 = tpu.memref_squeeze %dma_wait3A_179 : memref<1x2560xi32, #tpu.memory_space<hbm>> -> memref<2560xi32, #tpu.memory_space<hbm>>
        tpu.wait_dma2 semaphore(%arg14 : memref<!tpu.dma_semaphore, #tpu.memory_space<semaphore_mem>>) src(%dma_wait3A_180 : memref<2560xi32, #tpu.memory_space<hbm>>) dst(%arg6 : memref<2560xi32, #tpu.memory_space<vmem>>)
        %dma_wait3A_181 = arith.constant 0 : i32
        %dma_wait3A_182 = arith.constant 0 : i32
        %dma_wait3A_183 = tpu.memref_slice %arg4[%dma_wait3A_181, %dma_wait3A_182] : memref<2176x2560xf32, #tpu.memory_space<hbm>> -> memref<1x2560xf32, #tpu.memory_space<hbm>>
        %dma_wait3A_184 = tpu.memref_squeeze %dma_wait3A_183 : memref<1x2560xf32, #tpu.memory_space<hbm>> -> memref<2560xf32, #tpu.memory_space<hbm>>
        %dma_wait3A_185 = arith.constant 0 : i32
        %dma_wait3A_186 = tpu.memref_slice %arg4[%dma_wait3A_181, %dma_wait3A_185] : memref<2176x2560xf32, #tpu.memory_space<hbm>> -> memref<1x2560xf32, #tpu.memory_space<hbm>>
        %dma_wait3A_187 = tpu.memref_squeeze %dma_wait3A_186 : memref<1x2560xf32, #tpu.memory_space<hbm>> -> memref<2560xf32, #tpu.memory_space<hbm>>
        tpu.wait_dma2 semaphore(%arg16 : memref<!tpu.dma_semaphore, #tpu.memory_space<semaphore_mem>>) src(%dma_wait3A_187 : memref<2560xf32, #tpu.memory_space<hbm>>) dst(%arg8 : memref<2560xf32, #tpu.memory_space<vmem>>)
        %dma_start3A_188 = arith.constant 0 : i32
        %dma_start3A_189 = arith.constant 0 : i32
        %dma_start3A_190 = tpu.memref_slice %arg2[%dma_start3A_188, %dma_start3A_189] : memref<87040x32xbf16, #tpu.memory_space<hbm>> -> memref<87040x32xbf16, #tpu.memory_space<hbm>>
        tpu.enqueue_indirect_dma source(%dma_start3A_190 : memref<87040x32xbf16, #tpu.memory_space<hbm>>) target(%arg10 : memref<2560x32xbf16, #tpu.memory_space<vmem>>) offsets(%arg6 : memref<2560xi32, #tpu.memory_space<vmem>>) semaphore(%arg18 : memref<!tpu.dma_semaphore, #tpu.memory_space<semaphore_mem>>)
      } else {
      }
      %dma_wait3A_135 = arith.constant 0 : i32
      %dma_wait3A_136 = arith.constant 0 : i32
      %dma_wait3A_137 = tpu.memref_slice %arg2[%dma_wait3A_135, %dma_wait3A_136] : memref<87040x32xbf16, #tpu.memory_space<hbm>> -> memref<87040x32xbf16, #tpu.memory_space<hbm>>
      tpu.wait_indirect_dma semaphore(%arg19 : memref<!tpu.dma_semaphore, #tpu.memory_space<semaphore_mem>>) src(%dma_wait3A_137 : memref<87040x32xbf16, #tpu.memory_space<hbm>>) dst(%arg11 : memref<2560x32xbf16, #tpu.memory_space<vmem>>)
      %add3A_138 = arith.constant 2 : i32
      %add3A_139 = arith.addi %add3A_127, %add3A_138 : i32
      %lt3A_140 = arith.constant 68 : i32
      %lt3A_141 = arith.cmpi slt, %add3A_139, %lt3A_140 : i32
      %convert_element_type3A_142 = arith.extui %lt3A_141 : i1 to i32
      %cond3A_143 = arith.constant 0 : i32
      %cond3A_144 = arith.cmpi ne, %convert_element_type3A_142, %cond3A_143 : i32
      scf.if %cond3A_144 {
        %add3A_174 = arith.constant 2 : i32
        %add3A_175 = arith.addi %add3A_127, %add3A_174 : i32
        %mul3A_176 = arith.constant 68 : i32
        %mul3A_177 = arith.muli %add3A, %mul3A_176 : i32
        %add3A_178 = arith.addi %mul3A_177, %add3A_175 : i32
        %dma_start3A_179 = arith.constant 0 : i32
        %dma_start3A_180 = tpu.memref_slice %arg3[%add3A_178, %dma_start3A_179] : memref<2176x2560xi32, #tpu.memory_space<hbm>> -> memref<1x2560xi32, #tpu.memory_space<hbm>>
        %dma_start3A_181 = tpu.memref_squeeze %dma_start3A_180 : memref<1x2560xi32, #tpu.memory_space<hbm>> -> memref<2560xi32, #tpu.memory_space<hbm>>
        %dma_start3A_182 = arith.constant 0 : i32
        %dma_start3A_183 = tpu.memref_slice %arg3[%add3A_178, %dma_start3A_182] : memref<2176x2560xi32, #tpu.memory_space<hbm>> -> memref<1x2560xi32, #tpu.memory_space<hbm>>
        %dma_start3A_184 = tpu.memref_squeeze %dma_start3A_183 : memref<1x2560xi32, #tpu.memory_space<hbm>> -> memref<2560xi32, #tpu.memory_space<hbm>>
        tpu.enqueue_dma source(%dma_start3A_184 : memref<2560xi32, #tpu.memory_space<hbm>>) target(%arg7 : memref<2560xi32, #tpu.memory_space<vmem>>) target_semaphore(%arg15 : memref<!tpu.dma_semaphore, #tpu.memory_space<semaphore_mem>>)
      } else {
      }
      %ge3A_145 = arith.constant 2 : i32
      %ge3A_146 = arith.cmpi sge, %add3A_127, %ge3A_145 : i32
      %convert_element_type3A_147 = arith.extui %ge3A_146 : i1 to i32
      %cond3A_148 = arith.constant 0 : i32
      %cond3A_149 = arith.cmpi ne, %convert_element_type3A_147, %cond3A_148 : i32
      scf.if %cond3A_149 {
        %dma_wait3A_174 = arith.constant 0 : i32
        %dma_wait3A_175 = arith.constant 0 : i32
        %dma_wait3A_176 = arith.constant 0 : i32
        %dma_wait3A_177 = tpu.memref_slice %arg5[%dma_wait3A_174, %dma_wait3A_175, %dma_wait3A_176] : memref<87040x2x16xf32, #tpu.memory_space<hbm>> -> memref<40x2x16xf32, #tpu.memory_space<hbm>>
        %dma_wait3A_178 = arith.constant 0 : i32
        %dma_wait3A_179 = arith.constant 0 : i32
        %dma_wait3A_180 = arith.constant 0 : i32
        %dma_wait3A_181 = tpu.memref_slice %arg5[%dma_wait3A_178, %dma_wait3A_179, %dma_wait3A_180] : memref<87040x2x16xf32, #tpu.memory_space<hbm>> -> memref<40x2x16xf32, #tpu.memory_space<hbm>>
        tpu.wait_dma2 semaphore(%arg21 : memref<!tpu.dma_semaphore, #tpu.memory_space<semaphore_mem>>) src(%arg13 : memref<40x2x16xf32, #tpu.memory_space<vmem>>) dst(%dma_wait3A_181 : memref<40x2x16xf32, #tpu.memory_space<hbm>>)
      } else {
      }
      %scan3A_150 = arith.constant 0 : i32
      %scan3A_151 = arith.constant 0 : i32
      %scan3A_152 = arith.constant 40 : i32
      %scan3A_153 = arith.addi %scan3A_151, %scan3A_152 : i32
      %scan3A_154 = arith.constant 1 : i32
      scf.for %scan3A_174 = %scan3A_151 to %scan3A_153 step %scan3A_154  : i32 {
        %broadcast_in_dim3A = arith.constant 0.000000e+00 : f32
        %broadcast_in_dim3A_175 = vector.broadcast %broadcast_in_dim3A : f32 to vector<16xf32>
        %broadcast_in_dim3A_176 = arith.constant 0.000000e+00 : f32
        %broadcast_in_dim3A_177 = vector.broadcast %broadcast_in_dim3A_176 : f32 to vector<16xf32>
        %jit3A = arith.constant 8 : i32
        %div3A = arith.divsi %scan3A_174, %jit3A : i32
        %sign3A = arith.constant 0 : i32
        %sign3A_178 = arith.cmpi sgt, %scan3A_174, %sign3A : i32
        %sign3A_179 = arith.extui %sign3A_178 : i1 to i32
        %sign3A_180 = arith.constant 0 : i32
        %sign3A_181 = arith.cmpi slt, %scan3A_174, %sign3A_180 : i32
        %sign3A_182 = arith.extui %sign3A_181 : i1 to i32
        %sign3A_183 = arith.subi %sign3A_179, %sign3A_182 : i32
        %sign3A_184 = arith.constant 0 : i32
        %sign3A_185 = arith.cmpi sgt, %jit3A, %sign3A_184 : i32
        %sign3A_186 = arith.extui %sign3A_185 : i1 to i32
        %sign3A_187 = arith.constant 0 : i32
        %sign3A_188 = arith.cmpi slt, %jit3A, %sign3A_187 : i32
        %sign3A_189 = arith.extui %sign3A_188 : i1 to i32
        %sign3A_190 = arith.subi %sign3A_186, %sign3A_189 : i32
        %ne3A = arith.cmpi ne, %sign3A_183, %sign3A_190 : i32
        %rem3A = arith.remsi %scan3A_174, %jit3A : i32
        %ne3A_191 = arith.constant 0 : i32
        %ne3A_192 = arith.cmpi ne, %rem3A, %ne3A_191 : i32
        %and3A = arith.andi %ne3A, %ne3A_192 : i1
        %sub3A = arith.constant 1 : i32
        %sub3A_193 = arith.subi %div3A, %sub3A : i32
        %select_n3A = arith.select %and3A, %sub3A_193, %div3A : i32
        %mul3A_194 = arith.constant 512 : i32
        %mul3A_195 = arith.muli %select_n3A, %mul3A_194 : i32
        %jit3A_196 = arith.constant 8 : i32
        %eq3A = arith.constant 0 : i32
        %eq3A_197 = arith.cmpi eq, %jit3A_196, %eq3A : i32
        %jit3A_198 = arith.constant 1 : i32
        %select_n3A_199 = arith.select %eq3A_197, %jit3A_198, %jit3A_196 : i32
        %rem3A_200 = arith.remsi %scan3A_174, %select_n3A_199 : i32
        %ne3A_201 = arith.constant 0 : i32
        %ne3A_202 = arith.cmpi ne, %rem3A_200, %ne3A_201 : i32
        %lt3A_203 = arith.constant 0 : i32
        %lt3A_204 = arith.cmpi slt, %rem3A_200, %lt3A_203 : i32
        %lt3A_205 = arith.constant 0 : i32
        %lt3A_206 = arith.cmpi slt, %select_n3A_199, %lt3A_205 : i32
        %ne3A_207 = arith.xori %lt3A_204, %lt3A_206 : i1
        %and3A_208 = arith.andi %ne3A_207, %ne3A_202 : i1
        %add3A_209 = arith.addi %rem3A_200, %select_n3A_199 : i32
        %select_n3A_210 = arith.select %and3A_208, %add3A_209, %rem3A_200 : i32
        %mul3A_211 = arith.constant 16 : i32
        %mul3A_212 = arith.muli %select_n3A_210, %mul3A_211 : i32
        %add3A_213 = arith.addi %mul3A_195, %mul3A_212 : i32
        %broadcast_in_dim3A_214 = vector.broadcast %add3A_213 : i32 to vector<16xi32>
        %add3A_215 = arith.constant 0 : i32
        %add3A_216 = arith.addi %add3A_213, %add3A_215 : i32
        %add3A_217 = arith.constant 0 : i32
        %add3A_218 = arith.addi %add3A_216, %add3A_217 : i32
        %add3A_219 = arith.constant 0 : i32
        %add3A_220 = vector.broadcast %add3A_219 : i32 to vector<16xi32>
        %add3A_221 = arith.addi %broadcast_in_dim3A_214, %add3A_220 : vector<16xi32>
        %gather3A = tpu.vector_load_idx %arg9[%add3A_221] : memref<2560xf32, #tpu.memory_space<vmem>>[vector<16xi32>], vector<16xf32>,
        %get3A = arith.index_cast %add3A_218 : i32 to index
        %get3A_222 = arith.constant 0 : index
        %get3A_223 = tpu.vector_load %arg11[%get3A, %get3A_222] {strides = array<i32>} : memref<2560x32xbf16, #tpu.memory_space<vmem>>, vector<32xbf16>,
        %unpack3A = tpu.unpack_subelements %get3A_223, 0 {pack_format = #tpu.pack_format<interleaved>} : vector<32xbf16> -> vector<16xf32>
        %unpack3A_224 = tpu.unpack_subelements %get3A_223, 1 {pack_format = #tpu.pack_format<interleaved>} : vector<32xbf16> -> vector<16xf32>
        %mul3A_225 = arith.mulf %gather3A, %unpack3A : vector<16xf32>
        %add3A_226 = arith.addf %broadcast_in_dim3A_175, %mul3A_225 : vector<16xf32>
        %mul3A_227 = arith.mulf %gather3A, %unpack3A_224 : vector<16xf32>
        %add3A_228 = arith.addf %broadcast_in_dim3A_177, %mul3A_227 : vector<16xf32>
        %add3A_229 = arith.constant 0 : i32
        %add3A_230 = arith.addi %add3A_213, %add3A_229 : i32
        %add3A_231 = arith.constant 1 : i32
        %add3A_232 = arith.addi %add3A_230, %add3A_231 : i32
        %add3A_233 = arith.constant 1 : i32
        %add3A_234 = vector.broadcast %add3A_233 : i32 to vector<16xi32>
        %add3A_235 = arith.addi %broadcast_in_dim3A_214, %add3A_234 : vector<16xi32>
        %gather3A_236 = tpu.vector_load_idx %arg9[%add3A_235] : memref<2560xf32, #tpu.memory_space<vmem>>[vector<16xi32>], vector<16xf32>,
        %get3A_237 = arith.index_cast %add3A_232 : i32 to index
        %get3A_238 = arith.constant 0 : index
        %get3A_239 = tpu.vector_load %arg11[%get3A_237, %get3A_238] {strides = array<i32>} : memref<2560x32xbf16, #tpu.memory_space<vmem>>, vector<32xbf16>,
        %unpack3A_240 = tpu.unpack_subelements %get3A_239, 0 {pack_format = #tpu.pack_format<interleaved>} : vector<32xbf16> -> vector<16xf32>
        %unpack3A_241 = tpu.unpack_subelements %get3A_239, 1 {pack_format = #tpu.pack_format<interleaved>} : vector<32xbf16> -> vector<16xf32>
        %mul3A_242 = arith.mulf %gather3A_236, %unpack3A_240 : vector<16xf32>
        %add3A_243 = arith.addf %add3A_226, %mul3A_242 : vector<16xf32>
        %mul3A_244 = arith.mulf %gather3A_236, %unpack3A_241 : vector<16xf32>
        %add3A_245 = arith.addf %add3A_228, %mul3A_244 : vector<16xf32>
        %add3A_246 = arith.constant 0 : i32
        %add3A_247 = arith.addi %add3A_213, %add3A_246 : i32
        %add3A_248 = arith.constant 2 : i32
        %add3A_249 = arith.addi %add3A_247, %add3A_248 : i32
        %add3A_250 = arith.constant 2 : i32
        %add3A_251 = vector.broadcast %add3A_250 : i32 to vector<16xi32>
        %add3A_252 = arith.addi %broadcast_in_dim3A_214, %add3A_251 : vector<16xi32>
        %gather3A_253 = tpu.vector_load_idx %arg9[%add3A_252] : memref<2560xf32, #tpu.memory_space<vmem>>[vector<16xi32>], vector<16xf32>,
        %get3A_254 = arith.index_cast %add3A_249 : i32 to index
        %get3A_255 = arith.constant 0 : index
        %get3A_256 = tpu.vector_load %arg11[%get3A_254, %get3A_255] {strides = array<i32>} : memref<2560x32xbf16, #tpu.memory_space<vmem>>, vector<32xbf16>,
        %unpack3A_257 = tpu.unpack_subelements %get3A_256, 0 {pack_format = #tpu.pack_format<interleaved>} : vector<32xbf16> -> vector<16xf32>
        %unpack3A_258 = tpu.unpack_subelements %get3A_256, 1 {pack_format = #tpu.pack_format<interleaved>} : vector<32xbf16> -> vector<16xf32>
        %mul3A_259 = arith.mulf %gather3A_253, %unpack3A_257 : vector<16xf32>
        %add3A_260 = arith.addf %add3A_243, %mul3A_259 : vector<16xf32>
        %mul3A_261 = arith.mulf %gather3A_253, %unpack3A_258 : vector<16xf32>
        %add3A_262 = arith.addf %add3A_245, %mul3A_261 : vector<16xf32>
        %add3A_263 = arith.constant 0 : i32
        %add3A_264 = arith.addi %add3A_213, %add3A_263 : i32
        %add3A_265 = arith.constant 3 : i32
        %add3A_266 = arith.addi %add3A_264, %add3A_265 : i32
        %add3A_267 = arith.constant 3 : i32
        %add3A_268 = vector.broadcast %add3A_267 : i32 to vector<16xi32>
        %add3A_269 = arith.addi %broadcast_in_dim3A_214, %add3A_268 : vector<16xi32>
        %gather3A_270 = tpu.vector_load_idx %arg9[%add3A_269] : memref<2560xf32, #tpu.memory_space<vmem>>[vector<16xi32>], vector<16xf32>,
        %get3A_271 = arith.index_cast %add3A_266 : i32 to index
        %get3A_272 = arith.constant 0 : index
        %get3A_273 = tpu.vector_load %arg11[%get3A_271, %get3A_272] {strides = array<i32>} : memref<2560x32xbf16, #tpu.memory_space<vmem>>, vector<32xbf16>,
        %unpack3A_274 = tpu.unpack_subelements %get3A_273, 0 {pack_format = #tpu.pack_format<interleaved>} : vector<32xbf16> -> vector<16xf32>
        %unpack3A_275 = tpu.unpack_subelements %get3A_273, 1 {pack_format = #tpu.pack_format<interleaved>} : vector<32xbf16> -> vector<16xf32>
        %mul3A_276 = arith.mulf %gather3A_270, %unpack3A_274 : vector<16xf32>
        %add3A_277 = arith.addf %add3A_260, %mul3A_276 : vector<16xf32>
        %mul3A_278 = arith.mulf %gather3A_270, %unpack3A_275 : vector<16xf32>
        %add3A_279 = arith.addf %add3A_262, %mul3A_278 : vector<16xf32>
        %add3A_280 = arith.constant 0 : i32
        %add3A_281 = arith.addi %add3A_213, %add3A_280 : i32
        %add3A_282 = arith.constant 4 : i32
        %add3A_283 = arith.addi %add3A_281, %add3A_282 : i32
        %add3A_284 = arith.constant 4 : i32
        %add3A_285 = vector.broadcast %add3A_284 : i32 to vector<16xi32>
        %add3A_286 = arith.addi %broadcast_in_dim3A_214, %add3A_285 : vector<16xi32>
        %gather3A_287 = tpu.vector_load_idx %arg9[%add3A_286] : memref<2560xf32, #tpu.memory_space<vmem>>[vector<16xi32>], vector<16xf32>,
        %get3A_288 = arith.index_cast %add3A_283 : i32 to index
        %get3A_289 = arith.constant 0 : index
        %get3A_290 = tpu.vector_load %arg11[%get3A_288, %get3A_289] {strides = array<i32>} : memref<2560x32xbf16, #tpu.memory_space<vmem>>, vector<32xbf16>,
        %unpack3A_291 = tpu.unpack_subelements %get3A_290, 0 {pack_format = #tpu.pack_format<interleaved>} : vector<32xbf16> -> vector<16xf32>
        %unpack3A_292 = tpu.unpack_subelements %get3A_290, 1 {pack_format = #tpu.pack_format<interleaved>} : vector<32xbf16> -> vector<16xf32>
        %mul3A_293 = arith.mulf %gather3A_287, %unpack3A_291 : vector<16xf32>
        %add3A_294 = arith.addf %add3A_277, %mul3A_293 : vector<16xf32>
        %mul3A_295 = arith.mulf %gather3A_287, %unpack3A_292 : vector<16xf32>
        %add3A_296 = arith.addf %add3A_279, %mul3A_295 : vector<16xf32>
        %add3A_297 = arith.constant 0 : i32
        %add3A_298 = arith.addi %add3A_213, %add3A_297 : i32
        %add3A_299 = arith.constant 5 : i32
        %add3A_300 = arith.addi %add3A_298, %add3A_299 : i32
        %add3A_301 = arith.constant 5 : i32
        %add3A_302 = vector.broadcast %add3A_301 : i32 to vector<16xi32>
        %add3A_303 = arith.addi %broadcast_in_dim3A_214, %add3A_302 : vector<16xi32>
        %gather3A_304 = tpu.vector_load_idx %arg9[%add3A_303] : memref<2560xf32, #tpu.memory_space<vmem>>[vector<16xi32>], vector<16xf32>,
        %get3A_305 = arith.index_cast %add3A_300 : i32 to index
        %get3A_306 = arith.constant 0 : index
        %get3A_307 = tpu.vector_load %arg11[%get3A_305, %get3A_306] {strides = array<i32>} : memref<2560x32xbf16, #tpu.memory_space<vmem>>, vector<32xbf16>,
        %unpack3A_308 = tpu.unpack_subelements %get3A_307, 0 {pack_format = #tpu.pack_format<interleaved>} : vector<32xbf16> -> vector<16xf32>
        %unpack3A_309 = tpu.unpack_subelements %get3A_307, 1 {pack_format = #tpu.pack_format<interleaved>} : vector<32xbf16> -> vector<16xf32>
        %mul3A_310 = arith.mulf %gather3A_304, %unpack3A_308 : vector<16xf32>
        %add3A_311 = arith.addf %add3A_294, %mul3A_310 : vector<16xf32>
        %mul3A_312 = arith.mulf %gather3A_304, %unpack3A_309 : vector<16xf32>
        %add3A_313 = arith.addf %add3A_296, %mul3A_312 : vector<16xf32>
        %add3A_314 = arith.constant 0 : i32
        %add3A_315 = arith.addi %add3A_213, %add3A_314 : i32
        %add3A_316 = arith.constant 6 : i32
        %add3A_317 = arith.addi %add3A_315, %add3A_316 : i32
        %add3A_318 = arith.constant 6 : i32
        %add3A_319 = vector.broadcast %add3A_318 : i32 to vector<16xi32>
        %add3A_320 = arith.addi %broadcast_in_dim3A_214, %add3A_319 : vector<16xi32>
        %gather3A_321 = tpu.vector_load_idx %arg9[%add3A_320] : memref<2560xf32, #tpu.memory_space<vmem>>[vector<16xi32>], vector<16xf32>,
        %get3A_322 = arith.index_cast %add3A_317 : i32 to index
        %get3A_323 = arith.constant 0 : index
        %get3A_324 = tpu.vector_load %arg11[%get3A_322, %get3A_323] {strides = array<i32>} : memref<2560x32xbf16, #tpu.memory_space<vmem>>, vector<32xbf16>,
        %unpack3A_325 = tpu.unpack_subelements %get3A_324, 0 {pack_format = #tpu.pack_format<interleaved>} : vector<32xbf16> -> vector<16xf32>
        %unpack3A_326 = tpu.unpack_subelements %get3A_324, 1 {pack_format = #tpu.pack_format<interleaved>} : vector<32xbf16> -> vector<16xf32>
        %mul3A_327 = arith.mulf %gather3A_321, %unpack3A_325 : vector<16xf32>
        %add3A_328 = arith.addf %add3A_311, %mul3A_327 : vector<16xf32>
        %mul3A_329 = arith.mulf %gather3A_321, %unpack3A_326 : vector<16xf32>
        %add3A_330 = arith.addf %add3A_313, %mul3A_329 : vector<16xf32>
        %add3A_331 = arith.constant 0 : i32
        %add3A_332 = arith.addi %add3A_213, %add3A_331 : i32
        %add3A_333 = arith.constant 7 : i32
        %add3A_334 = arith.addi %add3A_332, %add3A_333 : i32
        %add3A_335 = arith.constant 7 : i32
        %add3A_336 = vector.broadcast %add3A_335 : i32 to vector<16xi32>
        %add3A_337 = arith.addi %broadcast_in_dim3A_214, %add3A_336 : vector<16xi32>
        %gather3A_338 = tpu.vector_load_idx %arg9[%add3A_337] : memref<2560xf32, #tpu.memory_space<vmem>>[vector<16xi32>], vector<16xf32>,
        %get3A_339 = arith.index_cast %add3A_334 : i32 to index
        %get3A_340 = arith.constant 0 : index
        %get3A_341 = tpu.vector_load %arg11[%get3A_339, %get3A_340] {strides = array<i32>} : memref<2560x32xbf16, #tpu.memory_space<vmem>>, vector<32xbf16>,
        %unpack3A_342 = tpu.unpack_subelements %get3A_341, 0 {pack_format = #tpu.pack_format<interleaved>} : vector<32xbf16> -> vector<16xf32>
        %unpack3A_343 = tpu.unpack_subelements %get3A_341, 1 {pack_format = #tpu.pack_format<interleaved>} : vector<32xbf16> -> vector<16xf32>
        %mul3A_344 = arith.mulf %gather3A_338, %unpack3A_342 : vector<16xf32>
        %add3A_345 = arith.addf %add3A_328, %mul3A_344 : vector<16xf32>
        %mul3A_346 = arith.mulf %gather3A_338, %unpack3A_343 : vector<16xf32>
        %add3A_347 = arith.addf %add3A_330, %mul3A_346 : vector<16xf32>
        %add3A_348 = arith.constant 0 : i32
        %add3A_349 = arith.addi %add3A_213, %add3A_348 : i32
        %add3A_350 = arith.constant 8 : i32
        %add3A_351 = arith.addi %add3A_349, %add3A_350 : i32
        %add3A_352 = arith.constant 8 : i32
        %add3A_353 = vector.broadcast %add3A_352 : i32 to vector<16xi32>
        %add3A_354 = arith.addi %broadcast_in_dim3A_214, %add3A_353 : vector<16xi32>
        %gather3A_355 = tpu.vector_load_idx %arg9[%add3A_354] : memref<2560xf32, #tpu.memory_space<vmem>>[vector<16xi32>], vector<16xf32>,
        %get3A_356 = arith.index_cast %add3A_351 : i32 to index
        %get3A_357 = arith.constant 0 : index
        %get3A_358 = tpu.vector_load %arg11[%get3A_356, %get3A_357] {strides = array<i32>} : memref<2560x32xbf16, #tpu.memory_space<vmem>>, vector<32xbf16>,
        %unpack3A_359 = tpu.unpack_subelements %get3A_358, 0 {pack_format = #tpu.pack_format<interleaved>} : vector<32xbf16> -> vector<16xf32>
        %unpack3A_360 = tpu.unpack_subelements %get3A_358, 1 {pack_format = #tpu.pack_format<interleaved>} : vector<32xbf16> -> vector<16xf32>
        %mul3A_361 = arith.mulf %gather3A_355, %unpack3A_359 : vector<16xf32>
        %add3A_362 = arith.addf %add3A_345, %mul3A_361 : vector<16xf32>
        %mul3A_363 = arith.mulf %gather3A_355, %unpack3A_360 : vector<16xf32>
        %add3A_364 = arith.addf %add3A_347, %mul3A_363 : vector<16xf32>
        %add3A_365 = arith.constant 0 : i32
        %add3A_366 = arith.addi %add3A_213, %add3A_365 : i32
        %add3A_367 = arith.constant 9 : i32
        %add3A_368 = arith.addi %add3A_366, %add3A_367 : i32
        %add3A_369 = arith.constant 9 : i32
        %add3A_370 = vector.broadcast %add3A_369 : i32 to vector<16xi32>
        %add3A_371 = arith.addi %broadcast_in_dim3A_214, %add3A_370 : vector<16xi32>
        %gather3A_372 = tpu.vector_load_idx %arg9[%add3A_371] : memref<2560xf32, #tpu.memory_space<vmem>>[vector<16xi32>], vector<16xf32>,
        %get3A_373 = arith.index_cast %add3A_368 : i32 to index
        %get3A_374 = arith.constant 0 : index
        %get3A_375 = tpu.vector_load %arg11[%get3A_373, %get3A_374] {strides = array<i32>} : memref<2560x32xbf16, #tpu.memory_space<vmem>>, vector<32xbf16>,
        %unpack3A_376 = tpu.unpack_subelements %get3A_375, 0 {pack_format = #tpu.pack_format<interleaved>} : vector<32xbf16> -> vector<16xf32>
        %unpack3A_377 = tpu.unpack_subelements %get3A_375, 1 {pack_format = #tpu.pack_format<interleaved>} : vector<32xbf16> -> vector<16xf32>
        %mul3A_378 = arith.mulf %gather3A_372, %unpack3A_376 : vector<16xf32>
        %add3A_379 = arith.addf %add3A_362, %mul3A_378 : vector<16xf32>
        %mul3A_380 = arith.mulf %gather3A_372, %unpack3A_377 : vector<16xf32>
        %add3A_381 = arith.addf %add3A_364, %mul3A_380 : vector<16xf32>
        %add3A_382 = arith.constant 0 : i32
        %add3A_383 = arith.addi %add3A_213, %add3A_382 : i32
        %add3A_384 = arith.constant 10 : i32
        %add3A_385 = arith.addi %add3A_383, %add3A_384 : i32
        %add3A_386 = arith.constant 10 : i32
        %add3A_387 = vector.broadcast %add3A_386 : i32 to vector<16xi32>
        %add3A_388 = arith.addi %broadcast_in_dim3A_214, %add3A_387 : vector<16xi32>
        %gather3A_389 = tpu.vector_load_idx %arg9[%add3A_388] : memref<2560xf32, #tpu.memory_space<vmem>>[vector<16xi32>], vector<16xf32>,
        %get3A_390 = arith.index_cast %add3A_385 : i32 to index
        %get3A_391 = arith.constant 0 : index
        %get3A_392 = tpu.vector_load %arg11[%get3A_390, %get3A_391] {strides = array<i32>} : memref<2560x32xbf16, #tpu.memory_space<vmem>>, vector<32xbf16>,
        %unpack3A_393 = tpu.unpack_subelements %get3A_392, 0 {pack_format = #tpu.pack_format<interleaved>} : vector<32xbf16> -> vector<16xf32>
        %unpack3A_394 = tpu.unpack_subelements %get3A_392, 1 {pack_format = #tpu.pack_format<interleaved>} : vector<32xbf16> -> vector<16xf32>
        %mul3A_395 = arith.mulf %gather3A_389, %unpack3A_393 : vector<16xf32>
        %add3A_396 = arith.addf %add3A_379, %mul3A_395 : vector<16xf32>
        %mul3A_397 = arith.mulf %gather3A_389, %unpack3A_394 : vector<16xf32>
        %add3A_398 = arith.addf %add3A_381, %mul3A_397 : vector<16xf32>
        %add3A_399 = arith.constant 0 : i32
        %add3A_400 = arith.addi %add3A_213, %add3A_399 : i32
        %add3A_401 = arith.constant 11 : i32
        %add3A_402 = arith.addi %add3A_400, %add3A_401 : i32
        %add3A_403 = arith.constant 11 : i32
        %add3A_404 = vector.broadcast %add3A_403 : i32 to vector<16xi32>
        %add3A_405 = arith.addi %broadcast_in_dim3A_214, %add3A_404 : vector<16xi32>
        %gather3A_406 = tpu.vector_load_idx %arg9[%add3A_405] : memref<2560xf32, #tpu.memory_space<vmem>>[vector<16xi32>], vector<16xf32>,
        %get3A_407 = arith.index_cast %add3A_402 : i32 to index
        %get3A_408 = arith.constant 0 : index
        %get3A_409 = tpu.vector_load %arg11[%get3A_407, %get3A_408] {strides = array<i32>} : memref<2560x32xbf16, #tpu.memory_space<vmem>>, vector<32xbf16>,
        %unpack3A_410 = tpu.unpack_subelements %get3A_409, 0 {pack_format = #tpu.pack_format<interleaved>} : vector<32xbf16> -> vector<16xf32>
        %unpack3A_411 = tpu.unpack_subelements %get3A_409, 1 {pack_format = #tpu.pack_format<interleaved>} : vector<32xbf16> -> vector<16xf32>
        %mul3A_412 = arith.mulf %gather3A_406, %unpack3A_410 : vector<16xf32>
        %add3A_413 = arith.addf %add3A_396, %mul3A_412 : vector<16xf32>
        %mul3A_414 = arith.mulf %gather3A_406, %unpack3A_411 : vector<16xf32>
        %add3A_415 = arith.addf %add3A_398, %mul3A_414 : vector<16xf32>
        %add3A_416 = arith.constant 0 : i32
        %add3A_417 = arith.addi %add3A_213, %add3A_416 : i32
        %add3A_418 = arith.constant 12 : i32
        %add3A_419 = arith.addi %add3A_417, %add3A_418 : i32
        %add3A_420 = arith.constant 12 : i32
        %add3A_421 = vector.broadcast %add3A_420 : i32 to vector<16xi32>
        %add3A_422 = arith.addi %broadcast_in_dim3A_214, %add3A_421 : vector<16xi32>
        %gather3A_423 = tpu.vector_load_idx %arg9[%add3A_422] : memref<2560xf32, #tpu.memory_space<vmem>>[vector<16xi32>], vector<16xf32>,
        %get3A_424 = arith.index_cast %add3A_419 : i32 to index
        %get3A_425 = arith.constant 0 : index
        %get3A_426 = tpu.vector_load %arg11[%get3A_424, %get3A_425] {strides = array<i32>} : memref<2560x32xbf16, #tpu.memory_space<vmem>>, vector<32xbf16>,
        %unpack3A_427 = tpu.unpack_subelements %get3A_426, 0 {pack_format = #tpu.pack_format<interleaved>} : vector<32xbf16> -> vector<16xf32>
        %unpack3A_428 = tpu.unpack_subelements %get3A_426, 1 {pack_format = #tpu.pack_format<interleaved>} : vector<32xbf16> -> vector<16xf32>
        %mul3A_429 = arith.mulf %gather3A_423, %unpack3A_427 : vector<16xf32>
        %add3A_430 = arith.addf %add3A_413, %mul3A_429 : vector<16xf32>
        %mul3A_431 = arith.mulf %gather3A_423, %unpack3A_428 : vector<16xf32>
        %add3A_432 = arith.addf %add3A_415, %mul3A_431 : vector<16xf32>
        %add3A_433 = arith.constant 0 : i32
        %add3A_434 = arith.addi %add3A_213, %add3A_433 : i32
        %add3A_435 = arith.constant 13 : i32
        %add3A_436 = arith.addi %add3A_434, %add3A_435 : i32
        %add3A_437 = arith.constant 13 : i32
        %add3A_438 = vector.broadcast %add3A_437 : i32 to vector<16xi32>
        %add3A_439 = arith.addi %broadcast_in_dim3A_214, %add3A_438 : vector<16xi32>
        %gather3A_440 = tpu.vector_load_idx %arg9[%add3A_439] : memref<2560xf32, #tpu.memory_space<vmem>>[vector<16xi32>], vector<16xf32>,
        %get3A_441 = arith.index_cast %add3A_436 : i32 to index
        %get3A_442 = arith.constant 0 : index
        %get3A_443 = tpu.vector_load %arg11[%get3A_441, %get3A_442] {strides = array<i32>} : memref<2560x32xbf16, #tpu.memory_space<vmem>>, vector<32xbf16>,
        %unpack3A_444 = tpu.unpack_subelements %get3A_443, 0 {pack_format = #tpu.pack_format<interleaved>} : vector<32xbf16> -> vector<16xf32>
        %unpack3A_445 = tpu.unpack_subelements %get3A_443, 1 {pack_format = #tpu.pack_format<interleaved>} : vector<32xbf16> -> vector<16xf32>
        %mul3A_446 = arith.mulf %gather3A_440, %unpack3A_444 : vector<16xf32>
        %add3A_447 = arith.addf %add3A_430, %mul3A_446 : vector<16xf32>
        %mul3A_448 = arith.mulf %gather3A_440, %unpack3A_445 : vector<16xf32>
        %add3A_449 = arith.addf %add3A_432, %mul3A_448 : vector<16xf32>
        %add3A_450 = arith.constant 0 : i32
        %add3A_451 = arith.addi %add3A_213, %add3A_450 : i32
        %add3A_452 = arith.constant 14 : i32
        %add3A_453 = arith.addi %add3A_451, %add3A_452 : i32
        %add3A_454 = arith.constant 14 : i32
        %add3A_455 = vector.broadcast %add3A_454 : i32 to vector<16xi32>
        %add3A_456 = arith.addi %broadcast_in_dim3A_214, %add3A_455 : vector<16xi32>
        %gather3A_457 = tpu.vector_load_idx %arg9[%add3A_456] : memref<2560xf32, #tpu.memory_space<vmem>>[vector<16xi32>], vector<16xf32>,
        %get3A_458 = arith.index_cast %add3A_453 : i32 to index
        %get3A_459 = arith.constant 0 : index
        %get3A_460 = tpu.vector_load %arg11[%get3A_458, %get3A_459] {strides = array<i32>} : memref<2560x32xbf16, #tpu.memory_space<vmem>>, vector<32xbf16>,
        %unpack3A_461 = tpu.unpack_subelements %get3A_460, 0 {pack_format = #tpu.pack_format<interleaved>} : vector<32xbf16> -> vector<16xf32>
        %unpack3A_462 = tpu.unpack_subelements %get3A_460, 1 {pack_format = #tpu.pack_format<interleaved>} : vector<32xbf16> -> vector<16xf32>
        %mul3A_463 = arith.mulf %gather3A_457, %unpack3A_461 : vector<16xf32>
        %add3A_464 = arith.addf %add3A_447, %mul3A_463 : vector<16xf32>
        %mul3A_465 = arith.mulf %gather3A_457, %unpack3A_462 : vector<16xf32>
        %add3A_466 = arith.addf %add3A_449, %mul3A_465 : vector<16xf32>
        %add3A_467 = arith.constant 0 : i32
        %add3A_468 = arith.addi %add3A_213, %add3A_467 : i32
        %add3A_469 = arith.constant 15 : i32
        %add3A_470 = arith.addi %add3A_468, %add3A_469 : i32
        %add3A_471 = arith.constant 15 : i32
        %add3A_472 = vector.broadcast %add3A_471 : i32 to vector<16xi32>
        %add3A_473 = arith.addi %broadcast_in_dim3A_214, %add3A_472 : vector<16xi32>
        %gather3A_474 = tpu.vector_load_idx %arg9[%add3A_473] : memref<2560xf32, #tpu.memory_space<vmem>>[vector<16xi32>], vector<16xf32>,
        %get3A_475 = arith.index_cast %add3A_470 : i32 to index
        %get3A_476 = arith.constant 0 : index
        %get3A_477 = tpu.vector_load %arg11[%get3A_475, %get3A_476] {strides = array<i32>} : memref<2560x32xbf16, #tpu.memory_space<vmem>>, vector<32xbf16>,
        %unpack3A_478 = tpu.unpack_subelements %get3A_477, 0 {pack_format = #tpu.pack_format<interleaved>} : vector<32xbf16> -> vector<16xf32>
        %unpack3A_479 = tpu.unpack_subelements %get3A_477, 1 {pack_format = #tpu.pack_format<interleaved>} : vector<32xbf16> -> vector<16xf32>
        %mul3A_480 = arith.mulf %gather3A_474, %unpack3A_478 : vector<16xf32>
        %add3A_481 = arith.addf %add3A_464, %mul3A_480 : vector<16xf32>
        %mul3A_482 = arith.mulf %gather3A_474, %unpack3A_479 : vector<16xf32>
        %add3A_483 = arith.addf %add3A_466, %mul3A_482 : vector<16xf32>
        %add3A_484 = arith.constant 128 : i32
        %add3A_485 = arith.addi %add3A_213, %add3A_484 : i32
        %add3A_486 = arith.constant 0 : i32
        %add3A_487 = arith.addi %add3A_485, %add3A_486 : i32
        %add3A_488 = arith.constant 128 : i32
        %add3A_489 = vector.broadcast %add3A_488 : i32 to vector<16xi32>
        %add3A_490 = arith.addi %broadcast_in_dim3A_214, %add3A_489 : vector<16xi32>
        %gather3A_491 = tpu.vector_load_idx %arg9[%add3A_490] : memref<2560xf32, #tpu.memory_space<vmem>>[vector<16xi32>], vector<16xf32>,
        %get3A_492 = arith.index_cast %add3A_487 : i32 to index
        %get3A_493 = arith.constant 0 : index
        %get3A_494 = tpu.vector_load %arg11[%get3A_492, %get3A_493] {strides = array<i32>} : memref<2560x32xbf16, #tpu.memory_space<vmem>>, vector<32xbf16>,
        %unpack3A_495 = tpu.unpack_subelements %get3A_494, 0 {pack_format = #tpu.pack_format<interleaved>} : vector<32xbf16> -> vector<16xf32>
        %unpack3A_496 = tpu.unpack_subelements %get3A_494, 1 {pack_format = #tpu.pack_format<interleaved>} : vector<32xbf16> -> vector<16xf32>
        %mul3A_497 = arith.mulf %gather3A_491, %unpack3A_495 : vector<16xf32>
        %add3A_498 = arith.addf %add3A_481, %mul3A_497 : vector<16xf32>
        %mul3A_499 = arith.mulf %gather3A_491, %unpack3A_496 : vector<16xf32>
        %add3A_500 = arith.addf %add3A_483, %mul3A_499 : vector<16xf32>
        %add3A_501 = arith.constant 128 : i32
        %add3A_502 = arith.addi %add3A_213, %add3A_501 : i32
        %add3A_503 = arith.constant 1 : i32
        %add3A_504 = arith.addi %add3A_502, %add3A_503 : i32
        %add3A_505 = arith.constant 129 : i32
        %add3A_506 = vector.broadcast %add3A_505 : i32 to vector<16xi32>
        %add3A_507 = arith.addi %broadcast_in_dim3A_214, %add3A_506 : vector<16xi32>
        %gather3A_508 = tpu.vector_load_idx %arg9[%add3A_507] : memref<2560xf32, #tpu.memory_space<vmem>>[vector<16xi32>], vector<16xf32>,
        %get3A_509 = arith.index_cast %add3A_504 : i32 to index
        %get3A_510 = arith.constant 0 : index
        %get3A_511 = tpu.vector_load %arg11[%get3A_509, %get3A_510] {strides = array<i32>} : memref<2560x32xbf16, #tpu.memory_space<vmem>>, vector<32xbf16>,
        %unpack3A_512 = tpu.unpack_subelements %get3A_511, 0 {pack_format = #tpu.pack_format<interleaved>} : vector<32xbf16> -> vector<16xf32>
        %unpack3A_513 = tpu.unpack_subelements %get3A_511, 1 {pack_format = #tpu.pack_format<interleaved>} : vector<32xbf16> -> vector<16xf32>
        %mul3A_514 = arith.mulf %gather3A_508, %unpack3A_512 : vector<16xf32>
        %add3A_515 = arith.addf %add3A_498, %mul3A_514 : vector<16xf32>
        %mul3A_516 = arith.mulf %gather3A_508, %unpack3A_513 : vector<16xf32>
        %add3A_517 = arith.addf %add3A_500, %mul3A_516 : vector<16xf32>
        %add3A_518 = arith.constant 128 : i32
        %add3A_519 = arith.addi %add3A_213, %add3A_518 : i32
        %add3A_520 = arith.constant 2 : i32
        %add3A_521 = arith.addi %add3A_519, %add3A_520 : i32
        %add3A_522 = arith.constant 130 : i32
        %add3A_523 = vector.broadcast %add3A_522 : i32 to vector<16xi32>
        %add3A_524 = arith.addi %broadcast_in_dim3A_214, %add3A_523 : vector<16xi32>
        %gather3A_525 = tpu.vector_load_idx %arg9[%add3A_524] : memref<2560xf32, #tpu.memory_space<vmem>>[vector<16xi32>], vector<16xf32>,
        %get3A_526 = arith.index_cast %add3A_521 : i32 to index
        %get3A_527 = arith.constant 0 : index
        %get3A_528 = tpu.vector_load %arg11[%get3A_526, %get3A_527] {strides = array<i32>} : memref<2560x32xbf16, #tpu.memory_space<vmem>>, vector<32xbf16>,
        %unpack3A_529 = tpu.unpack_subelements %get3A_528, 0 {pack_format = #tpu.pack_format<interleaved>} : vector<32xbf16> -> vector<16xf32>
        %unpack3A_530 = tpu.unpack_subelements %get3A_528, 1 {pack_format = #tpu.pack_format<interleaved>} : vector<32xbf16> -> vector<16xf32>
        %mul3A_531 = arith.mulf %gather3A_525, %unpack3A_529 : vector<16xf32>
        %add3A_532 = arith.addf %add3A_515, %mul3A_531 : vector<16xf32>
        %mul3A_533 = arith.mulf %gather3A_525, %unpack3A_530 : vector<16xf32>
        %add3A_534 = arith.addf %add3A_517, %mul3A_533 : vector<16xf32>
        %add3A_535 = arith.constant 128 : i32
        %add3A_536 = arith.addi %add3A_213, %add3A_535 : i32
        %add3A_537 = arith.constant 3 : i32
        %add3A_538 = arith.addi %add3A_536, %add3A_537 : i32
        %add3A_539 = arith.constant 131 : i32
        %add3A_540 = vector.broadcast %add3A_539 : i32 to vector<16xi32>
        %add3A_541 = arith.addi %broadcast_in_dim3A_214, %add3A_540 : vector<16xi32>
        %gather3A_542 = tpu.vector_load_idx %arg9[%add3A_541] : memref<2560xf32, #tpu.memory_space<vmem>>[vector<16xi32>], vector<16xf32>,
        %get3A_543 = arith.index_cast %add3A_538 : i32 to index
        %get3A_544 = arith.constant 0 : index
        %get3A_545 = tpu.vector_load %arg11[%get3A_543, %get3A_544] {strides = array<i32>} : memref<2560x32xbf16, #tpu.memory_space<vmem>>, vector<32xbf16>,
        %unpack3A_546 = tpu.unpack_subelements %get3A_545, 0 {pack_format = #tpu.pack_format<interleaved>} : vector<32xbf16> -> vector<16xf32>
        %unpack3A_547 = tpu.unpack_subelements %get3A_545, 1 {pack_format = #tpu.pack_format<interleaved>} : vector<32xbf16> -> vector<16xf32>
        %mul3A_548 = arith.mulf %gather3A_542, %unpack3A_546 : vector<16xf32>
        %add3A_549 = arith.addf %add3A_532, %mul3A_548 : vector<16xf32>
        %mul3A_550 = arith.mulf %gather3A_542, %unpack3A_547 : vector<16xf32>
        %add3A_551 = arith.addf %add3A_534, %mul3A_550 : vector<16xf32>
        %add3A_552 = arith.constant 128 : i32
        %add3A_553 = arith.addi %add3A_213, %add3A_552 : i32
        %add3A_554 = arith.constant 4 : i32
        %add3A_555 = arith.addi %add3A_553, %add3A_554 : i32
        %add3A_556 = arith.constant 132 : i32
        %add3A_557 = vector.broadcast %add3A_556 : i32 to vector<16xi32>
        %add3A_558 = arith.addi %broadcast_in_dim3A_214, %add3A_557 : vector<16xi32>
        %gather3A_559 = tpu.vector_load_idx %arg9[%add3A_558] : memref<2560xf32, #tpu.memory_space<vmem>>[vector<16xi32>], vector<16xf32>,
        %get3A_560 = arith.index_cast %add3A_555 : i32 to index
        %get3A_561 = arith.constant 0 : index
        %get3A_562 = tpu.vector_load %arg11[%get3A_560, %get3A_561] {strides = array<i32>} : memref<2560x32xbf16, #tpu.memory_space<vmem>>, vector<32xbf16>,
        %unpack3A_563 = tpu.unpack_subelements %get3A_562, 0 {pack_format = #tpu.pack_format<interleaved>} : vector<32xbf16> -> vector<16xf32>
        %unpack3A_564 = tpu.unpack_subelements %get3A_562, 1 {pack_format = #tpu.pack_format<interleaved>} : vector<32xbf16> -> vector<16xf32>
        %mul3A_565 = arith.mulf %gather3A_559, %unpack3A_563 : vector<16xf32>
        %add3A_566 = arith.addf %add3A_549, %mul3A_565 : vector<16xf32>
        %mul3A_567 = arith.mulf %gather3A_559, %unpack3A_564 : vector<16xf32>
        %add3A_568 = arith.addf %add3A_551, %mul3A_567 : vector<16xf32>
        %add3A_569 = arith.constant 128 : i32
        %add3A_570 = arith.addi %add3A_213, %add3A_569 : i32
        %add3A_571 = arith.constant 5 : i32
        %add3A_572 = arith.addi %add3A_570, %add3A_571 : i32
        %add3A_573 = arith.constant 133 : i32
        %add3A_574 = vector.broadcast %add3A_573 : i32 to vector<16xi32>
        %add3A_575 = arith.addi %broadcast_in_dim3A_214, %add3A_574 : vector<16xi32>
        %gather3A_576 = tpu.vector_load_idx %arg9[%add3A_575] : memref<2560xf32, #tpu.memory_space<vmem>>[vector<16xi32>], vector<16xf32>,
        %get3A_577 = arith.index_cast %add3A_572 : i32 to index
        %get3A_578 = arith.constant 0 : index
        %get3A_579 = tpu.vector_load %arg11[%get3A_577, %get3A_578] {strides = array<i32>} : memref<2560x32xbf16, #tpu.memory_space<vmem>>, vector<32xbf16>,
        %unpack3A_580 = tpu.unpack_subelements %get3A_579, 0 {pack_format = #tpu.pack_format<interleaved>} : vector<32xbf16> -> vector<16xf32>
        %unpack3A_581 = tpu.unpack_subelements %get3A_579, 1 {pack_format = #tpu.pack_format<interleaved>} : vector<32xbf16> -> vector<16xf32>
        %mul3A_582 = arith.mulf %gather3A_576, %unpack3A_580 : vector<16xf32>
        %add3A_583 = arith.addf %add3A_566, %mul3A_582 : vector<16xf32>
        %mul3A_584 = arith.mulf %gather3A_576, %unpack3A_581 : vector<16xf32>
        %add3A_585 = arith.addf %add3A_568, %mul3A_584 : vector<16xf32>
        %add3A_586 = arith.constant 128 : i32
        %add3A_587 = arith.addi %add3A_213, %add3A_586 : i32
        %add3A_588 = arith.constant 6 : i32
        %add3A_589 = arith.addi %add3A_587, %add3A_588 : i32
        %add3A_590 = arith.constant 134 : i32
        %add3A_591 = vector.broadcast %add3A_590 : i32 to vector<16xi32>
        %add3A_592 = arith.addi %broadcast_in_dim3A_214, %add3A_591 : vector<16xi32>
        %gather3A_593 = tpu.vector_load_idx %arg9[%add3A_592] : memref<2560xf32, #tpu.memory_space<vmem>>[vector<16xi32>], vector<16xf32>,
        %get3A_594 = arith.index_cast %add3A_589 : i32 to index
        %get3A_595 = arith.constant 0 : index
        %get3A_596 = tpu.vector_load %arg11[%get3A_594, %get3A_595] {strides = array<i32>} : memref<2560x32xbf16, #tpu.memory_space<vmem>>, vector<32xbf16>,
        %unpack3A_597 = tpu.unpack_subelements %get3A_596, 0 {pack_format = #tpu.pack_format<interleaved>} : vector<32xbf16> -> vector<16xf32>
        %unpack3A_598 = tpu.unpack_subelements %get3A_596, 1 {pack_format = #tpu.pack_format<interleaved>} : vector<32xbf16> -> vector<16xf32>
        %mul3A_599 = arith.mulf %gather3A_593, %unpack3A_597 : vector<16xf32>
        %add3A_600 = arith.addf %add3A_583, %mul3A_599 : vector<16xf32>
        %mul3A_601 = arith.mulf %gather3A_593, %unpack3A_598 : vector<16xf32>
        %add3A_602 = arith.addf %add3A_585, %mul3A_601 : vector<16xf32>
        %add3A_603 = arith.constant 128 : i32
        %add3A_604 = arith.addi %add3A_213, %add3A_603 : i32
        %add3A_605 = arith.constant 7 : i32
        %add3A_606 = arith.addi %add3A_604, %add3A_605 : i32
        %add3A_607 = arith.constant 135 : i32
        %add3A_608 = vector.broadcast %add3A_607 : i32 to vector<16xi32>
        %add3A_609 = arith.addi %broadcast_in_dim3A_214, %add3A_608 : vector<16xi32>
        %gather3A_610 = tpu.vector_load_idx %arg9[%add3A_609] : memref<2560xf32, #tpu.memory_space<vmem>>[vector<16xi32>], vector<16xf32>,
        %get3A_611 = arith.index_cast %add3A_606 : i32 to index
        %get3A_612 = arith.constant 0 : index
        %get3A_613 = tpu.vector_load %arg11[%get3A_611, %get3A_612] {strides = array<i32>} : memref<2560x32xbf16, #tpu.memory_space<vmem>>, vector<32xbf16>,
        %unpack3A_614 = tpu.unpack_subelements %get3A_613, 0 {pack_format = #tpu.pack_format<interleaved>} : vector<32xbf16> -> vector<16xf32>
        %unpack3A_615 = tpu.unpack_subelements %get3A_613, 1 {pack_format = #tpu.pack_format<interleaved>} : vector<32xbf16> -> vector<16xf32>
        %mul3A_616 = arith.mulf %gather3A_610, %unpack3A_614 : vector<16xf32>
        %add3A_617 = arith.addf %add3A_600, %mul3A_616 : vector<16xf32>
        %mul3A_618 = arith.mulf %gather3A_610, %unpack3A_615 : vector<16xf32>
        %add3A_619 = arith.addf %add3A_602, %mul3A_618 : vector<16xf32>
        %add3A_620 = arith.constant 128 : i32
        %add3A_621 = arith.addi %add3A_213, %add3A_620 : i32
        %add3A_622 = arith.constant 8 : i32
        %add3A_623 = arith.addi %add3A_621, %add3A_622 : i32
        %add3A_624 = arith.constant 136 : i32
        %add3A_625 = vector.broadcast %add3A_624 : i32 to vector<16xi32>
        %add3A_626 = arith.addi %broadcast_in_dim3A_214, %add3A_625 : vector<16xi32>
        %gather3A_627 = tpu.vector_load_idx %arg9[%add3A_626] : memref<2560xf32, #tpu.memory_space<vmem>>[vector<16xi32>], vector<16xf32>,
        %get3A_628 = arith.index_cast %add3A_623 : i32 to index
        %get3A_629 = arith.constant 0 : index
        %get3A_630 = tpu.vector_load %arg11[%get3A_628, %get3A_629] {strides = array<i32>} : memref<2560x32xbf16, #tpu.memory_space<vmem>>, vector<32xbf16>,
        %unpack3A_631 = tpu.unpack_subelements %get3A_630, 0 {pack_format = #tpu.pack_format<interleaved>} : vector<32xbf16> -> vector<16xf32>
        %unpack3A_632 = tpu.unpack_subelements %get3A_630, 1 {pack_format = #tpu.pack_format<interleaved>} : vector<32xbf16> -> vector<16xf32>
        %mul3A_633 = arith.mulf %gather3A_627, %unpack3A_631 : vector<16xf32>
        %add3A_634 = arith.addf %add3A_617, %mul3A_633 : vector<16xf32>
        %mul3A_635 = arith.mulf %gather3A_627, %unpack3A_632 : vector<16xf32>
        %add3A_636 = arith.addf %add3A_619, %mul3A_635 : vector<16xf32>
        %add3A_637 = arith.constant 128 : i32
        %add3A_638 = arith.addi %add3A_213, %add3A_637 : i32
        %add3A_639 = arith.constant 9 : i32
        %add3A_640 = arith.addi %add3A_638, %add3A_639 : i32
        %add3A_641 = arith.constant 137 : i32
        %add3A_642 = vector.broadcast %add3A_641 : i32 to vector<16xi32>
        %add3A_643 = arith.addi %broadcast_in_dim3A_214, %add3A_642 : vector<16xi32>
        %gather3A_644 = tpu.vector_load_idx %arg9[%add3A_643] : memref<2560xf32, #tpu.memory_space<vmem>>[vector<16xi32>], vector<16xf32>,
        %get3A_645 = arith.index_cast %add3A_640 : i32 to index
        %get3A_646 = arith.constant 0 : index
        %get3A_647 = tpu.vector_load %arg11[%get3A_645, %get3A_646] {strides = array<i32>} : memref<2560x32xbf16, #tpu.memory_space<vmem>>, vector<32xbf16>,
        %unpack3A_648 = tpu.unpack_subelements %get3A_647, 0 {pack_format = #tpu.pack_format<interleaved>} : vector<32xbf16> -> vector<16xf32>
        %unpack3A_649 = tpu.unpack_subelements %get3A_647, 1 {pack_format = #tpu.pack_format<interleaved>} : vector<32xbf16> -> vector<16xf32>
        %mul3A_650 = arith.mulf %gather3A_644, %unpack3A_648 : vector<16xf32>
        %add3A_651 = arith.addf %add3A_634, %mul3A_650 : vector<16xf32>
        %mul3A_652 = arith.mulf %gather3A_644, %unpack3A_649 : vector<16xf32>
        %add3A_653 = arith.addf %add3A_636, %mul3A_652 : vector<16xf32>
        %add3A_654 = arith.constant 128 : i32
        %add3A_655 = arith.addi %add3A_213, %add3A_654 : i32
        %add3A_656 = arith.constant 10 : i32
        %add3A_657 = arith.addi %add3A_655, %add3A_656 : i32
        %add3A_658 = arith.constant 138 : i32
        %add3A_659 = vector.broadcast %add3A_658 : i32 to vector<16xi32>
        %add3A_660 = arith.addi %broadcast_in_dim3A_214, %add3A_659 : vector<16xi32>
        %gather3A_661 = tpu.vector_load_idx %arg9[%add3A_660] : memref<2560xf32, #tpu.memory_space<vmem>>[vector<16xi32>], vector<16xf32>,
        %get3A_662 = arith.index_cast %add3A_657 : i32 to index
        %get3A_663 = arith.constant 0 : index
        %get3A_664 = tpu.vector_load %arg11[%get3A_662, %get3A_663] {strides = array<i32>} : memref<2560x32xbf16, #tpu.memory_space<vmem>>, vector<32xbf16>,
        %unpack3A_665 = tpu.unpack_subelements %get3A_664, 0 {pack_format = #tpu.pack_format<interleaved>} : vector<32xbf16> -> vector<16xf32>
        %unpack3A_666 = tpu.unpack_subelements %get3A_664, 1 {pack_format = #tpu.pack_format<interleaved>} : vector<32xbf16> -> vector<16xf32>
        %mul3A_667 = arith.mulf %gather3A_661, %unpack3A_665 : vector<16xf32>
        %add3A_668 = arith.addf %add3A_651, %mul3A_667 : vector<16xf32>
        %mul3A_669 = arith.mulf %gather3A_661, %unpack3A_666 : vector<16xf32>
        %add3A_670 = arith.addf %add3A_653, %mul3A_669 : vector<16xf32>
        %add3A_671 = arith.constant 128 : i32
        %add3A_672 = arith.addi %add3A_213, %add3A_671 : i32
        %add3A_673 = arith.constant 11 : i32
        %add3A_674 = arith.addi %add3A_672, %add3A_673 : i32
        %add3A_675 = arith.constant 139 : i32
        %add3A_676 = vector.broadcast %add3A_675 : i32 to vector<16xi32>
        %add3A_677 = arith.addi %broadcast_in_dim3A_214, %add3A_676 : vector<16xi32>
        %gather3A_678 = tpu.vector_load_idx %arg9[%add3A_677] : memref<2560xf32, #tpu.memory_space<vmem>>[vector<16xi32>], vector<16xf32>,
        %get3A_679 = arith.index_cast %add3A_674 : i32 to index
        %get3A_680 = arith.constant 0 : index
        %get3A_681 = tpu.vector_load %arg11[%get3A_679, %get3A_680] {strides = array<i32>} : memref<2560x32xbf16, #tpu.memory_space<vmem>>, vector<32xbf16>,
        %unpack3A_682 = tpu.unpack_subelements %get3A_681, 0 {pack_format = #tpu.pack_format<interleaved>} : vector<32xbf16> -> vector<16xf32>
        %unpack3A_683 = tpu.unpack_subelements %get3A_681, 1 {pack_format = #tpu.pack_format<interleaved>} : vector<32xbf16> -> vector<16xf32>
        %mul3A_684 = arith.mulf %gather3A_678, %unpack3A_682 : vector<16xf32>
        %add3A_685 = arith.addf %add3A_668, %mul3A_684 : vector<16xf32>
        %mul3A_686 = arith.mulf %gather3A_678, %unpack3A_683 : vector<16xf32>
        %add3A_687 = arith.addf %add3A_670, %mul3A_686 : vector<16xf32>
        %add3A_688 = arith.constant 128 : i32
        %add3A_689 = arith.addi %add3A_213, %add3A_688 : i32
        %add3A_690 = arith.constant 12 : i32
        %add3A_691 = arith.addi %add3A_689, %add3A_690 : i32
        %add3A_692 = arith.constant 140 : i32
        %add3A_693 = vector.broadcast %add3A_692 : i32 to vector<16xi32>
        %add3A_694 = arith.addi %broadcast_in_dim3A_214, %add3A_693 : vector<16xi32>
        %gather3A_695 = tpu.vector_load_idx %arg9[%add3A_694] : memref<2560xf32, #tpu.memory_space<vmem>>[vector<16xi32>], vector<16xf32>,
        %get3A_696 = arith.index_cast %add3A_691 : i32 to index
        %get3A_697 = arith.constant 0 : index
        %get3A_698 = tpu.vector_load %arg11[%get3A_696, %get3A_697] {strides = array<i32>} : memref<2560x32xbf16, #tpu.memory_space<vmem>>, vector<32xbf16>,
        %unpack3A_699 = tpu.unpack_subelements %get3A_698, 0 {pack_format = #tpu.pack_format<interleaved>} : vector<32xbf16> -> vector<16xf32>
        %unpack3A_700 = tpu.unpack_subelements %get3A_698, 1 {pack_format = #tpu.pack_format<interleaved>} : vector<32xbf16> -> vector<16xf32>
        %mul3A_701 = arith.mulf %gather3A_695, %unpack3A_699 : vector<16xf32>
        %add3A_702 = arith.addf %add3A_685, %mul3A_701 : vector<16xf32>
        %mul3A_703 = arith.mulf %gather3A_695, %unpack3A_700 : vector<16xf32>
        %add3A_704 = arith.addf %add3A_687, %mul3A_703 : vector<16xf32>
        %add3A_705 = arith.constant 128 : i32
        %add3A_706 = arith.addi %add3A_213, %add3A_705 : i32
        %add3A_707 = arith.constant 13 : i32
        %add3A_708 = arith.addi %add3A_706, %add3A_707 : i32
        %add3A_709 = arith.constant 141 : i32
        %add3A_710 = vector.broadcast %add3A_709 : i32 to vector<16xi32>
        %add3A_711 = arith.addi %broadcast_in_dim3A_214, %add3A_710 : vector<16xi32>
        %gather3A_712 = tpu.vector_load_idx %arg9[%add3A_711] : memref<2560xf32, #tpu.memory_space<vmem>>[vector<16xi32>], vector<16xf32>,
        %get3A_713 = arith.index_cast %add3A_708 : i32 to index
        %get3A_714 = arith.constant 0 : index
        %get3A_715 = tpu.vector_load %arg11[%get3A_713, %get3A_714] {strides = array<i32>} : memref<2560x32xbf16, #tpu.memory_space<vmem>>, vector<32xbf16>,
        %unpack3A_716 = tpu.unpack_subelements %get3A_715, 0 {pack_format = #tpu.pack_format<interleaved>} : vector<32xbf16> -> vector<16xf32>
        %unpack3A_717 = tpu.unpack_subelements %get3A_715, 1 {pack_format = #tpu.pack_format<interleaved>} : vector<32xbf16> -> vector<16xf32>
        %mul3A_718 = arith.mulf %gather3A_712, %unpack3A_716 : vector<16xf32>
        %add3A_719 = arith.addf %add3A_702, %mul3A_718 : vector<16xf32>
        %mul3A_720 = arith.mulf %gather3A_712, %unpack3A_717 : vector<16xf32>
        %add3A_721 = arith.addf %add3A_704, %mul3A_720 : vector<16xf32>
        %add3A_722 = arith.constant 128 : i32
        %add3A_723 = arith.addi %add3A_213, %add3A_722 : i32
        %add3A_724 = arith.constant 14 : i32
        %add3A_725 = arith.addi %add3A_723, %add3A_724 : i32
        %add3A_726 = arith.constant 142 : i32
        %add3A_727 = vector.broadcast %add3A_726 : i32 to vector<16xi32>
        %add3A_728 = arith.addi %broadcast_in_dim3A_214, %add3A_727 : vector<16xi32>
        %gather3A_729 = tpu.vector_load_idx %arg9[%add3A_728] : memref<2560xf32, #tpu.memory_space<vmem>>[vector<16xi32>], vector<16xf32>,
        %get3A_730 = arith.index_cast %add3A_725 : i32 to index
        %get3A_731 = arith.constant 0 : index
        %get3A_732 = tpu.vector_load %arg11[%get3A_730, %get3A_731] {strides = array<i32>} : memref<2560x32xbf16, #tpu.memory_space<vmem>>, vector<32xbf16>,
        %unpack3A_733 = tpu.unpack_subelements %get3A_732, 0 {pack_format = #tpu.pack_format<interleaved>} : vector<32xbf16> -> vector<16xf32>
        %unpack3A_734 = tpu.unpack_subelements %get3A_732, 1 {pack_format = #tpu.pack_format<interleaved>} : vector<32xbf16> -> vector<16xf32>
        %mul3A_735 = arith.mulf %gather3A_729, %unpack3A_733 : vector<16xf32>
        %add3A_736 = arith.addf %add3A_719, %mul3A_735 : vector<16xf32>
        %mul3A_737 = arith.mulf %gather3A_729, %unpack3A_734 : vector<16xf32>
        %add3A_738 = arith.addf %add3A_721, %mul3A_737 : vector<16xf32>
        %add3A_739 = arith.constant 128 : i32
        %add3A_740 = arith.addi %add3A_213, %add3A_739 : i32
        %add3A_741 = arith.constant 15 : i32
        %add3A_742 = arith.addi %add3A_740, %add3A_741 : i32
        %add3A_743 = arith.constant 143 : i32
        %add3A_744 = vector.broadcast %add3A_743 : i32 to vector<16xi32>
        %add3A_745 = arith.addi %broadcast_in_dim3A_214, %add3A_744 : vector<16xi32>
        %gather3A_746 = tpu.vector_load_idx %arg9[%add3A_745] : memref<2560xf32, #tpu.memory_space<vmem>>[vector<16xi32>], vector<16xf32>,
        %get3A_747 = arith.index_cast %add3A_742 : i32 to index
        %get3A_748 = arith.constant 0 : index
        %get3A_749 = tpu.vector_load %arg11[%get3A_747, %get3A_748] {strides = array<i32>} : memref<2560x32xbf16, #tpu.memory_space<vmem>>, vector<32xbf16>,
        %unpack3A_750 = tpu.unpack_subelements %get3A_749, 0 {pack_format = #tpu.pack_format<interleaved>} : vector<32xbf16> -> vector<16xf32>
        %unpack3A_751 = tpu.unpack_subelements %get3A_749, 1 {pack_format = #tpu.pack_format<interleaved>} : vector<32xbf16> -> vector<16xf32>
        %mul3A_752 = arith.mulf %gather3A_746, %unpack3A_750 : vector<16xf32>
        %add3A_753 = arith.addf %add3A_736, %mul3A_752 : vector<16xf32>
        %mul3A_754 = arith.mulf %gather3A_746, %unpack3A_751 : vector<16xf32>
        %add3A_755 = arith.addf %add3A_738, %mul3A_754 : vector<16xf32>
        %add3A_756 = arith.constant 256 : i32
        %add3A_757 = arith.addi %add3A_213, %add3A_756 : i32
        %add3A_758 = arith.constant 0 : i32
        %add3A_759 = arith.addi %add3A_757, %add3A_758 : i32
        %add3A_760 = arith.constant 256 : i32
        %add3A_761 = vector.broadcast %add3A_760 : i32 to vector<16xi32>
        %add3A_762 = arith.addi %broadcast_in_dim3A_214, %add3A_761 : vector<16xi32>
        %gather3A_763 = tpu.vector_load_idx %arg9[%add3A_762] : memref<2560xf32, #tpu.memory_space<vmem>>[vector<16xi32>], vector<16xf32>,
        %get3A_764 = arith.index_cast %add3A_759 : i32 to index
        %get3A_765 = arith.constant 0 : index
        %get3A_766 = tpu.vector_load %arg11[%get3A_764, %get3A_765] {strides = array<i32>} : memref<2560x32xbf16, #tpu.memory_space<vmem>>, vector<32xbf16>,
        %unpack3A_767 = tpu.unpack_subelements %get3A_766, 0 {pack_format = #tpu.pack_format<interleaved>} : vector<32xbf16> -> vector<16xf32>
        %unpack3A_768 = tpu.unpack_subelements %get3A_766, 1 {pack_format = #tpu.pack_format<interleaved>} : vector<32xbf16> -> vector<16xf32>
        %mul3A_769 = arith.mulf %gather3A_763, %unpack3A_767 : vector<16xf32>
        %add3A_770 = arith.addf %add3A_753, %mul3A_769 : vector<16xf32>
        %mul3A_771 = arith.mulf %gather3A_763, %unpack3A_768 : vector<16xf32>
        %add3A_772 = arith.addf %add3A_755, %mul3A_771 : vector<16xf32>
        %add3A_773 = arith.constant 256 : i32
        %add3A_774 = arith.addi %add3A_213, %add3A_773 : i32
        %add3A_775 = arith.constant 1 : i32
        %add3A_776 = arith.addi %add3A_774, %add3A_775 : i32
        %add3A_777 = arith.constant 257 : i32
        %add3A_778 = vector.broadcast %add3A_777 : i32 to vector<16xi32>
        %add3A_779 = arith.addi %broadcast_in_dim3A_214, %add3A_778 : vector<16xi32>
        %gather3A_780 = tpu.vector_load_idx %arg9[%add3A_779] : memref<2560xf32, #tpu.memory_space<vmem>>[vector<16xi32>], vector<16xf32>,
        %get3A_781 = arith.index_cast %add3A_776 : i32 to index
        %get3A_782 = arith.constant 0 : index
        %get3A_783 = tpu.vector_load %arg11[%get3A_781, %get3A_782] {strides = array<i32>} : memref<2560x32xbf16, #tpu.memory_space<vmem>>, vector<32xbf16>,
        %unpack3A_784 = tpu.unpack_subelements %get3A_783, 0 {pack_format = #tpu.pack_format<interleaved>} : vector<32xbf16> -> vector<16xf32>
        %unpack3A_785 = tpu.unpack_subelements %get3A_783, 1 {pack_format = #tpu.pack_format<interleaved>} : vector<32xbf16> -> vector<16xf32>
        %mul3A_786 = arith.mulf %gather3A_780, %unpack3A_784 : vector<16xf32>
        %add3A_787 = arith.addf %add3A_770, %mul3A_786 : vector<16xf32>
        %mul3A_788 = arith.mulf %gather3A_780, %unpack3A_785 : vector<16xf32>
        %add3A_789 = arith.addf %add3A_772, %mul3A_788 : vector<16xf32>
        %add3A_790 = arith.constant 256 : i32
        %add3A_791 = arith.addi %add3A_213, %add3A_790 : i32
        %add3A_792 = arith.constant 2 : i32
        %add3A_793 = arith.addi %add3A_791, %add3A_792 : i32
        %add3A_794 = arith.constant 258 : i32
        %add3A_795 = vector.broadcast %add3A_794 : i32 to vector<16xi32>
        %add3A_796 = arith.addi %broadcast_in_dim3A_214, %add3A_795 : vector<16xi32>
        %gather3A_797 = tpu.vector_load_idx %arg9[%add3A_796] : memref<2560xf32, #tpu.memory_space<vmem>>[vector<16xi32>], vector<16xf32>,
        %get3A_798 = arith.index_cast %add3A_793 : i32 to index
        %get3A_799 = arith.constant 0 : index
        %get3A_800 = tpu.vector_load %arg11[%get3A_798, %get3A_799] {strides = array<i32>} : memref<2560x32xbf16, #tpu.memory_space<vmem>>, vector<32xbf16>,
        %unpack3A_801 = tpu.unpack_subelements %get3A_800, 0 {pack_format = #tpu.pack_format<interleaved>} : vector<32xbf16> -> vector<16xf32>
        %unpack3A_802 = tpu.unpack_subelements %get3A_800, 1 {pack_format = #tpu.pack_format<interleaved>} : vector<32xbf16> -> vector<16xf32>
        %mul3A_803 = arith.mulf %gather3A_797, %unpack3A_801 : vector<16xf32>
        %add3A_804 = arith.addf %add3A_787, %mul3A_803 : vector<16xf32>
        %mul3A_805 = arith.mulf %gather3A_797, %unpack3A_802 : vector<16xf32>
        %add3A_806 = arith.addf %add3A_789, %mul3A_805 : vector<16xf32>
        %add3A_807 = arith.constant 256 : i32
        %add3A_808 = arith.addi %add3A_213, %add3A_807 : i32
        %add3A_809 = arith.constant 3 : i32
        %add3A_810 = arith.addi %add3A_808, %add3A_809 : i32
        %add3A_811 = arith.constant 259 : i32
        %add3A_812 = vector.broadcast %add3A_811 : i32 to vector<16xi32>
        %add3A_813 = arith.addi %broadcast_in_dim3A_214, %add3A_812 : vector<16xi32>
        %gather3A_814 = tpu.vector_load_idx %arg9[%add3A_813] : memref<2560xf32, #tpu.memory_space<vmem>>[vector<16xi32>], vector<16xf32>,
        %get3A_815 = arith.index_cast %add3A_810 : i32 to index
        %get3A_816 = arith.constant 0 : index
        %get3A_817 = tpu.vector_load %arg11[%get3A_815, %get3A_816] {strides = array<i32>} : memref<2560x32xbf16, #tpu.memory_space<vmem>>, vector<32xbf16>,
        %unpack3A_818 = tpu.unpack_subelements %get3A_817, 0 {pack_format = #tpu.pack_format<interleaved>} : vector<32xbf16> -> vector<16xf32>
        %unpack3A_819 = tpu.unpack_subelements %get3A_817, 1 {pack_format = #tpu.pack_format<interleaved>} : vector<32xbf16> -> vector<16xf32>
        %mul3A_820 = arith.mulf %gather3A_814, %unpack3A_818 : vector<16xf32>
        %add3A_821 = arith.addf %add3A_804, %mul3A_820 : vector<16xf32>
        %mul3A_822 = arith.mulf %gather3A_814, %unpack3A_819 : vector<16xf32>
        %add3A_823 = arith.addf %add3A_806, %mul3A_822 : vector<16xf32>
        %add3A_824 = arith.constant 256 : i32
        %add3A_825 = arith.addi %add3A_213, %add3A_824 : i32
        %add3A_826 = arith.constant 4 : i32
        %add3A_827 = arith.addi %add3A_825, %add3A_826 : i32
        %add3A_828 = arith.constant 260 : i32
        %add3A_829 = vector.broadcast %add3A_828 : i32 to vector<16xi32>
        %add3A_830 = arith.addi %broadcast_in_dim3A_214, %add3A_829 : vector<16xi32>
        %gather3A_831 = tpu.vector_load_idx %arg9[%add3A_830] : memref<2560xf32, #tpu.memory_space<vmem>>[vector<16xi32>], vector<16xf32>,
        %get3A_832 = arith.index_cast %add3A_827 : i32 to index
        %get3A_833 = arith.constant 0 : index
        %get3A_834 = tpu.vector_load %arg11[%get3A_832, %get3A_833] {strides = array<i32>} : memref<2560x32xbf16, #tpu.memory_space<vmem>>, vector<32xbf16>,
        %unpack3A_835 = tpu.unpack_subelements %get3A_834, 0 {pack_format = #tpu.pack_format<interleaved>} : vector<32xbf16> -> vector<16xf32>
        %unpack3A_836 = tpu.unpack_subelements %get3A_834, 1 {pack_format = #tpu.pack_format<interleaved>} : vector<32xbf16> -> vector<16xf32>
        %mul3A_837 = arith.mulf %gather3A_831, %unpack3A_835 : vector<16xf32>
        %add3A_838 = arith.addf %add3A_821, %mul3A_837 : vector<16xf32>
        %mul3A_839 = arith.mulf %gather3A_831, %unpack3A_836 : vector<16xf32>
        %add3A_840 = arith.addf %add3A_823, %mul3A_839 : vector<16xf32>
        %add3A_841 = arith.constant 256 : i32
        %add3A_842 = arith.addi %add3A_213, %add3A_841 : i32
        %add3A_843 = arith.constant 5 : i32
        %add3A_844 = arith.addi %add3A_842, %add3A_843 : i32
        %add3A_845 = arith.constant 261 : i32
        %add3A_846 = vector.broadcast %add3A_845 : i32 to vector<16xi32>
        %add3A_847 = arith.addi %broadcast_in_dim3A_214, %add3A_846 : vector<16xi32>
        %gather3A_848 = tpu.vector_load_idx %arg9[%add3A_847] : memref<2560xf32, #tpu.memory_space<vmem>>[vector<16xi32>], vector<16xf32>,
        %get3A_849 = arith.index_cast %add3A_844 : i32 to index
        %get3A_850 = arith.constant 0 : index
        %get3A_851 = tpu.vector_load %arg11[%get3A_849, %get3A_850] {strides = array<i32>} : memref<2560x32xbf16, #tpu.memory_space<vmem>>, vector<32xbf16>,
        %unpack3A_852 = tpu.unpack_subelements %get3A_851, 0 {pack_format = #tpu.pack_format<interleaved>} : vector<32xbf16> -> vector<16xf32>
        %unpack3A_853 = tpu.unpack_subelements %get3A_851, 1 {pack_format = #tpu.pack_format<interleaved>} : vector<32xbf16> -> vector<16xf32>
        %mul3A_854 = arith.mulf %gather3A_848, %unpack3A_852 : vector<16xf32>
        %add3A_855 = arith.addf %add3A_838, %mul3A_854 : vector<16xf32>
        %mul3A_856 = arith.mulf %gather3A_848, %unpack3A_853 : vector<16xf32>
        %add3A_857 = arith.addf %add3A_840, %mul3A_856 : vector<16xf32>
        %add3A_858 = arith.constant 256 : i32
        %add3A_859 = arith.addi %add3A_213, %add3A_858 : i32
        %add3A_860 = arith.constant 6 : i32
        %add3A_861 = arith.addi %add3A_859, %add3A_860 : i32
        %add3A_862 = arith.constant 262 : i32
        %add3A_863 = vector.broadcast %add3A_862 : i32 to vector<16xi32>
        %add3A_864 = arith.addi %broadcast_in_dim3A_214, %add3A_863 : vector<16xi32>
        %gather3A_865 = tpu.vector_load_idx %arg9[%add3A_864] : memref<2560xf32, #tpu.memory_space<vmem>>[vector<16xi32>], vector<16xf32>,
        %get3A_866 = arith.index_cast %add3A_861 : i32 to index
        %get3A_867 = arith.constant 0 : index
        %get3A_868 = tpu.vector_load %arg11[%get3A_866, %get3A_867] {strides = array<i32>} : memref<2560x32xbf16, #tpu.memory_space<vmem>>, vector<32xbf16>,
        %unpack3A_869 = tpu.unpack_subelements %get3A_868, 0 {pack_format = #tpu.pack_format<interleaved>} : vector<32xbf16> -> vector<16xf32>
        %unpack3A_870 = tpu.unpack_subelements %get3A_868, 1 {pack_format = #tpu.pack_format<interleaved>} : vector<32xbf16> -> vector<16xf32>
        %mul3A_871 = arith.mulf %gather3A_865, %unpack3A_869 : vector<16xf32>
        %add3A_872 = arith.addf %add3A_855, %mul3A_871 : vector<16xf32>
        %mul3A_873 = arith.mulf %gather3A_865, %unpack3A_870 : vector<16xf32>
        %add3A_874 = arith.addf %add3A_857, %mul3A_873 : vector<16xf32>
        %add3A_875 = arith.constant 256 : i32
        %add3A_876 = arith.addi %add3A_213, %add3A_875 : i32
        %add3A_877 = arith.constant 7 : i32
        %add3A_878 = arith.addi %add3A_876, %add3A_877 : i32
        %add3A_879 = arith.constant 263 : i32
        %add3A_880 = vector.broadcast %add3A_879 : i32 to vector<16xi32>
        %add3A_881 = arith.addi %broadcast_in_dim3A_214, %add3A_880 : vector<16xi32>
        %gather3A_882 = tpu.vector_load_idx %arg9[%add3A_881] : memref<2560xf32, #tpu.memory_space<vmem>>[vector<16xi32>], vector<16xf32>,
        %get3A_883 = arith.index_cast %add3A_878 : i32 to index
        %get3A_884 = arith.constant 0 : index
        %get3A_885 = tpu.vector_load %arg11[%get3A_883, %get3A_884] {strides = array<i32>} : memref<2560x32xbf16, #tpu.memory_space<vmem>>, vector<32xbf16>,
        %unpack3A_886 = tpu.unpack_subelements %get3A_885, 0 {pack_format = #tpu.pack_format<interleaved>} : vector<32xbf16> -> vector<16xf32>
        %unpack3A_887 = tpu.unpack_subelements %get3A_885, 1 {pack_format = #tpu.pack_format<interleaved>} : vector<32xbf16> -> vector<16xf32>
        %mul3A_888 = arith.mulf %gather3A_882, %unpack3A_886 : vector<16xf32>
        %add3A_889 = arith.addf %add3A_872, %mul3A_888 : vector<16xf32>
        %mul3A_890 = arith.mulf %gather3A_882, %unpack3A_887 : vector<16xf32>
        %add3A_891 = arith.addf %add3A_874, %mul3A_890 : vector<16xf32>
        %add3A_892 = arith.constant 256 : i32
        %add3A_893 = arith.addi %add3A_213, %add3A_892 : i32
        %add3A_894 = arith.constant 8 : i32
        %add3A_895 = arith.addi %add3A_893, %add3A_894 : i32
        %add3A_896 = arith.constant 264 : i32
        %add3A_897 = vector.broadcast %add3A_896 : i32 to vector<16xi32>
        %add3A_898 = arith.addi %broadcast_in_dim3A_214, %add3A_897 : vector<16xi32>
        %gather3A_899 = tpu.vector_load_idx %arg9[%add3A_898] : memref<2560xf32, #tpu.memory_space<vmem>>[vector<16xi32>], vector<16xf32>,
        %get3A_900 = arith.index_cast %add3A_895 : i32 to index
        %get3A_901 = arith.constant 0 : index
        %get3A_902 = tpu.vector_load %arg11[%get3A_900, %get3A_901] {strides = array<i32>} : memref<2560x32xbf16, #tpu.memory_space<vmem>>, vector<32xbf16>,
        %unpack3A_903 = tpu.unpack_subelements %get3A_902, 0 {pack_format = #tpu.pack_format<interleaved>} : vector<32xbf16> -> vector<16xf32>
        %unpack3A_904 = tpu.unpack_subelements %get3A_902, 1 {pack_format = #tpu.pack_format<interleaved>} : vector<32xbf16> -> vector<16xf32>
        %mul3A_905 = arith.mulf %gather3A_899, %unpack3A_903 : vector<16xf32>
        %add3A_906 = arith.addf %add3A_889, %mul3A_905 : vector<16xf32>
        %mul3A_907 = arith.mulf %gather3A_899, %unpack3A_904 : vector<16xf32>
        %add3A_908 = arith.addf %add3A_891, %mul3A_907 : vector<16xf32>
        %add3A_909 = arith.constant 256 : i32
        %add3A_910 = arith.addi %add3A_213, %add3A_909 : i32
        %add3A_911 = arith.constant 9 : i32
        %add3A_912 = arith.addi %add3A_910, %add3A_911 : i32
        %add3A_913 = arith.constant 265 : i32
        %add3A_914 = vector.broadcast %add3A_913 : i32 to vector<16xi32>
        %add3A_915 = arith.addi %broadcast_in_dim3A_214, %add3A_914 : vector<16xi32>
        %gather3A_916 = tpu.vector_load_idx %arg9[%add3A_915] : memref<2560xf32, #tpu.memory_space<vmem>>[vector<16xi32>], vector<16xf32>,
        %get3A_917 = arith.index_cast %add3A_912 : i32 to index
        %get3A_918 = arith.constant 0 : index
        %get3A_919 = tpu.vector_load %arg11[%get3A_917, %get3A_918] {strides = array<i32>} : memref<2560x32xbf16, #tpu.memory_space<vmem>>, vector<32xbf16>,
        %unpack3A_920 = tpu.unpack_subelements %get3A_919, 0 {pack_format = #tpu.pack_format<interleaved>} : vector<32xbf16> -> vector<16xf32>
        %unpack3A_921 = tpu.unpack_subelements %get3A_919, 1 {pack_format = #tpu.pack_format<interleaved>} : vector<32xbf16> -> vector<16xf32>
        %mul3A_922 = arith.mulf %gather3A_916, %unpack3A_920 : vector<16xf32>
        %add3A_923 = arith.addf %add3A_906, %mul3A_922 : vector<16xf32>
        %mul3A_924 = arith.mulf %gather3A_916, %unpack3A_921 : vector<16xf32>
        %add3A_925 = arith.addf %add3A_908, %mul3A_924 : vector<16xf32>
        %add3A_926 = arith.constant 256 : i32
        %add3A_927 = arith.addi %add3A_213, %add3A_926 : i32
        %add3A_928 = arith.constant 10 : i32
        %add3A_929 = arith.addi %add3A_927, %add3A_928 : i32
        %add3A_930 = arith.constant 266 : i32
        %add3A_931 = vector.broadcast %add3A_930 : i32 to vector<16xi32>
        %add3A_932 = arith.addi %broadcast_in_dim3A_214, %add3A_931 : vector<16xi32>
        %gather3A_933 = tpu.vector_load_idx %arg9[%add3A_932] : memref<2560xf32, #tpu.memory_space<vmem>>[vector<16xi32>], vector<16xf32>,
        %get3A_934 = arith.index_cast %add3A_929 : i32 to index
        %get3A_935 = arith.constant 0 : index
        %get3A_936 = tpu.vector_load %arg11[%get3A_934, %get3A_935] {strides = array<i32>} : memref<2560x32xbf16, #tpu.memory_space<vmem>>, vector<32xbf16>,
        %unpack3A_937 = tpu.unpack_subelements %get3A_936, 0 {pack_format = #tpu.pack_format<interleaved>} : vector<32xbf16> -> vector<16xf32>
        %unpack3A_938 = tpu.unpack_subelements %get3A_936, 1 {pack_format = #tpu.pack_format<interleaved>} : vector<32xbf16> -> vector<16xf32>
        %mul3A_939 = arith.mulf %gather3A_933, %unpack3A_937 : vector<16xf32>
        %add3A_940 = arith.addf %add3A_923, %mul3A_939 : vector<16xf32>
        %mul3A_941 = arith.mulf %gather3A_933, %unpack3A_938 : vector<16xf32>
        %add3A_942 = arith.addf %add3A_925, %mul3A_941 : vector<16xf32>
        %add3A_943 = arith.constant 256 : i32
        %add3A_944 = arith.addi %add3A_213, %add3A_943 : i32
        %add3A_945 = arith.constant 11 : i32
        %add3A_946 = arith.addi %add3A_944, %add3A_945 : i32
        %add3A_947 = arith.constant 267 : i32
        %add3A_948 = vector.broadcast %add3A_947 : i32 to vector<16xi32>
        %add3A_949 = arith.addi %broadcast_in_dim3A_214, %add3A_948 : vector<16xi32>
        %gather3A_950 = tpu.vector_load_idx %arg9[%add3A_949] : memref<2560xf32, #tpu.memory_space<vmem>>[vector<16xi32>], vector<16xf32>,
        %get3A_951 = arith.index_cast %add3A_946 : i32 to index
        %get3A_952 = arith.constant 0 : index
        %get3A_953 = tpu.vector_load %arg11[%get3A_951, %get3A_952] {strides = array<i32>} : memref<2560x32xbf16, #tpu.memory_space<vmem>>, vector<32xbf16>,
        %unpack3A_954 = tpu.unpack_subelements %get3A_953, 0 {pack_format = #tpu.pack_format<interleaved>} : vector<32xbf16> -> vector<16xf32>
        %unpack3A_955 = tpu.unpack_subelements %get3A_953, 1 {pack_format = #tpu.pack_format<interleaved>} : vector<32xbf16> -> vector<16xf32>
        %mul3A_956 = arith.mulf %gather3A_950, %unpack3A_954 : vector<16xf32>
        %add3A_957 = arith.addf %add3A_940, %mul3A_956 : vector<16xf32>
        %mul3A_958 = arith.mulf %gather3A_950, %unpack3A_955 : vector<16xf32>
        %add3A_959 = arith.addf %add3A_942, %mul3A_958 : vector<16xf32>
        %add3A_960 = arith.constant 256 : i32
        %add3A_961 = arith.addi %add3A_213, %add3A_960 : i32
        %add3A_962 = arith.constant 12 : i32
        %add3A_963 = arith.addi %add3A_961, %add3A_962 : i32
        %add3A_964 = arith.constant 268 : i32
        %add3A_965 = vector.broadcast %add3A_964 : i32 to vector<16xi32>
        %add3A_966 = arith.addi %broadcast_in_dim3A_214, %add3A_965 : vector<16xi32>
        %gather3A_967 = tpu.vector_load_idx %arg9[%add3A_966] : memref<2560xf32, #tpu.memory_space<vmem>>[vector<16xi32>], vector<16xf32>,
        %get3A_968 = arith.index_cast %add3A_963 : i32 to index
        %get3A_969 = arith.constant 0 : index
        %get3A_970 = tpu.vector_load %arg11[%get3A_968, %get3A_969] {strides = array<i32>} : memref<2560x32xbf16, #tpu.memory_space<vmem>>, vector<32xbf16>,
        %unpack3A_971 = tpu.unpack_subelements %get3A_970, 0 {pack_format = #tpu.pack_format<interleaved>} : vector<32xbf16> -> vector<16xf32>
        %unpack3A_972 = tpu.unpack_subelements %get3A_970, 1 {pack_format = #tpu.pack_format<interleaved>} : vector<32xbf16> -> vector<16xf32>
        %mul3A_973 = arith.mulf %gather3A_967, %unpack3A_971 : vector<16xf32>
        %add3A_974 = arith.addf %add3A_957, %mul3A_973 : vector<16xf32>
        %mul3A_975 = arith.mulf %gather3A_967, %unpack3A_972 : vector<16xf32>
        %add3A_976 = arith.addf %add3A_959, %mul3A_975 : vector<16xf32>
        %add3A_977 = arith.constant 256 : i32
        %add3A_978 = arith.addi %add3A_213, %add3A_977 : i32
        %add3A_979 = arith.constant 13 : i32
        %add3A_980 = arith.addi %add3A_978, %add3A_979 : i32
        %add3A_981 = arith.constant 269 : i32
        %add3A_982 = vector.broadcast %add3A_981 : i32 to vector<16xi32>
        %add3A_983 = arith.addi %broadcast_in_dim3A_214, %add3A_982 : vector<16xi32>
        %gather3A_984 = tpu.vector_load_idx %arg9[%add3A_983] : memref<2560xf32, #tpu.memory_space<vmem>>[vector<16xi32>], vector<16xf32>,
        %get3A_985 = arith.index_cast %add3A_980 : i32 to index
        %get3A_986 = arith.constant 0 : index
        %get3A_987 = tpu.vector_load %arg11[%get3A_985, %get3A_986] {strides = array<i32>} : memref<2560x32xbf16, #tpu.memory_space<vmem>>, vector<32xbf16>,
        %unpack3A_988 = tpu.unpack_subelements %get3A_987, 0 {pack_format = #tpu.pack_format<interleaved>} : vector<32xbf16> -> vector<16xf32>
        %unpack3A_989 = tpu.unpack_subelements %get3A_987, 1 {pack_format = #tpu.pack_format<interleaved>} : vector<32xbf16> -> vector<16xf32>
        %mul3A_990 = arith.mulf %gather3A_984, %unpack3A_988 : vector<16xf32>
        %add3A_991 = arith.addf %add3A_974, %mul3A_990 : vector<16xf32>
        %mul3A_992 = arith.mulf %gather3A_984, %unpack3A_989 : vector<16xf32>
        %add3A_993 = arith.addf %add3A_976, %mul3A_992 : vector<16xf32>
        %add3A_994 = arith.constant 256 : i32
        %add3A_995 = arith.addi %add3A_213, %add3A_994 : i32
        %add3A_996 = arith.constant 14 : i32
        %add3A_997 = arith.addi %add3A_995, %add3A_996 : i32
        %add3A_998 = arith.constant 270 : i32
        %add3A_999 = vector.broadcast %add3A_998 : i32 to vector<16xi32>
        %add3A_1000 = arith.addi %broadcast_in_dim3A_214, %add3A_999 : vector<16xi32>
        %gather3A_1001 = tpu.vector_load_idx %arg9[%add3A_1000] : memref<2560xf32, #tpu.memory_space<vmem>>[vector<16xi32>], vector<16xf32>,
        %get3A_1002 = arith.index_cast %add3A_997 : i32 to index
        %get3A_1003 = arith.constant 0 : index
        %get3A_1004 = tpu.vector_load %arg11[%get3A_1002, %get3A_1003] {strides = array<i32>} : memref<2560x32xbf16, #tpu.memory_space<vmem>>, vector<32xbf16>,
        %unpack3A_1005 = tpu.unpack_subelements %get3A_1004, 0 {pack_format = #tpu.pack_format<interleaved>} : vector<32xbf16> -> vector<16xf32>
        %unpack3A_1006 = tpu.unpack_subelements %get3A_1004, 1 {pack_format = #tpu.pack_format<interleaved>} : vector<32xbf16> -> vector<16xf32>
        %mul3A_1007 = arith.mulf %gather3A_1001, %unpack3A_1005 : vector<16xf32>
        %add3A_1008 = arith.addf %add3A_991, %mul3A_1007 : vector<16xf32>
        %mul3A_1009 = arith.mulf %gather3A_1001, %unpack3A_1006 : vector<16xf32>
        %add3A_1010 = arith.addf %add3A_993, %mul3A_1009 : vector<16xf32>
        %add3A_1011 = arith.constant 256 : i32
        %add3A_1012 = arith.addi %add3A_213, %add3A_1011 : i32
        %add3A_1013 = arith.constant 15 : i32
        %add3A_1014 = arith.addi %add3A_1012, %add3A_1013 : i32
        %add3A_1015 = arith.constant 271 : i32
        %add3A_1016 = vector.broadcast %add3A_1015 : i32 to vector<16xi32>
        %add3A_1017 = arith.addi %broadcast_in_dim3A_214, %add3A_1016 : vector<16xi32>
        %gather3A_1018 = tpu.vector_load_idx %arg9[%add3A_1017] : memref<2560xf32, #tpu.memory_space<vmem>>[vector<16xi32>], vector<16xf32>,
        %get3A_1019 = arith.index_cast %add3A_1014 : i32 to index
        %get3A_1020 = arith.constant 0 : index
        %get3A_1021 = tpu.vector_load %arg11[%get3A_1019, %get3A_1020] {strides = array<i32>} : memref<2560x32xbf16, #tpu.memory_space<vmem>>, vector<32xbf16>,
        %unpack3A_1022 = tpu.unpack_subelements %get3A_1021, 0 {pack_format = #tpu.pack_format<interleaved>} : vector<32xbf16> -> vector<16xf32>
        %unpack3A_1023 = tpu.unpack_subelements %get3A_1021, 1 {pack_format = #tpu.pack_format<interleaved>} : vector<32xbf16> -> vector<16xf32>
        %mul3A_1024 = arith.mulf %gather3A_1018, %unpack3A_1022 : vector<16xf32>
        %add3A_1025 = arith.addf %add3A_1008, %mul3A_1024 : vector<16xf32>
        %mul3A_1026 = arith.mulf %gather3A_1018, %unpack3A_1023 : vector<16xf32>
        %add3A_1027 = arith.addf %add3A_1010, %mul3A_1026 : vector<16xf32>
        %add3A_1028 = arith.constant 384 : i32
        %add3A_1029 = arith.addi %add3A_213, %add3A_1028 : i32
        %add3A_1030 = arith.constant 0 : i32
        %add3A_1031 = arith.addi %add3A_1029, %add3A_1030 : i32
        %add3A_1032 = arith.constant 384 : i32
        %add3A_1033 = vector.broadcast %add3A_1032 : i32 to vector<16xi32>
        %add3A_1034 = arith.addi %broadcast_in_dim3A_214, %add3A_1033 : vector<16xi32>
        %gather3A_1035 = tpu.vector_load_idx %arg9[%add3A_1034] : memref<2560xf32, #tpu.memory_space<vmem>>[vector<16xi32>], vector<16xf32>,
        %get3A_1036 = arith.index_cast %add3A_1031 : i32 to index
        %get3A_1037 = arith.constant 0 : index
        %get3A_1038 = tpu.vector_load %arg11[%get3A_1036, %get3A_1037] {strides = array<i32>} : memref<2560x32xbf16, #tpu.memory_space<vmem>>, vector<32xbf16>,
        %unpack3A_1039 = tpu.unpack_subelements %get3A_1038, 0 {pack_format = #tpu.pack_format<interleaved>} : vector<32xbf16> -> vector<16xf32>
        %unpack3A_1040 = tpu.unpack_subelements %get3A_1038, 1 {pack_format = #tpu.pack_format<interleaved>} : vector<32xbf16> -> vector<16xf32>
        %mul3A_1041 = arith.mulf %gather3A_1035, %unpack3A_1039 : vector<16xf32>
        %add3A_1042 = arith.addf %add3A_1025, %mul3A_1041 : vector<16xf32>
        %mul3A_1043 = arith.mulf %gather3A_1035, %unpack3A_1040 : vector<16xf32>
        %add3A_1044 = arith.addf %add3A_1027, %mul3A_1043 : vector<16xf32>
        %add3A_1045 = arith.constant 384 : i32
        %add3A_1046 = arith.addi %add3A_213, %add3A_1045 : i32
        %add3A_1047 = arith.constant 1 : i32
        %add3A_1048 = arith.addi %add3A_1046, %add3A_1047 : i32
        %add3A_1049 = arith.constant 385 : i32
        %add3A_1050 = vector.broadcast %add3A_1049 : i32 to vector<16xi32>
        %add3A_1051 = arith.addi %broadcast_in_dim3A_214, %add3A_1050 : vector<16xi32>
        %gather3A_1052 = tpu.vector_load_idx %arg9[%add3A_1051] : memref<2560xf32, #tpu.memory_space<vmem>>[vector<16xi32>], vector<16xf32>,
        %get3A_1053 = arith.index_cast %add3A_1048 : i32 to index
        %get3A_1054 = arith.constant 0 : index
        %get3A_1055 = tpu.vector_load %arg11[%get3A_1053, %get3A_1054] {strides = array<i32>} : memref<2560x32xbf16, #tpu.memory_space<vmem>>, vector<32xbf16>,
        %unpack3A_1056 = tpu.unpack_subelements %get3A_1055, 0 {pack_format = #tpu.pack_format<interleaved>} : vector<32xbf16> -> vector<16xf32>
        %unpack3A_1057 = tpu.unpack_subelements %get3A_1055, 1 {pack_format = #tpu.pack_format<interleaved>} : vector<32xbf16> -> vector<16xf32>
        %mul3A_1058 = arith.mulf %gather3A_1052, %unpack3A_1056 : vector<16xf32>
        %add3A_1059 = arith.addf %add3A_1042, %mul3A_1058 : vector<16xf32>
        %mul3A_1060 = arith.mulf %gather3A_1052, %unpack3A_1057 : vector<16xf32>
        %add3A_1061 = arith.addf %add3A_1044, %mul3A_1060 : vector<16xf32>
        %add3A_1062 = arith.constant 384 : i32
        %add3A_1063 = arith.addi %add3A_213, %add3A_1062 : i32
        %add3A_1064 = arith.constant 2 : i32
        %add3A_1065 = arith.addi %add3A_1063, %add3A_1064 : i32
        %add3A_1066 = arith.constant 386 : i32
        %add3A_1067 = vector.broadcast %add3A_1066 : i32 to vector<16xi32>
        %add3A_1068 = arith.addi %broadcast_in_dim3A_214, %add3A_1067 : vector<16xi32>
        %gather3A_1069 = tpu.vector_load_idx %arg9[%add3A_1068] : memref<2560xf32, #tpu.memory_space<vmem>>[vector<16xi32>], vector<16xf32>,
        %get3A_1070 = arith.index_cast %add3A_1065 : i32 to index
        %get3A_1071 = arith.constant 0 : index
        %get3A_1072 = tpu.vector_load %arg11[%get3A_1070, %get3A_1071] {strides = array<i32>} : memref<2560x32xbf16, #tpu.memory_space<vmem>>, vector<32xbf16>,
        %unpack3A_1073 = tpu.unpack_subelements %get3A_1072, 0 {pack_format = #tpu.pack_format<interleaved>} : vector<32xbf16> -> vector<16xf32>
        %unpack3A_1074 = tpu.unpack_subelements %get3A_1072, 1 {pack_format = #tpu.pack_format<interleaved>} : vector<32xbf16> -> vector<16xf32>
        %mul3A_1075 = arith.mulf %gather3A_1069, %unpack3A_1073 : vector<16xf32>
        %add3A_1076 = arith.addf %add3A_1059, %mul3A_1075 : vector<16xf32>
        %mul3A_1077 = arith.mulf %gather3A_1069, %unpack3A_1074 : vector<16xf32>
        %add3A_1078 = arith.addf %add3A_1061, %mul3A_1077 : vector<16xf32>
        %add3A_1079 = arith.constant 384 : i32
        %add3A_1080 = arith.addi %add3A_213, %add3A_1079 : i32
        %add3A_1081 = arith.constant 3 : i32
        %add3A_1082 = arith.addi %add3A_1080, %add3A_1081 : i32
        %add3A_1083 = arith.constant 387 : i32
        %add3A_1084 = vector.broadcast %add3A_1083 : i32 to vector<16xi32>
        %add3A_1085 = arith.addi %broadcast_in_dim3A_214, %add3A_1084 : vector<16xi32>
        %gather3A_1086 = tpu.vector_load_idx %arg9[%add3A_1085] : memref<2560xf32, #tpu.memory_space<vmem>>[vector<16xi32>], vector<16xf32>,
        %get3A_1087 = arith.index_cast %add3A_1082 : i32 to index
        %get3A_1088 = arith.constant 0 : index
        %get3A_1089 = tpu.vector_load %arg11[%get3A_1087, %get3A_1088] {strides = array<i32>} : memref<2560x32xbf16, #tpu.memory_space<vmem>>, vector<32xbf16>,
        %unpack3A_1090 = tpu.unpack_subelements %get3A_1089, 0 {pack_format = #tpu.pack_format<interleaved>} : vector<32xbf16> -> vector<16xf32>
        %unpack3A_1091 = tpu.unpack_subelements %get3A_1089, 1 {pack_format = #tpu.pack_format<interleaved>} : vector<32xbf16> -> vector<16xf32>
        %mul3A_1092 = arith.mulf %gather3A_1086, %unpack3A_1090 : vector<16xf32>
        %add3A_1093 = arith.addf %add3A_1076, %mul3A_1092 : vector<16xf32>
        %mul3A_1094 = arith.mulf %gather3A_1086, %unpack3A_1091 : vector<16xf32>
        %add3A_1095 = arith.addf %add3A_1078, %mul3A_1094 : vector<16xf32>
        %add3A_1096 = arith.constant 384 : i32
        %add3A_1097 = arith.addi %add3A_213, %add3A_1096 : i32
        %add3A_1098 = arith.constant 4 : i32
        %add3A_1099 = arith.addi %add3A_1097, %add3A_1098 : i32
        %add3A_1100 = arith.constant 388 : i32
        %add3A_1101 = vector.broadcast %add3A_1100 : i32 to vector<16xi32>
        %add3A_1102 = arith.addi %broadcast_in_dim3A_214, %add3A_1101 : vector<16xi32>
        %gather3A_1103 = tpu.vector_load_idx %arg9[%add3A_1102] : memref<2560xf32, #tpu.memory_space<vmem>>[vector<16xi32>], vector<16xf32>,
        %get3A_1104 = arith.index_cast %add3A_1099 : i32 to index
        %get3A_1105 = arith.constant 0 : index
        %get3A_1106 = tpu.vector_load %arg11[%get3A_1104, %get3A_1105] {strides = array<i32>} : memref<2560x32xbf16, #tpu.memory_space<vmem>>, vector<32xbf16>,
        %unpack3A_1107 = tpu.unpack_subelements %get3A_1106, 0 {pack_format = #tpu.pack_format<interleaved>} : vector<32xbf16> -> vector<16xf32>
        %unpack3A_1108 = tpu.unpack_subelements %get3A_1106, 1 {pack_format = #tpu.pack_format<interleaved>} : vector<32xbf16> -> vector<16xf32>
        %mul3A_1109 = arith.mulf %gather3A_1103, %unpack3A_1107 : vector<16xf32>
        %add3A_1110 = arith.addf %add3A_1093, %mul3A_1109 : vector<16xf32>
        %mul3A_1111 = arith.mulf %gather3A_1103, %unpack3A_1108 : vector<16xf32>
        %add3A_1112 = arith.addf %add3A_1095, %mul3A_1111 : vector<16xf32>
        %add3A_1113 = arith.constant 384 : i32
        %add3A_1114 = arith.addi %add3A_213, %add3A_1113 : i32
        %add3A_1115 = arith.constant 5 : i32
        %add3A_1116 = arith.addi %add3A_1114, %add3A_1115 : i32
        %add3A_1117 = arith.constant 389 : i32
        %add3A_1118 = vector.broadcast %add3A_1117 : i32 to vector<16xi32>
        %add3A_1119 = arith.addi %broadcast_in_dim3A_214, %add3A_1118 : vector<16xi32>
        %gather3A_1120 = tpu.vector_load_idx %arg9[%add3A_1119] : memref<2560xf32, #tpu.memory_space<vmem>>[vector<16xi32>], vector<16xf32>,
        %get3A_1121 = arith.index_cast %add3A_1116 : i32 to index
        %get3A_1122 = arith.constant 0 : index
        %get3A_1123 = tpu.vector_load %arg11[%get3A_1121, %get3A_1122] {strides = array<i32>} : memref<2560x32xbf16, #tpu.memory_space<vmem>>, vector<32xbf16>,
        %unpack3A_1124 = tpu.unpack_subelements %get3A_1123, 0 {pack_format = #tpu.pack_format<interleaved>} : vector<32xbf16> -> vector<16xf32>
        %unpack3A_1125 = tpu.unpack_subelements %get3A_1123, 1 {pack_format = #tpu.pack_format<interleaved>} : vector<32xbf16> -> vector<16xf32>
        %mul3A_1126 = arith.mulf %gather3A_1120, %unpack3A_1124 : vector<16xf32>
        %add3A_1127 = arith.addf %add3A_1110, %mul3A_1126 : vector<16xf32>
        %mul3A_1128 = arith.mulf %gather3A_1120, %unpack3A_1125 : vector<16xf32>
        %add3A_1129 = arith.addf %add3A_1112, %mul3A_1128 : vector<16xf32>
        %add3A_1130 = arith.constant 384 : i32
        %add3A_1131 = arith.addi %add3A_213, %add3A_1130 : i32
        %add3A_1132 = arith.constant 6 : i32
        %add3A_1133 = arith.addi %add3A_1131, %add3A_1132 : i32
        %add3A_1134 = arith.constant 390 : i32
        %add3A_1135 = vector.broadcast %add3A_1134 : i32 to vector<16xi32>
        %add3A_1136 = arith.addi %broadcast_in_dim3A_214, %add3A_1135 : vector<16xi32>
        %gather3A_1137 = tpu.vector_load_idx %arg9[%add3A_1136] : memref<2560xf32, #tpu.memory_space<vmem>>[vector<16xi32>], vector<16xf32>,
        %get3A_1138 = arith.index_cast %add3A_1133 : i32 to index
        %get3A_1139 = arith.constant 0 : index
        %get3A_1140 = tpu.vector_load %arg11[%get3A_1138, %get3A_1139] {strides = array<i32>} : memref<2560x32xbf16, #tpu.memory_space<vmem>>, vector<32xbf16>,
        %unpack3A_1141 = tpu.unpack_subelements %get3A_1140, 0 {pack_format = #tpu.pack_format<interleaved>} : vector<32xbf16> -> vector<16xf32>
        %unpack3A_1142 = tpu.unpack_subelements %get3A_1140, 1 {pack_format = #tpu.pack_format<interleaved>} : vector<32xbf16> -> vector<16xf32>
        %mul3A_1143 = arith.mulf %gather3A_1137, %unpack3A_1141 : vector<16xf32>
        %add3A_1144 = arith.addf %add3A_1127, %mul3A_1143 : vector<16xf32>
        %mul3A_1145 = arith.mulf %gather3A_1137, %unpack3A_1142 : vector<16xf32>
        %add3A_1146 = arith.addf %add3A_1129, %mul3A_1145 : vector<16xf32>
        %add3A_1147 = arith.constant 384 : i32
        %add3A_1148 = arith.addi %add3A_213, %add3A_1147 : i32
        %add3A_1149 = arith.constant 7 : i32
        %add3A_1150 = arith.addi %add3A_1148, %add3A_1149 : i32
        %add3A_1151 = arith.constant 391 : i32
        %add3A_1152 = vector.broadcast %add3A_1151 : i32 to vector<16xi32>
        %add3A_1153 = arith.addi %broadcast_in_dim3A_214, %add3A_1152 : vector<16xi32>
        %gather3A_1154 = tpu.vector_load_idx %arg9[%add3A_1153] : memref<2560xf32, #tpu.memory_space<vmem>>[vector<16xi32>], vector<16xf32>,
        %get3A_1155 = arith.index_cast %add3A_1150 : i32 to index
        %get3A_1156 = arith.constant 0 : index
        %get3A_1157 = tpu.vector_load %arg11[%get3A_1155, %get3A_1156] {strides = array<i32>} : memref<2560x32xbf16, #tpu.memory_space<vmem>>, vector<32xbf16>,
        %unpack3A_1158 = tpu.unpack_subelements %get3A_1157, 0 {pack_format = #tpu.pack_format<interleaved>} : vector<32xbf16> -> vector<16xf32>
        %unpack3A_1159 = tpu.unpack_subelements %get3A_1157, 1 {pack_format = #tpu.pack_format<interleaved>} : vector<32xbf16> -> vector<16xf32>
        %mul3A_1160 = arith.mulf %gather3A_1154, %unpack3A_1158 : vector<16xf32>
        %add3A_1161 = arith.addf %add3A_1144, %mul3A_1160 : vector<16xf32>
        %mul3A_1162 = arith.mulf %gather3A_1154, %unpack3A_1159 : vector<16xf32>
        %add3A_1163 = arith.addf %add3A_1146, %mul3A_1162 : vector<16xf32>
        %add3A_1164 = arith.constant 384 : i32
        %add3A_1165 = arith.addi %add3A_213, %add3A_1164 : i32
        %add3A_1166 = arith.constant 8 : i32
        %add3A_1167 = arith.addi %add3A_1165, %add3A_1166 : i32
        %add3A_1168 = arith.constant 392 : i32
        %add3A_1169 = vector.broadcast %add3A_1168 : i32 to vector<16xi32>
        %add3A_1170 = arith.addi %broadcast_in_dim3A_214, %add3A_1169 : vector<16xi32>
        %gather3A_1171 = tpu.vector_load_idx %arg9[%add3A_1170] : memref<2560xf32, #tpu.memory_space<vmem>>[vector<16xi32>], vector<16xf32>,
        %get3A_1172 = arith.index_cast %add3A_1167 : i32 to index
        %get3A_1173 = arith.constant 0 : index
        %get3A_1174 = tpu.vector_load %arg11[%get3A_1172, %get3A_1173] {strides = array<i32>} : memref<2560x32xbf16, #tpu.memory_space<vmem>>, vector<32xbf16>,
        %unpack3A_1175 = tpu.unpack_subelements %get3A_1174, 0 {pack_format = #tpu.pack_format<interleaved>} : vector<32xbf16> -> vector<16xf32>
        %unpack3A_1176 = tpu.unpack_subelements %get3A_1174, 1 {pack_format = #tpu.pack_format<interleaved>} : vector<32xbf16> -> vector<16xf32>
        %mul3A_1177 = arith.mulf %gather3A_1171, %unpack3A_1175 : vector<16xf32>
        %add3A_1178 = arith.addf %add3A_1161, %mul3A_1177 : vector<16xf32>
        %mul3A_1179 = arith.mulf %gather3A_1171, %unpack3A_1176 : vector<16xf32>
        %add3A_1180 = arith.addf %add3A_1163, %mul3A_1179 : vector<16xf32>
        %add3A_1181 = arith.constant 384 : i32
        %add3A_1182 = arith.addi %add3A_213, %add3A_1181 : i32
        %add3A_1183 = arith.constant 9 : i32
        %add3A_1184 = arith.addi %add3A_1182, %add3A_1183 : i32
        %add3A_1185 = arith.constant 393 : i32
        %add3A_1186 = vector.broadcast %add3A_1185 : i32 to vector<16xi32>
        %add3A_1187 = arith.addi %broadcast_in_dim3A_214, %add3A_1186 : vector<16xi32>
        %gather3A_1188 = tpu.vector_load_idx %arg9[%add3A_1187] : memref<2560xf32, #tpu.memory_space<vmem>>[vector<16xi32>], vector<16xf32>,
        %get3A_1189 = arith.index_cast %add3A_1184 : i32 to index
        %get3A_1190 = arith.constant 0 : index
        %get3A_1191 = tpu.vector_load %arg11[%get3A_1189, %get3A_1190] {strides = array<i32>} : memref<2560x32xbf16, #tpu.memory_space<vmem>>, vector<32xbf16>,
        %unpack3A_1192 = tpu.unpack_subelements %get3A_1191, 0 {pack_format = #tpu.pack_format<interleaved>} : vector<32xbf16> -> vector<16xf32>
        %unpack3A_1193 = tpu.unpack_subelements %get3A_1191, 1 {pack_format = #tpu.pack_format<interleaved>} : vector<32xbf16> -> vector<16xf32>
        %mul3A_1194 = arith.mulf %gather3A_1188, %unpack3A_1192 : vector<16xf32>
        %add3A_1195 = arith.addf %add3A_1178, %mul3A_1194 : vector<16xf32>
        %mul3A_1196 = arith.mulf %gather3A_1188, %unpack3A_1193 : vector<16xf32>
        %add3A_1197 = arith.addf %add3A_1180, %mul3A_1196 : vector<16xf32>
        %add3A_1198 = arith.constant 384 : i32
        %add3A_1199 = arith.addi %add3A_213, %add3A_1198 : i32
        %add3A_1200 = arith.constant 10 : i32
        %add3A_1201 = arith.addi %add3A_1199, %add3A_1200 : i32
        %add3A_1202 = arith.constant 394 : i32
        %add3A_1203 = vector.broadcast %add3A_1202 : i32 to vector<16xi32>
        %add3A_1204 = arith.addi %broadcast_in_dim3A_214, %add3A_1203 : vector<16xi32>
        %gather3A_1205 = tpu.vector_load_idx %arg9[%add3A_1204] : memref<2560xf32, #tpu.memory_space<vmem>>[vector<16xi32>], vector<16xf32>,
        %get3A_1206 = arith.index_cast %add3A_1201 : i32 to index
        %get3A_1207 = arith.constant 0 : index
        %get3A_1208 = tpu.vector_load %arg11[%get3A_1206, %get3A_1207] {strides = array<i32>} : memref<2560x32xbf16, #tpu.memory_space<vmem>>, vector<32xbf16>,
        %unpack3A_1209 = tpu.unpack_subelements %get3A_1208, 0 {pack_format = #tpu.pack_format<interleaved>} : vector<32xbf16> -> vector<16xf32>
        %unpack3A_1210 = tpu.unpack_subelements %get3A_1208, 1 {pack_format = #tpu.pack_format<interleaved>} : vector<32xbf16> -> vector<16xf32>
        %mul3A_1211 = arith.mulf %gather3A_1205, %unpack3A_1209 : vector<16xf32>
        %add3A_1212 = arith.addf %add3A_1195, %mul3A_1211 : vector<16xf32>
        %mul3A_1213 = arith.mulf %gather3A_1205, %unpack3A_1210 : vector<16xf32>
        %add3A_1214 = arith.addf %add3A_1197, %mul3A_1213 : vector<16xf32>
        %add3A_1215 = arith.constant 384 : i32
        %add3A_1216 = arith.addi %add3A_213, %add3A_1215 : i32
        %add3A_1217 = arith.constant 11 : i32
        %add3A_1218 = arith.addi %add3A_1216, %add3A_1217 : i32
        %add3A_1219 = arith.constant 395 : i32
        %add3A_1220 = vector.broadcast %add3A_1219 : i32 to vector<16xi32>
        %add3A_1221 = arith.addi %broadcast_in_dim3A_214, %add3A_1220 : vector<16xi32>
        %gather3A_1222 = tpu.vector_load_idx %arg9[%add3A_1221] : memref<2560xf32, #tpu.memory_space<vmem>>[vector<16xi32>], vector<16xf32>,
        %get3A_1223 = arith.index_cast %add3A_1218 : i32 to index
        %get3A_1224 = arith.constant 0 : index
        %get3A_1225 = tpu.vector_load %arg11[%get3A_1223, %get3A_1224] {strides = array<i32>} : memref<2560x32xbf16, #tpu.memory_space<vmem>>, vector<32xbf16>,
        %unpack3A_1226 = tpu.unpack_subelements %get3A_1225, 0 {pack_format = #tpu.pack_format<interleaved>} : vector<32xbf16> -> vector<16xf32>
        %unpack3A_1227 = tpu.unpack_subelements %get3A_1225, 1 {pack_format = #tpu.pack_format<interleaved>} : vector<32xbf16> -> vector<16xf32>
        %mul3A_1228 = arith.mulf %gather3A_1222, %unpack3A_1226 : vector<16xf32>
        %add3A_1229 = arith.addf %add3A_1212, %mul3A_1228 : vector<16xf32>
        %mul3A_1230 = arith.mulf %gather3A_1222, %unpack3A_1227 : vector<16xf32>
        %add3A_1231 = arith.addf %add3A_1214, %mul3A_1230 : vector<16xf32>
        %add3A_1232 = arith.constant 384 : i32
        %add3A_1233 = arith.addi %add3A_213, %add3A_1232 : i32
        %add3A_1234 = arith.constant 12 : i32
        %add3A_1235 = arith.addi %add3A_1233, %add3A_1234 : i32
        %add3A_1236 = arith.constant 396 : i32
        %add3A_1237 = vector.broadcast %add3A_1236 : i32 to vector<16xi32>
        %add3A_1238 = arith.addi %broadcast_in_dim3A_214, %add3A_1237 : vector<16xi32>
        %gather3A_1239 = tpu.vector_load_idx %arg9[%add3A_1238] : memref<2560xf32, #tpu.memory_space<vmem>>[vector<16xi32>], vector<16xf32>,
        %get3A_1240 = arith.index_cast %add3A_1235 : i32 to index
        %get3A_1241 = arith.constant 0 : index
        %get3A_1242 = tpu.vector_load %arg11[%get3A_1240, %get3A_1241] {strides = array<i32>} : memref<2560x32xbf16, #tpu.memory_space<vmem>>, vector<32xbf16>,
        %unpack3A_1243 = tpu.unpack_subelements %get3A_1242, 0 {pack_format = #tpu.pack_format<interleaved>} : vector<32xbf16> -> vector<16xf32>
        %unpack3A_1244 = tpu.unpack_subelements %get3A_1242, 1 {pack_format = #tpu.pack_format<interleaved>} : vector<32xbf16> -> vector<16xf32>
        %mul3A_1245 = arith.mulf %gather3A_1239, %unpack3A_1243 : vector<16xf32>
        %add3A_1246 = arith.addf %add3A_1229, %mul3A_1245 : vector<16xf32>
        %mul3A_1247 = arith.mulf %gather3A_1239, %unpack3A_1244 : vector<16xf32>
        %add3A_1248 = arith.addf %add3A_1231, %mul3A_1247 : vector<16xf32>
        %add3A_1249 = arith.constant 384 : i32
        %add3A_1250 = arith.addi %add3A_213, %add3A_1249 : i32
        %add3A_1251 = arith.constant 13 : i32
        %add3A_1252 = arith.addi %add3A_1250, %add3A_1251 : i32
        %add3A_1253 = arith.constant 397 : i32
        %add3A_1254 = vector.broadcast %add3A_1253 : i32 to vector<16xi32>
        %add3A_1255 = arith.addi %broadcast_in_dim3A_214, %add3A_1254 : vector<16xi32>
        %gather3A_1256 = tpu.vector_load_idx %arg9[%add3A_1255] : memref<2560xf32, #tpu.memory_space<vmem>>[vector<16xi32>], vector<16xf32>,
        %get3A_1257 = arith.index_cast %add3A_1252 : i32 to index
        %get3A_1258 = arith.constant 0 : index
        %get3A_1259 = tpu.vector_load %arg11[%get3A_1257, %get3A_1258] {strides = array<i32>} : memref<2560x32xbf16, #tpu.memory_space<vmem>>, vector<32xbf16>,
        %unpack3A_1260 = tpu.unpack_subelements %get3A_1259, 0 {pack_format = #tpu.pack_format<interleaved>} : vector<32xbf16> -> vector<16xf32>
        %unpack3A_1261 = tpu.unpack_subelements %get3A_1259, 1 {pack_format = #tpu.pack_format<interleaved>} : vector<32xbf16> -> vector<16xf32>
        %mul3A_1262 = arith.mulf %gather3A_1256, %unpack3A_1260 : vector<16xf32>
        %add3A_1263 = arith.addf %add3A_1246, %mul3A_1262 : vector<16xf32>
        %mul3A_1264 = arith.mulf %gather3A_1256, %unpack3A_1261 : vector<16xf32>
        %add3A_1265 = arith.addf %add3A_1248, %mul3A_1264 : vector<16xf32>
        %add3A_1266 = arith.constant 384 : i32
        %add3A_1267 = arith.addi %add3A_213, %add3A_1266 : i32
        %add3A_1268 = arith.constant 14 : i32
        %add3A_1269 = arith.addi %add3A_1267, %add3A_1268 : i32
        %add3A_1270 = arith.constant 398 : i32
        %add3A_1271 = vector.broadcast %add3A_1270 : i32 to vector<16xi32>
        %add3A_1272 = arith.addi %broadcast_in_dim3A_214, %add3A_1271 : vector<16xi32>
        %gather3A_1273 = tpu.vector_load_idx %arg9[%add3A_1272] : memref<2560xf32, #tpu.memory_space<vmem>>[vector<16xi32>], vector<16xf32>,
        %get3A_1274 = arith.index_cast %add3A_1269 : i32 to index
        %get3A_1275 = arith.constant 0 : index
        %get3A_1276 = tpu.vector_load %arg11[%get3A_1274, %get3A_1275] {strides = array<i32>} : memref<2560x32xbf16, #tpu.memory_space<vmem>>, vector<32xbf16>,
        %unpack3A_1277 = tpu.unpack_subelements %get3A_1276, 0 {pack_format = #tpu.pack_format<interleaved>} : vector<32xbf16> -> vector<16xf32>
        %unpack3A_1278 = tpu.unpack_subelements %get3A_1276, 1 {pack_format = #tpu.pack_format<interleaved>} : vector<32xbf16> -> vector<16xf32>
        %mul3A_1279 = arith.mulf %gather3A_1273, %unpack3A_1277 : vector<16xf32>
        %add3A_1280 = arith.addf %add3A_1263, %mul3A_1279 : vector<16xf32>
        %mul3A_1281 = arith.mulf %gather3A_1273, %unpack3A_1278 : vector<16xf32>
        %add3A_1282 = arith.addf %add3A_1265, %mul3A_1281 : vector<16xf32>
        %add3A_1283 = arith.constant 384 : i32
        %add3A_1284 = arith.addi %add3A_213, %add3A_1283 : i32
        %add3A_1285 = arith.constant 15 : i32
        %add3A_1286 = arith.addi %add3A_1284, %add3A_1285 : i32
        %add3A_1287 = arith.constant 399 : i32
        %add3A_1288 = vector.broadcast %add3A_1287 : i32 to vector<16xi32>
        %add3A_1289 = arith.addi %broadcast_in_dim3A_214, %add3A_1288 : vector<16xi32>
        %gather3A_1290 = tpu.vector_load_idx %arg9[%add3A_1289] : memref<2560xf32, #tpu.memory_space<vmem>>[vector<16xi32>], vector<16xf32>,
        %get3A_1291 = arith.index_cast %add3A_1286 : i32 to index
        %get3A_1292 = arith.constant 0 : index
        %get3A_1293 = tpu.vector_load %arg11[%get3A_1291, %get3A_1292] {strides = array<i32>} : memref<2560x32xbf16, #tpu.memory_space<vmem>>, vector<32xbf16>,
        %unpack3A_1294 = tpu.unpack_subelements %get3A_1293, 0 {pack_format = #tpu.pack_format<interleaved>} : vector<32xbf16> -> vector<16xf32>
        %unpack3A_1295 = tpu.unpack_subelements %get3A_1293, 1 {pack_format = #tpu.pack_format<interleaved>} : vector<32xbf16> -> vector<16xf32>
        %mul3A_1296 = arith.mulf %gather3A_1290, %unpack3A_1294 : vector<16xf32>
        %add3A_1297 = arith.addf %add3A_1280, %mul3A_1296 : vector<16xf32>
        %mul3A_1298 = arith.mulf %gather3A_1290, %unpack3A_1295 : vector<16xf32>
        %add3A_1299 = arith.addf %add3A_1282, %mul3A_1298 : vector<16xf32>
        %swap3A = arith.constant 0 : i32
        %swap3A_1300 = arith.index_cast %scan3A_174 : i32 to index
        %swap3A_1301 = arith.index_cast %swap3A : i32 to index
        %swap3A_1302 = arith.constant 0 : index
        %swap3A_1303 = tpu.vector_load %arg13[%swap3A_1300, %swap3A_1301, %swap3A_1302] {strides = array<i32>} : memref<40x2x16xf32, #tpu.memory_space<vmem>>, vector<16xf32>,
        tpu.vector_store %arg13[%swap3A_1300, %swap3A_1301, %swap3A_1302], %add3A_1297 {strides = array<i32>} : memref<40x2x16xf32, #tpu.memory_space<vmem>>, vector<16xf32>,
        %swap3A_1304 = arith.constant 1 : i32
        %swap3A_1305 = arith.index_cast %scan3A_174 : i32 to index
        %swap3A_1306 = arith.index_cast %swap3A_1304 : i32 to index
        %swap3A_1307 = arith.constant 0 : index
        %swap3A_1308 = tpu.vector_load %arg13[%swap3A_1305, %swap3A_1306, %swap3A_1307] {strides = array<i32>} : memref<40x2x16xf32, #tpu.memory_space<vmem>>, vector<16xf32>,
        tpu.vector_store %arg13[%swap3A_1305, %swap3A_1306, %swap3A_1307], %add3A_1299 {strides = array<i32>} : memref<40x2x16xf32, #tpu.memory_space<vmem>>, vector<16xf32>,
      }
      %scan3A_155 = arith.constant 40 : i32
      %add3A_156 = arith.constant 2 : i32
      %add3A_157 = arith.addi %add3A_127, %add3A_156 : i32
      %lt3A_158 = arith.constant 68 : i32
      %lt3A_159 = arith.cmpi slt, %add3A_157, %lt3A_158 : i32
      %convert_element_type3A_160 = arith.extui %lt3A_159 : i1 to i32
      %cond3A_161 = arith.constant 0 : i32
      %cond3A_162 = arith.cmpi ne, %convert_element_type3A_160, %cond3A_161 : i32
      scf.if %cond3A_162 {
        %add3A_174 = arith.constant 2 : i32
        %add3A_175 = arith.addi %add3A_127, %add3A_174 : i32
        %mul3A_176 = arith.constant 68 : i32
        %mul3A_177 = arith.muli %add3A, %mul3A_176 : i32
        %add3A_178 = arith.addi %mul3A_177, %add3A_175 : i32
        %dma_start3A_179 = arith.constant 0 : i32
        %dma_start3A_180 = tpu.memref_slice %arg4[%add3A_178, %dma_start3A_179] : memref<2176x2560xf32, #tpu.memory_space<hbm>> -> memref<1x2560xf32, #tpu.memory_space<hbm>>
        %dma_start3A_181 = tpu.memref_squeeze %dma_start3A_180 : memref<1x2560xf32, #tpu.memory_space<hbm>> -> memref<2560xf32, #tpu.memory_space<hbm>>
        %dma_start3A_182 = arith.constant 0 : i32
        %dma_start3A_183 = tpu.memref_slice %arg4[%add3A_178, %dma_start3A_182] : memref<2176x2560xf32, #tpu.memory_space<hbm>> -> memref<1x2560xf32, #tpu.memory_space<hbm>>
        %dma_start3A_184 = tpu.memref_squeeze %dma_start3A_183 : memref<1x2560xf32, #tpu.memory_space<hbm>> -> memref<2560xf32, #tpu.memory_space<hbm>>
        tpu.enqueue_dma source(%dma_start3A_184 : memref<2560xf32, #tpu.memory_space<hbm>>) target(%arg9 : memref<2560xf32, #tpu.memory_space<vmem>>) target_semaphore(%arg17 : memref<!tpu.dma_semaphore, #tpu.memory_space<semaphore_mem>>)
      } else {
      }
      %mul3A_163 = arith.constant 68 : i32
      %mul3A_164 = arith.muli %add3A, %mul3A_163 : i32
      %add3A_165 = arith.addi %mul3A_164, %add3A_127 : i32
      %mul3A_166 = arith.constant 40 : i32
      %mul3A_167 = arith.muli %add3A_165, %mul3A_166 : i32
      %dma_start3A_168 = arith.constant 0 : i32
      %dma_start3A_169 = arith.constant 0 : i32
      %dma_start3A_170 = tpu.memref_slice %arg5[%mul3A_167, %dma_start3A_168, %dma_start3A_169] : memref<87040x2x16xf32, #tpu.memory_space<hbm>> -> memref<40x2x16xf32, #tpu.memory_space<hbm>>
      %dma_start3A_171 = arith.constant 0 : i32
      %dma_start3A_172 = arith.constant 0 : i32
      %dma_start3A_173 = tpu.memref_slice %arg5[%mul3A_167, %dma_start3A_171, %dma_start3A_172] : memref<87040x2x16xf32, #tpu.memory_space<hbm>> -> memref<40x2x16xf32, #tpu.memory_space<hbm>>
      tpu.enqueue_dma source(%arg13 : memref<40x2x16xf32, #tpu.memory_space<vmem>>) target(%dma_start3A_173 : memref<40x2x16xf32, #tpu.memory_space<hbm>>) target_semaphore(%arg21 : memref<!tpu.dma_semaphore, #tpu.memory_space<semaphore_mem>>)
    }
    %scan3A_60 = arith.constant 34 : i32
    %dma_wait3A_61 = arith.constant 0 : i32
    %dma_wait3A_62 = arith.constant 0 : i32
    %dma_wait3A_63 = arith.constant 0 : i32
    %dma_wait3A_64 = tpu.memref_slice %arg5[%dma_wait3A_61, %dma_wait3A_62, %dma_wait3A_63] : memref<87040x2x16xf32, #tpu.memory_space<hbm>> -> memref<40x2x16xf32, #tpu.memory_space<hbm>>
    %dma_wait3A_65 = arith.constant 0 : i32
    %dma_wait3A_66 = arith.constant 0 : i32
    %dma_wait3A_67 = arith.constant 0 : i32
    %dma_wait3A_68 = tpu.memref_slice %arg5[%dma_wait3A_65, %dma_wait3A_66, %dma_wait3A_67] : memref<87040x2x16xf32, #tpu.memory_space<hbm>> -> memref<40x2x16xf32, #tpu.memory_space<hbm>>
    tpu.wait_dma2 semaphore(%arg20 : memref<!tpu.dma_semaphore, #tpu.memory_space<semaphore_mem>>) src(%arg12 : memref<40x2x16xf32, #tpu.memory_space<vmem>>) dst(%dma_wait3A_68 : memref<40x2x16xf32, #tpu.memory_space<hbm>>)
    %dma_wait3A_69 = arith.constant 0 : i32
    %dma_wait3A_70 = arith.constant 0 : i32
    %dma_wait3A_71 = arith.constant 0 : i32
    %dma_wait3A_72 = tpu.memref_slice %arg5[%dma_wait3A_69, %dma_wait3A_70, %dma_wait3A_71] : memref<87040x2x16xf32, #tpu.memory_space<hbm>> -> memref<40x2x16xf32, #tpu.memory_space<hbm>>
    %dma_wait3A_73 = arith.constant 0 : i32
    %dma_wait3A_74 = arith.constant 0 : i32
    %dma_wait3A_75 = arith.constant 0 : i32
    %dma_wait3A_76 = tpu.memref_slice %arg5[%dma_wait3A_73, %dma_wait3A_74, %dma_wait3A_75] : memref<87040x2x16xf32, #tpu.memory_space<hbm>> -> memref<40x2x16xf32, #tpu.memory_space<hbm>>
    tpu.wait_dma2 semaphore(%arg21 : memref<!tpu.dma_semaphore, #tpu.memory_space<semaphore_mem>>) src(%arg13 : memref<40x2x16xf32, #tpu.memory_space<vmem>>) dst(%dma_wait3A_76 : memref<40x2x16xf32, #tpu.memory_space<hbm>>)
    return
  }
}

module attributes {stable_mosaic.version = 14 : i64} {
  func.func @_prep_kernel(%arg0: i32, %arg1: memref<544x256xf32, #tpu.memory_space<vmem>>, %arg2: memref<256x128xf32, #tpu.memory_space<vmem>>, %arg3: memref<256x128xf32, #tpu.memory_space<vmem>>, %arg4: memref<256x128xf32, #tpu.memory_space<vmem>>, %arg5: memref<1x128xf32, #tpu.memory_space<vmem>>, %arg6: memref<1x128xf32, #tpu.memory_space<vmem>>, %arg7: memref<1x128xf32, #tpu.memory_space<vmem>>, %arg8: memref<544x128xf32, #tpu.memory_space<vmem>>, %arg9: memref<544x128xf32, #tpu.memory_space<vmem>>, %arg10: memref<1x128xf32, #tpu.memory_space<vmem>>, %arg11: memref<1x128xf32, #tpu.memory_space<vmem>>, %arg12: memref<128x128xf32, #tpu.memory_space<vmem>>, %arg13: memref<1x128xi32, #tpu.memory_space<vmem>>, %arg14: memref<1x128xi32, #tpu.memory_space<vmem>>, %arg15: memref<544x512xi32, #tpu.memory_space<vmem>>, %arg16: memref<544x512xf32, #tpu.memory_space<vmem>>) attributes {dimension_semantics = [#tpu.dimension_semantics<arbitrary>], iteration_bounds = array<i64: 20>, scalar_prefetch = 0 : i64, scratch_operands = 0 : i64, tpu.core_type = #tpu.core_type<tc>, window_params = [{transform_indices = @transform_0, window_bounds = array<i64: 544, 256>}, {pipeline_mode = #tpu.pipeline_mode<synchronous>, transform_indices = @transform_1, window_bounds = array<i64: 256, 128>}, {pipeline_mode = #tpu.pipeline_mode<synchronous>, transform_indices = @transform_2, window_bounds = array<i64: 256, 128>}, {pipeline_mode = #tpu.pipeline_mode<synchronous>, transform_indices = @transform_3, window_bounds = array<i64: 256, 128>}, {pipeline_mode = #tpu.pipeline_mode<synchronous>, transform_indices = @transform_4, window_bounds = array<i64: 1, 128>}, {pipeline_mode = #tpu.pipeline_mode<synchronous>, transform_indices = @transform_5, window_bounds = array<i64: 1, 128>}, {pipeline_mode = #tpu.pipeline_mode<synchronous>, transform_indices = @transform_6, window_bounds = array<i64: 1, 128>}, {transform_indices = @transform_7, window_bounds = array<i64: 544, 128>}, {transform_indices = @transform_8, window_bounds = array<i64: 544, 128>}, {pipeline_mode = #tpu.pipeline_mode<synchronous>, transform_indices = @transform_9, window_bounds = array<i64: 1, 128>}, {pipeline_mode = #tpu.pipeline_mode<synchronous>, transform_indices = @transform_10, window_bounds = array<i64: 1, 128>}, {pipeline_mode = #tpu.pipeline_mode<synchronous>, transform_indices = @transform_11, window_bounds = array<i64: 128, 128>}, {pipeline_mode = #tpu.pipeline_mode<synchronous>, transform_indices = @transform_12, window_bounds = array<i64: 1, 128>}, {pipeline_mode = #tpu.pipeline_mode<synchronous>, transform_indices = @transform_13, window_bounds = array<i64: 1, 128>}, {transform_indices = @transform_14, window_bounds = array<i64: 544, 512>}, {transform_indices = @transform_15, window_bounds = array<i64: 544, 512>}]} {
    %jit3A = arith.constant 10 : i32
    %div3A = arith.divsi %arg0, %jit3A : i32
    %sign3A = arith.constant 0 : i32
    %sign3A_0 = arith.cmpi sgt, %arg0, %sign3A : i32
    %sign3A_1 = arith.extui %sign3A_0 : i1 to i32
    %sign3A_2 = arith.constant 0 : i32
    %sign3A_3 = arith.cmpi slt, %arg0, %sign3A_2 : i32
    %sign3A_4 = arith.extui %sign3A_3 : i1 to i32
    %sign3A_5 = arith.subi %sign3A_1, %sign3A_4 : i32
    %sign3A_6 = arith.constant 0 : i32
    %sign3A_7 = arith.cmpi sgt, %jit3A, %sign3A_6 : i32
    %sign3A_8 = arith.extui %sign3A_7 : i1 to i32
    %sign3A_9 = arith.constant 0 : i32
    %sign3A_10 = arith.cmpi slt, %jit3A, %sign3A_9 : i32
    %sign3A_11 = arith.extui %sign3A_10 : i1 to i32
    %sign3A_12 = arith.subi %sign3A_8, %sign3A_11 : i32
    %ne3A = arith.cmpi ne, %sign3A_5, %sign3A_12 : i32
    %rem3A = arith.remsi %arg0, %jit3A : i32
    %ne3A_13 = arith.constant 0 : i32
    %ne3A_14 = arith.cmpi ne, %rem3A, %ne3A_13 : i32
    %and3A = arith.andi %ne3A, %ne3A_14 : i1
    %sub3A = arith.constant 1 : i32
    %sub3A_15 = arith.subi %div3A, %sub3A : i32
    %select_n3A = arith.select %and3A, %sub3A_15, %div3A : i32
    %get3A = arith.constant 0 : index
    %get3A_16 = arith.constant 0 : index
    %get3A_17 = vector.load %arg1[%get3A, %get3A_16] : memref<544x256xf32, #tpu.memory_space<vmem>>, vector<544x256xf32>
    %get3A_18 = arith.constant 0 : index
    %get3A_19 = arith.constant 0 : index
    %get3A_20 = vector.load %arg2[%get3A_18, %get3A_19] : memref<256x128xf32, #tpu.memory_space<vmem>>, vector<256x128xf32>
    %dot_general3A = arith.constant dense<0.000000e+00> : vector<544x128xf32>
    %dot_general3A_21 = tpu.matmul %get3A_17, %get3A_20, %dot_general3A {dimension_numbers = #tpu.dot_dimension_numbers<[1], [0], [0], [1], [0, 0, 1, 1], [], []>, transpose_lhs_hint = false} : vector<544x256xf32>, vector<256x128xf32>, vector<544x128xf32> -> vector<544x128xf32>
    %get3A_22 = arith.constant 0 : index
    %get3A_23 = arith.constant 0 : index
    %get3A_24 = vector.load %arg5[%get3A_22, %get3A_23] : memref<1x128xf32, #tpu.memory_space<vmem>>, vector<1x128xf32>
    %add3A = vector.broadcast %get3A_24 : vector<1x128xf32> to vector<544x128xf32>
    %add3A_25 = arith.addf %dot_general3A_21, %add3A : vector<544x128xf32>
    %get3A_26 = arith.constant 0 : index
    %get3A_27 = arith.constant 0 : index
    %get3A_28 = vector.load %arg3[%get3A_26, %get3A_27] : memref<256x128xf32, #tpu.memory_space<vmem>>, vector<256x128xf32>
    %dot_general3A_29 = arith.constant dense<0.000000e+00> : vector<544x128xf32>
    %dot_general3A_30 = tpu.matmul %get3A_17, %get3A_28, %dot_general3A_29 {dimension_numbers = #tpu.dot_dimension_numbers<[1], [0], [0], [1], [0, 0, 1, 1], [], []>, transpose_lhs_hint = false} : vector<544x256xf32>, vector<256x128xf32>, vector<544x128xf32> -> vector<544x128xf32>
    %get3A_31 = arith.constant 0 : index
    %get3A_32 = arith.constant 0 : index
    %get3A_33 = vector.load %arg6[%get3A_31, %get3A_32] : memref<1x128xf32, #tpu.memory_space<vmem>>, vector<1x128xf32>
    %add3A_34 = vector.broadcast %get3A_33 : vector<1x128xf32> to vector<544x128xf32>
    %add3A_35 = arith.addf %dot_general3A_30, %add3A_34 : vector<544x128xf32>
    %get3A_36 = arith.constant 0 : index
    %get3A_37 = arith.constant 0 : index
    %get3A_38 = vector.load %arg4[%get3A_36, %get3A_37] : memref<256x128xf32, #tpu.memory_space<vmem>>, vector<256x128xf32>
    %dot_general3A_39 = arith.constant dense<0.000000e+00> : vector<544x128xf32>
    %dot_general3A_40 = tpu.matmul %get3A_17, %get3A_38, %dot_general3A_39 {dimension_numbers = #tpu.dot_dimension_numbers<[1], [0], [0], [1], [0, 0, 1, 1], [], []>, transpose_lhs_hint = false} : vector<544x256xf32>, vector<256x128xf32>, vector<544x128xf32> -> vector<544x128xf32>
    %get3A_41 = arith.constant 0 : index
    %get3A_42 = arith.constant 0 : index
    %get3A_43 = vector.load %arg7[%get3A_41, %get3A_42] : memref<1x128xf32, #tpu.memory_space<vmem>>, vector<1x128xf32>
    %add3A_44 = vector.broadcast %get3A_43 : vector<1x128xf32> to vector<544x128xf32>
    %add3A_45 = arith.addf %dot_general3A_40, %add3A_44 : vector<544x128xf32>
    %reduce_max3A = arith.constant dense<0xFF800000> : vector<544xf32>
    %reduce_max3A_46 = vector.multi_reduction <maximumf>, %add3A_45, %reduce_max3A [1] : vector<544x128xf32> to vector<544xf32>
    %broadcast_in_dim3A = vector.shape_cast %reduce_max3A_46 : vector<544xf32> to vector<544x1xf32>
    %sub3A_47 = vector.broadcast %broadcast_in_dim3A : vector<544x1xf32> to vector<544x128xf32>
    %sub3A_48 = arith.subf %add3A_45, %sub3A_47 : vector<544x128xf32>
    %exp3A = math.exp %sub3A_48 : vector<544x128xf32>
    %get3A_49 = arith.constant 0 : index
    %get3A_50 = arith.constant 0 : index
    %get3A_51 = vector.load %arg12[%get3A_49, %get3A_50] : memref<128x128xf32, #tpu.memory_space<vmem>>, vector<128x128xf32>
    %dot_general3A_52 = arith.constant dense<0.000000e+00> : vector<544x128xf32>
    %dot_general3A_53 = tpu.matmul %exp3A, %get3A_51, %dot_general3A_52 {dimension_numbers = #tpu.dot_dimension_numbers<[1], [0], [0], [1], [0, 0, 1, 1], [], []>, transpose_lhs_hint = false} : vector<544x128xf32>, vector<128x128xf32>, vector<544x128xf32> -> vector<544x128xf32>
    %div3A_54 = arith.divf %exp3A, %dot_general3A_53 : vector<544x128xf32>
    %get3A_55 = arith.constant 0 : index
    %get3A_56 = arith.constant 0 : index
    %get3A_57 = vector.load %arg10[%get3A_55, %get3A_56] : memref<1x128xf32, #tpu.memory_space<vmem>>, vector<1x128xf32>
    %get3A_58 = arith.constant 0 : index
    %get3A_59 = arith.constant 0 : index
    %get3A_60 = vector.load %arg11[%get3A_58, %get3A_59] : memref<1x128xf32, #tpu.memory_space<vmem>>, vector<1x128xf32>
    %get3A_61 = arith.constant 0 : index
    %get3A_62 = arith.constant 0 : index
    %get3A_63 = vector.load %arg8[%get3A_61, %get3A_62] : memref<544x128xf32, #tpu.memory_space<vmem>>, vector<544x128xf32>
    %mul3A = vector.broadcast %get3A_57 : vector<1x128xf32> to vector<544x128xf32>
    %mul3A_64 = arith.mulf %get3A_63, %mul3A : vector<544x128xf32>
    %add3A_65 = arith.addf %mul3A_64, %add3A_25 : vector<544x128xf32>
    %sub3A_66 = arith.constant 5.000000e-01 : f32
    %sub3A_67 = vector.broadcast %sub3A_66 : f32 to vector<544x128xf32>
    %sub3A_68 = arith.subf %add3A_65, %sub3A_67 : vector<544x128xf32>
    %get3A_69 = arith.constant 0 : index
    %get3A_70 = arith.constant 0 : index
    %get3A_71 = vector.load %arg9[%get3A_69, %get3A_70] : memref<544x128xf32, #tpu.memory_space<vmem>>, vector<544x128xf32>
    %mul3A_72 = vector.broadcast %get3A_60 : vector<1x128xf32> to vector<544x128xf32>
    %mul3A_73 = arith.mulf %get3A_71, %mul3A_72 : vector<544x128xf32>
    %add3A_74 = arith.addf %mul3A_73, %add3A_35 : vector<544x128xf32>
    %sub3A_75 = arith.constant 5.000000e-01 : f32
    %sub3A_76 = vector.broadcast %sub3A_75 : f32 to vector<544x128xf32>
    %sub3A_77 = arith.subf %add3A_74, %sub3A_76 : vector<544x128xf32>
    %floor3A = math.floor %sub3A_68 : vector<544x128xf32>
    %floor3A_78 = math.floor %sub3A_77 : vector<544x128xf32>
    %sub3A_79 = arith.subf %sub3A_68, %floor3A : vector<544x128xf32>
    %sub3A_80 = arith.subf %sub3A_77, %floor3A_78 : vector<544x128xf32>
    %add3A_81 = arith.constant 1.000000e+00 : f32
    %add3A_82 = vector.broadcast %add3A_81 : f32 to vector<544x128xf32>
    %add3A_83 = arith.addf %floor3A, %add3A_82 : vector<544x128xf32>
    %add3A_84 = arith.constant 1.000000e+00 : f32
    %add3A_85 = vector.broadcast %add3A_84 : f32 to vector<544x128xf32>
    %add3A_86 = arith.addf %floor3A_78, %add3A_85 : vector<544x128xf32>
    %ge3A = arith.constant 0.000000e+00 : f32
    %ge3A_87 = vector.broadcast %ge3A : f32 to vector<544x128xf32>
    %ge3A_88 = arith.cmpf oge, %floor3A, %ge3A_87 : vector<544x128xf32>
    %sub3A_89 = arith.constant 1.000000e+00 : f32
    %sub3A_90 = vector.broadcast %sub3A_89 : f32 to vector<1x128xf32>
    %sub3A_91 = arith.subf %get3A_57, %sub3A_90 : vector<1x128xf32>
    %le3A = vector.broadcast %sub3A_91 : vector<1x128xf32> to vector<544x128xf32>
    %le3A_92 = arith.cmpf ole, %floor3A, %le3A : vector<544x128xf32>
    %and3A_93 = arith.andi %ge3A_88, %le3A_92 : vector<544x128xi1>
    %ge3A_94 = arith.constant 0.000000e+00 : f32
    %ge3A_95 = vector.broadcast %ge3A_94 : f32 to vector<544x128xf32>
    %ge3A_96 = arith.cmpf oge, %add3A_83, %ge3A_95 : vector<544x128xf32>
    %sub3A_97 = arith.constant 1.000000e+00 : f32
    %sub3A_98 = vector.broadcast %sub3A_97 : f32 to vector<1x128xf32>
    %sub3A_99 = arith.subf %get3A_57, %sub3A_98 : vector<1x128xf32>
    %le3A_100 = vector.broadcast %sub3A_99 : vector<1x128xf32> to vector<544x128xf32>
    %le3A_101 = arith.cmpf ole, %add3A_83, %le3A_100 : vector<544x128xf32>
    %and3A_102 = arith.andi %ge3A_96, %le3A_101 : vector<544x128xi1>
    %ge3A_103 = arith.constant 0.000000e+00 : f32
    %ge3A_104 = vector.broadcast %ge3A_103 : f32 to vector<544x128xf32>
    %ge3A_105 = arith.cmpf oge, %floor3A_78, %ge3A_104 : vector<544x128xf32>
    %sub3A_106 = arith.constant 1.000000e+00 : f32
    %sub3A_107 = vector.broadcast %sub3A_106 : f32 to vector<1x128xf32>
    %sub3A_108 = arith.subf %get3A_60, %sub3A_107 : vector<1x128xf32>
    %le3A_109 = vector.broadcast %sub3A_108 : vector<1x128xf32> to vector<544x128xf32>
    %le3A_110 = arith.cmpf ole, %floor3A_78, %le3A_109 : vector<544x128xf32>
    %and3A_111 = arith.andi %ge3A_105, %le3A_110 : vector<544x128xi1>
    %ge3A_112 = arith.constant 0.000000e+00 : f32
    %ge3A_113 = vector.broadcast %ge3A_112 : f32 to vector<544x128xf32>
    %ge3A_114 = arith.cmpf oge, %add3A_86, %ge3A_113 : vector<544x128xf32>
    %sub3A_115 = arith.constant 1.000000e+00 : f32
    %sub3A_116 = vector.broadcast %sub3A_115 : f32 to vector<1x128xf32>
    %sub3A_117 = arith.subf %get3A_60, %sub3A_116 : vector<1x128xf32>
    %le3A_118 = vector.broadcast %sub3A_117 : vector<1x128xf32> to vector<544x128xf32>
    %le3A_119 = arith.cmpf ole, %add3A_86, %le3A_118 : vector<544x128xf32>
    %and3A_120 = arith.andi %ge3A_114, %le3A_119 : vector<544x128xi1>
    %sub3A_121 = arith.constant 1.000000e+00 : f32
    %sub3A_122 = vector.broadcast %sub3A_121 : f32 to vector<1x128xf32>
    %sub3A_123 = arith.subf %get3A_57, %sub3A_122 : vector<1x128xf32>
    %jit3A_124 = arith.constant 0.000000e+00 : f32
    %max3A = vector.broadcast %jit3A_124 : f32 to vector<544x128xf32>
    %max3A_125 = arith.maximumf %max3A, %floor3A : vector<544x128xf32>
    %min3A = vector.broadcast %sub3A_123 : vector<1x128xf32> to vector<544x128xf32>
    %min3A_126 = arith.minimumf %min3A, %max3A_125 : vector<544x128xf32>
    %convert_element_type3A = arith.fptosi %min3A_126 : vector<544x128xf32> to vector<544x128xi32>
    %sub3A_127 = arith.constant 1.000000e+00 : f32
    %sub3A_128 = vector.broadcast %sub3A_127 : f32 to vector<1x128xf32>
    %sub3A_129 = arith.subf %get3A_57, %sub3A_128 : vector<1x128xf32>
    %jit3A_130 = arith.constant 0.000000e+00 : f32
    %max3A_131 = vector.broadcast %jit3A_130 : f32 to vector<544x128xf32>
    %max3A_132 = arith.maximumf %max3A_131, %add3A_83 : vector<544x128xf32>
    %min3A_133 = vector.broadcast %sub3A_129 : vector<1x128xf32> to vector<544x128xf32>
    %min3A_134 = arith.minimumf %min3A_133, %max3A_132 : vector<544x128xf32>
    %convert_element_type3A_135 = arith.fptosi %min3A_134 : vector<544x128xf32> to vector<544x128xi32>
    %sub3A_136 = arith.constant 1.000000e+00 : f32
    %sub3A_137 = vector.broadcast %sub3A_136 : f32 to vector<1x128xf32>
    %sub3A_138 = arith.subf %get3A_60, %sub3A_137 : vector<1x128xf32>
    %jit3A_139 = arith.constant 0.000000e+00 : f32
    %max3A_140 = vector.broadcast %jit3A_139 : f32 to vector<544x128xf32>
    %max3A_141 = arith.maximumf %max3A_140, %floor3A_78 : vector<544x128xf32>
    %min3A_142 = vector.broadcast %sub3A_138 : vector<1x128xf32> to vector<544x128xf32>
    %min3A_143 = arith.minimumf %min3A_142, %max3A_141 : vector<544x128xf32>
    %convert_element_type3A_144 = arith.fptosi %min3A_143 : vector<544x128xf32> to vector<544x128xi32>
    %sub3A_145 = arith.constant 1.000000e+00 : f32
    %sub3A_146 = vector.broadcast %sub3A_145 : f32 to vector<1x128xf32>
    %sub3A_147 = arith.subf %get3A_60, %sub3A_146 : vector<1x128xf32>
    %jit3A_148 = arith.constant 0.000000e+00 : f32
    %max3A_149 = vector.broadcast %jit3A_148 : f32 to vector<544x128xf32>
    %max3A_150 = arith.maximumf %max3A_149, %add3A_86 : vector<544x128xf32>
    %min3A_151 = vector.broadcast %sub3A_147 : vector<1x128xf32> to vector<544x128xf32>
    %min3A_152 = arith.minimumf %min3A_151, %max3A_150 : vector<544x128xf32>
    %convert_element_type3A_153 = arith.fptosi %min3A_152 : vector<544x128xf32> to vector<544x128xi32>
    %convert_element_type3A_154 = arith.fptosi %get3A_57 : vector<1x128xf32> to vector<1x128xi32>
    %get3A_155 = arith.constant 0 : index
    %get3A_156 = arith.constant 0 : index
    %get3A_157 = vector.load %arg13[%get3A_155, %get3A_156] : memref<1x128xi32, #tpu.memory_space<vmem>>, vector<1x128xi32>
    %mul3A_158 = arith.constant 5440 : i32
    %mul3A_159 = arith.muli %select_n3A, %mul3A_158 : i32
    %add3A_160 = vector.broadcast %mul3A_159 : i32 to vector<1x128xi32>
    %add3A_161 = arith.addi %get3A_157, %add3A_160 : vector<1x128xi32>
    %mul3A_162 = vector.broadcast %convert_element_type3A_154 : vector<1x128xi32> to vector<544x128xi32>
    %mul3A_163 = arith.muli %convert_element_type3A_144, %mul3A_162 : vector<544x128xi32>
    %add3A_164 = vector.broadcast %add3A_161 : vector<1x128xi32> to vector<544x128xi32>
    %add3A_165 = arith.addi %add3A_164, %mul3A_163 : vector<544x128xi32>
    %shift_left3A = arith.constant 3 : i32
    %shift_left3A_166 = vector.broadcast %shift_left3A : i32 to vector<544x128xi32>
    %shift_left3A_167 = arith.shli %add3A_165, %shift_left3A_166 : vector<544x128xi32>
    %get3A_168 = arith.constant 0 : index
    %get3A_169 = arith.constant 0 : index
    %get3A_170 = vector.load %arg14[%get3A_168, %get3A_169] : memref<1x128xi32, #tpu.memory_space<vmem>>, vector<1x128xi32>
    %add3A_171 = vector.broadcast %get3A_170 : vector<1x128xi32> to vector<544x128xi32>
    %add3A_172 = arith.addi %shift_left3A_167, %add3A_171 : vector<544x128xi32>
    %mul3A_173 = vector.broadcast %convert_element_type3A_154 : vector<1x128xi32> to vector<544x128xi32>
    %mul3A_174 = arith.muli %convert_element_type3A_153, %mul3A_173 : vector<544x128xi32>
    %add3A_175 = vector.broadcast %add3A_161 : vector<1x128xi32> to vector<544x128xi32>
    %add3A_176 = arith.addi %add3A_175, %mul3A_174 : vector<544x128xi32>
    %shift_left3A_177 = arith.constant 3 : i32
    %shift_left3A_178 = vector.broadcast %shift_left3A_177 : i32 to vector<544x128xi32>
    %shift_left3A_179 = arith.shli %add3A_176, %shift_left3A_178 : vector<544x128xi32>
    %get3A_180 = arith.constant 0 : index
    %get3A_181 = arith.constant 0 : index
    %get3A_182 = vector.load %arg14[%get3A_180, %get3A_181] : memref<1x128xi32, #tpu.memory_space<vmem>>, vector<1x128xi32>
    %add3A_183 = vector.broadcast %get3A_182 : vector<1x128xi32> to vector<544x128xi32>
    %add3A_184 = arith.addi %shift_left3A_179, %add3A_183 : vector<544x128xi32>
    %shift_left3A_185 = arith.constant 3 : i32
    %shift_left3A_186 = vector.broadcast %shift_left3A_185 : i32 to vector<544x128xi32>
    %shift_left3A_187 = arith.shli %convert_element_type3A, %shift_left3A_186 : vector<544x128xi32>
    %shift_left3A_188 = arith.constant 3 : i32
    %shift_left3A_189 = vector.broadcast %shift_left3A_188 : i32 to vector<544x128xi32>
    %shift_left3A_190 = arith.shli %convert_element_type3A_135, %shift_left3A_189 : vector<544x128xi32>
    %add3A_191 = arith.addi %add3A_172, %shift_left3A_187 : vector<544x128xi32>
    %add3A_192 = arith.addi %add3A_172, %shift_left3A_190 : vector<544x128xi32>
    %add3A_193 = arith.addi %add3A_184, %shift_left3A_187 : vector<544x128xi32>
    %add3A_194 = arith.addi %add3A_184, %shift_left3A_190 : vector<544x128xi32>
    %concatenate3A = tpu.concatenate %add3A_191, %add3A_192, %add3A_193, %add3A_194 in 1 : vector<544x128xi32>, vector<544x128xi32>, vector<544x128xi32>, vector<544x128xi32> -> vector<544x512xi32>
    %swap3A = arith.constant 0 : index
    %swap3A_195 = arith.constant 0 : index
    %swap3A_196 = vector.load %arg15[%swap3A, %swap3A_195] : memref<544x512xi32, #tpu.memory_space<vmem>>, vector<544x512xi32>
    tpu.vector_store %arg15[%swap3A, %swap3A_195], %concatenate3A {strides = array<i32>} : memref<544x512xi32, #tpu.memory_space<vmem>>, vector<544x512xi32>,
    %sub3A_197 = arith.constant 1.000000e+00 : f32
    %sub3A_198 = vector.broadcast %sub3A_197 : f32 to vector<544x128xf32>
    %sub3A_199 = arith.subf %sub3A_198, %sub3A_79 : vector<544x128xf32>
    %sub3A_200 = arith.constant 1.000000e+00 : f32
    %sub3A_201 = vector.broadcast %sub3A_200 : f32 to vector<544x128xf32>
    %sub3A_202 = arith.subf %sub3A_201, %sub3A_80 : vector<544x128xf32>
    %mul3A_203 = arith.mulf %div3A_54, %sub3A_199 : vector<544x128xf32>
    %mul3A_204 = arith.mulf %mul3A_203, %sub3A_202 : vector<544x128xf32>
    %and3A_205 = arith.andi %and3A_93, %and3A_111 : vector<544x128xi1>
    %convert_element_type3A_206 = arith.extui %and3A_205 : vector<544x128xi1> to vector<544x128xi32>
    %convert_element_type3A_207 = arith.sitofp %convert_element_type3A_206 : vector<544x128xi32> to vector<544x128xf32>
    %mul3A_208 = arith.mulf %mul3A_204, %convert_element_type3A_207 : vector<544x128xf32>
    %mul3A_209 = arith.mulf %div3A_54, %sub3A_79 : vector<544x128xf32>
    %mul3A_210 = arith.mulf %mul3A_209, %sub3A_202 : vector<544x128xf32>
    %and3A_211 = arith.andi %and3A_102, %and3A_111 : vector<544x128xi1>
    %convert_element_type3A_212 = arith.extui %and3A_211 : vector<544x128xi1> to vector<544x128xi32>
    %convert_element_type3A_213 = arith.sitofp %convert_element_type3A_212 : vector<544x128xi32> to vector<544x128xf32>
    %mul3A_214 = arith.mulf %mul3A_210, %convert_element_type3A_213 : vector<544x128xf32>
    %mul3A_215 = arith.mulf %div3A_54, %sub3A_199 : vector<544x128xf32>
    %mul3A_216 = arith.mulf %mul3A_215, %sub3A_80 : vector<544x128xf32>
    %and3A_217 = arith.andi %and3A_93, %and3A_120 : vector<544x128xi1>
    %convert_element_type3A_218 = arith.extui %and3A_217 : vector<544x128xi1> to vector<544x128xi32>
    %convert_element_type3A_219 = arith.sitofp %convert_element_type3A_218 : vector<544x128xi32> to vector<544x128xf32>
    %mul3A_220 = arith.mulf %mul3A_216, %convert_element_type3A_219 : vector<544x128xf32>
    %mul3A_221 = arith.mulf %div3A_54, %sub3A_79 : vector<544x128xf32>
    %mul3A_222 = arith.mulf %mul3A_221, %sub3A_80 : vector<544x128xf32>
    %and3A_223 = arith.andi %and3A_102, %and3A_120 : vector<544x128xi1>
    %convert_element_type3A_224 = arith.extui %and3A_223 : vector<544x128xi1> to vector<544x128xi32>
    %convert_element_type3A_225 = arith.sitofp %convert_element_type3A_224 : vector<544x128xi32> to vector<544x128xf32>
    %mul3A_226 = arith.mulf %mul3A_222, %convert_element_type3A_225 : vector<544x128xf32>
    %concatenate3A_227 = tpu.concatenate %mul3A_208, %mul3A_214, %mul3A_220, %mul3A_226 in 1 : vector<544x128xf32>, vector<544x128xf32>, vector<544x128xf32>, vector<544x128xf32> -> vector<544x512xf32>
    %swap3A_228 = arith.constant 0 : index
    %swap3A_229 = arith.constant 0 : index
    %swap3A_230 = vector.load %arg16[%swap3A_228, %swap3A_229] : memref<544x512xf32, #tpu.memory_space<vmem>>, vector<544x512xf32>
    tpu.vector_store %arg16[%swap3A_228, %swap3A_229], %concatenate3A_227 {strides = array<i32>} : memref<544x512xf32, #tpu.memory_space<vmem>>, vector<544x512xf32>,
    return
  }
  func.func @transform_0(%arg0: i32) -> (i32, i32) {
    %c0_i32 = arith.constant 0 : i32
    %c0_i32_0 = arith.constant 0 : i32
    return %arg0, %c0_i32 : i32, i32
  }
  func.func @transform_1(%arg0: i32) -> (i32, i32) {
    %c0_i32 = arith.constant 0 : i32
    %c0_i32_0 = arith.constant 0 : i32
    %c0_i32_1 = arith.constant 0 : i32
    return %c0_i32, %c0_i32_0 : i32, i32
  }
  func.func @transform_2(%arg0: i32) -> (i32, i32) {
    %c0_i32 = arith.constant 0 : i32
    %c0_i32_0 = arith.constant 0 : i32
    %c0_i32_1 = arith.constant 0 : i32
    return %c0_i32, %c0_i32_0 : i32, i32
  }
  func.func @transform_3(%arg0: i32) -> (i32, i32) {
    %c0_i32 = arith.constant 0 : i32
    %c0_i32_0 = arith.constant 0 : i32
    %c0_i32_1 = arith.constant 0 : i32
    return %c0_i32, %c0_i32_0 : i32, i32
  }
  func.func @transform_4(%arg0: i32) -> (i32, i32) {
    %c0_i32 = arith.constant 0 : i32
    %c0_i32_0 = arith.constant 0 : i32
    %c0_i32_1 = arith.constant 0 : i32
    return %c0_i32, %c0_i32_0 : i32, i32
  }
  func.func @transform_5(%arg0: i32) -> (i32, i32) {
    %c0_i32 = arith.constant 0 : i32
    %c0_i32_0 = arith.constant 0 : i32
    %c0_i32_1 = arith.constant 0 : i32
    return %c0_i32, %c0_i32_0 : i32, i32
  }
  func.func @transform_6(%arg0: i32) -> (i32, i32) {
    %c0_i32 = arith.constant 0 : i32
    %c0_i32_0 = arith.constant 0 : i32
    %c0_i32_1 = arith.constant 0 : i32
    return %c0_i32, %c0_i32_0 : i32, i32
  }
  func.func @transform_7(%arg0: i32) -> (i32, i32) {
    %c0_i32 = arith.constant 0 : i32
    %c0_i32_0 = arith.constant 0 : i32
    return %arg0, %c0_i32 : i32, i32
  }
  func.func @transform_8(%arg0: i32) -> (i32, i32) {
    %c0_i32 = arith.constant 0 : i32
    %c0_i32_0 = arith.constant 0 : i32
    return %arg0, %c0_i32 : i32, i32
  }
  func.func @transform_9(%arg0: i32) -> (i32, i32) {
    %c0_i32 = arith.constant 0 : i32
    %c0_i32_0 = arith.constant 0 : i32
    %c0_i32_1 = arith.constant 0 : i32
    return %c0_i32, %c0_i32_0 : i32, i32
  }
  func.func @transform_10(%arg0: i32) -> (i32, i32) {
    %c0_i32 = arith.constant 0 : i32
    %c0_i32_0 = arith.constant 0 : i32
    %c0_i32_1 = arith.constant 0 : i32
    return %c0_i32, %c0_i32_0 : i32, i32
  }
  func.func @transform_11(%arg0: i32) -> (i32, i32) {
    %c0_i32 = arith.constant 0 : i32
    %c0_i32_0 = arith.constant 0 : i32
    %c0_i32_1 = arith.constant 0 : i32
    return %c0_i32, %c0_i32_0 : i32, i32
  }
  func.func @transform_12(%arg0: i32) -> (i32, i32) {
    %c0_i32 = arith.constant 0 : i32
    %c0_i32_0 = arith.constant 0 : i32
    %c0_i32_1 = arith.constant 0 : i32
    return %c0_i32, %c0_i32_0 : i32, i32
  }
  func.func @transform_13(%arg0: i32) -> (i32, i32) {
    %c0_i32 = arith.constant 0 : i32
    %c0_i32_0 = arith.constant 0 : i32
    %c0_i32_1 = arith.constant 0 : i32
    return %c0_i32, %c0_i32_0 : i32, i32
  }
  func.func @transform_14(%arg0: i32) -> (i32, i32) {
    %c0_i32 = arith.constant 0 : i32
    %c0_i32_0 = arith.constant 0 : i32
    return %arg0, %c0_i32 : i32, i32
  }
  func.func @transform_15(%arg0: i32) -> (i32, i32) {
    %c0_i32 = arith.constant 0 : i32
    %c0_i32_0 = arith.constant 0 : i32
    return %arg0, %c0_i32 : i32, i32
  }
}

module attributes {stable_mosaic.version = 14 : i64} {
  func.func @_matmul_kernel(%arg0: i32, %arg1: memref<1088x256xf32, #tpu.memory_space<vmem>>, %arg2: memref<256x256xf32, #tpu.memory_space<vmem>>, %arg3: memref<1x256xf32, #tpu.memory_space<vmem>>, %arg4: memref<1088x256xbf16, #tpu.memory_space<vmem>>) attributes {dimension_semantics = [#tpu.dimension_semantics<arbitrary>], iteration_bounds = array<i64: 10>, scalar_prefetch = 0 : i64, scratch_operands = 0 : i64, tpu.core_type = #tpu.core_type<tc>, window_params = [{transform_indices = @transform_0, window_bounds = array<i64: 1088, 256>}, {pipeline_mode = #tpu.pipeline_mode<synchronous>, transform_indices = @transform_1, window_bounds = array<i64: 256, 256>}, {pipeline_mode = #tpu.pipeline_mode<synchronous>, transform_indices = @transform_2, window_bounds = array<i64: 1, 256>}, {transform_indices = @transform_3, window_bounds = array<i64: 1088, 256>}]} {
    %get3A = arith.constant 0 : index
    %get3A_0 = arith.constant 0 : index
    %get3A_1 = vector.load %arg1[%get3A, %get3A_0] : memref<1088x256xf32, #tpu.memory_space<vmem>>, vector<1088x256xf32>
    %get3A_2 = arith.constant 0 : index
    %get3A_3 = arith.constant 0 : index
    %get3A_4 = vector.load %arg2[%get3A_2, %get3A_3] : memref<256x256xf32, #tpu.memory_space<vmem>>, vector<256x256xf32>
    %dot_general3A = arith.constant dense<0.000000e+00> : vector<1088x256xf32>
    %dot_general3A_5 = tpu.matmul %get3A_1, %get3A_4, %dot_general3A {dimension_numbers = #tpu.dot_dimension_numbers<[1], [0], [0], [1], [0, 0, 1, 1], [], []>, transpose_lhs_hint = false} : vector<1088x256xf32>, vector<256x256xf32>, vector<1088x256xf32> -> vector<1088x256xf32>
    %get3A_6 = arith.constant 0 : index
    %get3A_7 = arith.constant 0 : index
    %get3A_8 = vector.load %arg3[%get3A_6, %get3A_7] : memref<1x256xf32, #tpu.memory_space<vmem>>, vector<1x256xf32>
    %add3A = vector.broadcast %get3A_8 : vector<1x256xf32> to vector<1088x256xf32>
    %add3A_9 = arith.addf %dot_general3A_5, %add3A : vector<1088x256xf32>
    %convert_element_type3A = arith.truncf %add3A_9 : vector<1088x256xf32> to vector<1088x256xbf16>
    %swap3A = arith.constant 0 : index
    %swap3A_10 = arith.constant 0 : index
    %swap3A_11 = vector.load %arg4[%swap3A, %swap3A_10] : memref<1088x256xbf16, #tpu.memory_space<vmem>>, vector<1088x256xbf16>
    tpu.vector_store %arg4[%swap3A, %swap3A_10], %convert_element_type3A {strides = array<i32>} : memref<1088x256xbf16, #tpu.memory_space<vmem>>, vector<1088x256xbf16>,
    return
  }
  func.func @transform_0(%arg0: i32) -> (i32, i32) {
    %c0_i32 = arith.constant 0 : i32
    %c0_i32_0 = arith.constant 0 : i32
    return %arg0, %c0_i32 : i32, i32
  }
  func.func @transform_1(%arg0: i32) -> (i32, i32) {
    %c0_i32 = arith.constant 0 : i32
    %c0_i32_0 = arith.constant 0 : i32
    %c0_i32_1 = arith.constant 0 : i32
    return %c0_i32, %c0_i32_0 : i32, i32
  }
  func.func @transform_2(%arg0: i32) -> (i32, i32) {
    %c0_i32 = arith.constant 0 : i32
    %c0_i32_0 = arith.constant 0 : i32
    %c0_i32_1 = arith.constant 0 : i32
    return %c0_i32, %c0_i32_0 : i32, i32
  }
  func.func @transform_3(%arg0: i32) -> (i32, i32) {
    %c0_i32 = arith.constant 0 : i32
    %c0_i32_0 = arith.constant 0 : i32
    return %arg0, %c0_i32 : i32, i32
  }
}

module attributes {stable_mosaic.version = 14 : i64} {
  func.func @_matmul_kernel(%arg0: i32, %arg1: memref<1088x256xf32, #tpu.memory_space<vmem>>, %arg2: memref<256x256xf32, #tpu.memory_space<vmem>>, %arg3: memref<1x256xf32, #tpu.memory_space<vmem>>, %arg4: memref<1088x256xf32, #tpu.memory_space<vmem>>) attributes {dimension_semantics = [#tpu.dimension_semantics<arbitrary>], iteration_bounds = array<i64: 10>, scalar_prefetch = 0 : i64, scratch_operands = 0 : i64, tpu.core_type = #tpu.core_type<tc>, window_params = [{transform_indices = @transform_0, window_bounds = array<i64: 1088, 256>}, {pipeline_mode = #tpu.pipeline_mode<synchronous>, transform_indices = @transform_1, window_bounds = array<i64: 256, 256>}, {pipeline_mode = #tpu.pipeline_mode<synchronous>, transform_indices = @transform_2, window_bounds = array<i64: 1, 256>}, {transform_indices = @transform_3, window_bounds = array<i64: 1088, 256>}]} {
    %get3A = arith.constant 0 : index
    %get3A_0 = arith.constant 0 : index
    %get3A_1 = vector.load %arg1[%get3A, %get3A_0] : memref<1088x256xf32, #tpu.memory_space<vmem>>, vector<1088x256xf32>
    %get3A_2 = arith.constant 0 : index
    %get3A_3 = arith.constant 0 : index
    %get3A_4 = vector.load %arg2[%get3A_2, %get3A_3] : memref<256x256xf32, #tpu.memory_space<vmem>>, vector<256x256xf32>
    %dot_general3A = arith.constant dense<0.000000e+00> : vector<1088x256xf32>
    %dot_general3A_5 = tpu.matmul %get3A_1, %get3A_4, %dot_general3A {dimension_numbers = #tpu.dot_dimension_numbers<[1], [0], [0], [1], [0, 0, 1, 1], [], []>, transpose_lhs_hint = false} : vector<1088x256xf32>, vector<256x256xf32>, vector<1088x256xf32> -> vector<1088x256xf32>
    %get3A_6 = arith.constant 0 : index
    %get3A_7 = arith.constant 0 : index
    %get3A_8 = vector.load %arg3[%get3A_6, %get3A_7] : memref<1x256xf32, #tpu.memory_space<vmem>>, vector<1x256xf32>
    %add3A = vector.broadcast %get3A_8 : vector<1x256xf32> to vector<1088x256xf32>
    %add3A_9 = arith.addf %dot_general3A_5, %add3A : vector<1088x256xf32>
    %swap3A = arith.constant 0 : index
    %swap3A_10 = arith.constant 0 : index
    %swap3A_11 = vector.load %arg4[%swap3A, %swap3A_10] : memref<1088x256xf32, #tpu.memory_space<vmem>>, vector<1088x256xf32>
    tpu.vector_store %arg4[%swap3A, %swap3A_10], %add3A_9 {strides = array<i32>} : memref<1088x256xf32, #tpu.memory_space<vmem>>, vector<1088x256xf32>,
    return
  }
  func.func @transform_0(%arg0: i32) -> (i32, i32) {
    %c0_i32 = arith.constant 0 : i32
    %c0_i32_0 = arith.constant 0 : i32
    return %arg0, %c0_i32 : i32, i32
  }
  func.func @transform_1(%arg0: i32) -> (i32, i32) {
    %c0_i32 = arith.constant 0 : i32
    %c0_i32_0 = arith.constant 0 : i32
    %c0_i32_1 = arith.constant 0 : i32
    return %c0_i32, %c0_i32_0 : i32, i32
  }
  func.func @transform_2(%arg0: i32) -> (i32, i32) {
    %c0_i32 = arith.constant 0 : i32
    %c0_i32_0 = arith.constant 0 : i32
    %c0_i32_1 = arith.constant 0 : i32
    return %c0_i32, %c0_i32_0 : i32, i32
  }
  func.func @transform_3(%arg0: i32) -> (i32, i32) {
    %c0_i32 = arith.constant 0 : i32
    %c0_i32_0 = arith.constant 0 : i32
    return %arg0, %c0_i32 : i32, i32
  }
}

</mosaic_0001>

<sc_bundles>
// kernel: kernel.6.cloned.1.call-start
scs
__scs_entry_jumppad:
0x0: {  	(pc) =	sbr.rel $0x88, $3  }
0x1: {  	(tag) =	ssettag $0x0;
	lr =	simm.s32 $0x1  }
0x2: {  	[smem:$0x3F96] =	sst lr;
	_ =	strace $0xD0000000  }
0x3: {  	_ = 	snop  }
0x4: {  	_ = 	snop  }
0x5: {  	_ = 	snop  }
0x6: {  	_ = 	snop  }
0x7: {  	_ = 	snop  }
__scs_overlays_trampoline_lowered:
0x8: {  	[smem:$0x3FA5] =	sst s0  }
0x9: {  	[smem:$0x3FA6] =	sst s1  }
0xa: {  	[smem:$0x3FA7] =	sst s2  }
0xb: {  	[smem:$0x3FA8] =	sst s3  }
0xc: {  	[smem:$0x3FA9] =	sst s4  }
0xd: {  	[smem:$0x3FAA] =	sst s5  }
0xe: {  	[smem:$0x3FAB] =	sst s6  }
0xf: {  	[smem:$0x3FAC] =	sst s7  }
0x10: {  	[smem:$0x3FAD] =	sst s8  }
0x11: {  	[smem:$0x3FAE] =	sst s9;
	s0 =	simm.s32 @!p0 $0x0  }
0x12: {  	s1 =	sld [smem:$0x3F94];
	s0 =	simm.s32 @p0 $0x1  }
0x13: {  	[smem:$0x3FAF] =	sst s0;
	s0 =	simm.s32 @!p1 $0x0  }
0x14: {  	s2 =	sld [smem:$0x3F93];
	s0 =	simm.s32 @p1 $0x1  }
0x15: {  	[smem:$0x3FB0] =	sst s0;
	s0 =	simm.s32 @!p2 $0x0  }
0x16: {  	s3 =	sld [smem:$0x3FDB];
	s0 =	simm.s32 @p2 $0x1  }
0x17: {  	s4 =	simm.s32 $0x1BF5;
	[smem:$0x3FB2] =	sst s0  }
0x18: {  	s0 =	sld [smem:$0x3F95];
	_ =	swait.ge [sflag:s4], $0x0  }
0x19: {  	s7 =	sld [smem:$0x3F96]  }
0x1a: {  	s8 =	sadd.s32 $0xFFFFE003, lr  }
0x1b: {  	s9 =	sadd.s32 $0xFFFFFEF7, lr;
	s5 =	simm.s32 $0xFFFFFFFF;
	p2 =	slt.u32 s8, $0xFFFFF086  }
0x1c: {  	p1 =	slt.u32 s9, $0xF7A;
	s5 =	simm.s32 @!p2 $0x0  }
0x1d: {  	s5 =	simm.s32 @p1 $0x1;
	p0 =	seq.s32 s7, s2  }
0x1e: {  	s7 =	smul.u32 @!p0 $0xF7A, s2;
	p2 =	seq.s32 @!p0 s5, $0x0  }
0x1f: {  	s9 =	smul.u32 $0xF7A, s1;
	s8 =	simm.s32 @!p0 $0x1BF5;
	p2 =	por !p2, p0  }
0x20: {  	[sflag:s8] =	ssyncset.s32 @!p0 $0xFFFFF086;
	s6 =	sadd.s32 @!p0 s3, s7;
	s7 =	simm.s32 @!p0 $0x108  }
0x21: {  	s3 =	sadd.s32 s3, s9;
	s6 =	sadd.s32 @!p0 $0x88, s6;
	s7 =	simm.s32 @p2 $0x1082  }
0x22: {  	[simem:s7], [sflag:s8] =	dma.local @!p0 [hbm:s6], $0xF7A  }
0x23: {  	s9 =	sor.u32 $0xD0000000, s2;
	s6 =	simm.s32 $0x108;
	_ =	swait.ge @!p0 [sflag:s8], $0x0  }
0x24: {  	s3 =	sadd.s32 $0x88, s3;
	s6 =	simm.s32 @!p1 $0x1082;
	[sflag:s4] =	ssyncset.s32 $0xFFFFF086  }
0x25: {  	[simem:s6], [sflag:s4] =	dma.local [hbm:s3], $0xF7A  }
0x26: {  	[smem:$0x3F96] =	sst s1;
	(tag) =	ssettag s2;
	_ =	strace s9  }
0x27: {  	s1 =	sld [smem:$0x3FA6]  }
0x28: {  	s2 =	sld [smem:$0x3FA7]  }
0x29: {  	s4 =	sld [smem:$0x3FA9]  }
0x2a: {  	p0 =	seq.s32 s5, $0x0;
	s5 =	sld [smem:$0x3FAA]  }
0x2b: {  	s6 =	sld [smem:$0x3FAB]  }
0x2c: {  	s7 =	sld [smem:$0x3FAC]  }
0x2d: {  	s3 =	simm.s32 $0x108;
	s8 =	sld [smem:$0x3FAD]  }
0x2e: {  	s3 =	simm.s32 @!p0 $0x1082;
	s9 =	sld [smem:$0x3FAE]  }
0x2f: {  	lr =	sadd.s32 s0, s3;
	s0 =	sld [smem:$0x3FA5]  }
0x30: {  	s3 =	sld [smem:$0x3FA8]  }
0x31: {  	[smem:$0x3FB1] =	sst s10  }
0x32: {  	s10 =	sld [smem:$0x3FAF];
	_ =	sdelay $0x3  }
0x33: {  	p0 =	seq.s32 s10, $0x1;
	s10 =	sld [smem:$0x3FB1];
	_ =	sdelay $0x3  }
0x34: {  	[smem:$0x3FB1] =	sst s10  }
0x35: {  	s10 =	sld [smem:$0x3FB0];
	_ =	sdelay $0x3  }
0x36: {  	p1 =	seq.s32 s10, $0x1;
	s10 =	sld [smem:$0x3FB1];
	_ =	sdelay $0x3  }
0x37: {  	[smem:$0x3FB1] =	sst s10  }
0x38: {  	s10 =	sld [smem:$0x3FB2]  }
0x39: {  	_ = 	snop;
	(pc) =	sbr.ind lr, $3  }
0x3a: {  	_ = 	snop  }
0x3b: {  	_ = 	snop  }
0x3c: {  	p2 =	seq.s32 s10, $0x1;
	s10 =	sld [smem:$0x3FB1]  }
0x3d: {  	_ =	shalt  }
0x3e: {  	_ =	shalt  }
0x3f: {  	_ =	shalt  }
0x40: {  	_ =	shalt  }
0x41: {  	_ =	shalt  }
0x42: {  	_ =	shalt  }
0x43: {  	_ =	shalt  }
0x44: {  	_ =	shalt  }
0x45: {  	_ =	shalt  }
0x46: {  	_ =	shalt  }
0x47: {  	_ =	shalt  }
0x48: {  	_ =	shalt  }
0x49: {  	_ =	shalt  }
0x4a: {  	_ =	shalt  }
0x4b: {  	_ =	shalt  }
0x4c: {  	_ =	shalt  }
0x4d: {  	_ =	shalt  }
0x4e: {  	_ =	shalt  }
0x4f: {  	_ =	shalt  }
0x50: {  	_ =	shalt  }
0x51: {  	_ =	shalt  }
0x52: {  	_ =	shalt  }
0x53: {  	_ =	shalt  }
0x54: {  	_ =	shalt  }
0x55: {  	_ =	shalt  }
0x56: {  	_ =	shalt  }
0x57: {  	_ =	shalt  }
0x58: {  	_ =	shalt  }
0x59: {  	_ =	shalt  }
0x5a: {  	_ =	shalt  }
0x5b: {  	_ =	shalt  }
0x5c: {  	_ =	shalt  }
0x5d: {  	_ =	shalt  }
0x5e: {  	_ =	shalt  }
0x5f: {  	_ =	shalt  }
0x60: {  	_ =	shalt  }
0x61: {  	_ =	shalt  }
0x62: {  	_ =	shalt  }
0x63: {  	_ =	shalt  }
0x64: {  	_ =	shalt  }
0x65: {  	_ =	shalt  }
0x66: {  	_ =	shalt  }
0x67: {  	_ =	shalt  }
0x68: {  	_ =	shalt  }
0x69: {  	_ =	shalt  }
0x6a: {  	_ =	shalt  }
0x6b: {  	_ =	shalt  }
0x6c: {  	_ =	shalt  }
0x6d: {  	_ =	shalt  }
0x6e: {  	_ =	shalt  }
0x6f: {  	_ =	shalt  }
0x70: {  	_ =	shalt  }
0x71: {  	_ =	shalt  }
0x72: {  	_ =	shalt  }
0x73: {  	_ =	shalt  }
0x74: {  	_ =	shalt  }
0x75: {  	_ =	shalt  }
0x76: {  	_ =	shalt  }
0x77: {  	_ =	shalt  }
0x78: {  	_ =	shalt  }
0x79: {  	_ =	shalt  }
0x7a: {  	_ =	shalt  }
0x7b: {  	_ =	shalt  }
0x7c: {  	_ =	shalt  }
0x7d: {  	_ =	shalt  }
0x7e: {  	_ =	shalt  }
0x7f: {  	_ =	shalt  }
0x80: {  	_ =	shalt  }
0x81: {  	_ =	shalt  }
0x82: {  	_ =	shalt  }
0x83: {  	_ =	shalt  }
0x84: {  	_ =	shalt  }
0x85: {  	_ =	shalt  }
0x86: {  	_ =	shalt  }
0x87: {  	_ =	shalt  }
.Lfunc_end0:
.L_simem_size_0:
called_computation_lowered:
.L_overlay_start_0:
0x88: {  	s2 =	sld [smem:$0x3FD9]  }
0x89: {  	s3 =	sld [smem:$0x3FFE];
	_ =	sdelay $0x1  }
0x8a: {  	s1 =	srdreg.scid  }
0x8b: {  	s0 =	sand.u32 $0x1, s1  }
0x8c: {  	s17 =	sshll.u32 s0, $0xA;
	s2 =	sadd.s32 s3, s2  }
0x8d: {  	s2 =	sadd.s32 s2, s17  }
0x8e: {  	[smem:$0x3FBD] =	sst s2  }
0x8f: {  	_ = 	snop  }
0x90: {  	s2 =	sld [smem:$0x3FD0];
	(tm) =	ssettm $0x1  }
0x91: {  	s18 =	sld [smem:$0x3FFB];
	_ =	sdelay $0x3  }
0x92: {  	_ =	strace s18  }
0x93: {  	s3 =	sld [smem:$0x3FFC];
	_ =	sdelay $0x3  }
0x94: {  	_ =	strace s3  }
0x95: {  	s3 =	sld [smem:$0x3FFD];
	_ =	sdelay $0x3  }
0x96: {  	_ =	strace s3  }
0x97: {  	_ =	strace $0x8FFFFFFF  }
0x98: {  	s19 =	sld [smem:$0x3FDB];
	_ =	sdelay $0x1  }
0x99: {  	s4 =	simm.s32 $_scs_section_size  }
0x9a: {  	s5 =	simm.s32 $_size__tile_overlayer_lowered;
	s6 =	simm.s32 $_tile_overlayer_lowered  }
0x9b: {  	s22 =	simm.s32 $0x1BFF;
	s21 =	sshll.u32 s6, $0x1;
	s3 =	sadd.s32 s4, s19  }
0x9c: {  	s7 =	simm.s32 $0x0;
	s20 =	sshll.u32 s5, $0x1;
	s5 =	sadd.s32 s21, s3  }
0x9d: {  	[timem:s7], [sflag:s22] =	dma.local [hbm:s5], s20  }
0x9e: {  	_ =	swait.ge [sflag:s22], s20  }
0x9f: {  	s4 =	ssub.s32 $0x0, s20;
	[sflag:s22] =	ssyncset.done $0x0  }
0xa0: {  	[sflag:s22] =	ssyncadd.s32 s4;
	_ =	sdelay $0x1  }
0xa1: {  	s23 =	simm.s32 $0x1B8B  }
0xa2: {  	_ =	swait.ge [sflag:s23], $0x1  }
0xa3: {  	[sflag:s23] =	ssyncset.done $0x0  }
0xa4: {  	s25 =	simm.s32 $0x1B8E;
	s24 =	sld [smem:$0x3FFE];
	[sflag:s23] =	ssyncadd.s32 $0xFFFFFFFF  }
0xa5: {  	s26 =	simm.s32 $execute0_lowered;
	[smem:$0x3FD2] =	sst s25  }
0xa6: {  	s5 =	sshll.u32 s26, $0x1;
	_ =	strace $0x80000046;
	[dreg:$0x1] =	wrdreg $0xFFFFFFFF  }
0xa7: {  	s28 =	simm.s32 $_size_execute0_lowered;
	s3 =	sadd.s32 s3, s5;
	[dreg:$0x0] =	wrdreg $0x0  }
0xa8: {  	s5 =	sshll.u32 s28, $0x1;
	[dreg:$0x2] =	wrdreg s3  }
0xa9: {  	[dreg:$0x3] =	wrdreg s5  }
0xaa: {  	[dreg:$0x4] =	wrdreg $0xC0  }
0xab: {  	_ =	task [dreg:s7], $0x5FFFF  }
0xac: {  	[dreg:$0x1] =	wrdreg $0xFFFFFFFF  }
0xad: {  	[dreg:$0x0] =	wrdreg $0x60  }
0xae: {  	[dreg:$0x2] =	wrdreg s24  }
0xaf: {  	[dreg:$0x3] =	wrdreg s2  }
0xb0: {  	[dreg:$0x4] =	wrdreg $0x9  }
0xb1: {  	_ =	task.clear_ibuf [dreg:s7], $0x5FFFF;
	_ =	strace $0x90000046  }
0xb2: {  	s29 =	simm.s32 $0x9;
	_ =	strace $0x80000048  }
0xb3: {  	_ =	swait.ge [sflag:s29], $0x1  }
0xb4: {  	[sflag:s29] =	ssyncadd.s32 $0xFFFFFFFF  }
0xb5: {  	_ =	strace $0x90000048  }
0xb6: {  	_ =	sfence  }
0xb7: {  	s30 =	sld [smem:$0x0];
	_ =	sdelay $0x2  }
0xb8: {  	s31 =	sshll.u32 s1, $0xD;
	s1 =	sshrl.u32 s1, $0x2  }
0xb9: {  	s3 =	sand.u32 $0x4000, s31;
	s1 =	sadd.s32 s1, s30  }
0xba: {  	s0 =	sor.u32 s3, s0;
	s1 =	sshll.u32 s1, $0x11  }
0xbb: {  	s0 =	sor.u32 s1, s0  }
0xbc: {  	s0 =	sadd.s32 $0x8F2B, s0  }
0xbd: {  	[sflag:s0] =	ssyncadd.remote.s32 $0x1  }
0xbe: {  	_ =	sfence.sel $0xFFFF  }
0xbf: {  	[dreg:$0x0] =	wrdreg $0xFFFFFFFF;
	(pc) =	sbr.abs _section_cstart, $3  }
0xc0: {  	[dreg:$0x1] =	wrdreg $0xFFFFFFFF  }
0xc1: {  	_ =	task.clear_ibuf [dreg:s7], $0x2FFFF;
	_ =	strace $0x9FFFFFFF  }
0xc2: {  	(tm) =	ssettm $0x7FFFFFFF  }
0xc3: {  	_ =	shalt  }
tec
execute0_lowered:
.L_overlay_start_1:
0x0: {  	(tag) =	ssettag $0x1  }
0x1: {  	s0 =	rddreg [dreg:$0x0]  }
0x2: {  	s2 =	rddreg [dreg:$0x1]  }
0x3: {  	s1 =	srdreg.scid;
	s4 =	stileid.u32;
	s3 =	simm.s32 $0x0  }
0x4: {  	s14 =	simm.s32 $0x1400;
	s15 =	simm.s32 $0xA00;
	s16 =	simm.s32 $0x1E00  }
0x5: {  	s17 =	simm.s32 $0x1;
	s18 =	simm.s32 $0x3;
	s20 =	simm.s32 $0x2  }
0x6: {  	s21 =	simm.s32 $0x4;
	s22 =	simm.s32 $0xC800;
	s23 =	simm.s32 $0x5  }
0x7: {  	s28 =	simm.s32 $0x8;
	s1 =	sand.u32 $0x1, s1;
	s4 =	sshll.u32 s4, $0x1  }
0x8: {  	s29 =	simm.s32 $0x0;
	[smem:$0x7FF] =	sst s3;
	s7 =	sor.u32 s1, s4  }
0x9: {  	s5 =	sadd.s32 $0x3A00, s0;
	s6 =	sadd.s32 $0x157A00, s0;
	s8 =	smul.u32 $0x2A800, s7  }
0xa: {  	_ =	strace $0x80000047;
	s24 =	ssub.s32 $0x2, s1;
	s9 =	smul.u32 $0x5500, s7  }
0xb: {  	s4 =	sadd.s32 $0xADA00, s0;
	s1 =	sshrl.u32 s24, $0x1;
	s7 =	smul.u32 $0x44, s7  }
0xc: {  	s0 =	ssub.s32 s24, s1;
	s24 =	simm.s32 $0x6;
	s8 =	sshrl.u32 s8, $0x3  }
0xd: {  	s26 =	sadd.s32 s5, s9;
	s30 =	sadd.s32 s6, s9;
	s12 =	sor.u32 $0x1, s7  }
0xe: {  	s13 =	smax.u32 s0, $0x1;
	s25 =	sadd.s32 $0x140, s8;
	[dreg:$0x3] =	wrdreg s26  }
0xf: {  	[dreg:$0x4] =	wrdreg s30;
	s26 =	simm.s32 $0x7;
	s31 =	sadd.s32 s5, s25  }
0x10: {  	s11 =	sadd.s32 s6, s25;
	s25 =	simm.s32 $0x16D00;
	[dreg:$0x5] =	wrdreg s31  }
.LBB2_1:
0x11: {  	s0 =	rddreg [dreg:$0x3]  }
0x12: {  	[tilespmem:s3], [sflag:$0x1] =	stream.linear.gather [hbm4b:s0+s3], $0xA00, $0x38;
	[tilespmem:$0x17200] =	vst v63  }
0x13: {  	s10 =	rddreg [dreg:$0x4]  }
0x14: {  	[tilespmem:s14], [sflag:$0x3] =	stream.linear.gather [hbm4b:s10+s3], $0xA00, $0x38;
	[tilespmem:$0x17200] =	vst v63  }
0x15: {  	s19 =	rddreg [dreg:$0x5]  }
0x16: {  	[tilespmem:s15], [sflag:$0x2] =	stream.linear.gather [hbm4b:s19+s3], $0xA00, $0x38;
	[tilespmem:$0x17200] =	vst v63  }
0x17: {  	_ = 	snop  }
0x18: {  	[tilespmem:s16], [sflag:$0x4] =	stream.linear.gather [hbm4b:s11+s3], $0xA00, $0x38;
	[tilespmem:$0x17200] =	vst v63  }
0x19: {  	_ =	swait.ge [sflag:s17], $0xA00  }
0x1a: {  	[sflag:s17] =	ssyncset.done $0x0  }
0x1b: {  	[sflag:s17] =	ssyncadd.s32 $0xFFFFF600  }
0x1c: {  	_ =	swait.ge [sflag:s18], $0xA00  }
0x1d: {  	[sflag:s18] =	ssyncset.done $0x0  }
0x1e: {  	s31 =	simm.s32 $0x2800;
	s30 =	simm.s32 $0x0;
	[sflag:s18] =	ssyncadd.s32 $0xFFFFF600  }
0x1f: {  	[tilespmem:s31], [sflag:$0x5] =	stream.indirect.gather [hbm4b:s4+s15], $0x10, s3, s15, $0xb8;
	[tilespmem:$0x17200] =	vst v63  }
.LBB2_2:
0x20: {  	_ =	swait.ge [sflag:s20], $0xA00  }
0x21: {  	[sflag:s20] =	ssyncset.done $0x0  }
0x22: {  	[sflag:s20] =	ssyncadd.s32 $0xFFFFF600  }
0x23: {  	p0 =	seq.s32 s30, $0x21;
	_ =	swait.ge [sflag:s21], $0xA00  }
0x24: {  	s31 =	sshll.u32 s30, $0x1;
	p1 =	seq.s32 @!p0 s30, $0x0;
	[sflag:s21] =	ssyncset.done $0x0  }
0x25: {  	s0 =	sadd.s32 $0x2, s31;
	p1 =	por p0, !p1;
	[sflag:s21] =	ssyncadd.s32 $0xFFFFF600  }
0x26: {  	[tilespmem:s22], [sflag:$0x6] =	stream.indirect.gather [hbm4b:s4+s15], $0x10, s15, s15, $0xb8;
	[tilespmem:$0x17200] =	vst v63  }
.Ltmp0:
0x27: {  	s0 =	sadd.s32 @!p0 s7, s0;
	(pc) =	sbr.rel @!p1 .LBB2_3-.Ltmp0, $4  }
0x28: {  	s0 =	smul.u32 @!p0 $0x140, s0;
	_ =	swait.ge [sflag:s23], $0xA000  }
0x29: {  	[sflag:s23] =	ssyncset.done $0x0  }
0x2a: {  	s8 =	simm.s32 @!p0 $0x0;
	s1 =	sadd.s32 @!p0 s5, s0;
	[sflag:s23] =	ssyncadd.s32 $0xFFFF6000  }
0x2b: {  	[tilespmem:s8], [sflag:$0x1] =	stream.linear.gather @!p0 [hbm4b:s1+s8], $0xA00, $0x38;
	[tilespmem:$0x17200] =	vst v63  }
.Ltmp1:
0x2c: {  	(pc) =	sbr.rel .LBB2_5-.Ltmp1, $4  }
0x2d: {  	_ = 	snop  }
0x2e: {  	_ =	swait.ge [sflag:s26], $0x500  }
0x2f: {  	[sflag:s26] =	ssyncset.done $0x0  }
0x30: {  	p1 =	por $0x0, $0x0;
	[sflag:s26] =	ssyncadd.s32 $0xFFFFFB00  }
.LBB2_3:
0x31: {  	p1 =	por @!p0 $0x1, $0x1  }
.LBB2_5:
0x32: {  	s1 =	simm.s32 $0x0  }
0x33: {  	s8 =	sand.u32 $0xE00, s1;
	s1 =	sand.u32 $0x70, s1  }
0x34: {  	s1 =	sor.u32 s1, s8  }
0x35: {  	v18 =	vmov s1;
	s1 =	sshll.u32 s1, $0x4  }
0x36: {  	v13 =	vor.u32 $0x2, v18;
	v0 =	vor.u32 $0x18F, v18;
	v1 =	vor.u32 $0x18E, v18;
	v27 =	vld [tilespmem:s1+$0x2820]  }
0x37: {  	v2 =	vor.u32 $0x18D, v18;
	v3 =	vor.u32 $0x18C, v18;
	v4 =	vor.u32 $0x18B, v18;
	v29 =	vld [tilespmem:s1+$0x2800]  }
0x38: {  	v5 =	vor.u32 $0x18A, v18;
	v6 =	vor.u32 $0x189, v18;
	v7 =	vor.u32 $0x188, v18;
	v30 =	vld [tilespmem:s1+$0x2830]  }
0x39: {  	v9 =	vor.u32 $0x186, v18;
	v8 =	vor.u32 $0x187, v18;
	v22 =	vor.u32 $0x1, v18;
	v31 =	vld [tilespmem:s1+$0x2810]  }
0x3a: {  	v10 =	vor.u32 $0x185, v18;
	v12 =	vor.u32 $0x183, v18;
	v11 =	vor.u32 $0x184, v18;
	v39 =	vld [tilespmem:s1+$0x2840]  }
0x3b: {  	v14 =	vor.u32 $0x181, v18;
	v25 =	vor.u32 $0x3, v18;
	v17 =	vor.u32 $0x10E, v18;
	v48 =	vld [tilespmem:s1+$0x2850]  }
0x3c: {  	v16 =	vor.u32 $0x10F, v18;
	v15 =	vor.u32 $0x180, v18;
	v19 =	vor.u32 $0x10C, v18;
	v53 =	vld [tilespmem:s1+$0x2870]  }
0x3d: {  	v21 =	vor.u32 $0x109, v18;
	v20 =	vor.u32 $0x10A, v18;
	v33 =	vor.u32 $0x4, v18;
	v60 =	vld [tilespmem:s1+$0x2890]  }
0x3e: {  	v23 =	vor.u32 $0x104, v18;
	v34 =	vor.u32 $0x5, v18;
	v35 =	vor.u32 $0x6, v18;
	v62 =	vld [tilespmem:s1+$0x28A0]  }
0x3f: {  	v24 =	vor.u32 $0x8D, v18;
	v41 =	vor.u32 $0x7, v18;
	v50 =	vor.u32 $0x8, v18;
	v26 =	vld.idx.msk [tilespmem:v18+s14+$0x0], $0xffff  }
0x40: {  	v54 =	vor.u32 $0x9, v18;
	v58 =	vor.u32 $0xA, v18;
	v59 =	vor.u32 $0xB, v18;
	v28 =	vld.idx.msk [tilespmem:v13+s14+$0x0], $0xffff  }
0x41: {  	v44 =	vor.u32 $0x82, v18;
	v45 =	vor.u32 $0xE, v18;
	v13 =	vor.u32 $0x182, v18;
	v32 =	vld.idx.msk [tilespmem:v22+s14+$0x0], $0xffff  }
0x42: {  	v22 =	vor.u32 $0x107, v18;
	v36 =	vld.idx.msk [tilespmem:v25+s14+$0x0], $0xffff;
	v37 =	vunpack.i.l.bf16.f32 v27;
	v25 =	vor.u32 $0x8B, v18  }
0x43: {  	v38 =	vunpack.i.u.bf16.f32 v29;
	v29 =	vunpack.i.l.bf16.f32 v29;
	v40 =	vunpack.i.l.bf16.f32 v30  }
0x44: {  	v57 =	vld [tilespmem:s1+$0x2880];
	v27 =	vunpack.i.u.bf16.f32 v27;
	v49 =	vunpack.i.l.bf16.f32 v39;
	v30 =	vunpack.i.u.bf16.f32 v30  }
0x45: {  	v34 =	vld.idx.msk [tilespmem:v34+s14+$0x0], $0xffff;
	v51 =	vunpack.i.u.bf16.f32 v39;
	v52 =	vunpack.i.l.bf16.f32 v48;
	v61 =	vunpack.i.l.bf16.f32 v53  }
0x46: {  	v56 =	vld.idx.msk [tilespmem:v41+s14+$0x0], $0xffff;
	v43 =	vunpack.i.l.bf16.f32 v60;
	v47 =	vunpack.i.u.bf16.f32 v62;
	v39 =	vunpack.i.l.bf16.f32 v62  }
0x47: {  	v41 =	vld.idx.msk [tilespmem:v58+s14+$0x0], $0xffff;
	v38 =	vmul.f32 v38, v26;
	v26 =	vmul.f32 v29, v26;
	v29 =	vunpack.i.u.bf16.f32 v31  }
0x48: {  	v33 =	vld.idx.msk [tilespmem:v33+s14+$0x0], $0xffff;
	v31 =	vunpack.i.l.bf16.f32 v31;
	v37 =	vmul.f32 v37, v28;
	v29 =	vmul.f32 v29, v32  }
0x49: {  	v63 =	vld [tilespmem:s1+$0x28B0];
	v31 =	vmul.f32 v31, v32;
	v27 =	vmul.f32 v27, v28;
	v38 =	vadd.f32 $0.0e+00, v38  }
0x4a: {  	v28 =	vmul.f32 v40, v36;
	v55 =	vmul.f32 v52, v34;
	v52 =	vld [tilespmem:s1+$0x28E0];
	v42 =	vadd.f32 $0.0e+00, v26  }
0x4b: {  	v46 =	vld [tilespmem:s1+$0x28C0];
	v40 =	vor.u32 $0x84, v18;
	v30 =	vmul.f32 v30, v36;
	v29 =	vadd.f32 v29, v38  }
0x4c: {  	v35 =	vld.idx.msk [tilespmem:v35+s14+$0x0], $0xffff;
	v32 =	vmul.f32 v61, v56;
	v39 =	vmul.f32 v39, v41;
	v31 =	vadd.f32 v31, v42  }
0x4d: {  	v26 =	vor.u32 $0x85, v18;
	v38 =	vmul.f32 v49, v33;
	v27 =	vadd.f32 v27, v29;
	v29 =	vld [tilespmem:s1+$0x2860]  }
0x4e: {  	v49 =	vunpack.i.u.bf16.f32 v63;
	v31 =	vadd.f32 v37, v31;
	v37 =	vld.idx.msk [tilespmem:v54+s14+$0x0], $0xffff;
	v54 =	vor.u32 $0x81, v18  }
0x4f: {  	v36 =	vld.idx.msk [tilespmem:v50+s14+$0x0], $0xffff;
	v58 =	vunpack.i.u.bf16.f32 v52;
	v27 =	vadd.f32 v30, v27;
	v30 =	vmul.f32 v51, v33  }
0x50: {  	v28 =	vadd.f32 v28, v31;
	v31 =	vunpack.i.u.bf16.f32 v48;
	v33 =	vunpack.i.u.bf16.f32 v53  }
0x51: {  	v48 =	vld [tilespmem:s1+$0x28D0];
	v51 =	vor.u32 $0x80, v18;
	v53 =	vunpack.i.l.bf16.f32 v46;
	v33 =	vmul.f32 v33, v56  }
0x52: {  	v27 =	vadd.f32 v30, v27;
	v30 =	vmul.f32 v31, v34;
	v28 =	vadd.f32 v38, v28  }
0x53: {  	v34 =	vunpack.i.l.bf16.f32 v57;
	v31 =	vunpack.i.l.bf16.f32 v29;
	v29 =	vunpack.i.u.bf16.f32 v29  }
0x54: {  	v38 =	vld.idx.msk [tilespmem:v59+s14+$0x0], $0xffff;
	v34 =	vmul.f32 v34, v36;
	v27 =	vadd.f32 v30, v27;
	v29 =	vmul.f32 v29, v35  }
0x55: {  	v30 =	vor.u32 $0xD, v18;
	v31 =	vmul.f32 v31, v35;
	v28 =	vadd.f32 v55, v28  }
0x56: {  	v35 =	vunpack.i.u.bf16.f32 v60;
	v56 =	vunpack.i.l.bf16.f32 v48;
	v27 =	vadd.f32 v29, v27  }
0x57: {  	v55 =	vld [tilespmem:s1+$0x28F0];
	v29 =	vor.u32 $0xC, v18;
	v28 =	vadd.f32 v31, v28;
	v31 =	vunpack.i.u.bf16.f32 v57  }
0x58: {  	v60 =	vld [tilespmem:s1+$0x3020];
	v57 =	vor.u32 $0x83, v18;
	v31 =	vmul.f32 v31, v36;
	v27 =	vadd.f32 v33, v27  }
0x59: {  	v36 =	vmul.f32 v43, v37;
	v50 =	vmul.f32 v49, v38;
	v28 =	vadd.f32 v32, v28;
	v32 =	vld.idx.msk [tilespmem:v44+s14+$0x0], $0xffff  }
0x5a: {  	v49 =	vor.u32 $0x89, v18;
	v30 =	vld.idx.msk [tilespmem:v30+s14+$0x0], $0xffff;
	v27 =	vadd.f32 v31, v27;
	v31 =	vmul.f32 v35, v37  }
0x5b: {  	v33 =	vunpack.i.l.bf16.f32 v63;
	v63 =	vor.u32 $0x88, v18;
	v28 =	vadd.f32 v34, v28;
	v35 =	vld.idx.msk [tilespmem:v45+s14+$0x0], $0xffff  }
0x5c: {  	v44 =	vor.u32 $0x86, v18;
	v34 =	vmul.f32 v47, v41;
	v29 =	vld.idx.msk [tilespmem:v29+s14+$0x0], $0xffff;
	v27 =	vadd.f32 v31, v27  }
0x5d: {  	v37 =	vunpack.i.u.bf16.f32 v46;
	v46 =	vld [tilespmem:s1+$0x3040];
	v31 =	vor.u32 $0xF, v18;
	v28 =	vadd.f32 v36, v28  }
0x5e: {  	v33 =	vmul.f32 v33, v38;
	v38 =	vunpack.i.l.bf16.f32 v52;
	v36 =	vld.idx.msk [tilespmem:v51+s14+$0x0], $0xffff;
	v27 =	vadd.f32 v34, v27  }
0x5f: {  	v59 =	vunpack.i.l.bf16.f32 v55;
	v41 =	vunpack.i.u.bf16.f32 v48;
	v51 =	vld [tilespmem:s1+$0x3070];
	v28 =	vadd.f32 v39, v28  }
0x60: {  	v48 =	vunpack.i.u.bf16.f32 v60;
	v34 =	vld.idx.msk [tilespmem:v54+s14+$0x0], $0xffff;
	v54 =	vor.u32 $0x8C, v18;
	v27 =	vadd.f32 v50, v27  }
0x61: {  	v39 =	vmul.f32 v53, v29;
	v29 =	vmul.f32 v37, v29;
	v28 =	vadd.f32 v33, v28;
	v50 =	vld [tilespmem:s1+$0x3060]  }
0x62: {  	v52 =	vunpack.i.l.bf16.f32 v46;
	v33 =	vmul.f32 v56, v30;
	v30 =	vmul.f32 v41, v30;
	v31 =	vld.idx.msk [tilespmem:v31+s14+$0x0], $0xffff  }
0x63: {  	v62 =	vld [tilespmem:s1+$0x3030];
	v37 =	vunpack.i.u.bf16.f32 v55;
	v27 =	vadd.f32 v29, v27;
	v28 =	vadd.f32 v39, v28  }
0x64: {  	v41 =	vunpack.i.u.bf16.f32 v46;
	v46 =	vor.u32 $0x100, v18;
	v29 =	vld [tilespmem:s1+$0x3000];
	v39 =	vmul.f32 v58, v35  }
0x65: {  	v45 =	vld.idx.msk [tilespmem:v57+s14+$0x0], $0xffff;
	v35 =	vmul.f32 v38, v35;
	v27 =	vadd.f32 v30, v27;
	v28 =	vadd.f32 v33, v28  }
0x66: {  	v30 =	vld [tilespmem:s1+$0x3010];
	v33 =	vunpack.i.l.bf16.f32 v60;
	v60 =	vunpack.i.u.bf16.f32 v51;
	v56 =	vunpack.i.l.bf16.f32 v50  }
0x67: {  	v27 =	vadd.f32 v39, v27;
	v37 =	vmul.f32 v37, v31;
	v31 =	vmul.f32 v59, v31  }
0x68: {  	v53 =	vld [tilespmem:s1+$0x3080];
	v28 =	vadd.f32 v35, v28;
	v39 =	vunpack.i.u.bf16.f32 v62;
	v59 =	vunpack.i.l.bf16.f32 v51  }
0x69: {  	v47 =	vld [tilespmem:s1+$0x3050];
	v51 =	vor.u32 $0x103, v18;
	v61 =	vunpack.i.l.bf16.f32 v29;
	v29 =	vunpack.i.u.bf16.f32 v29  }
0x6a: {  	v40 =	vld.idx.msk [tilespmem:v40+s14+$0x0], $0xffff;
	v38 =	vmul.f32 v39, v45;
	v27 =	vadd.f32 v37, v27;
	v29 =	vmul.f32 v29, v36  }
0x6b: {  	v57 =	vld [tilespmem:s1+$0x30A0];
	v36 =	vmul.f32 v61, v36;
	v28 =	vadd.f32 v31, v28;
	v31 =	vunpack.i.u.bf16.f32 v30  }
0x6c: {  	v37 =	vld.idx.msk [tilespmem:v44+s14+$0x0], $0xffff;
	v30 =	vunpack.i.l.bf16.f32 v30;
	v27 =	vadd.f32 v29, v27;
	v31 =	vmul.f32 v31, v34  }
0x6d: {  	v61 =	vld [tilespmem:s1+$0x30B0];
	v44 =	vunpack.i.u.bf16.f32 v53;
	v30 =	vmul.f32 v30, v34;
	v28 =	vadd.f32 v36, v28  }
0x6e: {  	v35 =	vld.idx.msk [tilespmem:v63+s14+$0x0], $0xffff;
	v29 =	vor.u32 $0x87, v18;
	v34 =	vunpack.i.l.bf16.f32 v47;
	v27 =	vadd.f32 v31, v27  }
0x6f: {  	v63 =	vld [tilespmem:s1+$0x30C0];
	v31 =	vmul.f32 v48, v32;
	v32 =	vmul.f32 v33, v32;
	v28 =	vadd.f32 v30, v28  }
0x70: {  	v30 =	vunpack.i.l.bf16.f32 v62;
	v33 =	vunpack.i.u.bf16.f32 v50;
	v62 =	vor.u32 $0x8E, v18  }
0x71: {  	v26 =	vld.idx.msk [tilespmem:v26+s14+$0x0], $0xffff;
	v48 =	vunpack.i.l.bf16.f32 v57;
	v30 =	vmul.f32 v30, v45;
	v58 =	vmul.f32 v56, v37  }
0x72: {  	v55 =	vld [tilespmem:s1+$0x3090];
	v50 =	vunpack.i.l.bf16.f32 v61;
	v39 =	vunpack.i.u.bf16.f32 v61;
	v56 =	vor.u32 $0x105, v18  }
0x73: {  	v45 =	vld [tilespmem:s1+$0x30D0];
	v27 =	vadd.f32 v31, v27;
	v31 =	vor.u32 $0x8A, v18;
	v28 =	vadd.f32 v32, v28  }
0x74: {  	v32 =	vmul.f32 v52, v40;
	v40 =	vmul.f32 v41, v40;
	v41 =	vld.idx.msk [tilespmem:v54+s14+$0x0], $0xffff;
	v52 =	vunpack.i.u.bf16.f32 v63  }
0x75: {  	v29 =	vld.idx.msk [tilespmem:v29+s14+$0x0], $0xffff;
	v27 =	vadd.f32 v38, v27;
	v28 =	vadd.f32 v30, v28;
	v30 =	vunpack.i.u.bf16.f32 v47  }
0x76: {  	v36 =	vld.idx.msk [tilespmem:v49+s14+$0x0], $0xffff;
	v38 =	vunpack.i.l.bf16.f32 v53;
	v30 =	vmul.f32 v30, v26;
	v26 =	vmul.f32 v34, v26  }
0x77: {  	v49 =	vld [tilespmem:s1+$0x30F0];
	v34 =	vunpack.i.l.bf16.f32 v63;
	v27 =	vadd.f32 v40, v27;
	v28 =	vadd.f32 v32, v28  }
0x78: {  	v47 =	vld [tilespmem:s1+$0x30E0];
	v40 =	vunpack.i.l.bf16.f32 v55;
	v32 =	vunpack.i.u.bf16.f32 v57;
	v53 =	vunpack.i.l.bf16.f32 v45  }
0x79: {  	v24 =	vld.idx.msk [tilespmem:v24+s14+$0x0], $0xffff;
	v34 =	vmul.f32 v34, v41;
	v27 =	vadd.f32 v30, v27;
	v30 =	vmul.f32 v33, v37  }
0x7a: {  	v25 =	vld.idx.msk [tilespmem:v25+s14+$0x0], $0xffff;
	v26 =	vadd.f32 v26, v28;
	v28 =	vmul.f32 v60, v29;
	v29 =	vmul.f32 v59, v29  }
0x7b: {  	v54 =	vld [tilespmem:s1+$0x3820];
	v33 =	vmul.f32 v44, v35;
	v35 =	vmul.f32 v38, v35;
	v38 =	vunpack.i.u.bf16.f32 v45  }
0x7c: {  	v31 =	vld.idx.msk [tilespmem:v31+s14+$0x0], $0xffff;
	v59 =	vor.u32 $0x106, v18;
	v60 =	vunpack.i.l.bf16.f32 v49;
	v27 =	vadd.f32 v30, v27  }
0x7d: {  	v37 =	vld.idx.msk [tilespmem:v62+s14+$0x0], $0xffff;
	v44 =	vor.u32 $0x108, v18;
	v57 =	vunpack.i.l.bf16.f32 v47;
	v26 =	vadd.f32 v58, v26  }
0x7e: {  	v62 =	vld [tilespmem:s1+$0x3850];
	v30 =	vor.u32 $0x102, v18;
	v27 =	vadd.f32 v28, v27;
	v28 =	vor.u32 $0x8F, v18  }
0x7f: {  	v45 =	vld [tilespmem:s1+$0x3860];
	v26 =	vadd.f32 v29, v26;
	v29 =	vunpack.i.u.bf16.f32 v55;
	v55 =	vmul.f32 v38, v24  }
0x80: {  	v58 =	vld [tilespmem:s1+$0x3830];
	v24 =	vmul.f32 v53, v24;
	v29 =	vmul.f32 v29, v36;
	v27 =	vadd.f32 v33, v27  }
0x81: {  	v38 =	vld.idx.msk [tilespmem:v56+s14+$0x0], $0xffff;
	v36 =	vmul.f32 v40, v36;
	v40 =	vunpack.i.u.bf16.f32 v47;
	v26 =	vadd.f32 v35, v26  }
0x82: {  	v53 =	vld [tilespmem:s1+$0x38D0];
	v35 =	vmul.f32 v48, v31;
	v31 =	vmul.f32 v32, v31;
	v27 =	vadd.f32 v29, v27  }
0x83: {  	v47 =	vor.u32 $0x10B, v18;
	v33 =	vld.idx.msk [tilespmem:v46+s14+$0x0], $0xffff;
	v32 =	vunpack.i.u.bf16.f32 v49;
	v26 =	vadd.f32 v36, v26  }
0x84: {  	v36 =	vmul.f32 v50, v25;
	v25 =	vmul.f32 v39, v25;
	v28 =	vld.idx.msk [tilespmem:v28+s14+$0x0], $0xffff;
	v27 =	vadd.f32 v31, v27  }
0x85: {  	v49 =	vunpack.i.l.bf16.f32 v45;
	v29 =	vor.u32 $0x101, v18;
	v39 =	vld.idx.msk [tilespmem:v51+s14+$0x0], $0xffff;
	v26 =	vadd.f32 v35, v26  }
0x86: {  	v18 =	vor.u32 $0x10D, v18;
	v31 =	vld [tilespmem:s1+$0x3800];
	v35 =	vmul.f32 v52, v41;
	v25 =	vadd.f32 v25, v27  }
0x87: {  	v51 =	vld [tilespmem:s1+$0x38C0];
	v56 =	vunpack.i.l.bf16.f32 v53;
	v41 =	vmul.f32 v57, v37;
	v26 =	vadd.f32 v36, v26  }
0x88: {  	v37 =	vmul.f32 v40, v37;
	v40 =	vunpack.i.u.bf16.f32 v62;
	v27 =	vld [tilespmem:s1+$0x3810];
	v25 =	vadd.f32 v35, v25  }
0x89: {  	v36 =	vunpack.i.u.bf16.f32 v54;
	v26 =	vadd.f32 v34, v26;
	v32 =	vmul.f32 v32, v28  }
0x8a: {  	v29 =	vld.idx.msk [tilespmem:v29+s14+$0x0], $0xffff;
	v28 =	vmul.f32 v60, v28;
	v34 =	vunpack.i.u.bf16.f32 v58;
	v25 =	vadd.f32 v55, v25  }
0x8b: {  	v61 =	vunpack.i.l.bf16.f32 v31;
	v31 =	vunpack.i.u.bf16.f32 v31;
	v24 =	vadd.f32 v24, v26  }
0x8c: {  	v18 =	vld.idx.msk [tilespmem:v18+s14+$0x0], $0xffff;
	v34 =	vmul.f32 v34, v39;
	v31 =	vmul.f32 v31, v33;
	v25 =	vadd.f32 v37, v25  }
0x8d: {  	v30 =	vld.idx.msk [tilespmem:v30+s14+$0x0], $0xffff;
	v55 =	vunpack.i.l.bf16.f32 v51;
	v63 =	vunpack.i.l.bf16.f32 v27;
	v24 =	vadd.f32 v41, v24  }
0x8e: {  	v48 =	vld [tilespmem:s1+$0x3890];
	v27 =	vunpack.i.u.bf16.f32 v27;
	v37 =	vmul.f32 v61, v33;
	v25 =	vadd.f32 v32, v25  }
0x8f: {  	v26 =	vld [tilespmem:s1+$0x3840];
	v41 =	vmul.f32 v63, v29;
	v27 =	vmul.f32 v27, v29;
	v24 =	vadd.f32 v28, v24  }
0x90: {  	v23 =	vld.idx.msk [tilespmem:v23+s14+$0x0], $0xffff;
	v29 =	vunpack.i.l.bf16.f32 v58;
	v33 =	vunpack.i.u.bf16.f32 v45;
	v25 =	vadd.f32 v31, v25  }
0x91: {  	v35 =	vld.idx.msk [tilespmem:v59+s14+$0x0], $0xffff;
	v57 =	vmul.f32 v56, v18;
	v28 =	vunpack.i.l.bf16.f32 v54;
	v24 =	vadd.f32 v37, v24  }
0x92: {  	v28 =	vmul.f32 v28, v30;
	v30 =	vmul.f32 v36, v30;
	v36 =	vld.idx.msk [tilespmem:v47+s14+$0x0], $0xffff;
	v25 =	vadd.f32 v27, v25  }
0x93: {  	v58 =	vunpack.i.u.bf16.f32 v48;
	v29 =	vmul.f32 v29, v39;
	v47 =	vld [tilespmem:s1+$0x40F0];
	v24 =	vadd.f32 v41, v24  }
0x94: {  	v46 =	vunpack.i.l.bf16.f32 v26;
	v26 =	vunpack.i.u.bf16.f32 v26;
	v31 =	vld [tilespmem:s1+$0x3870];
	v25 =	vadd.f32 v30, v25  }
0x95: {  	v37 =	vmul.f32 v46, v23;
	v23 =	vmul.f32 v26, v23;
	v26 =	vld [tilespmem:s1+$0x38B0];
	v24 =	vadd.f32 v28, v24  }
0x96: {  	v22 =	vld.idx.msk [tilespmem:v22+s14+$0x0], $0xffff;
	v39 =	vmul.f32 v49, v35;
	v33 =	vmul.f32 v33, v35;
	v25 =	vadd.f32 v34, v25  }
0x97: {  	v32 =	vld.idx.msk [tilespmem:v44+s14+$0x0], $0xffff;
	v30 =	vunpack.i.l.bf16.f32 v62;
	v62 =	vunpack.i.u.bf16.f32 v53;
	v24 =	vadd.f32 v29, v24  }
0x98: {  	v27 =	vld [tilespmem:s1+$0x3880];
	v30 =	vmul.f32 v30, v38;
	v38 =	vmul.f32 v40, v38;
	v23 =	vadd.f32 v23, v25  }
0x99: {  	v44 =	vld [tilespmem:s1+$0x40E0];
	v56 =	vunpack.i.l.bf16.f32 v47;
	v50 =	vunpack.i.l.bf16.f32 v31;
	v24 =	vadd.f32 v37, v24  }
0x9a: {  	v54 =	vunpack.i.l.bf16.f32 v26;
	v31 =	vunpack.i.u.bf16.f32 v31;
	v23 =	vadd.f32 v38, v23  }
0x9b: {  	v21 =	vld.idx.msk [tilespmem:v21+s14+$0x0], $0xffff;
	v18 =	vmul.f32 v62, v18;
	v34 =	vmul.f32 v50, v22;
	v24 =	vadd.f32 v30, v24  }
0x9c: {  	v28 =	vld [tilespmem:s1+$0x38A0];
	v35 =	vmul.f32 v54, v36;
	v22 =	vmul.f32 v31, v22;
	v23 =	vadd.f32 v33, v23  }
0x9d: {  	v20 =	vld.idx.msk [tilespmem:v20+s14+$0x0], $0xffff;
	v29 =	vunpack.i.l.bf16.f32 v27;
	v27 =	vunpack.i.u.bf16.f32 v27;
	v24 =	vadd.f32 v39, v24  }
0x9e: {  	v19 =	vld.idx.msk [tilespmem:v19+s14+$0x0], $0xffff;
	v54 =	vunpack.i.l.bf16.f32 v44;
	v22 =	vadd.f32 v22, v23;
	v23 =	vmul.f32 v27, v32  }
0x9f: {  	v31 =	vld [tilespmem:s1+$0x38F0];
	v25 =	vunpack.i.l.bf16.f32 v48;
	v29 =	vmul.f32 v29, v32;
	v24 =	vadd.f32 v34, v24  }
0xa0: {  	v16 =	vld.idx.msk [tilespmem:v16+s14+$0x0], $0xffff;
	v25 =	vmul.f32 v25, v21;
	v21 =	vmul.f32 v58, v21;
	v22 =	vadd.f32 v23, v22  }
0xa1: {  	v52 =	vunpack.i.l.bf16.f32 v28;
	v28 =	vunpack.i.u.bf16.f32 v28;
	v30 =	vld [tilespmem:s1+$0x38E0];
	v24 =	vadd.f32 v29, v24  }
0xa2: {  	v17 =	vld.idx.msk [tilespmem:v17+s14+$0x0], $0xffff;
	v37 =	vmul.f32 v52, v20;
	v20 =	vmul.f32 v28, v20;
	v21 =	vadd.f32 v21, v22  }
0xa3: {  	v33 =	vmul.f32 v55, v19;
	v24 =	vadd.f32 v25, v24;
	v25 =	vunpack.i.u.bf16.f32 v26  }
0xa4: {  	v27 =	vld [tilespmem:s1+$0x4000];
	v29 =	vunpack.i.l.bf16.f32 v31;
	v20 =	vadd.f32 v20, v21;
	v21 =	vmul.f32 v25, v36  }
0xa5: {  	v15 =	vld.idx.msk [tilespmem:v15+s14+$0x0], $0xffff;
	v28 =	vmul.f32 v29, v16;
	v29 =	vunpack.i.u.bf16.f32 v51;
	v24 =	vadd.f32 v37, v24  }
0xa6: {  	v59 =	vunpack.i.l.bf16.f32 v30;
	v23 =	vld [tilespmem:s1+$0x4010];
	v19 =	vmul.f32 v29, v19;
	v20 =	vadd.f32 v21, v20  }
0xa7: {  	v14 =	vld.idx.msk [tilespmem:v14+s14+$0x0], $0xffff;
	v30 =	vunpack.i.u.bf16.f32 v30;
	v60 =	vmul.f32 v59, v17;
	v24 =	vadd.f32 v35, v24  }
0xa8: {  	v17 =	vmul.f32 v30, v17;
	v31 =	vunpack.i.u.bf16.f32 v31;
	v22 =	vld [tilespmem:s1+$0x4020];
	v19 =	vadd.f32 v19, v20  }
0xa9: {  	v13 =	vld.idx.msk [tilespmem:v13+s14+$0x0], $0xffff;
	v16 =	vmul.f32 v31, v16;
	v26 =	vunpack.i.l.bf16.f32 v27;
	v24 =	vadd.f32 v33, v24  }
0xaa: {  	v12 =	vld.idx.msk [tilespmem:v12+s14+$0x0], $0xffff;
	v27 =	vunpack.i.u.bf16.f32 v27;
	v26 =	vmul.f32 v26, v15;
	v18 =	vadd.f32 v18, v19  }
0xab: {  	v25 =	vld [tilespmem:s1+$0x4030];
	v15 =	vmul.f32 v27, v15;
	v61 =	vunpack.i.l.bf16.f32 v23;
	v24 =	vadd.f32 v57, v24  }
0xac: {  	v11 =	vld.idx.msk [tilespmem:v11+s14+$0x0], $0xffff;
	v23 =	vunpack.i.u.bf16.f32 v23;
	v29 =	vmul.f32 v61, v14;
	v17 =	vadd.f32 v17, v18  }
0xad: {  	v21 =	vld [tilespmem:s1+$0x4040];
	v14 =	vmul.f32 v23, v14;
	v63 =	vunpack.i.l.bf16.f32 v22;
	v24 =	vadd.f32 v60, v24  }
0xae: {  	v10 =	vld.idx.msk [tilespmem:v10+s14+$0x0], $0xffff;
	v22 =	vunpack.i.u.bf16.f32 v22;
	v39 =	vmul.f32 v63, v13;
	v16 =	vadd.f32 v16, v17  }
0xaf: {  	v20 =	vld [tilespmem:s1+$0x4050];
	v13 =	vmul.f32 v22, v13;
	v63 =	vunpack.i.u.bf16.f32 v47;
	v24 =	vadd.f32 v28, v24  }
0xb0: {  	v9 =	vld.idx.msk [tilespmem:v9+s14+$0x0], $0xffff;
	v40 =	vunpack.i.l.bf16.f32 v25;
	v25 =	vunpack.i.u.bf16.f32 v25;
	v15 =	vadd.f32 v15, v16  }
0xb1: {  	v19 =	vld [tilespmem:s1+$0x4060];
	v30 =	vmul.f32 v40, v12;
	v12 =	vmul.f32 v25, v12;
	v24 =	vadd.f32 v26, v24  }
0xb2: {  	v8 =	vld.idx.msk [tilespmem:v8+s14+$0x0], $0xffff;
	v41 =	vunpack.i.l.bf16.f32 v21;
	v21 =	vunpack.i.u.bf16.f32 v21;
	v14 =	vadd.f32 v14, v15  }
0xb3: {  	v18 =	vld [tilespmem:s1+$0x4070];
	v31 =	vmul.f32 v41, v11;
	v11 =	vmul.f32 v21, v11;
	v24 =	vadd.f32 v29, v24  }
0xb4: {  	v7 =	vld.idx.msk [tilespmem:v7+s14+$0x0], $0xffff;
	v42 =	vunpack.i.l.bf16.f32 v20;
	v20 =	vunpack.i.u.bf16.f32 v20;
	v13 =	vadd.f32 v13, v14  }
0xb5: {  	v17 =	vld [tilespmem:s1+$0x4080];
	v27 =	vmul.f32 v42, v10;
	v10 =	vmul.f32 v20, v10;
	v24 =	vadd.f32 v39, v24  }
0xb6: {  	v28 =	vunpack.i.l.bf16.f32 v19;
	v19 =	vunpack.i.u.bf16.f32 v19;
	v16 =	vld [tilespmem:s1+$0x4090];
	v12 =	vadd.f32 v12, v13  }
0xb7: {  	v6 =	vld.idx.msk [tilespmem:v6+s14+$0x0], $0xffff;
	v23 =	vmul.f32 v28, v9;
	v9 =	vmul.f32 v19, v9;
	v24 =	vadd.f32 v30, v24  }
0xb8: {  	v26 =	vunpack.i.l.bf16.f32 v18;
	v18 =	vunpack.i.u.bf16.f32 v18;
	v15 =	vld [tilespmem:s1+$0x40A0];
	v11 =	vadd.f32 v11, v12  }
0xb9: {  	v5 =	vld.idx.msk [tilespmem:v5+s14+$0x0], $0xffff;
	v22 =	vmul.f32 v26, v8;
	v8 =	vmul.f32 v18, v8;
	v24 =	vadd.f32 v31, v24  }
0xba: {  	v26 =	vunpack.i.l.bf16.f32 v17;
	v49 =	vunpack.i.u.bf16.f32 v17;
	v17 =	vld.idx.msk [tilespmem:v0+s14+$0x0], $0xffff;
	v10 =	vadd.f32 v10, v11  }
0xbb: {  	v14 =	vld [tilespmem:s1+$0x40B0];
	v25 =	vmul.f32 v26, v7;
	v26 =	vunpack.i.l.bf16.f32 v16;
	v45 =	vadd.f32 v27, v24  }
0xbc: {  	v4 =	vld.idx.msk [tilespmem:v4+s14+$0x0], $0xffff;
	v53 =	vunpack.i.u.bf16.f32 v16;
	v21 =	vmul.f32 v26, v6;
	v9 =	vadd.f32 v9, v10  }
0xbd: {  	v13 =	vld [tilespmem:s1+$0x40C0];
	v26 =	vunpack.i.l.bf16.f32 v15;
	v55 =	vunpack.i.u.bf16.f32 v15;
	v48 =	vadd.f32 v23, v45  }
0xbe: {  	v20 =	vmul.f32 v26, v5;
	v26 =	vld.idx.msk [tilespmem:v2+s14+$0x0], $0xffff;
	v2 =	vmul.f32 v49, v7;
	v8 =	vadd.f32 v8, v9  }
0xbf: {  	s19 =	simm.s32 $0x10;
	s8 =	simm.s32 $0x40;
	v12 =	vld [tilespmem:s1+$0x40D0];
	v57 =	vmul.f32 v55, v5;
	v15 =	vmul.f32 v56, v17;
	v52 =	vadd.f32 v22, v48  }
0xc0: {  	s9 =	sand.u32 $0xE00, s8;
	s1 =	sand.u32 $0x70, s19;
	v43 =	vunpack.i.l.bf16.f32 v14;
	v24 =	vld.idx.msk [tilespmem:v1+s14+$0x0], $0xffff;
	v1 =	vmul.f32 v53, v6;
	v2 =	vadd.f32 v2, v8  }
0xc1: {  	v3 =	vld.idx.msk [tilespmem:v3+s14+$0x0], $0xffff;
	s9 =	sor.u32 s1, s9;
	v59 =	vunpack.i.u.bf16.f32 v14;
	v19 =	vmul.f32 v43, v4;
	v0 =	vadd.f32 v25, v52  }
0xc2: {  	v33 =	vmov s9;
	v4 =	vmul.f32 v59, v4;
	v1 =	vadd.f32 v1, v2  }
0xc3: {  	v11 =	vunpack.i.u.bf16.f32 v44;
	v46 =	vunpack.i.l.bf16.f32 v13;
	v58 =	vadd.f32 v21, v0  }
0xc4: {  	v34 =	vor.u32 $0x18F, v33;
	v60 =	vunpack.i.u.bf16.f32 v13;
	v2 =	vadd.f32 v57, v1  }
0xc5: {  	v35 =	vor.u32 $0x18E, v33;
	v37 =	vor.u32 $0x18D, v33;
	v5 =	vadd.f32 v20, v58  }
0xc6: {  	v38 =	vor.u32 $0x18C, v33;
	v6 =	vmul.f32 v60, v3;
	v4 =	vadd.f32 v4, v2  }
0xc7: {  	v18 =	vmul.f32 v46, v3;
	v61 =	vunpack.i.u.bf16.f32 v12;
	v5 =	vadd.f32 v19, v5  }
0xc8: {  	v50 =	vunpack.i.l.bf16.f32 v12;
	v8 =	vmul.f32 v61, v26;
	v6 =	vadd.f32 v6, v4  }
0xc9: {  	v39 =	vor.u32 $0x18B, v33;
	v51 =	vmul.f32 v50, v26;
	v62 =	vadd.f32 v18, v5  }
0xca: {  	v40 =	vor.u32 $0x18A, v33;
	v11 =	vmul.f32 v11, v24;
	v8 =	vadd.f32 v8, v6  }
0xcb: {  	v42 =	vor.u32 $0x189, v33;
	v16 =	vmul.f32 v54, v24;
	v12 =	vadd.f32 v51, v62  }
0xcc: {  	v43 =	vor.u32 $0x188, v33;
	v13 =	vmul.f32 v63, v17;
	v11 =	vadd.f32 v11, v8  }
0xcd: {  	v44 =	vor.u32 $0x186, v33;
	v17 =	vor.u32 $0x187, v33;
	v14 =	vadd.f32 v16, v12  }
0xce: {  	v53 =	vor.u32 $0x183, v33;
	v20 =	vor.u32 $0x1, v33;
	v16 =	vadd.f32 v13, v11  }
0xcf: {  	s1 =	simm.s32 $0x16810;
	v55 =	vor.u32 $0x10E, v33;
	v30 =	vor.u32 $0x3, v33;
	v18 =	vadd.f32 v15, v14  }
0xd0: {  	v36 =	vor.u32 $0x4, v33;
	v27 =	vor.u32 $0x104, v33;
	v25 =	vor.u32 $0x2, v33;
	[tilespmem:s1+$0x0] =	vst v16  }
0xd1: {  	v41 =	vor.u32 $0x5, v33;
	v29 =	vor.u32 $0x102, v33;
	v28 =	vor.u32 $0x103, v33;
	[tilespmem:s1+$0xFFFFFFF0] =	vst v18  }
0xd2: {  	v32 =	vor.u32 $0x8F, v33;
	v31 =	vor.u32 $0x100, v33;
	v23 =	vor.u32 $0x108, v33;
	v51 =	vld.idx.msk [tilespmem:v33+s14+$0x0], $0xffff  }
0xd3: {  	s19 =	sshll.u32 s9, $0x4;
	v48 =	vor.u32 $0x185, v33;
	v22 =	vor.u32 $0x109, v33;
	v54 =	vor.u32 $0x10F, v33;
	v45 =	vld.idx.msk [tilespmem:v20+s14+$0x0], $0xffff  }
0xd4: {  	v24 =	vor.u32 $0x107, v33;
	v52 =	vor.u32 $0x184, v33;
	v26 =	vor.u32 $0x105, v33;
	v49 =	vld [tilespmem:s19+$0x2820]  }
0xd5: {  	v21 =	vor.u32 $0x10A, v33;
	v19 =	vor.u32 $0x10C, v33;
	v15 =	vor.u32 $0x181, v33;
	v50 =	vld.idx.msk [tilespmem:v25+s14+$0x0], $0xffff  }
0xd6: {  	v14 =	vor.u32 $0x182, v33;
	v16 =	vor.u32 $0x180, v33;
	v18 =	vor.u32 $0x10D, v33;
	v46 =	vld [tilespmem:s19+$0x2830]  }
0xd7: {  	s9 =	simm.s32 $0x20;
	v20 =	vor.u32 $0x10B, v33;
	v25 =	vor.u32 $0x106, v33;
	v47 =	vld.idx.msk [tilespmem:v30+s14+$0x0], $0xffff;
	v30 =	vor.u32 $0x101, v33  }
.LBB2_6:
0xd8: {  	[tilespmem:$0x1FF10] =	vst v15  }
0xd9: {  	[tilespmem:$0x1FF40] =	vst v52;
	v52 =	vld [tilespmem:s19+$0x2840]  }
0xda: {  	[tilespmem:$0x1FF30] =	vst v53;
	v53 =	vld.idx.msk [tilespmem:v36+s14+$0x0], $0xffff  }
0xdb: {  	[tilespmem:$0x1FEF0] =	vst v54;
	v54 =	vld [tilespmem:s19+$0x2850]  }
0xdc: {  	[tilespmem:$0x1FF70] =	vst v17;
	v56 =	vld.idx.msk [tilespmem:v41+s14+$0x0], $0xffff  }
0xdd: {  	[tilespmem:$0x1FF80] =	vst v43;
	v57 =	vld [tilespmem:s19+$0x2860]  }
0xde: {  	[tilespmem:$0x1FF60] =	vst v44;
	v62 =	vld [tilespmem:s19+$0x2800]  }
0xdf: {  	[tilespmem:$0x1FFA0] =	vst v40;
	v2 =	vld [tilespmem:s19+$0x2870]  }
0xe0: {  	[tilespmem:$0x1FFD0] =	vst v37;
	v4 =	vld [tilespmem:s19+$0x2810]  }
0xe1: {  	[tilespmem:$0x1FFE0] =	vst v35;
	v9 =	vor.u32 $0x6, v33;
	v15 =	vld [tilespmem:s19+$0x2890]  }
0xe2: {  	[tilespmem:$0x1FFF0] =	vst v34;
	v35 =	vor.u32 $0x8D, v33;
	v34 =	vor.u32 $0x8E, v33;
	v37 =	vor.u32 $0x8B, v33;
	v17 =	vld [tilespmem:s19+$0x28A0]  }
0xe3: {  	[tilespmem:$0x1FFB0] =	vst v39;
	v36 =	vor.u32 $0x8C, v33;
	v40 =	vor.u32 $0x88, v33;
	v39 =	vor.u32 $0x89, v33;
	v27 =	vld.idx.msk [tilespmem:v27+s14+$0x0], $0xffff  }
0xe4: {  	[tilespmem:$0x1FFC0] =	vst v38;
	v38 =	vor.u32 $0x8A, v33;
	v41 =	vor.u32 $0x87, v33;
	v58 =	vor.u32 $0x7, v33;
	v26 =	vld.idx.msk [tilespmem:v26+s14+$0x0], $0xffff  }
0xe5: {  	[tilespmem:$0x1FF90] =	vst v42;
	v43 =	vor.u32 $0x85, v33;
	v42 =	vor.u32 $0x86, v33;
	v44 =	vor.u32 $0x84, v33;
	v25 =	vld.idx.msk [tilespmem:v25+s14+$0x0], $0xffff  }
0xe6: {  	[tilespmem:$0x1FF50] =	vst v48;
	v63 =	vor.u32 $0x8, v33;
	v0 =	vor.u32 $0x82, v33;
	v48 =	vor.u32 $0x83, v33;
	v24 =	vld.idx.msk [tilespmem:v24+s14+$0x0], $0xffff  }
0xe7: {  	v3 =	vor.u32 $0x81, v33;
	v5 =	vor.u32 $0x9, v33;
	v6 =	vor.u32 $0xF, v33;
	v23 =	vld.idx.msk [tilespmem:v23+s14+$0x0], $0xffff  }
0xe8: {  	v7 =	vor.u32 $0x80, v33;
	v12 =	vor.u32 $0xB, v33;
	v22 =	vld.idx.msk [tilespmem:v22+s14+$0x0], $0xffff;
	v10 =	vunpack.i.l.bf16.f32 v49  }
0xe9: {  	[tilespmem:$0x1FEE0] =	vst v55;
	v13 =	vor.u32 $0xD, v33;
	v11 =	vunpack.i.l.bf16.f32 v46;
	v55 =	vmul.f32 v10, v50;
	v61 =	vld.idx.msk [tilespmem:v9+s14+$0x0], $0xffff  }
0xea: {  	v59 =	vmul.f32 v11, v47;
	v60 =	vunpack.i.l.bf16.f32 v52;
	v1 =	vunpack.i.l.bf16.f32 v54;
	v58 =	vld.idx.msk [tilespmem:v58+s14+$0x0], $0xffff  }
0xeb: {  	[tilespmem:$0x1FF00] =	vst v16;
	v8 =	vunpack.i.l.bf16.f32 v57;
	v9 =	vor.u32 $0xE, v33;
	v10 =	vld [tilespmem:s19+$0x2880];
	v11 =	vor.u32 $0xA, v33  }
0xec: {  	[tilespmem:$0x1FF20] =	vst v14;
	v14 =	vunpack.i.u.bf16.f32 v62;
	v62 =	vunpack.i.l.bf16.f32 v62;
	v63 =	vld.idx.msk [tilespmem:v63+s14+$0x0], $0xffff;
	v16 =	vunpack.i.u.bf16.f32 v4  }
0xed: {  	v4 =	vunpack.i.l.bf16.f32 v4;
	v5 =	vld.idx.msk [tilespmem:v5+s14+$0x0], $0xffff;
	v60 =	vmul.f32 v60, v53;
	v1 =	vmul.f32 v1, v56  }
0xee: {  	v33 =	vor.u32 $0xC, v33;
	v12 =	vld.idx.msk [tilespmem:v12+s14+$0x0], $0xffff;
	v62 =	vmul.f32 v62, v51;
	v14 =	vmul.f32 v14, v51  }
0xef: {  	v13 =	vld.idx.msk [tilespmem:v13+s14+$0x0], $0xffff;
	v51 =	vunpack.i.l.bf16.f32 v2;
	v16 =	vmul.f32 v16, v45;
	v4 =	vmul.f32 v4, v45  }
0xf0: {  	v6 =	vld.idx.msk [tilespmem:v6+s14+$0x0], $0xffff;
	v45 =	vunpack.i.u.bf16.f32 v49;
	v2 =	vunpack.i.u.bf16.f32 v2;
	v14 =	vadd.f32 $0.0e+00, v14  }
0xf1: {  	v7 =	vld.idx.msk [tilespmem:v7+s14+$0x0], $0xffff;
	v62 =	vadd.f32 $0.0e+00, v62;
	v8 =	vmul.f32 v8, v61;
	v49 =	vmul.f32 v51, v58  }
0xf2: {  	v3 =	vld.idx.msk [tilespmem:v3+s14+$0x0], $0xffff;
	v14 =	vadd.f32 v16, v14;
	v16 =	vmul.f32 v45, v50;
	v45 =	vunpack.i.l.bf16.f32 v10  }
0xf3: {  	v11 =	vld.idx.msk [tilespmem:v11+s14+$0x0], $0xffff;
	v4 =	vadd.f32 v4, v62;
	v51 =	vunpack.i.u.bf16.f32 v46;
	v62 =	vunpack.i.l.bf16.f32 v15  }
0xf4: {  	v50 =	vld [tilespmem:s19+$0x28B0];
	v2 =	vmul.f32 v2, v58;
	v15 =	vunpack.i.u.bf16.f32 v15;
	v45 =	vmul.f32 v45, v63  }
0xf5: {  	v0 =	vld.idx.msk [tilespmem:v0+s14+$0x0], $0xffff;
	v46 =	vmul.f32 v62, v5;
	v62 =	vunpack.i.u.bf16.f32 v54;
	v5 =	vmul.f32 v15, v5  }
0xf6: {  	v44 =	vld.idx.msk [tilespmem:v44+s14+$0x0], $0xffff;
	v14 =	vadd.f32 v16, v14;
	v16 =	vmul.f32 v51, v47;
	v4 =	vadd.f32 v55, v4  }
0xf7: {  	v47 =	vld [tilespmem:s19+$0x28C0];
	v55 =	vunpack.i.u.bf16.f32 v52;
	v51 =	vunpack.i.l.bf16.f32 v17;
	v17 =	vunpack.i.u.bf16.f32 v17  }
0xf8: {  	v33 =	vld.idx.msk [tilespmem:v33+s14+$0x0], $0xffff;
	v14 =	vadd.f32 v16, v14;
	v16 =	vmul.f32 v55, v53;
	v4 =	vadd.f32 v59, v4  }
0xf9: {  	v55 =	vld [tilespmem:s19+$0x3000];
	v51 =	vmul.f32 v51, v11;
	v59 =	vunpack.i.l.bf16.f32 v50;
	v58 =	vmul.f32 v17, v11  }
0xfa: {  	v52 =	vld [tilespmem:s19+$0x28D0];
	v14 =	vadd.f32 v16, v14;
	v16 =	vmul.f32 v62, v56;
	v4 =	vadd.f32 v60, v4  }
0xfb: {  	v43 =	vld.idx.msk [tilespmem:v43+s14+$0x0], $0xffff;
	v60 =	vunpack.i.u.bf16.f32 v57;
	v53 =	vmul.f32 v59, v12;
	v62 =	vunpack.i.u.bf16.f32 v10  }
0xfc: {  	v15 =	vld [tilespmem:s19+$0x3020];
	v14 =	vadd.f32 v16, v14;
	v16 =	vmul.f32 v60, v61;
	v61 =	vunpack.i.l.bf16.f32 v47  }
0xfd: {  	v42 =	vld.idx.msk [tilespmem:v42+s14+$0x0], $0xffff;
	v1 =	vadd.f32 v1, v4;
	v60 =	vunpack.i.u.bf16.f32 v50;
	v47 =	vunpack.i.u.bf16.f32 v47  }
0xfe: {  	v56 =	vld [tilespmem:s19+$0x28F0];
	v4 =	vmul.f32 v61, v33;
	v59 =	vunpack.i.l.bf16.f32 v55;
	v14 =	vadd.f32 v16, v14  }
0xff: {  	v54 =	vld [tilespmem:s19+$0x28E0];
	v61 =	vmul.f32 v60, v12;
	v16 =	vunpack.i.l.bf16.f32 v52;
	v1 =	vadd.f32 v8, v1  }
0x100: {  	v9 =	vld.idx.msk [tilespmem:v9+s14+$0x0], $0xffff;
	v8 =	vmul.f32 v62, v63;
	v11 =	vmul.f32 v59, v7;
	v2 =	vadd.f32 v2, v14  }
0x101: {  	v41 =	vld.idx.msk [tilespmem:v41+s14+$0x0], $0xffff;
	v62 =	vmul.f32 v47, v33;
	v63 =	vunpack.i.l.bf16.f32 v15;
	v1 =	vadd.f32 v49, v1  }
0x102: {  	v52 =	vunpack.i.u.bf16.f32 v52;
	v10 =	vmul.f32 v16, v13;
	v16 =	vld [tilespmem:s19+$0x3010];
	v2 =	vadd.f32 v8, v2  }
0x103: {  	v40 =	vld.idx.msk [tilespmem:v40+s14+$0x0], $0xffff;
	v57 =	vunpack.i.l.bf16.f32 v56;
	v33 =	vmul.f32 v63, v0;
	v1 =	vadd.f32 v45, v1  }
0x104: {  	v59 =	vunpack.i.u.bf16.f32 v56;
	v14 =	vunpack.i.l.bf16.f32 v54;
	v45 =	vld [tilespmem:s19+$0x3040];
	v2 =	vadd.f32 v5, v2  }
0x105: {  	v17 =	vld [tilespmem:s19+$0x3030];
	v60 =	vmul.f32 v59, v6;
	v14 =	vmul.f32 v14, v9;
	v1 =	vadd.f32 v46, v1  }
0x106: {  	v47 =	vld [tilespmem:s19+$0x3050];
	v8 =	vmul.f32 v57, v6;
	v57 =	vunpack.i.u.bf16.f32 v54;
	v2 =	vadd.f32 v58, v2  }
0x107: {  	v46 =	vld.idx.msk [tilespmem:v48+s14+$0x0], $0xffff;
	v12 =	vunpack.i.l.bf16.f32 v16;
	v49 =	vunpack.i.u.bf16.f32 v16;
	v1 =	vadd.f32 v51, v1  }
0x108: {  	v48 =	vld [tilespmem:s19+$0x3060];
	v12 =	vmul.f32 v12, v3;
	v3 =	vmul.f32 v49, v3;
	v2 =	vadd.f32 v61, v2  }
0x109: {  	v36 =	vld.idx.msk [tilespmem:v36+s14+$0x0], $0xffff;
	v58 =	vunpack.i.l.bf16.f32 v45;
	v1 =	vadd.f32 v53, v1;
	v53 =	vmul.f32 v52, v13  }
0x10a: {  	v51 =	vld [tilespmem:s19+$0x30A0];
	v13 =	vunpack.i.l.bf16.f32 v17;
	v5 =	vmul.f32 v58, v44;
	v2 =	vadd.f32 v62, v2  }
0x10b: {  	v35 =	vld.idx.msk [tilespmem:v35+s14+$0x0], $0xffff;
	v61 =	vunpack.i.l.bf16.f32 v47;
	v52 =	vunpack.i.u.bf16.f32 v15;
	v1 =	vadd.f32 v4, v1  }
0x10c: {  	v16 =	vld.idx.msk [tilespmem:v39+s14+$0x0], $0xffff;
	v13 =	vmul.f32 v13, v46;
	v4 =	vmul.f32 v57, v9;
	v2 =	vadd.f32 v53, v2  }
0x10d: {  	v6 =	vmul.f32 v61, v43;
	v63 =	vunpack.i.l.bf16.f32 v48;
	v9 =	vld [tilespmem:s19+$0x3070];
	v1 =	vadd.f32 v10, v1  }
0x10e: {  	v39 =	vld [tilespmem:s19+$0x30E0];
	v0 =	vmul.f32 v52, v0;
	v59 =	vunpack.i.u.bf16.f32 v48;
	v2 =	vadd.f32 v4, v2  }
0x10f: {  	v57 =	vunpack.i.l.bf16.f32 v51;
	v10 =	vld [tilespmem:s19+$0x3080];
	v1 =	vadd.f32 v14, v1;
	v14 =	vunpack.i.u.bf16.f32 v55  }
0x110: {  	v34 =	vld.idx.msk [tilespmem:v34+s14+$0x0], $0xffff;
	v51 =	vunpack.i.u.bf16.f32 v51;
	v62 =	vmul.f32 v14, v7;
	v2 =	vadd.f32 v60, v2  }
0x111: {  	v15 =	vld.idx.msk [tilespmem:v38+s14+$0x0], $0xffff;
	v55 =	vunpack.i.u.bf16.f32 v45;
	v7 =	vmul.f32 v63, v42;
	v1 =	vadd.f32 v8, v1  }
0x112: {  	v38 =	vld [tilespmem:s19+$0x30D0];
	v50 =	vunpack.i.l.bf16.f32 v9;
	v56 =	vmul.f32 v55, v44;
	v2 =	vadd.f32 v62, v2  }
0x113: {  	v14 =	vld [tilespmem:s19+$0x3090];
	v4 =	vmul.f32 v50, v41;
	v60 =	vmul.f32 v59, v42;
	v1 =	vadd.f32 v11, v1  }
0x114: {  	v45 =	vld.idx.msk [tilespmem:v31+s14+$0x0], $0xffff;
	v59 =	vunpack.i.u.bf16.f32 v39;
	v53 =	vunpack.i.l.bf16.f32 v10;
	v2 =	vadd.f32 v3, v2  }
0x115: {  	v31 =	vld [tilespmem:s19+$0x3810];
	v44 =	vunpack.i.u.bf16.f32 v10;
	v1 =	vadd.f32 v12, v1;
	v12 =	vunpack.i.u.bf16.f32 v17  }
0x116: {  	v42 =	vld [tilespmem:s19+$0x30F0];
	v62 =	vunpack.i.u.bf16.f32 v9;
	v54 =	vmul.f32 v12, v46;
	v0 =	vadd.f32 v0, v2  }
0x117: {  	v11 =	vld [tilespmem:s19+$0x30B0];
	v63 =	vmul.f32 v62, v41;
	v41 =	vunpack.i.l.bf16.f32 v38;
	v1 =	vadd.f32 v33, v1  }
0x118: {  	v3 =	vmul.f32 v53, v40;
	v17 =	vld.idx.msk [tilespmem:v37+s14+$0x0], $0xffff;
	v48 =	vunpack.i.u.bf16.f32 v14;
	v0 =	vadd.f32 v54, v0  }
0x119: {  	v37 =	vld [tilespmem:s19+$0x30C0];
	v53 =	vmul.f32 v51, v15;
	v1 =	vadd.f32 v13, v1;
	v13 =	vunpack.i.u.bf16.f32 v47  }
0x11a: {  	v62 =	vld [tilespmem:s19+$0x3870];
	v12 =	vunpack.i.l.bf16.f32 v14;
	v58 =	vmul.f32 v13, v43;
	v0 =	vadd.f32 v56, v0  }
0x11b: {  	v46 =	vmul.f32 v44, v40;
	v14 =	vld.idx.msk [tilespmem:v30+s14+$0x0], $0xffff;
	v49 =	vmul.f32 v48, v16;
	v1 =	vadd.f32 v5, v1  }
0x11c: {  	v50 =	vunpack.i.l.bf16.f32 v42;
	v30 =	vld [tilespmem:s19+$0x3860];
	v12 =	vmul.f32 v12, v16;
	v0 =	vadd.f32 v58, v0  }
0x11d: {  	v33 =	vmul.f32 v57, v15;
	v16 =	vld [tilespmem:s19+$0x3820];
	v47 =	vunpack.i.l.bf16.f32 v39;
	v1 =	vadd.f32 v6, v1  }
0x11e: {  	v15 =	vld [tilespmem:s19+$0x3830];
	v13 =	vunpack.i.l.bf16.f32 v11;
	v61 =	vunpack.i.l.bf16.f32 v37;
	v0 =	vadd.f32 v60, v0  }
0x11f: {  	v9 =	vld.idx.msk [tilespmem:v32+s14+$0x0], $0xffff;
	v11 =	vunpack.i.u.bf16.f32 v11;
	v13 =	vmul.f32 v13, v17;
	v1 =	vadd.f32 v7, v1  }
0x120: {  	v43 =	vld [tilespmem:s19+$0x3800];
	v5 =	vmul.f32 v61, v36;
	v55 =	vmul.f32 v11, v17;
	v0 =	vadd.f32 v63, v0  }
0x121: {  	v56 =	vunpack.i.l.bf16.f32 v31;
	v17 =	vld [tilespmem:s19+$0x3840];
	v39 =	vunpack.i.l.bf16.f32 v30;
	v1 =	vadd.f32 v4, v1  }
0x122: {  	v32 =	vld [tilespmem:$0x1FF10];
	v11 =	vmul.f32 v56, v14;
	v44 =	vunpack.i.u.bf16.f32 v16;
	v0 =	vadd.f32 v46, v0  }
0x123: {  	v19 =	vld.idx.msk [tilespmem:v19+s14+$0x0], $0xffff;
	v48 =	vunpack.i.u.bf16.f32 v15;
	v56 =	vunpack.i.u.bf16.f32 v62;
	v1 =	vadd.f32 v3, v1  }
0x124: {  	v18 =	vld.idx.msk [tilespmem:v18+s14+$0x0], $0xffff;
	v6 =	vmul.f32 v41, v35;
	v41 =	vunpack.i.u.bf16.f32 v31;
	v0 =	vadd.f32 v49, v0  }
0x125: {  	v52 =	vld.idx.msk [tilespmem:v29+s14+$0x0], $0xffff;
	v7 =	vmul.f32 v47, v34;
	v54 =	vunpack.i.l.bf16.f32 v43;
	v1 =	vadd.f32 v12, v1  }
0x126: {  	v40 =	vld [tilespmem:s19+$0x3890];
	v60 =	vmul.f32 v59, v34;
	v61 =	vunpack.i.l.bf16.f32 v17;
	v0 =	vadd.f32 v53, v0  }
0x127: {  	v17 =	vunpack.i.u.bf16.f32 v17;
	v12 =	vld.idx.msk [tilespmem:v28+s14+$0x0], $0xffff;
	v28 =	vunpack.i.u.bf16.f32 v37;
	v1 =	vadd.f32 v33, v1  }
0x128: {  	v29 =	vld [tilespmem:s19+$0x3850];
	v63 =	vunpack.i.u.bf16.f32 v42;
	v57 =	vmul.f32 v28, v36;
	v0 =	vadd.f32 v55, v0  }
0x129: {  	v42 =	vmul.f32 v41, v14;
	v14 =	vld [tilespmem:s19+$0x38A0];
	v1 =	vadd.f32 v13, v1;
	v13 =	vunpack.i.u.bf16.f32 v38  }
0x12a: {  	v10 =	vld.idx.msk [tilespmem:v32+s14+$0x0], $0xffff;
	v4 =	vmul.f32 v50, v9;
	v58 =	vmul.f32 v13, v35;
	v0 =	vadd.f32 v57, v0  }
0x12b: {  	v47 =	vld [tilespmem:s19+$0x38B0];
	v51 =	vmul.f32 v17, v27;
	v34 =	vmul.f32 v63, v9;
	v1 =	vadd.f32 v5, v1  }
0x12c: {  	v63 =	vunpack.i.u.bf16.f32 v40;
	v3 =	vmul.f32 v54, v45;
	v36 =	vld [tilespmem:s19+$0x3880];
	v0 =	vadd.f32 v58, v0  }
0x12d: {  	v37 =	vunpack.i.u.bf16.f32 v43;
	v28 =	vunpack.i.l.bf16.f32 v16;
	v16 =	vld.idx.msk [tilespmem:v21+s14+$0x0], $0xffff;
	v1 =	vadd.f32 v6, v1  }
0x12e: {  	v17 =	vunpack.i.l.bf16.f32 v14;
	v21 =	vld [tilespmem:s19+$0x38E0];
	v28 =	vmul.f32 v28, v52;
	v0 =	vadd.f32 v60, v0  }
0x12f: {  	v53 =	vunpack.i.u.bf16.f32 v30;
	v33 =	vmul.f32 v63, v22;
	v63 =	vld [tilespmem:s19+$0x40C0];
	v1 =	vadd.f32 v7, v1  }
0x130: {  	v38 =	vmul.f32 v37, v45;
	v13 =	vunpack.i.l.bf16.f32 v15;
	v15 =	vld.idx.msk [tilespmem:v20+s14+$0x0], $0xffff;
	v0 =	vadd.f32 v34, v0  }
0x131: {  	v45 =	vmul.f32 v44, v52;
	v35 =	vunpack.i.l.bf16.f32 v29;
	v20 =	vld [tilespmem:s19+$0x38D0];
	v1 =	vadd.f32 v4, v1  }
0x132: {  	v49 =	vmul.f32 v48, v12;
	v13 =	vmul.f32 v13, v12;
	v12 =	vld [tilespmem:s19+$0x38C0];
	v0 =	vadd.f32 v38, v0  }
0x133: {  	v5 =	vmul.f32 v61, v27;
	v46 =	vunpack.i.l.bf16.f32 v36;
	v27 =	vld [tilespmem:$0x1FEF0];
	v1 =	vadd.f32 v3, v1  }
0x134: {  	v17 =	vmul.f32 v17, v16;
	v57 =	vmul.f32 v56, v24;
	v56 =	vld [tilespmem:s19+$0x40A0];
	v0 =	vadd.f32 v42, v0  }
0x135: {  	v6 =	vmul.f32 v35, v26;
	v35 =	vunpack.i.u.bf16.f32 v14;
	v14 =	vld [tilespmem:$0x1FF20];
	v1 =	vadd.f32 v11, v1  }
0x136: {  	v59 =	vunpack.i.u.bf16.f32 v36;
	v36 =	vmul.f32 v35, v16;
	v16 =	vld [tilespmem:s19+$0x4030];
	v0 =	vadd.f32 v45, v0  }
0x137: {  	v54 =	vmul.f32 v53, v25;
	v7 =	vmul.f32 v39, v25;
	v25 =	vld [tilespmem:s19+$0x38F0];
	v1 =	vadd.f32 v28, v1  }
0x138: {  	v43 =	vunpack.i.l.bf16.f32 v62;
	v62 =	vunpack.i.l.bf16.f32 v21;
	v60 =	vld [tilespmem:$0x1FF00];
	v0 =	vadd.f32 v49, v0  }
0x139: {  	v4 =	vmul.f32 v43, v24;
	v24 =	vld [tilespmem:s19+$0x4000];
	v1 =	vadd.f32 v13, v1;
	v13 =	vunpack.i.u.bf16.f32 v29  }
0x13a: {  	v43 =	vunpack.i.u.bf16.f32 v21;
	v21 =	vld [tilespmem:$0x1FF60];
	v52 =	vmul.f32 v13, v26;
	v0 =	vadd.f32 v51, v0  }
0x13b: {  	v27 =	vld.idx.msk [tilespmem:v27+s14+$0x0], $0xffff;
	v1 =	vadd.f32 v5, v1  }
0x13c: {  	v61 =	vmul.f32 v59, v23;
	v3 =	vmul.f32 v46, v23;
	v23 =	vld [tilespmem:s19+$0x4010];
	v0 =	vadd.f32 v52, v0  }
0x13d: {  	v38 =	vld [tilespmem:$0x1FF30];
	v1 =	vadd.f32 v6, v1  }
0x13e: {  	v34 =	vunpack.i.l.bf16.f32 v25;
	v46 =	vunpack.i.u.bf16.f32 v25;
	v25 =	vld [tilespmem:$0x1FF70];
	v0 =	vadd.f32 v54, v0  }
0x13f: {  	v50 =	vunpack.i.l.bf16.f32 v40;
	v26 =	vld [tilespmem:$0x1FEE0];
	v1 =	vadd.f32 v7, v1  }
0x140: {  	v11 =	vmul.f32 v50, v22;
	v22 =	vld [tilespmem:s19+$0x4020];
	v0 =	vadd.f32 v57, v0  }
0x141: {  	v14 =	vld.idx.msk [tilespmem:v14+s14+$0x0], $0xffff;
	v1 =	vadd.f32 v4, v1  }
0x142: {  	v8 =	vunpack.i.u.bf16.f32 v47;
	v9 =	vld.idx.msk [tilespmem:v60+s14+$0x0], $0xffff;
	v0 =	vadd.f32 v61, v0  }
0x143: {  	v40 =	vunpack.i.l.bf16.f32 v23;
	v53 =	vunpack.i.u.bf16.f32 v23;
	v23 =	vld [tilespmem:$0x1FF90];
	v1 =	vadd.f32 v3, v1  }
0x144: {  	v58 =	vunpack.i.l.bf16.f32 v20;
	v37 =	vunpack.i.l.bf16.f32 v24;
	v21 =	vld.idx.msk [tilespmem:v21+s14+$0x0], $0xffff;
	v0 =	vadd.f32 v33, v0  }
0x145: {  	v49 =	vunpack.i.u.bf16.f32 v24;
	v24 =	vld [tilespmem:$0x1FF80];
	v13 =	vunpack.i.l.bf16.f32 v47;
	v1 =	vadd.f32 v11, v1  }
0x146: {  	v39 =	vmul.f32 v8, v15;
	v13 =	vmul.f32 v13, v15;
	v15 =	vld [tilespmem:s19+$0x4040];
	v0 =	vadd.f32 v36, v0  }
0x147: {  	v55 =	vunpack.i.l.bf16.f32 v12;
	v12 =	vunpack.i.u.bf16.f32 v12;
	v26 =	vld.idx.msk [tilespmem:v26+s14+$0x0], $0xffff;
	v1 =	vadd.f32 v17, v1  }
0x148: {  	v41 =	vmul.f32 v12, v19;
	v5 =	vmul.f32 v55, v19;
	v19 =	vld [tilespmem:s19+$0x4050];
	v0 =	vadd.f32 v39, v0  }
0x149: {  	v60 =	vunpack.i.u.bf16.f32 v16;
	v25 =	vld.idx.msk [tilespmem:v25+s14+$0x0], $0xffff;
	v1 =	vadd.f32 v13, v1;
	v13 =	vunpack.i.u.bf16.f32 v20  }
0x14a: {  	v8 =	vmul.f32 v40, v10;
	v52 =	vld [tilespmem:s19+$0x4090];
	v42 =	vmul.f32 v13, v18;
	v0 =	vadd.f32 v41, v0  }
0x14b: {  	v47 =	vmul.f32 v46, v27;
	v6 =	vmul.f32 v58, v18;
	v17 =	vld [tilespmem:$0x1FF40];
	v1 =	vadd.f32 v5, v1  }
0x14c: {  	v4 =	vmul.f32 v34, v27;
	v27 =	vld [tilespmem:s19+$0x4080];
	v44 =	vmul.f32 v43, v26;
	v0 =	vadd.f32 v42, v0  }
0x14d: {  	v12 =	vunpack.i.l.bf16.f32 v22;
	v7 =	vmul.f32 v62, v26;
	v20 =	vld [tilespmem:$0x1FF50];
	v1 =	vadd.f32 v6, v1  }
0x14e: {  	v12 =	vmul.f32 v12, v14;
	v57 =	vunpack.i.u.bf16.f32 v22;
	v22 =	vld [tilespmem:$0x1FFA0];
	v0 =	vadd.f32 v44, v0  }
0x14f: {  	v50 =	vmul.f32 v49, v9;
	v49 =	vunpack.i.u.bf16.f32 v56;
	v11 =	vld.idx.msk [tilespmem:v38+s14+$0x0], $0xffff;
	v1 =	vadd.f32 v7, v1  }
0x150: {  	v54 =	vmul.f32 v53, v10;
	v53 =	vunpack.i.u.bf16.f32 v63;
	v26 =	vld [tilespmem:s19+$0x4070];
	v0 =	vadd.f32 v47, v0  }
0x151: {  	v45 =	vunpack.i.l.bf16.f32 v15;
	v3 =	vmul.f32 v37, v9;
	v18 =	vld [tilespmem:s19+$0x4060];
	v1 =	vadd.f32 v4, v1  }
0x152: {  	v48 =	vunpack.i.l.bf16.f32 v19;
	v23 =	vld.idx.msk [tilespmem:v23+s14+$0x0], $0xffff;
	v58 =	vmul.f32 v57, v14;
	v0 =	vadd.f32 v50, v0  }
0x153: {  	v46 =	vunpack.i.u.bf16.f32 v52;
	v59 =	vunpack.i.l.bf16.f32 v27;
	v17 =	vld.idx.msk [tilespmem:v17+s14+$0x0], $0xffff;
	v1 =	vadd.f32 v3, v1  }
0x154: {  	v13 =	vunpack.i.l.bf16.f32 v16;
	v16 =	vld [tilespmem:$0x1FFB0];
	v61 =	vmul.f32 v60, v11;
	v0 =	vadd.f32 v54, v0  }
0x155: {  	v13 =	vmul.f32 v13, v11;
	v55 =	vunpack.i.l.bf16.f32 v26;
	v20 =	vld.idx.msk [tilespmem:v20+s14+$0x0], $0xffff;
	v1 =	vadd.f32 v8, v1  }
0x156: {  	v24 =	vld.idx.msk [tilespmem:v24+s14+$0x0], $0xffff;
	v40 =	vunpack.i.u.bf16.f32 v26;
	v51 =	vunpack.i.l.bf16.f32 v18;
	v0 =	vadd.f32 v58, v0  }
0x157: {  	v26 =	vld [tilespmem:$0x1FFF0];
	v37 =	vunpack.i.u.bf16.f32 v18;
	v1 =	vadd.f32 v12, v1;
	v12 =	vunpack.i.u.bf16.f32 v15  }
0x158: {  	v14 =	vld [tilespmem:s19+$0x40B0];
	v7 =	vmul.f32 v51, v21;
	v35 =	vmul.f32 v12, v17;
	v0 =	vadd.f32 v61, v0  }
0x159: {  	v22 =	vld.idx.msk [tilespmem:v22+s14+$0x0], $0xffff;
	v5 =	vmul.f32 v45, v17;
	v1 =	vadd.f32 v13, v1;
	v13 =	vunpack.i.u.bf16.f32 v19  }
0x15a: {  	v38 =	vmul.f32 v37, v21;
	v21 =	vld [tilespmem:s19+$0x40F0];
	v36 =	vmul.f32 v13, v20;
	v0 =	vadd.f32 v35, v0  }
0x15b: {  	v62 =	vunpack.i.l.bf16.f32 v52;
	v6 =	vmul.f32 v48, v20;
	v15 =	vld [tilespmem:$0x1FFC0];
	v1 =	vadd.f32 v5, v1  }
0x15c: {  	v43 =	vunpack.i.u.bf16.f32 v27;
	v39 =	vunpack.i.l.bf16.f32 v63;
	v16 =	vld.idx.msk [tilespmem:v16+s14+$0x0], $0xffff;
	v0 =	vadd.f32 v36, v0  }
0x15d: {  	v41 =	vmul.f32 v40, v25;
	v44 =	vmul.f32 v43, v24;
	v19 =	vld [tilespmem:$0x1FFD0];
	v1 =	vadd.f32 v6, v1  }
0x15e: {  	v18 =	vld [tilespmem:$0x1FFE0];
	v51 =	vunpack.i.u.bf16.f32 v14;
	v4 =	vmul.f32 v55, v25;
	v0 =	vadd.f32 v38, v0  }
0x15f: {  	v47 =	vmul.f32 v46, v23;
	v3 =	vmul.f32 v59, v24;
	v26 =	vld.idx.msk [tilespmem:v26+s14+$0x0], $0xffff;
	v1 =	vadd.f32 v7, v1  }
0x160: {  	v50 =	vmul.f32 v49, v22;
	v8 =	vmul.f32 v62, v23;
	v17 =	vld [tilespmem:s19+$0x40D0];
	v0 =	vadd.f32 v41, v0  }
0x161: {  	v59 =	vunpack.i.u.bf16.f32 v21;
	v48 =	vunpack.i.l.bf16.f32 v21;
	v1 =	vadd.f32 v4, v1  }
0x162: {  	s8 =	sadd.s32 $0x40, s8;
	v52 =	vmul.f32 v51, v16;
	v12 =	vunpack.i.l.bf16.f32 v56;
	v20 =	vld [tilespmem:s19+$0x40E0];
	v0 =	vadd.f32 v44, v0  }
0x163: {  	s10 =	sand.u32 $0x70, s9;
	v12 =	vmul.f32 v12, v22;
	v13 =	vunpack.i.l.bf16.f32 v14;
	s19 =	sand.u32 $0xE00, s8;
	v15 =	vld.idx.msk [tilespmem:v15+s14+$0x0], $0xffff;
	v1 =	vadd.f32 v3, v1  }
0x164: {  	v60 =	vmul.f32 v59, v26;
	v13 =	vmul.f32 v13, v16;
	s19 =	sor.u32 s10, s19;
	v0 =	vadd.f32 v47, v0  }
0x165: {  	v33 =	vmov s19;
	v42 =	vunpack.i.l.bf16.f32 v17;
	v19 =	vld.idx.msk [tilespmem:v19+s14+$0x0], $0xffff;
	v1 =	vadd.f32 v8, v1  }
0x166: {  	v34 =	vor.u32 $0x18F, v33;
	v35 =	vor.u32 $0x18E, v33;
	v0 =	vadd.f32 v50, v0  }
0x167: {  	v18 =	vld.idx.msk [tilespmem:v18+s14+$0x0], $0xffff;
	v37 =	vor.u32 $0x18D, v33;
	v55 =	vunpack.i.u.bf16.f32 v17;
	v1 =	vadd.f32 v12, v1  }
0x168: {  	v40 =	vor.u32 $0x18A, v33;
	v54 =	vmul.f32 v53, v15;
	v0 =	vadd.f32 v52, v0  }
0x169: {  	v43 =	vor.u32 $0x188, v33;
	v5 =	vmul.f32 v39, v15;
	v1 =	vadd.f32 v13, v1  }
0x16a: {  	v17 =	vor.u32 $0x187, v33;
	v56 =	vmul.f32 v55, v19;
	v0 =	vadd.f32 v54, v0  }
0x16b: {  	v57 =	vunpack.i.u.bf16.f32 v20;
	v6 =	vmul.f32 v42, v19;
	v1 =	vadd.f32 v5, v1  }
0x16c: {  	v45 =	vunpack.i.l.bf16.f32 v20;
	v58 =	vmul.f32 v57, v18;
	v0 =	vadd.f32 v56, v0  }
0x16d: {  	v61 =	vor.u32 $0x1, v33;
	v7 =	vmul.f32 v45, v18;
	v1 =	vadd.f32 v6, v1  }
0x16e: {  	v62 =	vor.u32 $0x2, v33;
	v14 =	vor.u32 $0x182, v33;
	v0 =	vadd.f32 v58, v0  }
0x16f: {  	v16 =	vor.u32 $0x180, v33;
	v4 =	vmul.f32 v48, v26;
	v1 =	vadd.f32 v7, v1  }
0x170: {  	v63 =	vor.u32 $0x3, v33;
	v22 =	vor.u32 $0x109, v33;
	v0 =	vadd.f32 v60, v0  }
0x171: {  	s1 =	sadd.s32 $0x20, s1;
	v21 =	vor.u32 $0x10A, v33;
	v36 =	vor.u32 $0x4, v33;
	v1 =	vadd.f32 v4, v1  }
0x172: {  	v24 =	vor.u32 $0x107, v33;
	v23 =	vor.u32 $0x108, v33;
	v27 =	vor.u32 $0x104, v33;
	[tilespmem:s1+$0x0] =	vst v0  }
0x173: {  	v25 =	vor.u32 $0x106, v33;
	v29 =	vor.u32 $0x102, v33;
	v28 =	vor.u32 $0x103, v33;
	[tilespmem:s1+$0xFFFFFFF0] =	vst v1  }
0x174: {  	p2 =	sne.s32 s9, $0x270;
	v32 =	vor.u32 $0x8F, v33;
	v31 =	vor.u32 $0x100, v33;
	v30 =	vor.u32 $0x101, v33;
	v51 =	vld.idx.msk [tilespmem:v33+s14+$0x0], $0xffff  }
.Ltmp2:
0x175: {  	s19 =	sshll.u32 s19, $0x4;
	v38 =	vor.u32 $0x18C, v33;
	v20 =	vor.u32 $0x10B, v33;
	v18 =	vor.u32 $0x10D, v33;
	v45 =	vld.idx.msk [tilespmem:v61+s14+$0x0], $0xffff;
	(pc) =	sbr.rel @p2 .LBB2_6-.Ltmp2, $4  }
0x176: {  	v48 =	vor.u32 $0x185, v33;
	v26 =	vor.u32 $0x105, v33;
	v41 =	vor.u32 $0x5, v33;
	v49 =	vld [tilespmem:s19+$0x2820]  }
0x177: {  	v44 =	vor.u32 $0x186, v33;
	v39 =	vor.u32 $0x18B, v33;
	v53 =	vor.u32 $0x183, v33;
	v50 =	vld.idx.msk [tilespmem:v62+s14+$0x0], $0xffff  }
0x178: {  	v15 =	vor.u32 $0x181, v33;
	v42 =	vor.u32 $0x189, v33;
	v55 =	vor.u32 $0x10E, v33;
	v46 =	vld [tilespmem:s19+$0x2830]  }
0x179: {  	s9 =	sadd.s32 $0x10, s9;
	v19 =	vor.u32 $0x10C, v33;
	v52 =	vor.u32 $0x184, v33;
	v54 =	vor.u32 $0x10F, v33;
	v47 =	vld.idx.msk [tilespmem:v63+s14+$0x0], $0xffff  }
0x17a: {  	_ = 	snop  }
0x17b: {  	v0 =	vld [tilespmem:s19+$0x2800]  }
0x17c: {  	v1 =	vld [tilespmem:s19+$0x2810]  }
0x17d: {  	v4 =	vld [tilespmem:s19+$0x2840]  }
0x17e: {  	v5 =	vor.u32 $0x6, v33;
	v10 =	vld.idx.msk [tilespmem:v41+s14+$0x0], $0xffff;
	v41 =	vor.u32 $0x7, v33;
	v57 =	vor.u32 $0xB, v33  }
0x17f: {  	v7 =	vld.idx.msk [tilespmem:v36+s14+$0x0], $0xffff;
	v61 =	vor.u32 $0xD, v33;
	v6 =	vunpack.i.l.bf16.f32 v49;
	v8 =	vunpack.i.u.bf16.f32 v49  }
0x180: {  	v36 =	vld [tilespmem:s19+$0x2850];
	v6 =	vmul.f32 v6, v50;
	v8 =	vmul.f32 v8, v50;
	v50 =	vor.u32 $0x9, v33  }
0x181: {  	v56 =	vld [tilespmem:s19+$0x2880];
	v9 =	vunpack.i.l.bf16.f32 v46;
	v11 =	vunpack.i.u.bf16.f32 v46;
	v46 =	vor.u32 $0x8, v33  }
0x182: {  	v9 =	vmul.f32 v9, v47;
	v11 =	vmul.f32 v11, v47;
	v2 =	vunpack.i.u.bf16.f32 v0  }
0x183: {  	v49 =	vld [tilespmem:s19+$0x2870];
	v0 =	vunpack.i.l.bf16.f32 v0;
	v3 =	vunpack.i.u.bf16.f32 v1;
	v1 =	vunpack.i.l.bf16.f32 v1  }
0x184: {  	v62 =	vld [tilespmem:s19+$0x28A0];
	v12 =	vunpack.i.l.bf16.f32 v4;
	v2 =	vmul.f32 v2, v51;
	v0 =	vmul.f32 v0, v51  }
0x185: {  	v4 =	vunpack.i.u.bf16.f32 v4;
	v3 =	vmul.f32 v3, v45;
	v1 =	vmul.f32 v1, v45;
	v45 =	vld [tilespmem:s19+$0x2860]  }
0x186: {  	v47 =	vunpack.i.l.bf16.f32 v36;
	v63 =	vunpack.i.u.bf16.f32 v56;
	v2 =	vadd.f32 $0.0e+00, v2  }
0x187: {  	v58 =	vld [tilespmem:s19+$0x2890];
	v12 =	vmul.f32 v12, v7;
	v4 =	vmul.f32 v4, v7;
	v0 =	vadd.f32 $0.0e+00, v0  }
0x188: {  	v5 =	vld.idx.msk [tilespmem:v5+s14+$0x0], $0xffff;
	v59 =	vunpack.i.u.bf16.f32 v49;
	v7 =	vunpack.i.l.bf16.f32 v49;
	v2 =	vadd.f32 v3, v2  }
0x189: {  	v49 =	vunpack.i.u.bf16.f32 v62;
	v0 =	vadd.f32 v1, v0;
	v3 =	vunpack.i.u.bf16.f32 v36  }
0x18a: {  	v36 =	vor.u32 $0xC, v33;
	v51 =	vunpack.i.l.bf16.f32 v45;
	v2 =	vadd.f32 v8, v2  }
0x18b: {  	v1 =	vld.idx.msk [tilespmem:v41+s14+$0x0], $0xffff;
	v3 =	vmul.f32 v3, v10;
	v0 =	vadd.f32 v6, v0;
	v8 =	vunpack.i.u.bf16.f32 v45  }
0x18c: {  	v6 =	vld.idx.msk [tilespmem:v46+s14+$0x0], $0xffff;
	v45 =	vunpack.i.u.bf16.f32 v58;
	v46 =	vor.u32 $0xF, v33;
	v2 =	vadd.f32 v11, v2  }
0x18d: {  	v41 =	vld [tilespmem:s19+$0x28B0];
	v8 =	vmul.f32 v8, v5;
	v0 =	vadd.f32 v9, v0;
	v11 =	vmul.f32 v47, v10  }
0x18e: {  	v9 =	vld.idx.msk [tilespmem:v50+s14+$0x0], $0xffff;
	v10 =	vunpack.i.l.bf16.f32 v56;
	v50 =	vor.u32 $0xE, v33;
	v2 =	vadd.f32 v4, v2  }
0x18f: {  	v56 =	vor.u32 $0x81, v33;
	v0 =	vadd.f32 v12, v0;
	v12 =	vor.u32 $0xA, v33  }
0x190: {  	v47 =	vld [tilespmem:s19+$0x28C0];
	v60 =	vmul.f32 v59, v1;
	v1 =	vmul.f32 v7, v1;
	v2 =	vadd.f32 v3, v2  }
0x191: {  	v7 =	vunpack.i.l.bf16.f32 v62;
	v4 =	vmul.f32 v51, v5;
	v0 =	vadd.f32 v11, v0  }
0x192: {  	v59 =	vor.u32 $0x80, v33;
	v62 =	vor.u32 $0x82, v33;
	v3 =	vld.idx.msk [tilespmem:v57+s14+$0x0], $0xffff;
	v2 =	vadd.f32 v8, v2  }
0x193: {  	v5 =	vunpack.i.l.bf16.f32 v58;
	v51 =	vunpack.i.u.bf16.f32 v41;
	v57 =	vld [tilespmem:s19+$0x28E0];
	v0 =	vadd.f32 v4, v0  }
0x194: {  	v5 =	vmul.f32 v5, v9;
	v4 =	vmul.f32 v63, v6;
	v12 =	vld.idx.msk [tilespmem:v12+s14+$0x0], $0xffff;
	v2 =	vadd.f32 v60, v2  }
0x195: {  	v11 =	vld.idx.msk [tilespmem:v61+s14+$0x0], $0xffff;
	v58 =	vunpack.i.u.bf16.f32 v47;
	v6 =	vmul.f32 v10, v6;
	v0 =	vadd.f32 v1, v0  }
0x196: {  	v10 =	vunpack.i.l.bf16.f32 v41;
	v1 =	vmul.f32 v45, v9;
	v60 =	vld [tilespmem:s19+$0x28F0];
	v2 =	vadd.f32 v4, v2  }
0x197: {  	v8 =	vld.idx.msk [tilespmem:v36+s14+$0x0], $0xffff;
	v36 =	vor.u32 $0x83, v33;
	v9 =	vunpack.i.l.bf16.f32 v47;
	v0 =	vadd.f32 v6, v0  }
0x198: {  	v41 =	vld [tilespmem:s19+$0x3010];
	v47 =	vor.u32 $0x85, v33;
	v63 =	vunpack.i.u.bf16.f32 v57;
	v1 =	vadd.f32 v1, v2  }
0x199: {  	v4 =	vld.idx.msk [tilespmem:v46+s14+$0x0], $0xffff;
	v6 =	vmul.f32 v49, v12;
	v7 =	vmul.f32 v7, v12;
	v0 =	vadd.f32 v5, v0  }
0x19a: {  	v12 =	vld [tilespmem:s19+$0x28D0];
	v5 =	vmul.f32 v51, v3;
	v3 =	vmul.f32 v10, v3;
	v10 =	vunpack.i.l.bf16.f32 v57  }
0x19b: {  	v2 =	vld.idx.msk [tilespmem:v50+s14+$0x0], $0xffff;
	v51 =	vor.u32 $0x84, v33;
	v45 =	vunpack.i.u.bf16.f32 v60;
	v1 =	vadd.f32 v6, v1  }
0x19c: {  	v49 =	vld [tilespmem:s19+$0x3020];
	v0 =	vadd.f32 v7, v0;
	v7 =	vmul.f32 v58, v8;
	v8 =	vmul.f32 v9, v8  }
0x19d: {  	v6 =	vld.idx.msk [tilespmem:v56+s14+$0x0], $0xffff;
	v9 =	vunpack.i.l.bf16.f32 v60;
	v56 =	vunpack.i.u.bf16.f32 v41;
	v58 =	vor.u32 $0x87, v33  }
0x19e: {  	v46 =	vmul.f32 v45, v4;
	v4 =	vmul.f32 v9, v4;
	v1 =	vadd.f32 v5, v1  }
0x19f: {  	v0 =	vadd.f32 v3, v0;
	v5 =	vld.idx.msk [tilespmem:v59+s14+$0x0], $0xffff;
	v61 =	vunpack.i.u.bf16.f32 v12;
	v12 =	vunpack.i.l.bf16.f32 v12  }
0x1a0: {  	v1 =	vadd.f32 v7, v1;
	v3 =	vmul.f32 v61, v11;
	v11 =	vmul.f32 v12, v11;
	v12 =	vld [tilespmem:s19+$0x3000]  }
0x1a1: {  	v59 =	vld [tilespmem:s19+$0x3040];
	v60 =	vunpack.i.u.bf16.f32 v49;
	v9 =	vunpack.i.l.bf16.f32 v49;
	v0 =	vadd.f32 v8, v0  }
0x1a2: {  	v8 =	vmul.f32 v63, v2;
	v2 =	vmul.f32 v10, v2;
	v7 =	vld.idx.msk [tilespmem:v62+s14+$0x0], $0xffff;
	v1 =	vadd.f32 v3, v1  }
0x1a3: {  	v10 =	vunpack.i.l.bf16.f32 v41;
	v61 =	vor.u32 $0x86, v33;
	v62 =	vld [tilespmem:s19+$0x3050];
	v0 =	vadd.f32 v11, v0  }
0x1a4: {  	v41 =	vor.u32 $0x88, v33;
	v57 =	vmul.f32 v56, v6;
	v1 =	vadd.f32 v8, v1  }
0x1a5: {  	v3 =	vld.idx.msk [tilespmem:v36+s14+$0x0], $0xffff;
	v0 =	vadd.f32 v2, v0;
	v50 =	vunpack.i.u.bf16.f32 v12;
	v12 =	vunpack.i.l.bf16.f32 v12  }
0x1a6: {  	v1 =	vadd.f32 v46, v1;
	v2 =	vmul.f32 v50, v5;
	v5 =	vmul.f32 v12, v5;
	v12 =	vld [tilespmem:s19+$0x3030]  }
0x1a7: {  	v6 =	vmul.f32 v10, v6;
	v11 =	vld.idx.msk [tilespmem:v47+s14+$0x0], $0xffff;
	v45 =	vunpack.i.u.bf16.f32 v59;
	v0 =	vadd.f32 v4, v0  }
0x1a8: {  	v47 =	vld [tilespmem:s19+$0x3070];
	v10 =	vunpack.i.l.bf16.f32 v59;
	v49 =	vunpack.i.u.bf16.f32 v62;
	v1 =	vadd.f32 v2, v1  }
0x1a9: {  	v8 =	vld.idx.msk [tilespmem:v51+s14+$0x0], $0xffff;
	v46 =	vor.u32 $0x89, v33;
	v50 =	vor.u32 $0x8A, v33;
	v0 =	vadd.f32 v5, v0  }
0x1aa: {  	v5 =	vmul.f32 v60, v7;
	v7 =	vmul.f32 v9, v7;
	v1 =	vadd.f32 v57, v1  }
0x1ab: {  	v4 =	vld.idx.msk [tilespmem:v58+s14+$0x0], $0xffff;
	v0 =	vadd.f32 v6, v0;
	v63 =	vunpack.i.u.bf16.f32 v12;
	v12 =	vunpack.i.l.bf16.f32 v12  }
0x1ac: {  	v1 =	vadd.f32 v5, v1;
	v36 =	vmul.f32 v63, v3;
	v3 =	vmul.f32 v12, v3;
	v12 =	vld [tilespmem:s19+$0x3060]  }
0x1ad: {  	v58 =	vunpack.i.u.bf16.f32 v47;
	v2 =	vld.idx.msk [tilespmem:v61+s14+$0x0], $0xffff;
	v9 =	vunpack.i.l.bf16.f32 v62;
	v0 =	vadd.f32 v7, v0  }
0x1ae: {  	v60 =	vor.u32 $0x8C, v33;
	v7 =	vmul.f32 v45, v8;
	v1 =	vadd.f32 v36, v1  }
0x1af: {  	v51 =	vld [tilespmem:s19+$0x3080];
	v9 =	vmul.f32 v9, v11;
	v8 =	vmul.f32 v10, v8;
	v0 =	vadd.f32 v3, v0  }
0x1b0: {  	v57 =	vor.u32 $0x8B, v33;
	v3 =	vmul.f32 v49, v11;
	v1 =	vadd.f32 v7, v1  }
0x1b1: {  	v6 =	vld.idx.msk [tilespmem:v41+s14+$0x0], $0xffff;
	v0 =	vadd.f32 v8, v0;
	v56 =	vunpack.i.u.bf16.f32 v12;
	v12 =	vunpack.i.l.bf16.f32 v12  }
0x1b2: {  	v1 =	vadd.f32 v3, v1;
	v8 =	vmul.f32 v56, v2;
	v2 =	vmul.f32 v12, v2;
	v12 =	vld [tilespmem:s19+$0x3090]  }
0x1b3: {  	v59 =	vmul.f32 v58, v4;
	v5 =	vld.idx.msk [tilespmem:v46+s14+$0x0], $0xffff;
	v10 =	vunpack.i.l.bf16.f32 v47;
	v0 =	vadd.f32 v9, v0  }
0x1b4: {  	v61 =	vld [tilespmem:s19+$0x30A0];
	v63 =	vunpack.i.l.bf16.f32 v51;
	v4 =	vmul.f32 v10, v4;
	v1 =	vadd.f32 v8, v1  }
0x1b5: {  	v62 =	vld.idx.msk [tilespmem:v50+s14+$0x0], $0xffff;
	v11 =	vunpack.i.u.bf16.f32 v51;
	v36 =	vor.u32 $0x8D, v33;
	v0 =	vadd.f32 v2, v0  }
0x1b6: {  	v41 =	vld [tilespmem:s19+$0x30B0];
	v7 =	vmul.f32 v63, v6;
	v6 =	vmul.f32 v11, v6;
	v1 =	vadd.f32 v59, v1  }
0x1b7: {  	v13 =	vor.u32 $0x8E, v33;
	v3 =	vld.idx.msk [tilespmem:v57+s14+$0x0], $0xffff;
	v0 =	vadd.f32 v4, v0;
	v45 =	vunpack.i.u.bf16.f32 v12  }
0x1b8: {  	v46 =	vld [tilespmem:s19+$0x30C0];
	v12 =	vunpack.i.l.bf16.f32 v12;
	v1 =	vadd.f32 v6, v1;
	v4 =	vmul.f32 v45, v5  }
0x1b9: {  	v47 =	vunpack.i.u.bf16.f32 v61;
	v9 =	vld.idx.msk [tilespmem:v60+s14+$0x0], $0xffff;
	v5 =	vmul.f32 v12, v5;
	v0 =	vadd.f32 v7, v0  }
0x1ba: {  	v10 =	vunpack.i.l.bf16.f32 v61;
	v49 =	vld [tilespmem:s19+$0x30D0];
	v7 =	vmul.f32 v47, v62;
	v1 =	vadd.f32 v4, v1  }
0x1bb: {  	v50 =	vunpack.i.u.bf16.f32 v41;
	v2 =	vmul.f32 v10, v62;
	v8 =	vld.idx.msk [tilespmem:v36+s14+$0x0], $0xffff;
	v0 =	vadd.f32 v5, v0  }
0x1bc: {  	v51 =	vunpack.i.l.bf16.f32 v41;
	v56 =	vld [tilespmem:s19+$0x30E0];
	v5 =	vmul.f32 v50, v3;
	v1 =	vadd.f32 v7, v1  }
0x1bd: {  	v58 =	vunpack.i.u.bf16.f32 v46;
	v57 =	vld.idx.msk [tilespmem:v13+s14+$0x0], $0xffff;
	v3 =	vmul.f32 v51, v3;
	v0 =	vadd.f32 v2, v0  }
0x1be: {  	v59 =	vld [tilespmem:s19+$0x30F0];
	v6 =	vunpack.i.l.bf16.f32 v46;
	v2 =	vmul.f32 v58, v9;
	v1 =	vadd.f32 v5, v1  }
0x1bf: {  	v60 =	vld.idx.msk [tilespmem:v32+s14+$0x0], $0xffff;
	v61 =	vunpack.i.u.bf16.f32 v49;
	v6 =	vmul.f32 v6, v9;
	v0 =	vadd.f32 v3, v0  }
0x1c0: {  	v62 =	vld [tilespmem:s19+$0x3800];
	v4 =	vunpack.i.l.bf16.f32 v49;
	v3 =	vmul.f32 v61, v8;
	v1 =	vadd.f32 v2, v1  }
0x1c1: {  	v63 =	vld.idx.msk [tilespmem:v31+s14+$0x0], $0xffff;
	v11 =	vunpack.i.u.bf16.f32 v56;
	v4 =	vmul.f32 v4, v8;
	v0 =	vadd.f32 v6, v0  }
0x1c2: {  	v32 =	vld [tilespmem:s19+$0x3810];
	v7 =	vunpack.i.l.bf16.f32 v56;
	v6 =	vmul.f32 v11, v57;
	v1 =	vadd.f32 v3, v1  }
0x1c3: {  	v33 =	vld.idx.msk [tilespmem:v30+s14+$0x0], $0xffff;
	v36 =	vunpack.i.u.bf16.f32 v59;
	v7 =	vmul.f32 v7, v57;
	v0 =	vadd.f32 v4, v0  }
0x1c4: {  	v41 =	vld [tilespmem:s19+$0x3820];
	v5 =	vunpack.i.l.bf16.f32 v59;
	v4 =	vmul.f32 v36, v60;
	v1 =	vadd.f32 v6, v1  }
0x1c5: {  	v45 =	vld.idx.msk [tilespmem:v29+s14+$0x0], $0xffff;
	v46 =	vunpack.i.u.bf16.f32 v62;
	v5 =	vmul.f32 v5, v60;
	v0 =	vadd.f32 v7, v0  }
0x1c6: {  	v47 =	vld [tilespmem:s19+$0x3830];
	v49 =	vmul.f32 v46, v63;
	v2 =	vunpack.i.l.bf16.f32 v62;
	v1 =	vadd.f32 v4, v1  }
0x1c7: {  	v50 =	vld.idx.msk [tilespmem:v28+s14+$0x0], $0xffff;
	v51 =	vunpack.i.u.bf16.f32 v32;
	v2 =	vmul.f32 v2, v63;
	v0 =	vadd.f32 v5, v0  }
0x1c8: {  	v56 =	vld [tilespmem:s19+$0x3840];
	v57 =	vmul.f32 v51, v33;
	v3 =	vunpack.i.l.bf16.f32 v32;
	v1 =	vadd.f32 v49, v1  }
0x1c9: {  	v58 =	vld.idx.msk [tilespmem:v27+s14+$0x0], $0xffff;
	v59 =	vunpack.i.u.bf16.f32 v41;
	v3 =	vmul.f32 v3, v33;
	v0 =	vadd.f32 v2, v0  }
0x1ca: {  	v61 =	vld [tilespmem:s19+$0x3850];
	v60 =	vunpack.i.l.bf16.f32 v41;
	v2 =	vmul.f32 v59, v45;
	v1 =	vadd.f32 v57, v1  }
0x1cb: {  	v63 =	vld.idx.msk [tilespmem:v26+s14+$0x0], $0xffff;
	v32 =	vunpack.i.u.bf16.f32 v47;
	v62 =	vmul.f32 v60, v45;
	v0 =	vadd.f32 v3, v0  }
0x1cc: {  	v9 =	vunpack.i.l.bf16.f32 v47;
	v33 =	vld [tilespmem:s19+$0x3860];
	v36 =	vmul.f32 v32, v50;
	v1 =	vadd.f32 v2, v1  }
0x1cd: {  	v46 =	vunpack.i.u.bf16.f32 v56;
	v41 =	vmul.f32 v9, v50;
	v45 =	vld.idx.msk [tilespmem:v25+s14+$0x0], $0xffff;
	v0 =	vadd.f32 v62, v0  }
0x1ce: {  	v8 =	vunpack.i.l.bf16.f32 v56;
	v47 =	vld [tilespmem:s19+$0x3870];
	v49 =	vmul.f32 v46, v58;
	v1 =	vadd.f32 v36, v1  }
0x1cf: {  	v51 =	vld.idx.msk [tilespmem:v24+s14+$0x0], $0xffff;
	v50 =	vmul.f32 v8, v58;
	v56 =	vunpack.i.u.bf16.f32 v61;
	v0 =	vadd.f32 v41, v0  }
0x1d0: {  	v58 =	vld [tilespmem:s19+$0x3880];
	v59 =	vmul.f32 v56, v63;
	v57 =	vunpack.i.l.bf16.f32 v61;
	v1 =	vadd.f32 v49, v1  }
0x1d1: {  	v61 =	vld.idx.msk [tilespmem:v23+s14+$0x0], $0xffff;
	v60 =	vmul.f32 v57, v63;
	v62 =	vunpack.i.u.bf16.f32 v33;
	v0 =	vadd.f32 v50, v0  }
0x1d2: {  	v32 =	vld [tilespmem:s19+$0x3890];
	v63 =	vunpack.i.l.bf16.f32 v33;
	v33 =	vmul.f32 v62, v45;
	v1 =	vadd.f32 v59, v1  }
0x1d3: {  	v36 =	vmul.f32 v63, v45;
	v41 =	vld.idx.msk [tilespmem:v22+s14+$0x0], $0xffff;
	v45 =	vunpack.i.u.bf16.f32 v47;
	v0 =	vadd.f32 v60, v0  }
0x1d4: {  	v46 =	vunpack.i.l.bf16.f32 v47;
	v47 =	vld [tilespmem:s19+$0x38A0];
	v49 =	vmul.f32 v45, v51;
	v1 =	vadd.f32 v33, v1  }
0x1d5: {  	v56 =	vunpack.i.u.bf16.f32 v58;
	v50 =	vmul.f32 v46, v51;
	v51 =	vld.idx.msk [tilespmem:v21+s14+$0x0], $0xffff;
	v0 =	vadd.f32 v36, v0  }
0x1d6: {  	v57 =	vunpack.i.l.bf16.f32 v58;
	v58 =	vld [tilespmem:s19+$0x38B0];
	v59 =	vmul.f32 v56, v61;
	v1 =	vadd.f32 v49, v1  }
0x1d7: {  	v62 =	vunpack.i.u.bf16.f32 v32;
	v60 =	vmul.f32 v57, v61;
	v61 =	vld.idx.msk [tilespmem:v20+s14+$0x0], $0xffff;
	v0 =	vadd.f32 v50, v0  }
0x1d8: {  	v63 =	vunpack.i.l.bf16.f32 v32;
	v32 =	vld [tilespmem:s19+$0x38C0];
	v33 =	vmul.f32 v62, v41;
	v1 =	vadd.f32 v59, v1  }
0x1d9: {  	v45 =	vunpack.i.u.bf16.f32 v47;
	v36 =	vmul.f32 v63, v41;
	v41 =	vld.idx.msk [tilespmem:v19+s14+$0x0], $0xffff;
	v0 =	vadd.f32 v60, v0  }
0x1da: {  	v46 =	vunpack.i.l.bf16.f32 v47;
	v47 =	vld [tilespmem:s19+$0x38D0];
	v49 =	vmul.f32 v45, v51;
	v1 =	vadd.f32 v33, v1  }
0x1db: {  	v56 =	vunpack.i.u.bf16.f32 v58;
	v50 =	vmul.f32 v46, v51;
	v51 =	vld.idx.msk [tilespmem:v18+s14+$0x0], $0xffff;
	v0 =	vadd.f32 v36, v0  }
0x1dc: {  	v57 =	vunpack.i.l.bf16.f32 v58;
	v58 =	vld [tilespmem:s19+$0x38E0];
	v59 =	vmul.f32 v56, v61;
	v1 =	vadd.f32 v49, v1  }
0x1dd: {  	v62 =	vunpack.i.u.bf16.f32 v32;
	v60 =	vmul.f32 v57, v61;
	v61 =	vld.idx.msk [tilespmem:v55+s14+$0x0], $0xffff;
	v0 =	vadd.f32 v50, v0  }
0x1de: {  	v63 =	vunpack.i.l.bf16.f32 v32;
	v32 =	vld [tilespmem:s19+$0x38F0];
	v33 =	vmul.f32 v62, v41;
	v1 =	vadd.f32 v59, v1  }
0x1df: {  	v45 =	vunpack.i.u.bf16.f32 v47;
	v36 =	vmul.f32 v63, v41;
	v41 =	vld.idx.msk [tilespmem:v54+s14+$0x0], $0xffff;
	v0 =	vadd.f32 v60, v0  }
0x1e0: {  	v46 =	vunpack.i.l.bf16.f32 v47;
	v47 =	vld [tilespmem:s19+$0x4000];
	v49 =	vmul.f32 v45, v51;
	v1 =	vadd.f32 v33, v1  }
0x1e1: {  	v54 =	vunpack.i.u.bf16.f32 v58;
	v50 =	vmul.f32 v46, v51;
	v51 =	vld.idx.msk [tilespmem:v16+s14+$0x0], $0xffff;
	v0 =	vadd.f32 v36, v0  }
0x1e2: {  	v55 =	vunpack.i.l.bf16.f32 v58;
	v56 =	vld [tilespmem:s19+$0x4010];
	v57 =	vmul.f32 v54, v61;
	v1 =	vadd.f32 v49, v1  }
0x1e3: {  	v58 =	vmul.f32 v55, v61;
	v59 =	vld.idx.msk [tilespmem:v15+s14+$0x0], $0xffff;
	v60 =	vunpack.i.u.bf16.f32 v32;
	v0 =	vadd.f32 v50, v0  }
0x1e4: {  	v62 =	vld [tilespmem:s19+$0x4020];
	v61 =	vunpack.i.l.bf16.f32 v32;
	v63 =	vmul.f32 v60, v41;
	v1 =	vadd.f32 v57, v1  }
0x1e5: {  	v32 =	vmul.f32 v61, v41;
	v33 =	vld.idx.msk [tilespmem:v14+s14+$0x0], $0xffff;
	v36 =	vunpack.i.u.bf16.f32 v47;
	v0 =	vadd.f32 v58, v0  }
0x1e6: {  	v45 =	vld [tilespmem:s19+$0x4030];
	v41 =	vunpack.i.l.bf16.f32 v47;
	v46 =	vmul.f32 v36, v51;
	v1 =	vadd.f32 v63, v1  }
0x1e7: {  	v47 =	vmul.f32 v41, v51;
	v49 =	vld.idx.msk [tilespmem:v53+s14+$0x0], $0xffff;
	v50 =	vunpack.i.u.bf16.f32 v56;
	v0 =	vadd.f32 v32, v0  }
0x1e8: {  	v51 =	vunpack.i.l.bf16.f32 v56;
	v53 =	vld [tilespmem:s19+$0x4040];
	v54 =	vmul.f32 v50, v59;
	v1 =	vadd.f32 v46, v1  }
0x1e9: {  	v56 =	vld.idx.msk [tilespmem:v52+s14+$0x0], $0xffff;
	v55 =	vmul.f32 v51, v59;
	v57 =	vunpack.i.u.bf16.f32 v62;
	v0 =	vadd.f32 v47, v0  }
0x1ea: {  	v59 =	vld [tilespmem:s19+$0x4050];
	v58 =	vunpack.i.l.bf16.f32 v62;
	v60 =	vmul.f32 v57, v33;
	v1 =	vadd.f32 v54, v1  }
0x1eb: {  	v62 =	vld.idx.msk [tilespmem:v48+s14+$0x0], $0xffff;
	v61 =	vmul.f32 v58, v33;
	v63 =	vunpack.i.u.bf16.f32 v45;
	v0 =	vadd.f32 v55, v0  }
0x1ec: {  	v33 =	vld [tilespmem:s19+$0x4060];
	v32 =	vunpack.i.l.bf16.f32 v45;
	v36 =	vmul.f32 v63, v49;
	v1 =	vadd.f32 v60, v1  }
0x1ed: {  	v45 =	vld.idx.msk [tilespmem:v44+s14+$0x0], $0xffff;
	v41 =	vmul.f32 v32, v49;
	v46 =	vunpack.i.u.bf16.f32 v53;
	v0 =	vadd.f32 v61, v0  }
0x1ee: {  	v48 =	vld [tilespmem:s19+$0x4070];
	v47 =	vunpack.i.l.bf16.f32 v53;
	v49 =	vmul.f32 v46, v56;
	v1 =	vadd.f32 v36, v1  }
0x1ef: {  	v51 =	vld.idx.msk [tilespmem:v17+s14+$0x0], $0xffff;
	v52 =	vunpack.i.u.bf16.f32 v59;
	v50 =	vmul.f32 v47, v56;
	v0 =	vadd.f32 v41, v0  }
0x1f0: {  	v53 =	vunpack.i.l.bf16.f32 v59;
	v54 =	vld [tilespmem:s19+$0x4080];
	v55 =	vmul.f32 v52, v62;
	v1 =	vadd.f32 v49, v1  }
0x1f1: {  	v57 =	vld.idx.msk [tilespmem:v43+s14+$0x0], $0xffff;
	v56 =	vmul.f32 v53, v62;
	v58 =	vunpack.i.u.bf16.f32 v33;
	v0 =	vadd.f32 v50, v0  }
0x1f2: {  	v59 =	vunpack.i.l.bf16.f32 v33;
	v60 =	vld [tilespmem:s19+$0x4090];
	v61 =	vmul.f32 v58, v45;
	v1 =	vadd.f32 v55, v1  }
0x1f3: {  	v63 =	vld.idx.msk [tilespmem:v42+s14+$0x0], $0xffff;
	v32 =	vunpack.i.u.bf16.f32 v48;
	v62 =	vmul.f32 v59, v45;
	v0 =	vadd.f32 v56, v0  }
0x1f4: {  	v33 =	vunpack.i.l.bf16.f32 v48;
	v36 =	vld [tilespmem:s19+$0x40A0];
	v41 =	vmul.f32 v32, v51;
	v1 =	vadd.f32 v61, v1  }
0x1f5: {  	v43 =	vld.idx.msk [tilespmem:v40+s14+$0x0], $0xffff;
	v42 =	vmul.f32 v33, v51;
	v44 =	vunpack.i.u.bf16.f32 v54;
	v0 =	vadd.f32 v62, v0  }
0x1f6: {  	v46 =	vld [tilespmem:s19+$0x40B0];
	v45 =	vunpack.i.l.bf16.f32 v54;
	v47 =	vmul.f32 v44, v57;
	v1 =	vadd.f32 v41, v1  }
0x1f7: {  	v48 =	vmul.f32 v45, v57;
	v49 =	vld.idx.msk [tilespmem:v39+s14+$0x0], $0xffff;
	v50 =	vunpack.i.u.bf16.f32 v60;
	v0 =	vadd.f32 v42, v0  }
0x1f8: {  	v52 =	vld [tilespmem:s19+$0x40C0];
	v51 =	vunpack.i.l.bf16.f32 v60;
	v53 =	vmul.f32 v50, v63;
	v1 =	vadd.f32 v47, v1  }
0x1f9: {  	v54 =	vmul.f32 v51, v63;
	v55 =	vld.idx.msk [tilespmem:v38+s14+$0x0], $0xffff;
	v56 =	vunpack.i.u.bf16.f32 v36;
	v0 =	vadd.f32 v48, v0  }
0x1fa: {  	v58 =	vld [tilespmem:s19+$0x40D0];
	v57 =	vunpack.i.l.bf16.f32 v36;
	v59 =	vmul.f32 v56, v43;
	v1 =	vadd.f32 v53, v1  }
0x1fb: {  	v60 =	vmul.f32 v57, v43;
	v61 =	vld.idx.msk [tilespmem:v37+s14+$0x0], $0xffff;
	v62 =	vunpack.i.u.bf16.f32 v46;
	v0 =	vadd.f32 v54, v0  }
0x1fc: {  	v32 =	vld [tilespmem:s19+$0x40E0];
	v63 =	vunpack.i.l.bf16.f32 v46;
	v33 =	vmul.f32 v62, v49;
	v1 =	vadd.f32 v59, v1  }
0x1fd: {  	v38 =	vunpack.i.u.bf16.f32 v52;
	v37 =	vld.idx.msk [tilespmem:v35+s14+$0x0], $0xffff;
	v36 =	vmul.f32 v63, v49;
	v0 =	vadd.f32 v60, v0  }
0x1fe: {  	v40 =	vld [tilespmem:s19+$0x40F0];
	v39 =	vunpack.i.l.bf16.f32 v52;
	v41 =	vmul.f32 v38, v55;
	v1 =	vadd.f32 v33, v1  }
0x1ff: {  	v44 =	vunpack.i.u.bf16.f32 v58;
	v43 =	vld.idx.msk [tilespmem:v34+s14+$0x0], $0xffff;
	v42 =	vmul.f32 v39, v55;
	v0 =	vadd.f32 v36, v0  }
0x200: {  	v45 =	vunpack.i.l.bf16.f32 v58;
	v46 =	vmul.f32 v44, v61;
	v1 =	vadd.f32 v41, v1  }
0x201: {  	v48 =	vunpack.i.u.bf16.f32 v32;
	v47 =	vmul.f32 v45, v61;
	v0 =	vadd.f32 v42, v0  }
0x202: {  	v49 =	vunpack.i.l.bf16.f32 v32;
	v50 =	vmul.f32 v48, v37;
	v1 =	vadd.f32 v46, v1  }
0x203: {  	v52 =	vunpack.i.u.bf16.f32 v40;
	v51 =	vmul.f32 v49, v37;
	v0 =	vadd.f32 v47, v0  }
0x204: {  	v53 =	vunpack.i.l.bf16.f32 v40;
	v54 =	vmul.f32 v52, v43;
	v1 =	vadd.f32 v50, v1  }
0x205: {  	v55 =	vmul.f32 v53, v43;
	v0 =	vadd.f32 v51, v0  }
0x206: {  	s8 =	sadd.s32 @p0 s7, s31;
	v1 =	vadd.f32 v54, v1  }
0x207: {  	s1 =	sadd.s32 $0x20, s1;
	s8 =	smul.u32 @p0 $0xA0, s8;
	v0 =	vadd.f32 v55, v0  }
0x208: {  	[tilespmem:s1+$0x0] =	vst v1  }
0x209: {  	s9 =	simm.s32 @p0 $0x16800;
	[tilespmem:s1+$0xFFFFFFF0] =	vst v0;
	s1 =	sadd.s32 @p0 s2, s8;
	s8 =	simm.s32 @p0 $0x0  }
0x20a: {  	[hbm4b:s1+s8] =	stream.linear.scatter @p0 [tilespmem:s9], [sflag:$0x7], $0x500, $0x38;
	[tilespmem:$0x17200] =	vst v63  }
0x20b: {  	s0 =	sadd.s32 @!p0 s6, s0;
	s1 =	sadd.s32 @!p0 s7, s31  }
0x20c: {  	s8 =	simm.s32 @!p0 $0x0;
	s9 =	simm.s32 @!p0 $0x1400;
	s1 =	smul.u32 @!p0 $0xA0, s1  }
0x20d: {  	[tilespmem:s9], [sflag:$0x3] =	stream.linear.gather @!p0 [hbm4b:s0+s8], $0xA00, $0x38;
	[tilespmem:$0x17200] =	vst v63  }
0x20e: {  	s0 =	sadd.s32 @!p0 s2, s1;
	s1 =	simm.s32 @!p0 $0x16800  }
0x20f: {  	[hbm4b:s0+s8] =	stream.linear.scatter @!p0 [tilespmem:s1], [sflag:$0x7], $0x500, $0x38;
	[tilespmem:$0x17200] =	vst v63  }
0x210: {  	s0 =	simm.s32 @!p0 $0x1  }
0x211: {  	_ =	swait.ge @!p0 [sflag:s0], $0xA00  }
0x212: {  	[sflag:s0] =	ssyncset.done @!p0 $0x0  }
0x213: {  	[sflag:s0] =	ssyncadd.s32 @!p0 $0xFFFFF600;
	s0 =	simm.s32 @!p0 $0x3  }
0x214: {  	_ =	swait.ge @!p0 [sflag:s0], $0xA00  }
0x215: {  	[sflag:s0] =	ssyncset.done @!p0 $0x0  }
0x216: {  	s1 =	simm.s32 @!p0 $0xA00;
	[sflag:s0] =	ssyncadd.s32 @!p0 $0xFFFFF600;
	s0 =	simm.s32 @!p0 $0x2800  }
0x217: {  	[tilespmem:s0], [sflag:$0x5] =	stream.indirect.gather @!p0 [hbm4b:s4+s1], $0x10, s8, s1, $0xb8;
	[tilespmem:$0x17200] =	vst v63  }
0x218: {  	s0 =	sadd.s32 $0x3, s31  }
0x219: {  	s0 =	sadd.s32 @!p0 s7, s0  }
0x21a: {  	s19 =	simm.s32 $0x0;
	_ =	swait.ge [sflag:s24], $0xA000;
	s0 =	smul.u32 @!p0 $0x140, s0  }
0x21b: {  	s10 =	sand.u32 $0xE00, s19;
	s9 =	sand.u32 $0x70, s19;
	[sflag:s24] =	ssyncset.done $0x0  }
0x21c: {  	s9 =	sor.u32 s9, s10;
	[sflag:s24] =	ssyncadd.s32 $0xFFFF6000;
	s10 =	sadd.s32 @!p0 s5, s0  }
0x21d: {  	v17 =	vmov s9;
	[tilespmem:s1], [sflag:$0x2] =	stream.linear.gather @!p0 [hbm4b:s10+s8], $0xA00, $0x38;
	[tilespmem:$0x17200] =	vst v63  }
0x21e: {  	s1 =	simm.s32 @!p1 $0x8  }
0x21f: {  	v13 =	vor.u32 $0x2, v17;
	_ =	swait.ge @!p1 [sflag:s1], $0x500  }
0x220: {  	[sflag:s1] =	ssyncset.done @!p1 $0x0  }
0x221: {  	[sflag:s1] =	ssyncadd.s32 @!p1 $0xFFFFFB00  }
0x222: {  	s9 =	sshll.u32 s9, $0x4;
	v0 =	vor.u32 $0x18F, v17;
	v1 =	vor.u32 $0x18E, v17;
	v26 =	vld.idx.msk [tilespmem:v17+s16+$0x0], $0xffff  }
0x223: {  	v2 =	vor.u32 $0x18D, v17;
	v3 =	vor.u32 $0x18C, v17;
	v22 =	vor.u32 $0x1, v17;
	v27 =	vld [tilespmem:s9+$0xC820]  }
0x224: {  	v4 =	vor.u32 $0x18B, v17;
	v5 =	vor.u32 $0x18A, v17;
	v25 =	vor.u32 $0x3, v17;
	v28 =	vld.idx.msk [tilespmem:v13+s16+$0x0], $0xffff  }
0x225: {  	v6 =	vor.u32 $0x189, v17;
	v7 =	vor.u32 $0x188, v17;
	v9 =	vor.u32 $0x186, v17;
	v29 =	vld [tilespmem:s9+$0xC800]  }
0x226: {  	v8 =	vor.u32 $0x187, v17;
	v10 =	vor.u32 $0x185, v17;
	v58 =	vor.u32 $0x5, v17;
	v30 =	vld [tilespmem:s9+$0xC830]  }
0x227: {  	v12 =	vor.u32 $0x183, v17;
	v11 =	vor.u32 $0x184, v17;
	v57 =	vor.u32 $0x4, v17;
	v31 =	vld [tilespmem:s9+$0xC810]  }
0x228: {  	v14 =	vor.u32 $0x181, v17;
	v18 =	vor.u32 $0x10E, v17;
	v16 =	vor.u32 $0x10F, v17;
	v56 =	vld.idx.msk [tilespmem:v22+s16+$0x0], $0xffff  }
0x229: {  	v15 =	vor.u32 $0x180, v17;
	v19 =	vor.u32 $0x10C, v17;
	v59 =	vor.u32 $0x6, v17;
	v60 =	vld.idx.msk [tilespmem:v25+s16+$0x0], $0xffff  }
0x22a: {  	v21 =	vor.u32 $0x109, v17;
	v20 =	vor.u32 $0x10A, v17;
	v23 =	vor.u32 $0x104, v17;
	v63 =	vld [tilespmem:s9+$0xC840]  }
0x22b: {  	v24 =	vor.u32 $0x8D, v17;
	v46 =	vor.u32 $0x7, v17;
	v34 =	vld.idx.msk [tilespmem:v58+s16+$0x0], $0xffff;
	v58 =	vor.u32 $0xA, v17  }
0x22c: {  	v40 =	vor.u32 $0x84, v17;
	v50 =	vor.u32 $0x8, v17;
	v54 =	vor.u32 $0x9, v17;
	v33 =	vld.idx.msk [tilespmem:v57+s16+$0x0], $0xffff  }
0x22d: {  	v44 =	vor.u32 $0x82, v17;
	v13 =	vor.u32 $0x182, v17;
	v22 =	vor.u32 $0x107, v17;
	v47 =	vld [tilespmem:s9+$0xC850]  }
0x22e: {  	v25 =	vor.u32 $0x8B, v17;
	v35 =	vld.idx.msk [tilespmem:v59+s16+$0x0], $0xffff;
	v59 =	vor.u32 $0xB, v17;
	v61 =	vunpack.i.l.bf16.f32 v27  }
0x22f: {  	v53 =	vld [tilespmem:s9+$0xC870];
	v62 =	vunpack.i.u.bf16.f32 v29;
	v29 =	vunpack.i.l.bf16.f32 v29;
	v45 =	vunpack.i.l.bf16.f32 v30  }
0x230: {  	v27 =	vunpack.i.u.bf16.f32 v27;
	v49 =	vunpack.i.l.bf16.f32 v63;
	v30 =	vunpack.i.u.bf16.f32 v30;
	v41 =	vld.idx.msk [tilespmem:v58+s16+$0x0], $0xffff  }
0x231: {  	v51 =	vunpack.i.u.bf16.f32 v63;
	v63 =	vld [tilespmem:s9+$0xC8B0];
	v37 =	vmul.f32 v61, v28;
	v27 =	vmul.f32 v27, v28  }
0x232: {  	v52 =	vunpack.i.l.bf16.f32 v47;
	v28 =	vmul.f32 v45, v60;
	v30 =	vmul.f32 v30, v60;
	v60 =	vld [tilespmem:s9+$0xC890]  }
0x233: {  	v38 =	vmul.f32 v62, v26;
	v26 =	vmul.f32 v29, v26;
	v29 =	vunpack.i.u.bf16.f32 v31;
	v62 =	vld [tilespmem:s9+$0xC8A0]  }
0x234: {  	v31 =	vunpack.i.l.bf16.f32 v31;
	v55 =	vmul.f32 v52, v34;
	v52 =	vld [tilespmem:s9+$0xC8E0];
	v29 =	vmul.f32 v29, v56  }
0x235: {  	v31 =	vmul.f32 v31, v56;
	v56 =	vld.idx.msk [tilespmem:v46+s16+$0x0], $0xffff;
	v38 =	vadd.f32 $0.0e+00, v38;
	v48 =	vadd.f32 $0.0e+00, v26  }
0x236: {  	v61 =	vunpack.i.l.bf16.f32 v53;
	v45 =	vor.u32 $0xE, v17;
	v26 =	vor.u32 $0x85, v17  }
0x237: {  	v46 =	vld [tilespmem:s9+$0xC8C0];
	v29 =	vadd.f32 v29, v38;
	v31 =	vadd.f32 v31, v48;
	v38 =	vmul.f32 v49, v33  }
0x238: {  	v48 =	vld [tilespmem:s9+$0xC8D0];
	v49 =	vunpack.i.u.bf16.f32 v63;
	v43 =	vunpack.i.l.bf16.f32 v60;
	v39 =	vunpack.i.l.bf16.f32 v62  }
0x239: {  	v58 =	vunpack.i.u.bf16.f32 v52;
	v27 =	vadd.f32 v27, v29;
	v29 =	vld [tilespmem:s9+$0xC860];
	v31 =	vadd.f32 v37, v31  }
0x23a: {  	v37 =	vld.idx.msk [tilespmem:v54+s16+$0x0], $0xffff;
	v32 =	vmul.f32 v61, v56;
	v39 =	vmul.f32 v39, v41;
	v54 =	vor.u32 $0x81, v17  }
0x23b: {  	v57 =	vld [tilespmem:s9+$0xC880];
	v27 =	vadd.f32 v30, v27;
	v30 =	vmul.f32 v51, v33;
	v28 =	vadd.f32 v28, v31  }
0x23c: {  	v31 =	vunpack.i.u.bf16.f32 v47;
	v33 =	vunpack.i.u.bf16.f32 v53;
	v47 =	vunpack.i.u.bf16.f32 v62  }
0x23d: {  	v36 =	vld.idx.msk [tilespmem:v50+s16+$0x0], $0xffff;
	v51 =	vor.u32 $0x80, v17;
	v53 =	vunpack.i.l.bf16.f32 v46;
	v33 =	vmul.f32 v33, v56  }
0x23e: {  	v56 =	vunpack.i.l.bf16.f32 v48;
	v27 =	vadd.f32 v30, v27;
	v30 =	vmul.f32 v31, v34  }
0x23f: {  	v28 =	vadd.f32 v38, v28;
	v31 =	vunpack.i.l.bf16.f32 v29;
	v29 =	vunpack.i.u.bf16.f32 v29  }
0x240: {  	v34 =	vunpack.i.l.bf16.f32 v57;
	v38 =	vld.idx.msk [tilespmem:v59+s16+$0x0], $0xffff;
	v27 =	vadd.f32 v30, v27;
	v29 =	vmul.f32 v29, v35  }
0x241: {  	v30 =	vor.u32 $0xD, v17;
	v31 =	vmul.f32 v31, v35;
	v28 =	vadd.f32 v55, v28  }
0x242: {  	v34 =	vmul.f32 v34, v36;
	v35 =	vunpack.i.u.bf16.f32 v60;
	v27 =	vadd.f32 v29, v27  }
0x243: {  	v55 =	vld [tilespmem:s9+$0xC8F0];
	v29 =	vor.u32 $0xC, v17;
	v28 =	vadd.f32 v31, v28;
	v31 =	vunpack.i.u.bf16.f32 v57  }
0x244: {  	v60 =	vld [tilespmem:s9+$0xD020];
	v57 =	vor.u32 $0x83, v17;
	v31 =	vmul.f32 v31, v36;
	v27 =	vadd.f32 v33, v27  }
0x245: {  	v36 =	vmul.f32 v43, v37;
	v50 =	vmul.f32 v49, v38;
	v28 =	vadd.f32 v32, v28;
	v32 =	vld.idx.msk [tilespmem:v44+s16+$0x0], $0xffff  }
0x246: {  	v49 =	vor.u32 $0x89, v17;
	v30 =	vld.idx.msk [tilespmem:v30+s16+$0x0], $0xffff;
	v27 =	vadd.f32 v31, v27;
	v31 =	vmul.f32 v35, v37  }
0x247: {  	v33 =	vunpack.i.l.bf16.f32 v63;
	v63 =	vor.u32 $0x88, v17;
	v28 =	vadd.f32 v34, v28;
	v35 =	vld.idx.msk [tilespmem:v45+s16+$0x0], $0xffff  }
0x248: {  	v44 =	vor.u32 $0x86, v17;
	v34 =	vmul.f32 v47, v41;
	v29 =	vld.idx.msk [tilespmem:v29+s16+$0x0], $0xffff;
	v27 =	vadd.f32 v31, v27  }
0x249: {  	v37 =	vunpack.i.u.bf16.f32 v46;
	v46 =	vld [tilespmem:s9+$0xD040];
	v31 =	vor.u32 $0xF, v17;
	v28 =	vadd.f32 v36, v28  }
0x24a: {  	v33 =	vmul.f32 v33, v38;
	v38 =	vunpack.i.l.bf16.f32 v52;
	v36 =	vld.idx.msk [tilespmem:v51+s16+$0x0], $0xffff;
	v27 =	vadd.f32 v34, v27  }
0x24b: {  	v59 =	vunpack.i.l.bf16.f32 v55;
	v41 =	vunpack.i.u.bf16.f32 v48;
	v51 =	vld [tilespmem:s9+$0xD070];
	v28 =	vadd.f32 v39, v28  }
0x24c: {  	v48 =	vunpack.i.u.bf16.f32 v60;
	v34 =	vld.idx.msk [tilespmem:v54+s16+$0x0], $0xffff;
	v54 =	vor.u32 $0x8C, v17;
	v27 =	vadd.f32 v50, v27  }
0x24d: {  	v39 =	vmul.f32 v53, v29;
	v29 =	vmul.f32 v37, v29;
	v28 =	vadd.f32 v33, v28;
	v50 =	vld [tilespmem:s9+$0xD060]  }
0x24e: {  	v52 =	vunpack.i.l.bf16.f32 v46;
	v33 =	vmul.f32 v56, v30;
	v30 =	vmul.f32 v41, v30;
	v31 =	vld.idx.msk [tilespmem:v31+s16+$0x0], $0xffff  }
0x24f: {  	v62 =	vld [tilespmem:s9+$0xD030];
	v37 =	vunpack.i.u.bf16.f32 v55;
	v27 =	vadd.f32 v29, v27;
	v28 =	vadd.f32 v39, v28  }
0x250: {  	v41 =	vunpack.i.u.bf16.f32 v46;
	v46 =	vor.u32 $0x100, v17;
	v29 =	vld [tilespmem:s9+$0xD000];
	v39 =	vmul.f32 v58, v35  }
0x251: {  	v45 =	vld.idx.msk [tilespmem:v57+s16+$0x0], $0xffff;
	v35 =	vmul.f32 v38, v35;
	v27 =	vadd.f32 v30, v27;
	v28 =	vadd.f32 v33, v28  }
0x252: {  	v30 =	vld [tilespmem:s9+$0xD010];
	v33 =	vunpack.i.l.bf16.f32 v60;
	v60 =	vunpack.i.u.bf16.f32 v51;
	v56 =	vunpack.i.l.bf16.f32 v50  }
0x253: {  	v27 =	vadd.f32 v39, v27;
	v37 =	vmul.f32 v37, v31;
	v31 =	vmul.f32 v59, v31  }
0x254: {  	v53 =	vld [tilespmem:s9+$0xD080];
	v28 =	vadd.f32 v35, v28;
	v39 =	vunpack.i.u.bf16.f32 v62;
	v59 =	vunpack.i.l.bf16.f32 v51  }
0x255: {  	v47 =	vld [tilespmem:s9+$0xD050];
	v51 =	vor.u32 $0x103, v17;
	v61 =	vunpack.i.l.bf16.f32 v29;
	v29 =	vunpack.i.u.bf16.f32 v29  }
0x256: {  	v40 =	vld.idx.msk [tilespmem:v40+s16+$0x0], $0xffff;
	v38 =	vmul.f32 v39, v45;
	v27 =	vadd.f32 v37, v27;
	v29 =	vmul.f32 v29, v36  }
0x257: {  	v57 =	vld [tilespmem:s9+$0xD0A0];
	v36 =	vmul.f32 v61, v36;
	v28 =	vadd.f32 v31, v28;
	v31 =	vunpack.i.u.bf16.f32 v30  }
0x258: {  	v37 =	vld.idx.msk [tilespmem:v44+s16+$0x0], $0xffff;
	v30 =	vunpack.i.l.bf16.f32 v30;
	v27 =	vadd.f32 v29, v27;
	v31 =	vmul.f32 v31, v34  }
0x259: {  	v61 =	vld [tilespmem:s9+$0xD0B0];
	v44 =	vunpack.i.u.bf16.f32 v53;
	v30 =	vmul.f32 v30, v34;
	v28 =	vadd.f32 v36, v28  }
0x25a: {  	v35 =	vld.idx.msk [tilespmem:v63+s16+$0x0], $0xffff;
	v29 =	vor.u32 $0x87, v17;
	v34 =	vunpack.i.l.bf16.f32 v47;
	v27 =	vadd.f32 v31, v27  }
0x25b: {  	v63 =	vld [tilespmem:s9+$0xD0C0];
	v31 =	vmul.f32 v48, v32;
	v32 =	vmul.f32 v33, v32;
	v28 =	vadd.f32 v30, v28  }
0x25c: {  	v30 =	vunpack.i.l.bf16.f32 v62;
	v33 =	vunpack.i.u.bf16.f32 v50;
	v62 =	vor.u32 $0x8E, v17  }
0x25d: {  	v26 =	vld.idx.msk [tilespmem:v26+s16+$0x0], $0xffff;
	v48 =	vunpack.i.l.bf16.f32 v57;
	v30 =	vmul.f32 v30, v45;
	v58 =	vmul.f32 v56, v37  }
0x25e: {  	v55 =	vld [tilespmem:s9+$0xD090];
	v50 =	vunpack.i.l.bf16.f32 v61;
	v39 =	vunpack.i.u.bf16.f32 v61;
	v56 =	vor.u32 $0x105, v17  }
0x25f: {  	v45 =	vld [tilespmem:s9+$0xD0D0];
	v27 =	vadd.f32 v31, v27;
	v31 =	vor.u32 $0x8A, v17;
	v28 =	vadd.f32 v32, v28  }
0x260: {  	v32 =	vmul.f32 v52, v40;
	v40 =	vmul.f32 v41, v40;
	v41 =	vld.idx.msk [tilespmem:v54+s16+$0x0], $0xffff;
	v52 =	vunpack.i.u.bf16.f32 v63  }
0x261: {  	v29 =	vld.idx.msk [tilespmem:v29+s16+$0x0], $0xffff;
	v27 =	vadd.f32 v38, v27;
	v28 =	vadd.f32 v30, v28;
	v30 =	vunpack.i.u.bf16.f32 v47  }
0x262: {  	v36 =	vld.idx.msk [tilespmem:v49+s16+$0x0], $0xffff;
	v38 =	vunpack.i.l.bf16.f32 v53;
	v30 =	vmul.f32 v30, v26;
	v26 =	vmul.f32 v34, v26  }
0x263: {  	v49 =	vld [tilespmem:s9+$0xD0F0];
	v34 =	vunpack.i.l.bf16.f32 v63;
	v27 =	vadd.f32 v40, v27;
	v28 =	vadd.f32 v32, v28  }
0x264: {  	v47 =	vld [tilespmem:s9+$0xD0E0];
	v40 =	vunpack.i.l.bf16.f32 v55;
	v32 =	vunpack.i.u.bf16.f32 v57;
	v53 =	vunpack.i.l.bf16.f32 v45  }
0x265: {  	v24 =	vld.idx.msk [tilespmem:v24+s16+$0x0], $0xffff;
	v34 =	vmul.f32 v34, v41;
	v27 =	vadd.f32 v30, v27;
	v30 =	vmul.f32 v33, v37  }
0x266: {  	v25 =	vld.idx.msk [tilespmem:v25+s16+$0x0], $0xffff;
	v26 =	vadd.f32 v26, v28;
	v28 =	vmul.f32 v60, v29;
	v29 =	vmul.f32 v59, v29  }
0x267: {  	v54 =	vld [tilespmem:s9+$0xD820];
	v33 =	vmul.f32 v44, v35;
	v35 =	vmul.f32 v38, v35;
	v38 =	vunpack.i.u.bf16.f32 v45  }
0x268: {  	v31 =	vld.idx.msk [tilespmem:v31+s16+$0x0], $0xffff;
	v59 =	vor.u32 $0x106, v17;
	v60 =	vunpack.i.l.bf16.f32 v49;
	v27 =	vadd.f32 v30, v27  }
0x269: {  	v37 =	vld.idx.msk [tilespmem:v62+s16+$0x0], $0xffff;
	v44 =	vor.u32 $0x108, v17;
	v57 =	vunpack.i.l.bf16.f32 v47;
	v26 =	vadd.f32 v58, v26  }
0x26a: {  	v62 =	vld [tilespmem:s9+$0xD850];
	v30 =	vor.u32 $0x102, v17;
	v27 =	vadd.f32 v28, v27;
	v28 =	vor.u32 $0x8F, v17  }
0x26b: {  	v45 =	vld [tilespmem:s9+$0xD860];
	v26 =	vadd.f32 v29, v26;
	v29 =	vunpack.i.u.bf16.f32 v55;
	v55 =	vmul.f32 v38, v24  }
0x26c: {  	v58 =	vld [tilespmem:s9+$0xD830];
	v24 =	vmul.f32 v53, v24;
	v29 =	vmul.f32 v29, v36;
	v27 =	vadd.f32 v33, v27  }
0x26d: {  	v38 =	vld.idx.msk [tilespmem:v56+s16+$0x0], $0xffff;
	v36 =	vmul.f32 v40, v36;
	v40 =	vunpack.i.u.bf16.f32 v47;
	v26 =	vadd.f32 v35, v26  }
0x26e: {  	v53 =	vld [tilespmem:s9+$0xD8D0];
	v35 =	vmul.f32 v48, v31;
	v31 =	vmul.f32 v32, v31;
	v27 =	vadd.f32 v29, v27  }
0x26f: {  	v47 =	vor.u32 $0x10B, v17;
	v33 =	vld.idx.msk [tilespmem:v46+s16+$0x0], $0xffff;
	v32 =	vunpack.i.u.bf16.f32 v49;
	v26 =	vadd.f32 v36, v26  }
0x270: {  	v36 =	vmul.f32 v50, v25;
	v25 =	vmul.f32 v39, v25;
	v28 =	vld.idx.msk [tilespmem:v28+s16+$0x0], $0xffff;
	v27 =	vadd.f32 v31, v27  }
0x271: {  	v49 =	vunpack.i.l.bf16.f32 v45;
	v29 =	vor.u32 $0x101, v17;
	v39 =	vld.idx.msk [tilespmem:v51+s16+$0x0], $0xffff;
	v26 =	vadd.f32 v35, v26  }
0x272: {  	v17 =	vor.u32 $0x10D, v17;
	v31 =	vld [tilespmem:s9+$0xD800];
	v35 =	vmul.f32 v52, v41;
	v25 =	vadd.f32 v25, v27  }
0x273: {  	v51 =	vld [tilespmem:s9+$0xD8C0];
	v56 =	vunpack.i.l.bf16.f32 v53;
	v41 =	vmul.f32 v57, v37;
	v26 =	vadd.f32 v36, v26  }
0x274: {  	v37 =	vmul.f32 v40, v37;
	v40 =	vunpack.i.u.bf16.f32 v62;
	v27 =	vld [tilespmem:s9+$0xD810];
	v25 =	vadd.f32 v35, v25  }
0x275: {  	v36 =	vunpack.i.u.bf16.f32 v54;
	v26 =	vadd.f32 v34, v26;
	v32 =	vmul.f32 v32, v28  }
0x276: {  	v29 =	vld.idx.msk [tilespmem:v29+s16+$0x0], $0xffff;
	v28 =	vmul.f32 v60, v28;
	v34 =	vunpack.i.u.bf16.f32 v58;
	v25 =	vadd.f32 v55, v25  }
0x277: {  	v61 =	vunpack.i.l.bf16.f32 v31;
	v31 =	vunpack.i.u.bf16.f32 v31;
	v24 =	vadd.f32 v24, v26  }
0x278: {  	v17 =	vld.idx.msk [tilespmem:v17+s16+$0x0], $0xffff;
	v34 =	vmul.f32 v34, v39;
	v31 =	vmul.f32 v31, v33;
	v25 =	vadd.f32 v37, v25  }
0x279: {  	v30 =	vld.idx.msk [tilespmem:v30+s16+$0x0], $0xffff;
	v55 =	vunpack.i.l.bf16.f32 v51;
	v63 =	vunpack.i.l.bf16.f32 v27;
	v24 =	vadd.f32 v41, v24  }
0x27a: {  	v48 =	vld [tilespmem:s9+$0xD890];
	v27 =	vunpack.i.u.bf16.f32 v27;
	v37 =	vmul.f32 v61, v33;
	v25 =	vadd.f32 v32, v25  }
0x27b: {  	v26 =	vld [tilespmem:s9+$0xD840];
	v41 =	vmul.f32 v63, v29;
	v27 =	vmul.f32 v27, v29;
	v24 =	vadd.f32 v28, v24  }
0x27c: {  	v23 =	vld.idx.msk [tilespmem:v23+s16+$0x0], $0xffff;
	v29 =	vunpack.i.l.bf16.f32 v58;
	v33 =	vunpack.i.u.bf16.f32 v45;
	v25 =	vadd.f32 v31, v25  }
0x27d: {  	v35 =	vld.idx.msk [tilespmem:v59+s16+$0x0], $0xffff;
	v57 =	vmul.f32 v56, v17;
	v28 =	vunpack.i.l.bf16.f32 v54;
	v24 =	vadd.f32 v37, v24  }
0x27e: {  	v28 =	vmul.f32 v28, v30;
	v30 =	vmul.f32 v36, v30;
	v36 =	vld.idx.msk [tilespmem:v47+s16+$0x0], $0xffff;
	v25 =	vadd.f32 v27, v25  }
0x27f: {  	v58 =	vunpack.i.u.bf16.f32 v48;
	v29 =	vmul.f32 v29, v39;
	v47 =	vld [tilespmem:s9+$0xE0F0];
	v24 =	vadd.f32 v41, v24  }
0x280: {  	v46 =	vunpack.i.l.bf16.f32 v26;
	v26 =	vunpack.i.u.bf16.f32 v26;
	v31 =	vld [tilespmem:s9+$0xD870];
	v25 =	vadd.f32 v30, v25  }
0x281: {  	v37 =	vmul.f32 v46, v23;
	v23 =	vmul.f32 v26, v23;
	v26 =	vld [tilespmem:s9+$0xD8B0];
	v24 =	vadd.f32 v28, v24  }
0x282: {  	v22 =	vld.idx.msk [tilespmem:v22+s16+$0x0], $0xffff;
	v39 =	vmul.f32 v49, v35;
	v33 =	vmul.f32 v33, v35;
	v25 =	vadd.f32 v34, v25  }
0x283: {  	v32 =	vld.idx.msk [tilespmem:v44+s16+$0x0], $0xffff;
	v30 =	vunpack.i.l.bf16.f32 v62;
	v62 =	vunpack.i.u.bf16.f32 v53;
	v24 =	vadd.f32 v29, v24  }
0x284: {  	v27 =	vld [tilespmem:s9+$0xD880];
	v30 =	vmul.f32 v30, v38;
	v38 =	vmul.f32 v40, v38;
	v23 =	vadd.f32 v23, v25  }
0x285: {  	v44 =	vld [tilespmem:s9+$0xE0E0];
	v56 =	vunpack.i.l.bf16.f32 v47;
	v50 =	vunpack.i.l.bf16.f32 v31;
	v24 =	vadd.f32 v37, v24  }
0x286: {  	v54 =	vunpack.i.l.bf16.f32 v26;
	v31 =	vunpack.i.u.bf16.f32 v31;
	v23 =	vadd.f32 v38, v23  }
0x287: {  	v21 =	vld.idx.msk [tilespmem:v21+s16+$0x0], $0xffff;
	v17 =	vmul.f32 v62, v17;
	v34 =	vmul.f32 v50, v22;
	v24 =	vadd.f32 v30, v24  }
0x288: {  	v28 =	vld [tilespmem:s9+$0xD8A0];
	v35 =	vmul.f32 v54, v36;
	v22 =	vmul.f32 v31, v22;
	v23 =	vadd.f32 v33, v23  }
0x289: {  	v20 =	vld.idx.msk [tilespmem:v20+s16+$0x0], $0xffff;
	v29 =	vunpack.i.l.bf16.f32 v27;
	v27 =	vunpack.i.u.bf16.f32 v27;
	v24 =	vadd.f32 v39, v24  }
0x28a: {  	v19 =	vld.idx.msk [tilespmem:v19+s16+$0x0], $0xffff;
	v54 =	vunpack.i.l.bf16.f32 v44;
	v22 =	vadd.f32 v22, v23;
	v23 =	vmul.f32 v27, v32  }
0x28b: {  	v31 =	vld [tilespmem:s9+$0xD8F0];
	v25 =	vunpack.i.l.bf16.f32 v48;
	v29 =	vmul.f32 v29, v32;
	v24 =	vadd.f32 v34, v24  }
0x28c: {  	v16 =	vld.idx.msk [tilespmem:v16+s16+$0x0], $0xffff;
	v25 =	vmul.f32 v25, v21;
	v21 =	vmul.f32 v58, v21;
	v22 =	vadd.f32 v23, v22  }
0x28d: {  	v52 =	vunpack.i.l.bf16.f32 v28;
	v28 =	vunpack.i.u.bf16.f32 v28;
	v30 =	vld [tilespmem:s9+$0xD8E0];
	v24 =	vadd.f32 v29, v24  }
0x28e: {  	v18 =	vld.idx.msk [tilespmem:v18+s16+$0x0], $0xffff;
	v37 =	vmul.f32 v52, v20;
	v20 =	vmul.f32 v28, v20;
	v21 =	vadd.f32 v21, v22  }
0x28f: {  	v33 =	vmul.f32 v55, v19;
	v24 =	vadd.f32 v25, v24;
	v25 =	vunpack.i.u.bf16.f32 v26  }
0x290: {  	v27 =	vld [tilespmem:s9+$0xE000];
	v29 =	vunpack.i.l.bf16.f32 v31;
	v20 =	vadd.f32 v20, v21;
	v21 =	vmul.f32 v25, v36  }
0x291: {  	v15 =	vld.idx.msk [tilespmem:v15+s16+$0x0], $0xffff;
	v28 =	vmul.f32 v29, v16;
	v29 =	vunpack.i.u.bf16.f32 v51;
	v24 =	vadd.f32 v37, v24  }
0x292: {  	v59 =	vunpack.i.l.bf16.f32 v30;
	v23 =	vld [tilespmem:s9+$0xE010];
	v19 =	vmul.f32 v29, v19;
	v20 =	vadd.f32 v21, v20  }
0x293: {  	v14 =	vld.idx.msk [tilespmem:v14+s16+$0x0], $0xffff;
	v30 =	vunpack.i.u.bf16.f32 v30;
	v60 =	vmul.f32 v59, v18;
	v24 =	vadd.f32 v35, v24  }
0x294: {  	v18 =	vmul.f32 v30, v18;
	v31 =	vunpack.i.u.bf16.f32 v31;
	v22 =	vld [tilespmem:s9+$0xE020];
	v19 =	vadd.f32 v19, v20  }
0x295: {  	v13 =	vld.idx.msk [tilespmem:v13+s16+$0x0], $0xffff;
	v16 =	vmul.f32 v31, v16;
	v26 =	vunpack.i.l.bf16.f32 v27;
	v24 =	vadd.f32 v33, v24  }
0x296: {  	v12 =	vld.idx.msk [tilespmem:v12+s16+$0x0], $0xffff;
	v27 =	vunpack.i.u.bf16.f32 v27;
	v26 =	vmul.f32 v26, v15;
	v17 =	vadd.f32 v17, v19  }
0x297: {  	v25 =	vld [tilespmem:s9+$0xE030];
	v15 =	vmul.f32 v27, v15;
	v61 =	vunpack.i.l.bf16.f32 v23;
	v24 =	vadd.f32 v57, v24  }
0x298: {  	v11 =	vld.idx.msk [tilespmem:v11+s16+$0x0], $0xffff;
	v23 =	vunpack.i.u.bf16.f32 v23;
	v29 =	vmul.f32 v61, v14;
	v17 =	vadd.f32 v18, v17  }
0x299: {  	v21 =	vld [tilespmem:s9+$0xE040];
	v14 =	vmul.f32 v23, v14;
	v63 =	vunpack.i.l.bf16.f32 v22;
	v24 =	vadd.f32 v60, v24  }
0x29a: {  	v10 =	vld.idx.msk [tilespmem:v10+s16+$0x0], $0xffff;
	v22 =	vunpack.i.u.bf16.f32 v22;
	v39 =	vmul.f32 v63, v13;
	v16 =	vadd.f32 v16, v17  }
0x29b: {  	v20 =	vld [tilespmem:s9+$0xE050];
	v13 =	vmul.f32 v22, v13;
	v63 =	vunpack.i.u.bf16.f32 v47;
	v24 =	vadd.f32 v28, v24  }
0x29c: {  	v9 =	vld.idx.msk [tilespmem:v9+s16+$0x0], $0xffff;
	v40 =	vunpack.i.l.bf16.f32 v25;
	v25 =	vunpack.i.u.bf16.f32 v25;
	v15 =	vadd.f32 v15, v16  }
0x29d: {  	v19 =	vld [tilespmem:s9+$0xE060];
	v30 =	vmul.f32 v40, v12;
	v12 =	vmul.f32 v25, v12;
	v24 =	vadd.f32 v26, v24  }
0x29e: {  	v8 =	vld.idx.msk [tilespmem:v8+s16+$0x0], $0xffff;
	v41 =	vunpack.i.l.bf16.f32 v21;
	v21 =	vunpack.i.u.bf16.f32 v21;
	v14 =	vadd.f32 v14, v15  }
0x29f: {  	v18 =	vld [tilespmem:s9+$0xE070];
	v31 =	vmul.f32 v41, v11;
	v11 =	vmul.f32 v21, v11;
	v24 =	vadd.f32 v29, v24  }
0x2a0: {  	v7 =	vld.idx.msk [tilespmem:v7+s16+$0x0], $0xffff;
	v42 =	vunpack.i.l.bf16.f32 v20;
	v20 =	vunpack.i.u.bf16.f32 v20;
	v13 =	vadd.f32 v13, v14  }
0x2a1: {  	v17 =	vld [tilespmem:s9+$0xE080];
	v27 =	vmul.f32 v42, v10;
	v10 =	vmul.f32 v20, v10;
	v24 =	vadd.f32 v39, v24  }
0x2a2: {  	v28 =	vunpack.i.l.bf16.f32 v19;
	v19 =	vunpack.i.u.bf16.f32 v19;
	v16 =	vld [tilespmem:s9+$0xE090];
	v12 =	vadd.f32 v12, v13  }
0x2a3: {  	v6 =	vld.idx.msk [tilespmem:v6+s16+$0x0], $0xffff;
	v23 =	vmul.f32 v28, v9;
	v9 =	vmul.f32 v19, v9;
	v24 =	vadd.f32 v30, v24  }
0x2a4: {  	v26 =	vunpack.i.l.bf16.f32 v18;
	v18 =	vunpack.i.u.bf16.f32 v18;
	v15 =	vld [tilespmem:s9+$0xE0A0];
	v11 =	vadd.f32 v11, v12  }
0x2a5: {  	v5 =	vld.idx.msk [tilespmem:v5+s16+$0x0], $0xffff;
	v22 =	vmul.f32 v26, v8;
	v8 =	vmul.f32 v18, v8;
	v24 =	vadd.f32 v31, v24  }
0x2a6: {  	v26 =	vunpack.i.l.bf16.f32 v17;
	v49 =	vunpack.i.u.bf16.f32 v17;
	v17 =	vld.idx.msk [tilespmem:v0+s16+$0x0], $0xffff;
	v10 =	vadd.f32 v10, v11  }
0x2a7: {  	v14 =	vld [tilespmem:s9+$0xE0B0];
	v25 =	vmul.f32 v26, v7;
	v26 =	vunpack.i.l.bf16.f32 v16;
	v45 =	vadd.f32 v27, v24  }
0x2a8: {  	v4 =	vld.idx.msk [tilespmem:v4+s16+$0x0], $0xffff;
	v53 =	vunpack.i.u.bf16.f32 v16;
	v21 =	vmul.f32 v26, v6;
	v9 =	vadd.f32 v9, v10  }
0x2a9: {  	v13 =	vld [tilespmem:s9+$0xE0C0];
	v26 =	vunpack.i.l.bf16.f32 v15;
	v55 =	vunpack.i.u.bf16.f32 v15;
	v48 =	vadd.f32 v23, v45  }
0x2aa: {  	s10 =	simm.s32 $0x10;
	s8 =	simm.s32 $0x40;
	v20 =	vmul.f32 v26, v5;
	v26 =	vld.idx.msk [tilespmem:v2+s16+$0x0], $0xffff;
	v2 =	vmul.f32 v49, v7;
	v8 =	vadd.f32 v8, v9  }
0x2ab: {  	s19 =	sand.u32 $0xE00, s8;
	s1 =	sand.u32 $0x70, s10;
	v12 =	vld [tilespmem:s9+$0xE0D0];
	v57 =	vmul.f32 v55, v5;
	v15 =	vmul.f32 v56, v17;
	v52 =	vadd.f32 v22, v48  }
0x2ac: {  	s9 =	sor.u32 s1, s19;
	v43 =	vunpack.i.l.bf16.f32 v14;
	v24 =	vld.idx.msk [tilespmem:v1+s16+$0x0], $0xffff;
	v1 =	vmul.f32 v53, v6;
	v2 =	vadd.f32 v2, v8  }
0x2ad: {  	v3 =	vld.idx.msk [tilespmem:v3+s16+$0x0], $0xffff;
	v59 =	vunpack.i.u.bf16.f32 v14;
	v33 =	vmov s9;
	v0 =	vadd.f32 v25, v52  }
0x2ae: {  	v19 =	vmul.f32 v43, v4;
	v4 =	vmul.f32 v59, v4;
	v1 =	vadd.f32 v1, v2  }
0x2af: {  	v34 =	vor.u32 $0x18F, v33;
	v35 =	vor.u32 $0x18E, v33;
	v58 =	vadd.f32 v21, v0  }
0x2b0: {  	v37 =	vor.u32 $0x18D, v33;
	v38 =	vor.u32 $0x18C, v33;
	v2 =	vadd.f32 v57, v1  }
0x2b1: {  	v39 =	vor.u32 $0x18B, v33;
	v60 =	vunpack.i.u.bf16.f32 v13;
	v5 =	vadd.f32 v20, v58  }
0x2b2: {  	v46 =	vunpack.i.l.bf16.f32 v13;
	v6 =	vmul.f32 v60, v3;
	v4 =	vadd.f32 v4, v2  }
0x2b3: {  	v18 =	vmul.f32 v46, v3;
	v61 =	vunpack.i.u.bf16.f32 v12;
	v5 =	vadd.f32 v19, v5  }
0x2b4: {  	v50 =	vunpack.i.l.bf16.f32 v12;
	v8 =	vmul.f32 v61, v26;
	v6 =	vadd.f32 v6, v4  }
0x2b5: {  	v11 =	vunpack.i.u.bf16.f32 v44;
	v51 =	vmul.f32 v50, v26;
	v62 =	vadd.f32 v18, v5  }
0x2b6: {  	v40 =	vor.u32 $0x18A, v33;
	v11 =	vmul.f32 v11, v24;
	v8 =	vadd.f32 v8, v6  }
0x2b7: {  	v42 =	vor.u32 $0x189, v33;
	v16 =	vmul.f32 v54, v24;
	v12 =	vadd.f32 v51, v62  }
0x2b8: {  	v43 =	vor.u32 $0x188, v33;
	v13 =	vmul.f32 v63, v17;
	v11 =	vadd.f32 v11, v8  }
0x2b9: {  	v44 =	vor.u32 $0x186, v33;
	v53 =	vor.u32 $0x183, v33;
	v14 =	vadd.f32 v16, v12  }
0x2ba: {  	v55 =	vor.u32 $0x10E, v33;
	v20 =	vor.u32 $0x1, v33;
	v16 =	vadd.f32 v13, v11  }
0x2bb: {  	s1 =	simm.s32 $0x16D10;
	v30 =	vor.u32 $0x3, v33;
	v36 =	vor.u32 $0x4, v33;
	v18 =	vadd.f32 v15, v14  }
0x2bc: {  	v27 =	vor.u32 $0x104, v33;
	v41 =	vor.u32 $0x5, v33;
	v25 =	vor.u32 $0x2, v33;
	[tilespmem:s1+$0x0] =	vst v16  }
0x2bd: {  	v29 =	vor.u32 $0x102, v33;
	v28 =	vor.u32 $0x103, v33;
	v32 =	vor.u32 $0x8F, v33;
	[tilespmem:s1+$0xFFFFFFF0] =	vst v18  }
0x2be: {  	v31 =	vor.u32 $0x100, v33;
	v17 =	vor.u32 $0x187, v33;
	v23 =	vor.u32 $0x108, v33;
	v51 =	vld.idx.msk [tilespmem:v33+s16+$0x0], $0xffff  }
0x2bf: {  	s19 =	sshll.u32 s9, $0x4;
	v48 =	vor.u32 $0x185, v33;
	v22 =	vor.u32 $0x109, v33;
	v54 =	vor.u32 $0x10F, v33;
	v45 =	vld.idx.msk [tilespmem:v20+s16+$0x0], $0xffff  }
0x2c0: {  	v24 =	vor.u32 $0x107, v33;
	v52 =	vor.u32 $0x184, v33;
	v26 =	vor.u32 $0x105, v33;
	v49 =	vld [tilespmem:s19+$0xC820]  }
0x2c1: {  	v21 =	vor.u32 $0x10A, v33;
	v19 =	vor.u32 $0x10C, v33;
	v15 =	vor.u32 $0x181, v33;
	v50 =	vld.idx.msk [tilespmem:v25+s16+$0x0], $0xffff  }
0x2c2: {  	v14 =	vor.u32 $0x182, v33;
	v16 =	vor.u32 $0x180, v33;
	v18 =	vor.u32 $0x10D, v33;
	v46 =	vld [tilespmem:s19+$0xC830]  }
0x2c3: {  	s9 =	simm.s32 $0x20;
	v20 =	vor.u32 $0x10B, v33;
	v25 =	vor.u32 $0x106, v33;
	v47 =	vld.idx.msk [tilespmem:v30+s16+$0x0], $0xffff;
	v30 =	vor.u32 $0x101, v33  }
.LBB2_8:
0x2c4: {  	[tilespmem:$0x1FDF0] =	vst v15  }
0x2c5: {  	[tilespmem:$0x1FE20] =	vst v52;
	v52 =	vld [tilespmem:s19+$0xC840]  }
0x2c6: {  	[tilespmem:$0x1FE10] =	vst v53;
	v53 =	vld.idx.msk [tilespmem:v36+s16+$0x0], $0xffff  }
0x2c7: {  	[tilespmem:$0x1FDD0] =	vst v54;
	v54 =	vld [tilespmem:s19+$0xC850]  }
0x2c8: {  	[tilespmem:$0x1FE50] =	vst v17;
	v56 =	vld.idx.msk [tilespmem:v41+s16+$0x0], $0xffff  }
0x2c9: {  	[tilespmem:$0x1FE60] =	vst v43;
	v57 =	vld [tilespmem:s19+$0xC860]  }
0x2ca: {  	[tilespmem:$0x1FE40] =	vst v44;
	v62 =	vld [tilespmem:s19+$0xC800]  }
0x2cb: {  	[tilespmem:$0x1FE80] =	vst v40;
	v2 =	vld [tilespmem:s19+$0xC870]  }
0x2cc: {  	[tilespmem:$0x1FEB0] =	vst v37;
	v4 =	vld [tilespmem:s19+$0xC810]  }
0x2cd: {  	[tilespmem:$0x1FEC0] =	vst v35;
	v9 =	vor.u32 $0x6, v33;
	v15 =	vld [tilespmem:s19+$0xC890]  }
0x2ce: {  	[tilespmem:$0x1FED0] =	vst v34;
	v35 =	vor.u32 $0x8D, v33;
	v34 =	vor.u32 $0x8E, v33;
	v37 =	vor.u32 $0x8B, v33;
	v17 =	vld [tilespmem:s19+$0xC8A0]  }
0x2cf: {  	[tilespmem:$0x1FE90] =	vst v39;
	v36 =	vor.u32 $0x8C, v33;
	v40 =	vor.u32 $0x88, v33;
	v39 =	vor.u32 $0x89, v33;
	v27 =	vld.idx.msk [tilespmem:v27+s16+$0x0], $0xffff  }
0x2d0: {  	[tilespmem:$0x1FEA0] =	vst v38;
	v38 =	vor.u32 $0x8A, v33;
	v41 =	vor.u32 $0x87, v33;
	v58 =	vor.u32 $0x7, v33;
	v26 =	vld.idx.msk [tilespmem:v26+s16+$0x0], $0xffff  }
0x2d1: {  	[tilespmem:$0x1FE70] =	vst v42;
	v43 =	vor.u32 $0x85, v33;
	v42 =	vor.u32 $0x86, v33;
	v44 =	vor.u32 $0x84, v33;
	v25 =	vld.idx.msk [tilespmem:v25+s16+$0x0], $0xffff  }
0x2d2: {  	[tilespmem:$0x1FE30] =	vst v48;
	v63 =	vor.u32 $0x8, v33;
	v0 =	vor.u32 $0x82, v33;
	v48 =	vor.u32 $0x83, v33;
	v24 =	vld.idx.msk [tilespmem:v24+s16+$0x0], $0xffff  }
0x2d3: {  	v3 =	vor.u32 $0x81, v33;
	v5 =	vor.u32 $0x9, v33;
	v6 =	vor.u32 $0xF, v33;
	v23 =	vld.idx.msk [tilespmem:v23+s16+$0x0], $0xffff  }
0x2d4: {  	v7 =	vor.u32 $0x80, v33;
	v12 =	vor.u32 $0xB, v33;
	v22 =	vld.idx.msk [tilespmem:v22+s16+$0x0], $0xffff;
	v10 =	vunpack.i.l.bf16.f32 v49  }
0x2d5: {  	[tilespmem:$0x1FDC0] =	vst v55;
	v13 =	vor.u32 $0xD, v33;
	v11 =	vunpack.i.l.bf16.f32 v46;
	v55 =	vmul.f32 v10, v50;
	v61 =	vld.idx.msk [tilespmem:v9+s16+$0x0], $0xffff  }
0x2d6: {  	v59 =	vmul.f32 v11, v47;
	v60 =	vunpack.i.l.bf16.f32 v52;
	v1 =	vunpack.i.l.bf16.f32 v54;
	v58 =	vld.idx.msk [tilespmem:v58+s16+$0x0], $0xffff  }
0x2d7: {  	[tilespmem:$0x1FDE0] =	vst v16;
	v8 =	vunpack.i.l.bf16.f32 v57;
	v9 =	vor.u32 $0xE, v33;
	v10 =	vld [tilespmem:s19+$0xC880];
	v11 =	vor.u32 $0xA, v33  }
0x2d8: {  	[tilespmem:$0x1FE00] =	vst v14;
	v14 =	vunpack.i.u.bf16.f32 v62;
	v62 =	vunpack.i.l.bf16.f32 v62;
	v63 =	vld.idx.msk [tilespmem:v63+s16+$0x0], $0xffff;
	v16 =	vunpack.i.u.bf16.f32 v4  }
0x2d9: {  	v4 =	vunpack.i.l.bf16.f32 v4;
	v5 =	vld.idx.msk [tilespmem:v5+s16+$0x0], $0xffff;
	v60 =	vmul.f32 v60, v53;
	v1 =	vmul.f32 v1, v56  }
0x2da: {  	v33 =	vor.u32 $0xC, v33;
	v12 =	vld.idx.msk [tilespmem:v12+s16+$0x0], $0xffff;
	v62 =	vmul.f32 v62, v51;
	v14 =	vmul.f32 v14, v51  }
0x2db: {  	v13 =	vld.idx.msk [tilespmem:v13+s16+$0x0], $0xffff;
	v51 =	vunpack.i.l.bf16.f32 v2;
	v16 =	vmul.f32 v16, v45;
	v4 =	vmul.f32 v4, v45  }
0x2dc: {  	v6 =	vld.idx.msk [tilespmem:v6+s16+$0x0], $0xffff;
	v45 =	vunpack.i.u.bf16.f32 v49;
	v2 =	vunpack.i.u.bf16.f32 v2;
	v14 =	vadd.f32 $0.0e+00, v14  }
0x2dd: {  	v7 =	vld.idx.msk [tilespmem:v7+s16+$0x0], $0xffff;
	v62 =	vadd.f32 $0.0e+00, v62;
	v8 =	vmul.f32 v8, v61;
	v49 =	vmul.f32 v51, v58  }
0x2de: {  	v3 =	vld.idx.msk [tilespmem:v3+s16+$0x0], $0xffff;
	v14 =	vadd.f32 v16, v14;
	v16 =	vmul.f32 v45, v50;
	v45 =	vunpack.i.l.bf16.f32 v10  }
0x2df: {  	v11 =	vld.idx.msk [tilespmem:v11+s16+$0x0], $0xffff;
	v4 =	vadd.f32 v4, v62;
	v51 =	vunpack.i.u.bf16.f32 v46;
	v62 =	vunpack.i.l.bf16.f32 v15  }
0x2e0: {  	v50 =	vld [tilespmem:s19+$0xC8B0];
	v2 =	vmul.f32 v2, v58;
	v15 =	vunpack.i.u.bf16.f32 v15;
	v45 =	vmul.f32 v45, v63  }
0x2e1: {  	v0 =	vld.idx.msk [tilespmem:v0+s16+$0x0], $0xffff;
	v46 =	vmul.f32 v62, v5;
	v62 =	vunpack.i.u.bf16.f32 v54;
	v5 =	vmul.f32 v15, v5  }
0x2e2: {  	v44 =	vld.idx.msk [tilespmem:v44+s16+$0x0], $0xffff;
	v14 =	vadd.f32 v16, v14;
	v16 =	vmul.f32 v51, v47;
	v4 =	vadd.f32 v55, v4  }
0x2e3: {  	v47 =	vld [tilespmem:s19+$0xC8C0];
	v55 =	vunpack.i.u.bf16.f32 v52;
	v51 =	vunpack.i.l.bf16.f32 v17;
	v17 =	vunpack.i.u.bf16.f32 v17  }
0x2e4: {  	v33 =	vld.idx.msk [tilespmem:v33+s16+$0x0], $0xffff;
	v14 =	vadd.f32 v16, v14;
	v16 =	vmul.f32 v55, v53;
	v4 =	vadd.f32 v59, v4  }
0x2e5: {  	v55 =	vld [tilespmem:s19+$0xD000];
	v51 =	vmul.f32 v51, v11;
	v59 =	vunpack.i.l.bf16.f32 v50;
	v58 =	vmul.f32 v17, v11  }
0x2e6: {  	v52 =	vld [tilespmem:s19+$0xC8D0];
	v14 =	vadd.f32 v16, v14;
	v16 =	vmul.f32 v62, v56;
	v4 =	vadd.f32 v60, v4  }
0x2e7: {  	v43 =	vld.idx.msk [tilespmem:v43+s16+$0x0], $0xffff;
	v60 =	vunpack.i.u.bf16.f32 v57;
	v53 =	vmul.f32 v59, v12;
	v62 =	vunpack.i.u.bf16.f32 v10  }
0x2e8: {  	v15 =	vld [tilespmem:s19+$0xD020];
	v14 =	vadd.f32 v16, v14;
	v16 =	vmul.f32 v60, v61;
	v61 =	vunpack.i.l.bf16.f32 v47  }
0x2e9: {  	v42 =	vld.idx.msk [tilespmem:v42+s16+$0x0], $0xffff;
	v1 =	vadd.f32 v1, v4;
	v60 =	vunpack.i.u.bf16.f32 v50;
	v47 =	vunpack.i.u.bf16.f32 v47  }
0x2ea: {  	v56 =	vld [tilespmem:s19+$0xC8F0];
	v4 =	vmul.f32 v61, v33;
	v59 =	vunpack.i.l.bf16.f32 v55;
	v14 =	vadd.f32 v16, v14  }
0x2eb: {  	v54 =	vld [tilespmem:s19+$0xC8E0];
	v61 =	vmul.f32 v60, v12;
	v16 =	vunpack.i.l.bf16.f32 v52;
	v1 =	vadd.f32 v8, v1  }
0x2ec: {  	v9 =	vld.idx.msk [tilespmem:v9+s16+$0x0], $0xffff;
	v8 =	vmul.f32 v62, v63;
	v11 =	vmul.f32 v59, v7;
	v2 =	vadd.f32 v2, v14  }
0x2ed: {  	v41 =	vld.idx.msk [tilespmem:v41+s16+$0x0], $0xffff;
	v62 =	vmul.f32 v47, v33;
	v63 =	vunpack.i.l.bf16.f32 v15;
	v1 =	vadd.f32 v49, v1  }
0x2ee: {  	v52 =	vunpack.i.u.bf16.f32 v52;
	v10 =	vmul.f32 v16, v13;
	v16 =	vld [tilespmem:s19+$0xD010];
	v2 =	vadd.f32 v8, v2  }
0x2ef: {  	v40 =	vld.idx.msk [tilespmem:v40+s16+$0x0], $0xffff;
	v57 =	vunpack.i.l.bf16.f32 v56;
	v33 =	vmul.f32 v63, v0;
	v1 =	vadd.f32 v45, v1  }
0x2f0: {  	v59 =	vunpack.i.u.bf16.f32 v56;
	v14 =	vunpack.i.l.bf16.f32 v54;
	v45 =	vld [tilespmem:s19+$0xD040];
	v2 =	vadd.f32 v5, v2  }
0x2f1: {  	v17 =	vld [tilespmem:s19+$0xD030];
	v60 =	vmul.f32 v59, v6;
	v14 =	vmul.f32 v14, v9;
	v1 =	vadd.f32 v46, v1  }
0x2f2: {  	v47 =	vld [tilespmem:s19+$0xD050];
	v8 =	vmul.f32 v57, v6;
	v57 =	vunpack.i.u.bf16.f32 v54;
	v2 =	vadd.f32 v58, v2  }
0x2f3: {  	v46 =	vld.idx.msk [tilespmem:v48+s16+$0x0], $0xffff;
	v12 =	vunpack.i.l.bf16.f32 v16;
	v49 =	vunpack.i.u.bf16.f32 v16;
	v1 =	vadd.f32 v51, v1  }
0x2f4: {  	v48 =	vld [tilespmem:s19+$0xD060];
	v12 =	vmul.f32 v12, v3;
	v3 =	vmul.f32 v49, v3;
	v2 =	vadd.f32 v61, v2  }
0x2f5: {  	v36 =	vld.idx.msk [tilespmem:v36+s16+$0x0], $0xffff;
	v58 =	vunpack.i.l.bf16.f32 v45;
	v1 =	vadd.f32 v53, v1;
	v53 =	vmul.f32 v52, v13  }
0x2f6: {  	v51 =	vld [tilespmem:s19+$0xD0A0];
	v13 =	vunpack.i.l.bf16.f32 v17;
	v5 =	vmul.f32 v58, v44;
	v2 =	vadd.f32 v62, v2  }
0x2f7: {  	v35 =	vld.idx.msk [tilespmem:v35+s16+$0x0], $0xffff;
	v61 =	vunpack.i.l.bf16.f32 v47;
	v52 =	vunpack.i.u.bf16.f32 v15;
	v1 =	vadd.f32 v4, v1  }
0x2f8: {  	v16 =	vld.idx.msk [tilespmem:v39+s16+$0x0], $0xffff;
	v13 =	vmul.f32 v13, v46;
	v4 =	vmul.f32 v57, v9;
	v2 =	vadd.f32 v53, v2  }
0x2f9: {  	v6 =	vmul.f32 v61, v43;
	v63 =	vunpack.i.l.bf16.f32 v48;
	v9 =	vld [tilespmem:s19+$0xD070];
	v1 =	vadd.f32 v10, v1  }
0x2fa: {  	v39 =	vld [tilespmem:s19+$0xD0E0];
	v0 =	vmul.f32 v52, v0;
	v59 =	vunpack.i.u.bf16.f32 v48;
	v2 =	vadd.f32 v4, v2  }
0x2fb: {  	v57 =	vunpack.i.l.bf16.f32 v51;
	v10 =	vld [tilespmem:s19+$0xD080];
	v1 =	vadd.f32 v14, v1;
	v14 =	vunpack.i.u.bf16.f32 v55  }
0x2fc: {  	v34 =	vld.idx.msk [tilespmem:v34+s16+$0x0], $0xffff;
	v51 =	vunpack.i.u.bf16.f32 v51;
	v62 =	vmul.f32 v14, v7;
	v2 =	vadd.f32 v60, v2  }
0x2fd: {  	v15 =	vld.idx.msk [tilespmem:v38+s16+$0x0], $0xffff;
	v55 =	vunpack.i.u.bf16.f32 v45;
	v7 =	vmul.f32 v63, v42;
	v1 =	vadd.f32 v8, v1  }
0x2fe: {  	v38 =	vld [tilespmem:s19+$0xD0D0];
	v50 =	vunpack.i.l.bf16.f32 v9;
	v56 =	vmul.f32 v55, v44;
	v2 =	vadd.f32 v62, v2  }
0x2ff: {  	v14 =	vld [tilespmem:s19+$0xD090];
	v4 =	vmul.f32 v50, v41;
	v60 =	vmul.f32 v59, v42;
	v1 =	vadd.f32 v11, v1  }
0x300: {  	v45 =	vld.idx.msk [tilespmem:v31+s16+$0x0], $0xffff;
	v59 =	vunpack.i.u.bf16.f32 v39;
	v53 =	vunpack.i.l.bf16.f32 v10;
	v2 =	vadd.f32 v3, v2  }
0x301: {  	v31 =	vld [tilespmem:s19+$0xD810];
	v44 =	vunpack.i.u.bf16.f32 v10;
	v1 =	vadd.f32 v12, v1;
	v12 =	vunpack.i.u.bf16.f32 v17  }
0x302: {  	v42 =	vld [tilespmem:s19+$0xD0F0];
	v62 =	vunpack.i.u.bf16.f32 v9;
	v54 =	vmul.f32 v12, v46;
	v0 =	vadd.f32 v0, v2  }
0x303: {  	v11 =	vld [tilespmem:s19+$0xD0B0];
	v63 =	vmul.f32 v62, v41;
	v41 =	vunpack.i.l.bf16.f32 v38;
	v1 =	vadd.f32 v33, v1  }
0x304: {  	v3 =	vmul.f32 v53, v40;
	v17 =	vld.idx.msk [tilespmem:v37+s16+$0x0], $0xffff;
	v48 =	vunpack.i.u.bf16.f32 v14;
	v0 =	vadd.f32 v54, v0  }
0x305: {  	v37 =	vld [tilespmem:s19+$0xD0C0];
	v53 =	vmul.f32 v51, v15;
	v1 =	vadd.f32 v13, v1;
	v13 =	vunpack.i.u.bf16.f32 v47  }
0x306: {  	v62 =	vld [tilespmem:s19+$0xD870];
	v12 =	vunpack.i.l.bf16.f32 v14;
	v58 =	vmul.f32 v13, v43;
	v0 =	vadd.f32 v56, v0  }
0x307: {  	v46 =	vmul.f32 v44, v40;
	v14 =	vld.idx.msk [tilespmem:v30+s16+$0x0], $0xffff;
	v49 =	vmul.f32 v48, v16;
	v1 =	vadd.f32 v5, v1  }
0x308: {  	v50 =	vunpack.i.l.bf16.f32 v42;
	v30 =	vld [tilespmem:s19+$0xD860];
	v12 =	vmul.f32 v12, v16;
	v0 =	vadd.f32 v58, v0  }
0x309: {  	v33 =	vmul.f32 v57, v15;
	v16 =	vld [tilespmem:s19+$0xD820];
	v47 =	vunpack.i.l.bf16.f32 v39;
	v1 =	vadd.f32 v6, v1  }
0x30a: {  	v15 =	vld [tilespmem:s19+$0xD830];
	v13 =	vunpack.i.l.bf16.f32 v11;
	v61 =	vunpack.i.l.bf16.f32 v37;
	v0 =	vadd.f32 v60, v0  }
0x30b: {  	v9 =	vld.idx.msk [tilespmem:v32+s16+$0x0], $0xffff;
	v11 =	vunpack.i.u.bf16.f32 v11;
	v13 =	vmul.f32 v13, v17;
	v1 =	vadd.f32 v7, v1  }
0x30c: {  	v43 =	vld [tilespmem:s19+$0xD800];
	v5 =	vmul.f32 v61, v36;
	v55 =	vmul.f32 v11, v17;
	v0 =	vadd.f32 v63, v0  }
0x30d: {  	v56 =	vunpack.i.l.bf16.f32 v31;
	v17 =	vld [tilespmem:s19+$0xD840];
	v39 =	vunpack.i.l.bf16.f32 v30;
	v1 =	vadd.f32 v4, v1  }
0x30e: {  	v32 =	vld [tilespmem:$0x1FDF0];
	v11 =	vmul.f32 v56, v14;
	v44 =	vunpack.i.u.bf16.f32 v16;
	v0 =	vadd.f32 v46, v0  }
0x30f: {  	v19 =	vld.idx.msk [tilespmem:v19+s16+$0x0], $0xffff;
	v48 =	vunpack.i.u.bf16.f32 v15;
	v56 =	vunpack.i.u.bf16.f32 v62;
	v1 =	vadd.f32 v3, v1  }
0x310: {  	v18 =	vld.idx.msk [tilespmem:v18+s16+$0x0], $0xffff;
	v6 =	vmul.f32 v41, v35;
	v41 =	vunpack.i.u.bf16.f32 v31;
	v0 =	vadd.f32 v49, v0  }
0x311: {  	v52 =	vld.idx.msk [tilespmem:v29+s16+$0x0], $0xffff;
	v7 =	vmul.f32 v47, v34;
	v54 =	vunpack.i.l.bf16.f32 v43;
	v1 =	vadd.f32 v12, v1  }
0x312: {  	v40 =	vld [tilespmem:s19+$0xD890];
	v60 =	vmul.f32 v59, v34;
	v61 =	vunpack.i.l.bf16.f32 v17;
	v0 =	vadd.f32 v53, v0  }
0x313: {  	v17 =	vunpack.i.u.bf16.f32 v17;
	v12 =	vld.idx.msk [tilespmem:v28+s16+$0x0], $0xffff;
	v28 =	vunpack.i.u.bf16.f32 v37;
	v1 =	vadd.f32 v33, v1  }
0x314: {  	v29 =	vld [tilespmem:s19+$0xD850];
	v63 =	vunpack.i.u.bf16.f32 v42;
	v57 =	vmul.f32 v28, v36;
	v0 =	vadd.f32 v55, v0  }
0x315: {  	v42 =	vmul.f32 v41, v14;
	v14 =	vld [tilespmem:s19+$0xD8A0];
	v1 =	vadd.f32 v13, v1;
	v13 =	vunpack.i.u.bf16.f32 v38  }
0x316: {  	v10 =	vld.idx.msk [tilespmem:v32+s16+$0x0], $0xffff;
	v4 =	vmul.f32 v50, v9;
	v58 =	vmul.f32 v13, v35;
	v0 =	vadd.f32 v57, v0  }
0x317: {  	v47 =	vld [tilespmem:s19+$0xD8B0];
	v51 =	vmul.f32 v17, v27;
	v34 =	vmul.f32 v63, v9;
	v1 =	vadd.f32 v5, v1  }
0x318: {  	v63 =	vunpack.i.u.bf16.f32 v40;
	v3 =	vmul.f32 v54, v45;
	v36 =	vld [tilespmem:s19+$0xD880];
	v0 =	vadd.f32 v58, v0  }
0x319: {  	v37 =	vunpack.i.u.bf16.f32 v43;
	v28 =	vunpack.i.l.bf16.f32 v16;
	v16 =	vld.idx.msk [tilespmem:v21+s16+$0x0], $0xffff;
	v1 =	vadd.f32 v6, v1  }
0x31a: {  	v17 =	vunpack.i.l.bf16.f32 v14;
	v21 =	vld [tilespmem:s19+$0xD8E0];
	v28 =	vmul.f32 v28, v52;
	v0 =	vadd.f32 v60, v0  }
0x31b: {  	v53 =	vunpack.i.u.bf16.f32 v30;
	v33 =	vmul.f32 v63, v22;
	v63 =	vld [tilespmem:s19+$0xE0C0];
	v1 =	vadd.f32 v7, v1  }
0x31c: {  	v38 =	vmul.f32 v37, v45;
	v13 =	vunpack.i.l.bf16.f32 v15;
	v15 =	vld.idx.msk [tilespmem:v20+s16+$0x0], $0xffff;
	v0 =	vadd.f32 v34, v0  }
0x31d: {  	v45 =	vmul.f32 v44, v52;
	v35 =	vunpack.i.l.bf16.f32 v29;
	v20 =	vld [tilespmem:s19+$0xD8D0];
	v1 =	vadd.f32 v4, v1  }
0x31e: {  	v49 =	vmul.f32 v48, v12;
	v13 =	vmul.f32 v13, v12;
	v12 =	vld [tilespmem:s19+$0xD8C0];
	v0 =	vadd.f32 v38, v0  }
0x31f: {  	v5 =	vmul.f32 v61, v27;
	v46 =	vunpack.i.l.bf16.f32 v36;
	v27 =	vld [tilespmem:$0x1FDD0];
	v1 =	vadd.f32 v3, v1  }
0x320: {  	v17 =	vmul.f32 v17, v16;
	v57 =	vmul.f32 v56, v24;
	v56 =	vld [tilespmem:s19+$0xE0A0];
	v0 =	vadd.f32 v42, v0  }
0x321: {  	v6 =	vmul.f32 v35, v26;
	v35 =	vunpack.i.u.bf16.f32 v14;
	v14 =	vld [tilespmem:$0x1FE00];
	v1 =	vadd.f32 v11, v1  }
0x322: {  	v59 =	vunpack.i.u.bf16.f32 v36;
	v36 =	vmul.f32 v35, v16;
	v16 =	vld [tilespmem:s19+$0xE030];
	v0 =	vadd.f32 v45, v0  }
0x323: {  	v54 =	vmul.f32 v53, v25;
	v7 =	vmul.f32 v39, v25;
	v25 =	vld [tilespmem:s19+$0xD8F0];
	v1 =	vadd.f32 v28, v1  }
0x324: {  	v43 =	vunpack.i.l.bf16.f32 v62;
	v62 =	vunpack.i.l.bf16.f32 v21;
	v60 =	vld [tilespmem:$0x1FDE0];
	v0 =	vadd.f32 v49, v0  }
0x325: {  	v4 =	vmul.f32 v43, v24;
	v24 =	vld [tilespmem:s19+$0xE000];
	v1 =	vadd.f32 v13, v1;
	v13 =	vunpack.i.u.bf16.f32 v29  }
0x326: {  	v43 =	vunpack.i.u.bf16.f32 v21;
	v21 =	vld [tilespmem:$0x1FE40];
	v52 =	vmul.f32 v13, v26;
	v0 =	vadd.f32 v51, v0  }
0x327: {  	v27 =	vld.idx.msk [tilespmem:v27+s16+$0x0], $0xffff;
	v1 =	vadd.f32 v5, v1  }
0x328: {  	v61 =	vmul.f32 v59, v23;
	v3 =	vmul.f32 v46, v23;
	v23 =	vld [tilespmem:s19+$0xE010];
	v0 =	vadd.f32 v52, v0  }
0x329: {  	v38 =	vld [tilespmem:$0x1FE10];
	v1 =	vadd.f32 v6, v1  }
0x32a: {  	v34 =	vunpack.i.l.bf16.f32 v25;
	v46 =	vunpack.i.u.bf16.f32 v25;
	v25 =	vld [tilespmem:$0x1FE50];
	v0 =	vadd.f32 v54, v0  }
0x32b: {  	v50 =	vunpack.i.l.bf16.f32 v40;
	v26 =	vld [tilespmem:$0x1FDC0];
	v1 =	vadd.f32 v7, v1  }
0x32c: {  	v11 =	vmul.f32 v50, v22;
	v22 =	vld [tilespmem:s19+$0xE020];
	v0 =	vadd.f32 v57, v0  }
0x32d: {  	v14 =	vld.idx.msk [tilespmem:v14+s16+$0x0], $0xffff;
	v1 =	vadd.f32 v4, v1  }
0x32e: {  	v8 =	vunpack.i.u.bf16.f32 v47;
	v9 =	vld.idx.msk [tilespmem:v60+s16+$0x0], $0xffff;
	v0 =	vadd.f32 v61, v0  }
0x32f: {  	v40 =	vunpack.i.l.bf16.f32 v23;
	v53 =	vunpack.i.u.bf16.f32 v23;
	v23 =	vld [tilespmem:$0x1FE70];
	v1 =	vadd.f32 v3, v1  }
0x330: {  	v58 =	vunpack.i.l.bf16.f32 v20;
	v37 =	vunpack.i.l.bf16.f32 v24;
	v21 =	vld.idx.msk [tilespmem:v21+s16+$0x0], $0xffff;
	v0 =	vadd.f32 v33, v0  }
0x331: {  	v49 =	vunpack.i.u.bf16.f32 v24;
	v24 =	vld [tilespmem:$0x1FE60];
	v13 =	vunpack.i.l.bf16.f32 v47;
	v1 =	vadd.f32 v11, v1  }
0x332: {  	v39 =	vmul.f32 v8, v15;
	v13 =	vmul.f32 v13, v15;
	v15 =	vld [tilespmem:s19+$0xE040];
	v0 =	vadd.f32 v36, v0  }
0x333: {  	v55 =	vunpack.i.l.bf16.f32 v12;
	v12 =	vunpack.i.u.bf16.f32 v12;
	v26 =	vld.idx.msk [tilespmem:v26+s16+$0x0], $0xffff;
	v1 =	vadd.f32 v17, v1  }
0x334: {  	v41 =	vmul.f32 v12, v19;
	v5 =	vmul.f32 v55, v19;
	v19 =	vld [tilespmem:s19+$0xE050];
	v0 =	vadd.f32 v39, v0  }
0x335: {  	v60 =	vunpack.i.u.bf16.f32 v16;
	v25 =	vld.idx.msk [tilespmem:v25+s16+$0x0], $0xffff;
	v1 =	vadd.f32 v13, v1;
	v13 =	vunpack.i.u.bf16.f32 v20  }
0x336: {  	v8 =	vmul.f32 v40, v10;
	v52 =	vld [tilespmem:s19+$0xE090];
	v42 =	vmul.f32 v13, v18;
	v0 =	vadd.f32 v41, v0  }
0x337: {  	v47 =	vmul.f32 v46, v27;
	v6 =	vmul.f32 v58, v18;
	v17 =	vld [tilespmem:$0x1FE20];
	v1 =	vadd.f32 v5, v1  }
0x338: {  	v4 =	vmul.f32 v34, v27;
	v27 =	vld [tilespmem:s19+$0xE080];
	v44 =	vmul.f32 v43, v26;
	v0 =	vadd.f32 v42, v0  }
0x339: {  	v12 =	vunpack.i.l.bf16.f32 v22;
	v7 =	vmul.f32 v62, v26;
	v20 =	vld [tilespmem:$0x1FE30];
	v1 =	vadd.f32 v6, v1  }
0x33a: {  	v12 =	vmul.f32 v12, v14;
	v57 =	vunpack.i.u.bf16.f32 v22;
	v22 =	vld [tilespmem:$0x1FE80];
	v0 =	vadd.f32 v44, v0  }
0x33b: {  	v50 =	vmul.f32 v49, v9;
	v49 =	vunpack.i.u.bf16.f32 v56;
	v11 =	vld.idx.msk [tilespmem:v38+s16+$0x0], $0xffff;
	v1 =	vadd.f32 v7, v1  }
0x33c: {  	v54 =	vmul.f32 v53, v10;
	v53 =	vunpack.i.u.bf16.f32 v63;
	v26 =	vld [tilespmem:s19+$0xE070];
	v0 =	vadd.f32 v47, v0  }
0x33d: {  	v45 =	vunpack.i.l.bf16.f32 v15;
	v3 =	vmul.f32 v37, v9;
	v18 =	vld [tilespmem:s19+$0xE060];
	v1 =	vadd.f32 v4, v1  }
0x33e: {  	v48 =	vunpack.i.l.bf16.f32 v19;
	v23 =	vld.idx.msk [tilespmem:v23+s16+$0x0], $0xffff;
	v58 =	vmul.f32 v57, v14;
	v0 =	vadd.f32 v50, v0  }
0x33f: {  	v46 =	vunpack.i.u.bf16.f32 v52;
	v59 =	vunpack.i.l.bf16.f32 v27;
	v17 =	vld.idx.msk [tilespmem:v17+s16+$0x0], $0xffff;
	v1 =	vadd.f32 v3, v1  }
0x340: {  	v13 =	vunpack.i.l.bf16.f32 v16;
	v16 =	vld [tilespmem:$0x1FE90];
	v61 =	vmul.f32 v60, v11;
	v0 =	vadd.f32 v54, v0  }
0x341: {  	v13 =	vmul.f32 v13, v11;
	v55 =	vunpack.i.l.bf16.f32 v26;
	v20 =	vld.idx.msk [tilespmem:v20+s16+$0x0], $0xffff;
	v1 =	vadd.f32 v8, v1  }
0x342: {  	v24 =	vld.idx.msk [tilespmem:v24+s16+$0x0], $0xffff;
	v40 =	vunpack.i.u.bf16.f32 v26;
	v51 =	vunpack.i.l.bf16.f32 v18;
	v0 =	vadd.f32 v58, v0  }
0x343: {  	v26 =	vld [tilespmem:$0x1FED0];
	v37 =	vunpack.i.u.bf16.f32 v18;
	v1 =	vadd.f32 v12, v1;
	v12 =	vunpack.i.u.bf16.f32 v15  }
0x344: {  	v14 =	vld [tilespmem:s19+$0xE0B0];
	v7 =	vmul.f32 v51, v21;
	v35 =	vmul.f32 v12, v17;
	v0 =	vadd.f32 v61, v0  }
0x345: {  	v22 =	vld.idx.msk [tilespmem:v22+s16+$0x0], $0xffff;
	v5 =	vmul.f32 v45, v17;
	v1 =	vadd.f32 v13, v1;
	v13 =	vunpack.i.u.bf16.f32 v19  }
0x346: {  	v38 =	vmul.f32 v37, v21;
	v21 =	vld [tilespmem:s19+$0xE0F0];
	v36 =	vmul.f32 v13, v20;
	v0 =	vadd.f32 v35, v0  }
0x347: {  	v62 =	vunpack.i.l.bf16.f32 v52;
	v6 =	vmul.f32 v48, v20;
	v15 =	vld [tilespmem:$0x1FEA0];
	v1 =	vadd.f32 v5, v1  }
0x348: {  	v43 =	vunpack.i.u.bf16.f32 v27;
	v39 =	vunpack.i.l.bf16.f32 v63;
	v16 =	vld.idx.msk [tilespmem:v16+s16+$0x0], $0xffff;
	v0 =	vadd.f32 v36, v0  }
0x349: {  	v41 =	vmul.f32 v40, v25;
	v44 =	vmul.f32 v43, v24;
	v19 =	vld [tilespmem:$0x1FEB0];
	v1 =	vadd.f32 v6, v1  }
0x34a: {  	v18 =	vld [tilespmem:$0x1FEC0];
	v51 =	vunpack.i.u.bf16.f32 v14;
	v4 =	vmul.f32 v55, v25;
	v0 =	vadd.f32 v38, v0  }
0x34b: {  	v47 =	vmul.f32 v46, v23;
	v3 =	vmul.f32 v59, v24;
	v26 =	vld.idx.msk [tilespmem:v26+s16+$0x0], $0xffff;
	v1 =	vadd.f32 v7, v1  }
0x34c: {  	v50 =	vmul.f32 v49, v22;
	v8 =	vmul.f32 v62, v23;
	v17 =	vld [tilespmem:s19+$0xE0D0];
	v0 =	vadd.f32 v41, v0  }
0x34d: {  	v59 =	vunpack.i.u.bf16.f32 v21;
	v48 =	vunpack.i.l.bf16.f32 v21;
	v1 =	vadd.f32 v4, v1  }
0x34e: {  	s8 =	sadd.s32 $0x40, s8;
	v52 =	vmul.f32 v51, v16;
	v12 =	vunpack.i.l.bf16.f32 v56;
	v20 =	vld [tilespmem:s19+$0xE0E0];
	v0 =	vadd.f32 v44, v0  }
0x34f: {  	s10 =	sand.u32 $0xE00, s8;
	v12 =	vmul.f32 v12, v22;
	v13 =	vunpack.i.l.bf16.f32 v14;
	s19 =	sand.u32 $0x70, s9;
	v15 =	vld.idx.msk [tilespmem:v15+s16+$0x0], $0xffff;
	v1 =	vadd.f32 v3, v1  }
0x350: {  	v60 =	vmul.f32 v59, v26;
	v13 =	vmul.f32 v13, v16;
	s19 =	sor.u32 s19, s10;
	v0 =	vadd.f32 v47, v0  }
0x351: {  	v33 =	vmov s19;
	v42 =	vunpack.i.l.bf16.f32 v17;
	v19 =	vld.idx.msk [tilespmem:v19+s16+$0x0], $0xffff;
	v1 =	vadd.f32 v8, v1  }
0x352: {  	v34 =	vor.u32 $0x18F, v33;
	v35 =	vor.u32 $0x18E, v33;
	v0 =	vadd.f32 v50, v0  }
0x353: {  	v18 =	vld.idx.msk [tilespmem:v18+s16+$0x0], $0xffff;
	v37 =	vor.u32 $0x18D, v33;
	v55 =	vunpack.i.u.bf16.f32 v17;
	v1 =	vadd.f32 v12, v1  }
0x354: {  	v40 =	vor.u32 $0x18A, v33;
	v54 =	vmul.f32 v53, v15;
	v0 =	vadd.f32 v52, v0  }
0x355: {  	v43 =	vor.u32 $0x188, v33;
	v5 =	vmul.f32 v39, v15;
	v1 =	vadd.f32 v13, v1  }
0x356: {  	v17 =	vor.u32 $0x187, v33;
	v56 =	vmul.f32 v55, v19;
	v0 =	vadd.f32 v54, v0  }
0x357: {  	v57 =	vunpack.i.u.bf16.f32 v20;
	v6 =	vmul.f32 v42, v19;
	v1 =	vadd.f32 v5, v1  }
0x358: {  	v45 =	vunpack.i.l.bf16.f32 v20;
	v58 =	vmul.f32 v57, v18;
	v0 =	vadd.f32 v56, v0  }
0x359: {  	v61 =	vor.u32 $0x1, v33;
	v7 =	vmul.f32 v45, v18;
	v1 =	vadd.f32 v6, v1  }
0x35a: {  	v62 =	vor.u32 $0x2, v33;
	v14 =	vor.u32 $0x182, v33;
	v0 =	vadd.f32 v58, v0  }
0x35b: {  	v16 =	vor.u32 $0x180, v33;
	v4 =	vmul.f32 v48, v26;
	v1 =	vadd.f32 v7, v1  }
0x35c: {  	v63 =	vor.u32 $0x3, v33;
	v22 =	vor.u32 $0x109, v33;
	v0 =	vadd.f32 v60, v0  }
0x35d: {  	s1 =	sadd.s32 $0x20, s1;
	v21 =	vor.u32 $0x10A, v33;
	v36 =	vor.u32 $0x4, v33;
	v1 =	vadd.f32 v4, v1  }
0x35e: {  	v24 =	vor.u32 $0x107, v33;
	v23 =	vor.u32 $0x108, v33;
	v27 =	vor.u32 $0x104, v33;
	[tilespmem:s1+$0x0] =	vst v0  }
0x35f: {  	v25 =	vor.u32 $0x106, v33;
	v29 =	vor.u32 $0x102, v33;
	v28 =	vor.u32 $0x103, v33;
	[tilespmem:s1+$0xFFFFFFF0] =	vst v1  }
0x360: {  	p1 =	sne.s32 s9, $0x270;
	v32 =	vor.u32 $0x8F, v33;
	v31 =	vor.u32 $0x100, v33;
	v30 =	vor.u32 $0x101, v33;
	v51 =	vld.idx.msk [tilespmem:v33+s16+$0x0], $0xffff  }
.Ltmp3:
0x361: {  	s19 =	sshll.u32 s19, $0x4;
	v38 =	vor.u32 $0x18C, v33;
	v20 =	vor.u32 $0x10B, v33;
	v18 =	vor.u32 $0x10D, v33;
	v45 =	vld.idx.msk [tilespmem:v61+s16+$0x0], $0xffff;
	(pc) =	sbr.rel @p1 .LBB2_8-.Ltmp3, $4  }
0x362: {  	v48 =	vor.u32 $0x185, v33;
	v26 =	vor.u32 $0x105, v33;
	v41 =	vor.u32 $0x5, v33;
	v49 =	vld [tilespmem:s19+$0xC820]  }
0x363: {  	v44 =	vor.u32 $0x186, v33;
	v39 =	vor.u32 $0x18B, v33;
	v53 =	vor.u32 $0x183, v33;
	v50 =	vld.idx.msk [tilespmem:v62+s16+$0x0], $0xffff  }
0x364: {  	v15 =	vor.u32 $0x181, v33;
	v42 =	vor.u32 $0x189, v33;
	v55 =	vor.u32 $0x10E, v33;
	v46 =	vld [tilespmem:s19+$0xC830]  }
0x365: {  	s9 =	sadd.s32 $0x10, s9;
	v19 =	vor.u32 $0x10C, v33;
	v52 =	vor.u32 $0x184, v33;
	v54 =	vor.u32 $0x10F, v33;
	v47 =	vld.idx.msk [tilespmem:v63+s16+$0x0], $0xffff  }
0x366: {  	_ = 	snop  }
0x367: {  	v0 =	vld [tilespmem:s19+$0xC800]  }
0x368: {  	v1 =	vld [tilespmem:s19+$0xC810]  }
0x369: {  	v4 =	vld [tilespmem:s19+$0xC840];
	v5 =	vor.u32 $0x6, v33;
	v61 =	vor.u32 $0x7, v33;
	v63 =	vor.u32 $0x8, v33  }
0x36a: {  	v10 =	vld.idx.msk [tilespmem:v41+s16+$0x0], $0xffff;
	v41 =	vor.u32 $0x9, v33;
	v57 =	vor.u32 $0xD, v33;
	v6 =	vunpack.i.l.bf16.f32 v49  }
0x36b: {  	v7 =	vld.idx.msk [tilespmem:v36+s16+$0x0], $0xffff;
	v8 =	vunpack.i.u.bf16.f32 v49;
	v49 =	vor.u32 $0xB, v33;
	v6 =	vmul.f32 v6, v50  }
0x36c: {  	v60 =	vld [tilespmem:s19+$0xC850];
	v8 =	vmul.f32 v8, v50;
	v9 =	vunpack.i.l.bf16.f32 v46;
	v11 =	vunpack.i.u.bf16.f32 v46  }
0x36d: {  	v62 =	vld [tilespmem:s19+$0xC860];
	v9 =	vmul.f32 v9, v47;
	v11 =	vmul.f32 v11, v47;
	v47 =	vor.u32 $0xA, v33  }
0x36e: {  	v36 =	vld [tilespmem:s19+$0xC870];
	v2 =	vunpack.i.u.bf16.f32 v0;
	v0 =	vunpack.i.l.bf16.f32 v0;
	v3 =	vunpack.i.u.bf16.f32 v1  }
0x36f: {  	v1 =	vunpack.i.l.bf16.f32 v1;
	v12 =	vunpack.i.l.bf16.f32 v4;
	v2 =	vmul.f32 v2, v51  }
0x370: {  	v46 =	vld [tilespmem:s19+$0xC880];
	v4 =	vunpack.i.u.bf16.f32 v4;
	v0 =	vmul.f32 v0, v51;
	v3 =	vmul.f32 v3, v45  }
0x371: {  	v50 =	vld [tilespmem:s19+$0xC890];
	v13 =	vunpack.i.l.bf16.f32 v60;
	v1 =	vmul.f32 v1, v45;
	v12 =	vmul.f32 v12, v7  }
0x372: {  	v5 =	vld.idx.msk [tilespmem:v5+s16+$0x0], $0xffff;
	v4 =	vmul.f32 v4, v7;
	v2 =	vadd.f32 $0.0e+00, v2;
	v0 =	vadd.f32 $0.0e+00, v0  }
0x373: {  	v58 =	vld [tilespmem:s19+$0xC8A0];
	v45 =	vunpack.i.l.bf16.f32 v62;
	v51 =	vunpack.i.u.bf16.f32 v36;
	v7 =	vunpack.i.l.bf16.f32 v36  }
0x374: {  	v2 =	vadd.f32 v3, v2;
	v0 =	vadd.f32 v1, v0;
	v1 =	vld.idx.msk [tilespmem:v61+s16+$0x0], $0xffff;
	v3 =	vunpack.i.u.bf16.f32 v60  }
0x375: {  	v36 =	vld [tilespmem:s19+$0xC8C0];
	v59 =	vunpack.i.u.bf16.f32 v46;
	v60 =	vor.u32 $0xC, v33;
	v3 =	vmul.f32 v3, v10  }
0x376: {  	v61 =	vld [tilespmem:s19+$0xC8B0];
	v2 =	vadd.f32 v8, v2;
	v0 =	vadd.f32 v6, v0;
	v8 =	vunpack.i.u.bf16.f32 v62  }
0x377: {  	v6 =	vld.idx.msk [tilespmem:v63+s16+$0x0], $0xffff;
	v62 =	vunpack.i.u.bf16.f32 v50;
	v63 =	vor.u32 $0xF, v33;
	v8 =	vmul.f32 v8, v5  }
0x378: {  	v2 =	vadd.f32 v11, v2;
	v0 =	vadd.f32 v9, v0;
	v11 =	vmul.f32 v13, v10;
	v9 =	vld.idx.msk [tilespmem:v41+s16+$0x0], $0xffff  }
0x379: {  	v10 =	vunpack.i.l.bf16.f32 v46;
	v41 =	vunpack.i.u.bf16.f32 v58;
	v46 =	vld [tilespmem:s19+$0xC8D0];
	v56 =	vmul.f32 v51, v1  }
0x37a: {  	v1 =	vmul.f32 v7, v1;
	v7 =	vunpack.i.l.bf16.f32 v58;
	v2 =	vadd.f32 v4, v2  }
0x37b: {  	v51 =	vunpack.i.u.bf16.f32 v36;
	v0 =	vadd.f32 v12, v0;
	v4 =	vmul.f32 v45, v5;
	v12 =	vld.idx.msk [tilespmem:v47+s16+$0x0], $0xffff  }
0x37c: {  	v5 =	vunpack.i.l.bf16.f32 v50;
	v45 =	vor.u32 $0xE, v33;
	v50 =	vld [tilespmem:s19+$0xC8E0];
	v2 =	vadd.f32 v3, v2  }
0x37d: {  	v47 =	vunpack.i.u.bf16.f32 v61;
	v0 =	vadd.f32 v11, v0;
	v3 =	vld.idx.msk [tilespmem:v49+s16+$0x0], $0xffff;
	v49 =	vor.u32 $0x81, v33  }
0x37e: {  	v11 =	vld.idx.msk [tilespmem:v57+s16+$0x0], $0xffff;
	v5 =	vmul.f32 v5, v9;
	v58 =	vunpack.i.u.bf16.f32 v46;
	v2 =	vadd.f32 v8, v2  }
0x37f: {  	v57 =	vld [tilespmem:s19+$0xC8F0];
	v0 =	vadd.f32 v4, v0;
	v4 =	vmul.f32 v59, v6;
	v6 =	vmul.f32 v10, v6  }
0x380: {  	v10 =	vunpack.i.l.bf16.f32 v61;
	v59 =	vor.u32 $0x82, v33;
	v7 =	vmul.f32 v7, v12  }
0x381: {  	v8 =	vld.idx.msk [tilespmem:v60+s16+$0x0], $0xffff;
	v61 =	vunpack.i.u.bf16.f32 v50;
	v2 =	vadd.f32 v56, v2;
	v0 =	vadd.f32 v1, v0  }
0x382: {  	v60 =	vld [tilespmem:s19+$0xD000];
	v1 =	vmul.f32 v62, v9;
	v56 =	vor.u32 $0x80, v33;
	v9 =	vunpack.i.l.bf16.f32 v36  }
0x383: {  	v62 =	vor.u32 $0x83, v33;
	v2 =	vadd.f32 v4, v2;
	v0 =	vadd.f32 v6, v0  }
0x384: {  	v36 =	vunpack.i.u.bf16.f32 v57;
	v6 =	vmul.f32 v41, v12;
	v4 =	vld.idx.msk [tilespmem:v63+s16+$0x0], $0xffff;
	v12 =	vunpack.i.l.bf16.f32 v46  }
0x385: {  	v63 =	vld [tilespmem:s19+$0xD010];
	v1 =	vadd.f32 v1, v2;
	v0 =	vadd.f32 v5, v0;
	v5 =	vmul.f32 v47, v3  }
0x386: {  	v3 =	vmul.f32 v10, v3;
	v2 =	vld.idx.msk [tilespmem:v45+s16+$0x0], $0xffff;
	v10 =	vunpack.i.l.bf16.f32 v50;
	v45 =	vor.u32 $0x85, v33  }
0x387: {  	v46 =	vld [tilespmem:s19+$0xD020];
	v47 =	vunpack.i.u.bf16.f32 v60;
	v1 =	vadd.f32 v6, v1;
	v0 =	vadd.f32 v7, v0  }
0x388: {  	v7 =	vmul.f32 v51, v8;
	v8 =	vmul.f32 v9, v8;
	v9 =	vunpack.i.l.bf16.f32 v57  }
0x389: {  	v6 =	vld.idx.msk [tilespmem:v49+s16+$0x0], $0xffff;
	v49 =	vor.u32 $0x84, v33;
	v57 =	vor.u32 $0x87, v33;
	v1 =	vadd.f32 v5, v1  }
0x38a: {  	v41 =	vmul.f32 v36, v4;
	v4 =	vmul.f32 v9, v4;
	v0 =	vadd.f32 v3, v0  }
0x38b: {  	v51 =	vunpack.i.u.bf16.f32 v63;
	v3 =	vmul.f32 v58, v11;
	v1 =	vadd.f32 v7, v1  }
0x38c: {  	v9 =	vunpack.i.l.bf16.f32 v46;
	v11 =	vmul.f32 v12, v11;
	v5 =	vld.idx.msk [tilespmem:v56+s16+$0x0], $0xffff;
	v0 =	vadd.f32 v8, v0  }
0x38d: {  	v50 =	vld [tilespmem:s19+$0xD030];
	v36 =	vor.u32 $0x88, v33;
	v8 =	vmul.f32 v61, v2;
	v1 =	vadd.f32 v3, v1  }
0x38e: {  	v12 =	vunpack.i.l.bf16.f32 v60;
	v58 =	vld [tilespmem:s19+$0xD040];
	v2 =	vmul.f32 v10, v2;
	v0 =	vadd.f32 v11, v0  }
0x38f: {  	v60 =	vor.u32 $0x86, v33;
	v7 =	vld.idx.msk [tilespmem:v59+s16+$0x0], $0xffff;
	v10 =	vunpack.i.l.bf16.f32 v63;
	v1 =	vadd.f32 v8, v1  }
0x390: {  	v59 =	vunpack.i.u.bf16.f32 v46;
	v61 =	vld [tilespmem:s19+$0xD050];
	v46 =	vor.u32 $0x89, v33;
	v0 =	vadd.f32 v2, v0  }
0x391: {  	v56 =	vmul.f32 v51, v6;
	v51 =	vld [tilespmem:s19+$0xD080];
	v2 =	vmul.f32 v47, v5;
	v1 =	vadd.f32 v41, v1  }
0x392: {  	v6 =	vmul.f32 v10, v6;
	v3 =	vld.idx.msk [tilespmem:v62+s16+$0x0], $0xffff;
	v5 =	vmul.f32 v12, v5;
	v0 =	vadd.f32 v4, v0  }
0x393: {  	v62 =	vunpack.i.u.bf16.f32 v50;
	v11 =	vld.idx.msk [tilespmem:v45+s16+$0x0], $0xffff;
	v45 =	vunpack.i.u.bf16.f32 v58;
	v1 =	vadd.f32 v2, v1  }
0x394: {  	v10 =	vunpack.i.l.bf16.f32 v58;
	v8 =	vld.idx.msk [tilespmem:v49+s16+$0x0], $0xffff;
	v12 =	vunpack.i.l.bf16.f32 v50;
	v0 =	vadd.f32 v5, v0  }
0x395: {  	v47 =	vld [tilespmem:s19+$0xD070];
	v50 =	vor.u32 $0x8A, v33;
	v5 =	vmul.f32 v59, v7;
	v1 =	vadd.f32 v56, v1  }
0x396: {  	v49 =	vunpack.i.u.bf16.f32 v61;
	v41 =	vld [tilespmem:s19+$0xD060];
	v7 =	vmul.f32 v9, v7;
	v0 =	vadd.f32 v6, v0  }
0x397: {  	v4 =	vld.idx.msk [tilespmem:v57+s16+$0x0], $0xffff;
	v57 =	vor.u32 $0x8B, v33;
	v63 =	vmul.f32 v62, v3;
	v1 =	vadd.f32 v5, v1  }
0x398: {  	v13 =	vunpack.i.l.bf16.f32 v51;
	v3 =	vmul.f32 v12, v3;
	v2 =	vld.idx.msk [tilespmem:v60+s16+$0x0], $0xffff;
	v0 =	vadd.f32 v7, v0  }
0x399: {  	v9 =	vunpack.i.l.bf16.f32 v61;
	v7 =	vmul.f32 v45, v8;
	v1 =	vadd.f32 v63, v1  }
0x39a: {  	v61 =	vor.u32 $0x8C, v33;
	v8 =	vmul.f32 v10, v8;
	v0 =	vadd.f32 v3, v0  }
0x39b: {  	v9 =	vmul.f32 v9, v11;
	v3 =	vmul.f32 v49, v11;
	v1 =	vadd.f32 v7, v1  }
0x39c: {  	v59 =	vunpack.i.u.bf16.f32 v47;
	v6 =	vld.idx.msk [tilespmem:v36+s16+$0x0], $0xffff;
	v56 =	vunpack.i.u.bf16.f32 v41;
	v0 =	vadd.f32 v8, v0  }
0x39d: {  	v58 =	vld [tilespmem:s19+$0xD090];
	v12 =	vunpack.i.l.bf16.f32 v41;
	v8 =	vmul.f32 v56, v2;
	v1 =	vadd.f32 v3, v1  }
0x39e: {  	v36 =	vor.u32 $0x8D, v33;
	v5 =	vld.idx.msk [tilespmem:v46+s16+$0x0], $0xffff;
	v2 =	vmul.f32 v12, v2;
	v0 =	vadd.f32 v9, v0  }
0x39f: {  	v62 =	vld [tilespmem:s19+$0xD0A0];
	v60 =	vmul.f32 v59, v4;
	v10 =	vunpack.i.l.bf16.f32 v47;
	v1 =	vadd.f32 v8, v1  }
0x3a0: {  	v4 =	vmul.f32 v10, v4;
	v63 =	vld.idx.msk [tilespmem:v50+s16+$0x0], $0xffff;
	v11 =	vunpack.i.u.bf16.f32 v51;
	v0 =	vadd.f32 v2, v0  }
0x3a1: {  	v41 =	vld [tilespmem:s19+$0xD0B0];
	v7 =	vmul.f32 v13, v6;
	v6 =	vmul.f32 v11, v6;
	v1 =	vadd.f32 v60, v1  }
0x3a2: {  	v45 =	vunpack.i.u.bf16.f32 v58;
	v13 =	vor.u32 $0x8E, v33;
	v3 =	vld.idx.msk [tilespmem:v57+s16+$0x0], $0xffff;
	v0 =	vadd.f32 v4, v0  }
0x3a3: {  	v46 =	vld [tilespmem:s19+$0xD0C0];
	v12 =	vunpack.i.l.bf16.f32 v58;
	v4 =	vmul.f32 v45, v5;
	v1 =	vadd.f32 v6, v1  }
0x3a4: {  	v47 =	vunpack.i.u.bf16.f32 v62;
	v9 =	vld.idx.msk [tilespmem:v61+s16+$0x0], $0xffff;
	v5 =	vmul.f32 v12, v5;
	v0 =	vadd.f32 v7, v0  }
0x3a5: {  	v10 =	vunpack.i.l.bf16.f32 v62;
	v49 =	vld [tilespmem:s19+$0xD0D0];
	v7 =	vmul.f32 v47, v63;
	v1 =	vadd.f32 v4, v1  }
0x3a6: {  	v50 =	vunpack.i.u.bf16.f32 v41;
	v2 =	vmul.f32 v10, v63;
	v8 =	vld.idx.msk [tilespmem:v36+s16+$0x0], $0xffff;
	v0 =	vadd.f32 v5, v0  }
0x3a7: {  	v51 =	vunpack.i.l.bf16.f32 v41;
	v56 =	vld [tilespmem:s19+$0xD0E0];
	v5 =	vmul.f32 v50, v3;
	v1 =	vadd.f32 v7, v1  }
0x3a8: {  	v58 =	vunpack.i.u.bf16.f32 v46;
	v57 =	vld.idx.msk [tilespmem:v13+s16+$0x0], $0xffff;
	v3 =	vmul.f32 v51, v3;
	v0 =	vadd.f32 v2, v0  }
0x3a9: {  	v59 =	vld [tilespmem:s19+$0xD0F0];
	v6 =	vunpack.i.l.bf16.f32 v46;
	v2 =	vmul.f32 v58, v9;
	v1 =	vadd.f32 v5, v1  }
0x3aa: {  	v61 =	vunpack.i.u.bf16.f32 v49;
	v60 =	vld.idx.msk [tilespmem:v32+s16+$0x0], $0xffff;
	v6 =	vmul.f32 v6, v9;
	v0 =	vadd.f32 v3, v0  }
0x3ab: {  	v62 =	vld [tilespmem:s19+$0xD800];
	v4 =	vunpack.i.l.bf16.f32 v49;
	v3 =	vmul.f32 v61, v8;
	v1 =	vadd.f32 v2, v1  }
0x3ac: {  	v11 =	vunpack.i.u.bf16.f32 v56;
	v63 =	vld.idx.msk [tilespmem:v31+s16+$0x0], $0xffff;
	v4 =	vmul.f32 v4, v8;
	v0 =	vadd.f32 v6, v0  }
0x3ad: {  	v12 =	vld [tilespmem:s19+$0xD810];
	v7 =	vunpack.i.l.bf16.f32 v56;
	v6 =	vmul.f32 v11, v57;
	v1 =	vadd.f32 v3, v1  }
0x3ae: {  	v13 =	vld.idx.msk [tilespmem:v30+s16+$0x0], $0xffff;
	v30 =	vunpack.i.u.bf16.f32 v59;
	v7 =	vmul.f32 v7, v57;
	v0 =	vadd.f32 v4, v0  }
0x3af: {  	v31 =	vld [tilespmem:s19+$0xD820];
	v5 =	vunpack.i.l.bf16.f32 v59;
	v4 =	vmul.f32 v30, v60;
	v1 =	vadd.f32 v6, v1  }
0x3b0: {  	v33 =	vunpack.i.u.bf16.f32 v62;
	v32 =	vld.idx.msk [tilespmem:v29+s16+$0x0], $0xffff;
	v5 =	vmul.f32 v5, v60;
	v0 =	vadd.f32 v7, v0  }
0x3b1: {  	v36 =	vld [tilespmem:s19+$0xD830];
	v2 =	vunpack.i.l.bf16.f32 v62;
	v7 =	vmul.f32 v33, v63;
	v1 =	vadd.f32 v4, v1  }
0x3b2: {  	v41 =	vld.idx.msk [tilespmem:v28+s16+$0x0], $0xffff;
	v45 =	vunpack.i.u.bf16.f32 v12;
	v2 =	vmul.f32 v2, v63;
	v0 =	vadd.f32 v5, v0  }
0x3b3: {  	v46 =	vld [tilespmem:s19+$0xD840];
	v3 =	vunpack.i.l.bf16.f32 v12;
	v5 =	vmul.f32 v45, v13;
	v1 =	vadd.f32 v7, v1  }
0x3b4: {  	v47 =	vld.idx.msk [tilespmem:v27+s16+$0x0], $0xffff;
	v49 =	vunpack.i.u.bf16.f32 v31;
	v3 =	vmul.f32 v3, v13;
	v0 =	vadd.f32 v2, v0  }
0x3b5: {  	v50 =	vld [tilespmem:s19+$0xD850];
	v6 =	vunpack.i.l.bf16.f32 v31;
	v2 =	vmul.f32 v49, v32;
	v1 =	vadd.f32 v5, v1  }
0x3b6: {  	v51 =	vld.idx.msk [tilespmem:v26+s16+$0x0], $0xffff;
	v56 =	vunpack.i.u.bf16.f32 v36;
	v6 =	vmul.f32 v6, v32;
	v0 =	vadd.f32 v3, v0  }
0x3b7: {  	v57 =	vld [tilespmem:s19+$0xD860];
	v4 =	vunpack.i.l.bf16.f32 v36;
	v3 =	vmul.f32 v56, v41;
	v1 =	vadd.f32 v2, v1  }
0x3b8: {  	v58 =	vld.idx.msk [tilespmem:v25+s16+$0x0], $0xffff;
	v59 =	vunpack.i.u.bf16.f32 v46;
	v4 =	vmul.f32 v4, v41;
	v0 =	vadd.f32 v6, v0  }
0x3b9: {  	v60 =	vld [tilespmem:s19+$0xD870];
	v7 =	vunpack.i.l.bf16.f32 v46;
	v6 =	vmul.f32 v59, v47;
	v1 =	vadd.f32 v3, v1  }
0x3ba: {  	v61 =	vld.idx.msk [tilespmem:v24+s16+$0x0], $0xffff;
	v62 =	vunpack.i.u.bf16.f32 v50;
	v7 =	vmul.f32 v7, v47;
	v0 =	vadd.f32 v4, v0  }
0x3bb: {  	v63 =	vld [tilespmem:s19+$0xD880];
	v5 =	vunpack.i.l.bf16.f32 v50;
	v4 =	vmul.f32 v62, v51;
	v1 =	vadd.f32 v6, v1  }
0x3bc: {  	v12 =	vld.idx.msk [tilespmem:v23+s16+$0x0], $0xffff;
	v13 =	vunpack.i.u.bf16.f32 v57;
	v5 =	vmul.f32 v5, v51;
	v0 =	vadd.f32 v7, v0  }
0x3bd: {  	v23 =	vld [tilespmem:s19+$0xD890];
	v2 =	vunpack.i.l.bf16.f32 v57;
	v7 =	vmul.f32 v13, v58;
	v1 =	vadd.f32 v4, v1  }
0x3be: {  	v24 =	vld.idx.msk [tilespmem:v22+s16+$0x0], $0xffff;
	v25 =	vunpack.i.u.bf16.f32 v60;
	v2 =	vmul.f32 v2, v58;
	v0 =	vadd.f32 v5, v0  }
0x3bf: {  	v26 =	vld [tilespmem:s19+$0xD8A0];
	v3 =	vunpack.i.l.bf16.f32 v60;
	v5 =	vmul.f32 v25, v61;
	v1 =	vadd.f32 v7, v1  }
0x3c0: {  	v27 =	vld.idx.msk [tilespmem:v21+s16+$0x0], $0xffff;
	v28 =	vunpack.i.u.bf16.f32 v63;
	v3 =	vmul.f32 v3, v61;
	v0 =	vadd.f32 v2, v0  }
0x3c1: {  	v29 =	vld [tilespmem:s19+$0xD8B0];
	v6 =	vunpack.i.l.bf16.f32 v63;
	v2 =	vmul.f32 v28, v12;
	v1 =	vadd.f32 v5, v1  }
0x3c2: {  	v30 =	vld.idx.msk [tilespmem:v20+s16+$0x0], $0xffff;
	v31 =	vunpack.i.u.bf16.f32 v23;
	v6 =	vmul.f32 v6, v12;
	v0 =	vadd.f32 v3, v0  }
0x3c3: {  	v32 =	vld [tilespmem:s19+$0xD8C0];
	v4 =	vunpack.i.l.bf16.f32 v23;
	v3 =	vmul.f32 v31, v24;
	v1 =	vadd.f32 v2, v1  }
0x3c4: {  	v33 =	vld.idx.msk [tilespmem:v19+s16+$0x0], $0xffff;
	v36 =	vunpack.i.u.bf16.f32 v26;
	v4 =	vmul.f32 v4, v24;
	v0 =	vadd.f32 v6, v0  }
0x3c5: {  	v41 =	vld [tilespmem:s19+$0xD8D0];
	v7 =	vunpack.i.l.bf16.f32 v26;
	v6 =	vmul.f32 v36, v27;
	v1 =	vadd.f32 v3, v1  }
0x3c6: {  	v45 =	vld.idx.msk [tilespmem:v18+s16+$0x0], $0xffff;
	v46 =	vunpack.i.u.bf16.f32 v29;
	v7 =	vmul.f32 v7, v27;
	v0 =	vadd.f32 v4, v0  }
0x3c7: {  	v47 =	vld [tilespmem:s19+$0xD8E0];
	v5 =	vunpack.i.l.bf16.f32 v29;
	v4 =	vmul.f32 v46, v30;
	v1 =	vadd.f32 v6, v1  }
0x3c8: {  	v49 =	vld.idx.msk [tilespmem:v55+s16+$0x0], $0xffff;
	v50 =	vunpack.i.u.bf16.f32 v32;
	v5 =	vmul.f32 v5, v30;
	v0 =	vadd.f32 v7, v0  }
0x3c9: {  	v51 =	vld [tilespmem:s19+$0xD8F0];
	v2 =	vunpack.i.l.bf16.f32 v32;
	v7 =	vmul.f32 v50, v33;
	v1 =	vadd.f32 v4, v1  }
0x3ca: {  	v55 =	vld.idx.msk [tilespmem:v54+s16+$0x0], $0xffff;
	v56 =	vunpack.i.u.bf16.f32 v41;
	v2 =	vmul.f32 v2, v33;
	v0 =	vadd.f32 v5, v0  }
0x3cb: {  	v57 =	vld [tilespmem:s19+$0xE000];
	v3 =	vunpack.i.l.bf16.f32 v41;
	v5 =	vmul.f32 v56, v45;
	v1 =	vadd.f32 v7, v1  }
0x3cc: {  	v58 =	vld.idx.msk [tilespmem:v16+s16+$0x0], $0xffff;
	v59 =	vunpack.i.u.bf16.f32 v47;
	v3 =	vmul.f32 v3, v45;
	v0 =	vadd.f32 v2, v0  }
0x3cd: {  	v60 =	vld [tilespmem:s19+$0xE010];
	v6 =	vunpack.i.l.bf16.f32 v47;
	v2 =	vmul.f32 v59, v49;
	v1 =	vadd.f32 v5, v1  }
0x3ce: {  	v61 =	vld.idx.msk [tilespmem:v15+s16+$0x0], $0xffff;
	v62 =	vunpack.i.u.bf16.f32 v51;
	v6 =	vmul.f32 v6, v49;
	v0 =	vadd.f32 v3, v0  }
0x3cf: {  	v63 =	vld [tilespmem:s19+$0xE020];
	v4 =	vunpack.i.l.bf16.f32 v51;
	v3 =	vmul.f32 v62, v55;
	v1 =	vadd.f32 v2, v1  }
0x3d0: {  	v13 =	vunpack.i.u.bf16.f32 v57;
	v12 =	vld.idx.msk [tilespmem:v14+s16+$0x0], $0xffff;
	v4 =	vmul.f32 v4, v55;
	v0 =	vadd.f32 v6, v0  }
0x3d1: {  	v14 =	vld [tilespmem:s19+$0xE030];
	v7 =	vunpack.i.l.bf16.f32 v57;
	v6 =	vmul.f32 v13, v58;
	v1 =	vadd.f32 v3, v1  }
0x3d2: {  	v15 =	vld.idx.msk [tilespmem:v53+s16+$0x0], $0xffff;
	v16 =	vunpack.i.u.bf16.f32 v60;
	v7 =	vmul.f32 v7, v58;
	v0 =	vadd.f32 v4, v0  }
0x3d3: {  	v18 =	vld [tilespmem:s19+$0xE040];
	v5 =	vunpack.i.l.bf16.f32 v60;
	v4 =	vmul.f32 v16, v61;
	v1 =	vadd.f32 v6, v1  }
0x3d4: {  	v19 =	vld.idx.msk [tilespmem:v52+s16+$0x0], $0xffff;
	v20 =	vunpack.i.u.bf16.f32 v63;
	v5 =	vmul.f32 v5, v61;
	v0 =	vadd.f32 v7, v0  }
0x3d5: {  	v21 =	vld [tilespmem:s19+$0xE050];
	v2 =	vunpack.i.l.bf16.f32 v63;
	v7 =	vmul.f32 v20, v12;
	v1 =	vadd.f32 v4, v1  }
0x3d6: {  	v22 =	vld.idx.msk [tilespmem:v48+s16+$0x0], $0xffff;
	v23 =	vunpack.i.u.bf16.f32 v14;
	v2 =	vmul.f32 v2, v12;
	v0 =	vadd.f32 v5, v0  }
0x3d7: {  	v24 =	vld [tilespmem:s19+$0xE060];
	v3 =	vunpack.i.l.bf16.f32 v14;
	v5 =	vmul.f32 v23, v15;
	v1 =	vadd.f32 v7, v1  }
0x3d8: {  	v25 =	vld.idx.msk [tilespmem:v44+s16+$0x0], $0xffff;
	v26 =	vunpack.i.u.bf16.f32 v18;
	v3 =	vmul.f32 v3, v15;
	v0 =	vadd.f32 v2, v0  }
0x3d9: {  	v27 =	vld [tilespmem:s19+$0xE070];
	v6 =	vunpack.i.l.bf16.f32 v18;
	v2 =	vmul.f32 v26, v19;
	v1 =	vadd.f32 v5, v1  }
0x3da: {  	v28 =	vld.idx.msk [tilespmem:v17+s16+$0x0], $0xffff;
	v29 =	vunpack.i.u.bf16.f32 v21;
	v6 =	vmul.f32 v6, v19;
	v0 =	vadd.f32 v3, v0  }
0x3db: {  	v30 =	vld [tilespmem:s19+$0xE080];
	v4 =	vunpack.i.l.bf16.f32 v21;
	v3 =	vmul.f32 v29, v22;
	v1 =	vadd.f32 v2, v1  }
0x3dc: {  	v31 =	vld.idx.msk [tilespmem:v43+s16+$0x0], $0xffff;
	v32 =	vunpack.i.u.bf16.f32 v24;
	v4 =	vmul.f32 v4, v22;
	v0 =	vadd.f32 v6, v0  }
0x3dd: {  	v33 =	vld [tilespmem:s19+$0xE090];
	v7 =	vunpack.i.l.bf16.f32 v24;
	v6 =	vmul.f32 v32, v25;
	v1 =	vadd.f32 v3, v1  }
0x3de: {  	v36 =	vld.idx.msk [tilespmem:v42+s16+$0x0], $0xffff;
	v41 =	vunpack.i.u.bf16.f32 v27;
	v7 =	vmul.f32 v7, v25;
	v0 =	vadd.f32 v4, v0  }
0x3df: {  	v42 =	vld [tilespmem:s19+$0xE0A0];
	v5 =	vunpack.i.l.bf16.f32 v27;
	v4 =	vmul.f32 v41, v28;
	v1 =	vadd.f32 v6, v1  }
0x3e0: {  	v43 =	vld.idx.msk [tilespmem:v40+s16+$0x0], $0xffff;
	v44 =	vunpack.i.u.bf16.f32 v30;
	v5 =	vmul.f32 v5, v28;
	v0 =	vadd.f32 v7, v0  }
0x3e1: {  	v45 =	vld [tilespmem:s19+$0xE0B0];
	v2 =	vunpack.i.l.bf16.f32 v30;
	v7 =	vmul.f32 v44, v31;
	v1 =	vadd.f32 v4, v1  }
0x3e2: {  	v46 =	vld.idx.msk [tilespmem:v39+s16+$0x0], $0xffff;
	v47 =	vunpack.i.u.bf16.f32 v33;
	v2 =	vmul.f32 v2, v31;
	v0 =	vadd.f32 v5, v0  }
0x3e3: {  	v48 =	vld [tilespmem:s19+$0xE0C0];
	v3 =	vunpack.i.l.bf16.f32 v33;
	v5 =	vmul.f32 v47, v36;
	v1 =	vadd.f32 v7, v1  }
0x3e4: {  	v50 =	vunpack.i.u.bf16.f32 v42;
	v49 =	vld.idx.msk [tilespmem:v38+s16+$0x0], $0xffff;
	v3 =	vmul.f32 v3, v36;
	v0 =	vadd.f32 v2, v0  }
0x3e5: {  	v51 =	vld [tilespmem:s19+$0xE0D0];
	v6 =	vunpack.i.l.bf16.f32 v42;
	v2 =	vmul.f32 v50, v43;
	v1 =	vadd.f32 v5, v1  }
0x3e6: {  	v52 =	vld.idx.msk [tilespmem:v37+s16+$0x0], $0xffff;
	v53 =	vunpack.i.u.bf16.f32 v45;
	v6 =	vmul.f32 v6, v43;
	v0 =	vadd.f32 v3, v0  }
0x3e7: {  	v54 =	vld [tilespmem:s19+$0xE0E0];
	v4 =	vunpack.i.l.bf16.f32 v45;
	v3 =	vmul.f32 v53, v46;
	v1 =	vadd.f32 v2, v1  }
0x3e8: {  	v56 =	vunpack.i.u.bf16.f32 v48;
	v55 =	vld.idx.msk [tilespmem:v35+s16+$0x0], $0xffff;
	v4 =	vmul.f32 v4, v46;
	v0 =	vadd.f32 v6, v0  }
0x3e9: {  	v57 =	vld [tilespmem:s19+$0xE0F0];
	v7 =	vunpack.i.l.bf16.f32 v48;
	v6 =	vmul.f32 v56, v49;
	v1 =	vadd.f32 v3, v1  }
0x3ea: {  	v59 =	vunpack.i.u.bf16.f32 v51;
	v58 =	vld.idx.msk [tilespmem:v34+s16+$0x0], $0xffff;
	v7 =	vmul.f32 v7, v49;
	v0 =	vadd.f32 v4, v0  }
0x3eb: {  	v5 =	vunpack.i.l.bf16.f32 v51;
	v4 =	vmul.f32 v59, v52;
	v1 =	vadd.f32 v6, v1  }
0x3ec: {  	v60 =	vunpack.i.u.bf16.f32 v54;
	v5 =	vmul.f32 v5, v52;
	v0 =	vadd.f32 v7, v0  }
0x3ed: {  	v61 =	vmul.f32 v60, v55;
	v2 =	vunpack.i.l.bf16.f32 v54;
	v1 =	vadd.f32 v4, v1  }
0x3ee: {  	v62 =	vunpack.i.u.bf16.f32 v57;
	v2 =	vmul.f32 v2, v55;
	v0 =	vadd.f32 v5, v0  }
0x3ef: {  	v63 =	vmul.f32 v62, v58;
	v3 =	vunpack.i.l.bf16.f32 v57;
	v1 =	vadd.f32 v61, v1  }
0x3f0: {  	v3 =	vmul.f32 v3, v58;
	v0 =	vadd.f32 v2, v0  }
0x3f1: {  	v1 =	vadd.f32 v63, v1  }
0x3f2: {  	s1 =	sadd.s32 $0x20, s1;
	v0 =	vadd.f32 v3, v0  }
0x3f3: {  	s0 =	sadd.s32 @!p0 s6, s0;
	[tilespmem:s1+$0x0] =	vst v1  }
0x3f4: {  	s9 =	simm.s32 @!p0 $0x1E00;
	s30 =	sadd.s32 $0x1, s30;
	[tilespmem:s1+$0xFFFFFFF0] =	vst v0;
	s1 =	simm.s32 @!p0 $0x0  }
0x3f5: {  	[tilespmem:s9], [sflag:$0x4] =	stream.linear.gather @!p0 [hbm4b:s0+s1], $0xA00, $0x38;
	[tilespmem:$0x17200] =	vst v63  }
0x3f6: {  	p0 =	sne.s32 s30, $0x22  }
.Ltmp4:
0x3f7: {  	s8 =	sadd.s32 s31, s12;
	(pc) =	sbr.rel @p0 .LBB2_2-.Ltmp4, $3  }
0x3f8: {  	s8 =	smul.u32 $0xA0, s8;
	_ =	sdelay $0x1  }
0x3f9: {  	s31 =	sadd.s32 s2, s8  }
0x3fa: {  	[hbm4b:s31+s3] =	stream.linear.scatter [tilespmem:s25], [sflag:$0x8], $0x500, $0x38;
	[tilespmem:$0x17200] =	vst v63  }
0x3fb: {  	s29 =	sadd.s32 $0x1, s29  }
0x3fc: {  	_ =	swait.ge [sflag:s26], $0x500;
	p0 =	sne.s32 s29, s13  }
.Ltmp5:
0x3fd: {  	[sflag:s26] =	ssyncset.done $0x0;
	(pc) =	sbr.rel @p0 .LBB2_1-.Ltmp5, $4  }
0x3fe: {  	[sflag:s26] =	ssyncadd.s32 $0xFFFFFB00  }
0x3ff: {  	_ =	swait.ge [sflag:s28], $0x500  }
0x400: {  	[sflag:s28] =	ssyncset.done $0x0  }
0x401: {  	[sflag:s28] =	ssyncadd.s32 $0xFFFFFB00  }
0x402: {  	_ =	sfence.sel $0x180000  }
0x403: {  	[bflag:$0x0] =	sbarrier.arrive $0xFFFF  }
0x404: {  	_ =	strace $0x90000047  }
0x405: {  	s0 =	stileid.u32;
	[bflag:$0x2] =	sbarrier.arrive $0xFFFF  }
0x406: {  	p0 =	sne.s32 s0, $0x0;
	s0 =	rddreg [dreg:$0x2]  }
0x407: {  	s0 =	sadd.s32 @!p0 $0x100000, s0  }
0x408: {  	[sflag:s0] =	ssyncadd.tile.s32 @!p0 $0x1;
	_ =	shalt  }
.Lfunc_end2:
_tile_overlayer_lowered:
.L_overlay_start_2:
0x409: {  	(tag) =	ssettag $0x2  }
0x40a: {  	s0 =	rddreg [dreg:$0x0];
	s2 =	stileid.u32  }
0x40b: {  	s1 =	rddreg [dreg:$0x1];
	p0 =	sne.s32 s2, $0x0  }
0x40c: {  	s3 =	rddreg [dreg:$0x2];
	[bflag:$0x3] =	sbarrier.arrive $0xFFFF;
	s2 =	simm.s32 @!p0 $0x1C09  }
0x40d: {  	[timem:s3], [sflag:s2] =	dma.local @!p0 [hbm:s0], s1  }
0x40e: {  	s0 =	simm.s32 @!p0 $0x9  }
0x40f: {  	_ =	swait.ge @!p0 [sflag:s0], s1  }
0x410: {  	s1 =	ssub.s32 @!p0 $0x0, s1;
	[sflag:s0] =	ssyncset.done @!p0 $0x0  }
0x411: {  	[sflag:s0] =	ssyncadd.s32 @!p0 s1  }
0x412: {  	[bflag:$0x3] =	sbarrier.arrive $0xFFFF  }
0x413: {  	_ =	shalt  }

</sc_bundles>
